<compile_context>
chip_gen: v7x
topology: tpu7x:2x2x1
jax: 0.10.2.dev20260603
libtpu: 0.0.44.dev20260713+nightly
codegen_flags: <defaults>
</compile_context>

<pallas_src>
import functools

import jax
import jax.numpy as jnp
from jax import lax
from jax.experimental import pallas as pl
from jax.experimental.pallas import tpu as pltpu
from jax.experimental.pallas import tpu_sc as plsc

EPS = 1e-12

NC = 2
NS = 16
NW = NC * NS


def _sc_gather(table, ids_flat, n, ids_offset, chunk=16):
    d = table.shape[1]
    b_per_w = n // NW
    nchunks = b_per_w // chunk
    assert nchunks % 2 == 0 and nchunks >= 4
    mesh = plsc.VectorSubcoreMesh(core_axis_name="c", subcore_axis_name="s")

    nbuf = 4
    assert nchunks >= nbuf and nchunks % nbuf == 0

    @functools.partial(
        pl.kernel,
        mesh=mesh,
        out_type=jax.ShapeDtypeStruct((n, d), jnp.float32),
        scratch_types=(
            [pltpu.VMEM((chunk,), jnp.int32) for _ in range(nbuf)]
            + [pltpu.VMEM((chunk, d), jnp.float32) for _ in range(nbuf)]
            + [pltpu.SemaphoreType.DMA for _ in range(2 * nbuf)]
        ),
    )
    def k(table_hbm, idx_hbm, out_hbm, *scr):
        idx_v = scr[0:nbuf]
        rows_v = scr[nbuf:2 * nbuf]
        gsem = scr[2 * nbuf:3 * nbuf]
        ssem = scr[3 * nbuf:4 * nbuf]
        wid = lax.axis_index("s") * NC + lax.axis_index("c")
        base = wid * b_per_w

        def start_gather(c, b):
            pltpu.sync_copy(
                idx_hbm.at[pl.ds(ids_offset + base + c * chunk, chunk)], idx_v[b])
            pltpu.make_async_copy(table_hbm.at[idx_v[b]], rows_v[b], gsem[b]).start()

        def wait_scatter(c, b):
            pltpu.make_async_copy(
                rows_v[b], out_hbm.at[pl.ds(base + c * chunk, chunk)],
                ssem[b]).wait()

        for c in range(nbuf):
            start_gather(c, c)

        @pl.loop(0, nchunks, step=nbuf)
        def _(c0):
            for b in range(nbuf):
                ci = c0 + b
                pltpu.make_async_copy(
                    table_hbm.at[idx_v[b]], rows_v[b], gsem[b]).wait()
                pltpu.make_async_copy(
                    rows_v[b], out_hbm.at[pl.ds(base + ci * chunk, chunk)],
                    ssem[b]).start()
                pb = (b - 1) % nbuf

                @pl.when(jnp.logical_and(ci >= 1, ci + nbuf - 1 < nchunks))
                def _():
                    wait_scatter(ci - 1, pb)
                    start_gather(ci + nbuf - 1, pb)

        for c in range(nchunks - nbuf, nchunks):
            wait_scatter(c, c % nbuf)

    return k(table, ids_flat)


def _tc_body(prev_ref, word_ref, tt_ref, pos_ref, type_ref, w_ref, b_ref,
             out_ref):
    del prev_ref
    ttf = tt_ref[0, 0, :].astype(jnp.float32)[:, None]
    t0 = type_ref[0, :][None, :]
    dt = (type_ref[1, :] - type_ref[0, :])[None, :]
    x = word_ref[...] + pos_ref[...] + t0 + ttf * dt
    mu = jnp.mean(x, axis=1, keepdims=True)
    xc = x - mu
    var = jnp.mean(xc * xc, axis=1, keepdims=True)
    out_ref[...] = xc * lax.rsqrt(var + EPS) * w_ref[...] + b_ref[...]


def kernel(input_ids, token_type_ids, word_table, pos_table, type_table,
           ln_weight, ln_bias):
    B, S = input_ids.shape
    H = word_table.shape[1]
    n = B * S
    K = 4
    BK = B // K
    nk = BK * S

    ids_flat = input_ids.reshape(n).astype(jnp.int32)
    tt3 = token_type_ids.astype(jnp.int32).reshape(B, 1, S)
    w2 = ln_weight.reshape(1, H)
    b2 = ln_bias.reshape(1, H)

    word_chunks = [
        _sc_gather(word_table, ids_flat, nk, k * nk) for k in range(K)
    ]

    out = None
    for k in range(K):
        off = k * BK
        body = _tc_body if k else functools.partial(_tc_body, None)
        specs = [
            pl.BlockSpec((S, H), lambda i: (i, 0)),
            pl.BlockSpec((1, 1, S), lambda i, off=off: (i + off, 0, 0)),
            pl.BlockSpec((S, H), lambda i: (0, 0)),
            pl.BlockSpec((2, H), lambda i: (0, 0)),
            pl.BlockSpec((1, H), lambda i: (0, 0)),
            pl.BlockSpec((1, H), lambda i: (0, 0)),
        ]
        args = [word_chunks[k], tt3, pos_table, type_table, w2, b2]
        if k:
            specs.insert(0, pl.BlockSpec(memory_space=pl.ANY))
            args.insert(0, out)
        out = pl.pallas_call(
            body,
            grid=(BK,),
            in_specs=specs,
            out_specs=pl.BlockSpec((S, H), lambda i, off=off: (i + off, 0)),
            out_shape=jax.ShapeDtypeStruct((n, H), jnp.float32),
            input_output_aliases={0: 0} if k else {},
        )(*args)

    return out.reshape(B, S, H)

# --- scband reference (transcript-rebuilt; emitter-appended) ---
"""Pipeline reference for scband-bert-embedding-3934190043200 (READ-ONLY COPY).

The authoritative reference and input builder live on the scoring server;
editing this copy changes nothing except your own understanding.
"""

import jax, jax.numpy as jnp
import numpy as np

VOCAB = 30522
HIDDEN = 1024
MAX_POS = 512
TYPE_VOCAB = 2
B, S = 32, 512
EPS = 1e-12


def setup_inputs(seed: int = 0) -> dict:
    key = jax.random.key(seed)
    k1, k2, k3, k4, k5, k6, k7 = jax.random.split(key, 7)
    input_ids = jax.random.randint(k1, (B, S), 0, VOCAB, dtype=jnp.int64) if jax.config.jax_enable_x64 else jax.random.randint(k1, (B, S), 0, VOCAB, dtype=jnp.int32)
    token_type_ids = jax.random.randint(k2, (B, S), 0, TYPE_VOCAB, dtype=input_ids.dtype)
    word_table = jax.random.normal(k3, (VOCAB, HIDDEN), dtype=jnp.float32) * 0.02
    word_table = word_table.at[0].set(0.0)  # padding_idx=0
    pos_table = jax.random.normal(k4, (MAX_POS, HIDDEN), dtype=jnp.float32) * 0.02
    pos_table = pos_table.at[0].set(0.0)  # padding_idx=0
    type_table = jax.random.normal(k5, (TYPE_VOCAB, HIDDEN), dtype=jnp.float32) * 0.02
    type_table = type_table.at[0].set(0.0)  # padding_idx=0
    ln_weight = jnp.ones((HIDDEN,), dtype=jnp.float32)
    ln_bias = jnp.zeros((HIDDEN,), dtype=jnp.float32)
    return {
        "input_ids": input_ids,
        "token_type_ids": token_type_ids,
        "word_table": word_table,
        "pos_table": pos_table,
        "type_table": type_table,
        "ln_weight": ln_weight,
        "ln_bias": ln_bias,
    }


def _layer_norm(x, w, b):
    mu = jnp.mean(x, axis=-1, keepdims=True)
    var = jnp.mean((x - mu) ** 2, axis=-1, keepdims=True)
    return (x - mu) / jnp.sqrt(var + EPS) * w + b


def reference(input_ids, token_type_ids, word_table, pos_table, type_table, ln_weight, ln_bias):
    seq_length = input_ids.shape[1]
    position_ids = jnp.arange(seq_length, dtype=input_ids.dtype)
    position_ids = jnp.broadcast_to(position_ids[None, :], input_ids.shape)
    word_embeddings = jnp.take(word_table, input_ids, axis=0)
    position_embedding = jnp.take(pos_table, position_ids, axis=0)
    token_type_embeddings = jnp.take(type_table, token_type_ids, axis=0)
    embeddings = word_embeddings + position_embedding + token_type_embeddings
    embeddings = _layer_norm(embeddings, ln_weight, ln_bias)
    # dropout is identity in eval mode
    return embeddings

if __name__ == "__main__":
    import jax
    _d = setup_inputs()
    print(jax.jit(kernel)(*tuple(_d.values())))

</pallas_src>

<mosaic_0001>
#map = affine_map<(d0, d1) -> (0, 0)>
#map1 = affine_map<(d0, d1) -> (0)>
module attributes {stable_mosaic.version = 14 : i64} {
  func.func @k(%arg0: i32, %arg1: i32, %arg2: memref<30522x1024xf32, #tpu.memory_space<hbm>>, %arg3: memref<16384xi32, #tpu.memory_space<hbm>>, %arg4: memref<4096x1024xf32, #tpu.memory_space<hbm>>, %arg5: memref<16xi32, #tpu.memory_space<vmem>>, %arg6: memref<16xi32, #tpu.memory_space<vmem>>, %arg7: memref<16xi32, #tpu.memory_space<vmem>>, %arg8: memref<16xi32, #tpu.memory_space<vmem>>, %arg9: memref<16x1024xf32, #tpu.memory_space<vmem>>, %arg10: memref<16x1024xf32, #tpu.memory_space<vmem>>, %arg11: memref<16x1024xf32, #tpu.memory_space<vmem>>, %arg12: memref<16x1024xf32, #tpu.memory_space<vmem>>, %arg13: memref<!tpu.dma_semaphore, #tpu.memory_space<semaphore_mem>>, %arg14: memref<!tpu.dma_semaphore, #tpu.memory_space<semaphore_mem>>, %arg15: memref<!tpu.dma_semaphore, #tpu.memory_space<semaphore_mem>>, %arg16: memref<!tpu.dma_semaphore, #tpu.memory_space<semaphore_mem>>, %arg17: memref<!tpu.dma_semaphore, #tpu.memory_space<semaphore_mem>>, %arg18: memref<!tpu.dma_semaphore, #tpu.memory_space<semaphore_mem>>, %arg19: memref<!tpu.dma_semaphore, #tpu.memory_space<semaphore_mem>>, %arg20: memref<!tpu.dma_semaphore, #tpu.memory_space<semaphore_mem>>) attributes {dimension_semantics = [#tpu.dimension_semantics<core_parallel>, #tpu.dimension_semantics<subcore_parallel>], iteration_bounds = array<i64: 2, 16>, scalar_prefetch = 0 : i64, scratch_operands = 16 : i64, tpu.core_type = #tpu.core_type<sc_vector_subcore>, window_params = [{transform_indices = #map}, {transform_indices = #map1}, {transform_indices = #map}]} {
    %mul3A = arith.constant 2 : i32
    %mul3A_0 = arith.muli %arg1, %mul3A : i32
    %add3A = arith.addi %mul3A_0, %arg0 : i32
    %mul3A_1 = arith.constant 128 : i32
    %mul3A_2 = arith.muli %add3A, %mul3A_1 : i32
    %add3A_3 = arith.constant 4096 : i32
    %add3A_4 = arith.addi %add3A_3, %mul3A_2 : i32
    %add3A_5 = arith.constant 0 : i32
    %add3A_6 = arith.addi %add3A_4, %add3A_5 : i32
    "tpu.region"() ({
      %run_scoped3A = tpu.sem_alloc : memref<!tpu.dma_semaphore, #tpu.memory_space<semaphore_mem>>
      %dma_start3A_57 = tpu.memref_slice %arg3[%add3A_6] : memref<16384xi32, #tpu.memory_space<hbm>> -> memref<16xi32, #tpu.memory_space<hbm>>
      %dma_start3A_58 = tpu.memref_slice %arg3[%add3A_6] : memref<16384xi32, #tpu.memory_space<hbm>> -> memref<16xi32, #tpu.memory_space<hbm>>
      tpu.enqueue_dma source(%dma_start3A_58 : memref<16xi32, #tpu.memory_space<hbm>>) target(%arg5 : memref<16xi32, #tpu.memory_space<vmem>>) target_semaphore(%run_scoped3A : memref<!tpu.dma_semaphore, #tpu.memory_space<semaphore_mem>>)
      %dma_wait3A_59 = tpu.memref_slice %arg3[%add3A_6] : memref<16384xi32, #tpu.memory_space<hbm>> -> memref<16xi32, #tpu.memory_space<hbm>>
      %dma_wait3A_60 = tpu.memref_slice %arg3[%add3A_6] : memref<16384xi32, #tpu.memory_space<hbm>> -> memref<16xi32, #tpu.memory_space<hbm>>
      tpu.wait_dma2 semaphore(%run_scoped3A : memref<!tpu.dma_semaphore, #tpu.memory_space<semaphore_mem>>) src(%dma_wait3A_60 : memref<16xi32, #tpu.memory_space<hbm>>) dst(%arg5 : memref<16xi32, #tpu.memory_space<vmem>>)
      tpu.yield
    }) : () -> ()
    %dma_start3A = arith.constant 0 : i32
    %dma_start3A_7 = arith.constant 0 : i32
    %dma_start3A_8 = tpu.memref_slice %arg2[%dma_start3A, %dma_start3A_7] : memref<30522x1024xf32, #tpu.memory_space<hbm>> -> memref<30522x1024xf32, #tpu.memory_space<hbm>>
    tpu.enqueue_indirect_dma source(%dma_start3A_8 : memref<30522x1024xf32, #tpu.memory_space<hbm>>) target(%arg9 : memref<16x1024xf32, #tpu.memory_space<vmem>>) offsets(%arg5 : memref<16xi32, #tpu.memory_space<vmem>>) semaphore(%arg13 : memref<!tpu.dma_semaphore, #tpu.memory_space<semaphore_mem>>)
    %add3A_9 = arith.constant 4096 : i32
    %add3A_10 = arith.addi %add3A_9, %mul3A_2 : i32
    %add3A_11 = arith.constant 16 : i32
    %add3A_12 = arith.addi %add3A_10, %add3A_11 : i32
    "tpu.region"() ({
      %run_scoped3A = tpu.sem_alloc : memref<!tpu.dma_semaphore, #tpu.memory_space<semaphore_mem>>
      %dma_start3A_57 = tpu.memref_slice %arg3[%add3A_12] : memref<16384xi32, #tpu.memory_space<hbm>> -> memref<16xi32, #tpu.memory_space<hbm>>
      %dma_start3A_58 = tpu.memref_slice %arg3[%add3A_12] : memref<16384xi32, #tpu.memory_space<hbm>> -> memref<16xi32, #tpu.memory_space<hbm>>
      tpu.enqueue_dma source(%dma_start3A_58 : memref<16xi32, #tpu.memory_space<hbm>>) target(%arg6 : memref<16xi32, #tpu.memory_space<vmem>>) target_semaphore(%run_scoped3A : memref<!tpu.dma_semaphore, #tpu.memory_space<semaphore_mem>>)
      %dma_wait3A_59 = tpu.memref_slice %arg3[%add3A_12] : memref<16384xi32, #tpu.memory_space<hbm>> -> memref<16xi32, #tpu.memory_space<hbm>>
      %dma_wait3A_60 = tpu.memref_slice %arg3[%add3A_12] : memref<16384xi32, #tpu.memory_space<hbm>> -> memref<16xi32, #tpu.memory_space<hbm>>
      tpu.wait_dma2 semaphore(%run_scoped3A : memref<!tpu.dma_semaphore, #tpu.memory_space<semaphore_mem>>) src(%dma_wait3A_60 : memref<16xi32, #tpu.memory_space<hbm>>) dst(%arg6 : memref<16xi32, #tpu.memory_space<vmem>>)
      tpu.yield
    }) : () -> ()
    %dma_start3A_13 = arith.constant 0 : i32
    %dma_start3A_14 = arith.constant 0 : i32
    %dma_start3A_15 = tpu.memref_slice %arg2[%dma_start3A_13, %dma_start3A_14] : memref<30522x1024xf32, #tpu.memory_space<hbm>> -> memref<30522x1024xf32, #tpu.memory_space<hbm>>
    tpu.enqueue_indirect_dma source(%dma_start3A_15 : memref<30522x1024xf32, #tpu.memory_space<hbm>>) target(%arg10 : memref<16x1024xf32, #tpu.memory_space<vmem>>) offsets(%arg6 : memref<16xi32, #tpu.memory_space<vmem>>) semaphore(%arg14 : memref<!tpu.dma_semaphore, #tpu.memory_space<semaphore_mem>>)
    %add3A_16 = arith.constant 4096 : i32
    %add3A_17 = arith.addi %add3A_16, %mul3A_2 : i32
    %add3A_18 = arith.constant 32 : i32
    %add3A_19 = arith.addi %add3A_17, %add3A_18 : i32
    "tpu.region"() ({
      %run_scoped3A = tpu.sem_alloc : memref<!tpu.dma_semaphore, #tpu.memory_space<semaphore_mem>>
      %dma_start3A_57 = tpu.memref_slice %arg3[%add3A_19] : memref<16384xi32, #tpu.memory_space<hbm>> -> memref<16xi32, #tpu.memory_space<hbm>>
      %dma_start3A_58 = tpu.memref_slice %arg3[%add3A_19] : memref<16384xi32, #tpu.memory_space<hbm>> -> memref<16xi32, #tpu.memory_space<hbm>>
      tpu.enqueue_dma source(%dma_start3A_58 : memref<16xi32, #tpu.memory_space<hbm>>) target(%arg7 : memref<16xi32, #tpu.memory_space<vmem>>) target_semaphore(%run_scoped3A : memref<!tpu.dma_semaphore, #tpu.memory_space<semaphore_mem>>)
      %dma_wait3A_59 = tpu.memref_slice %arg3[%add3A_19] : memref<16384xi32, #tpu.memory_space<hbm>> -> memref<16xi32, #tpu.memory_space<hbm>>
      %dma_wait3A_60 = tpu.memref_slice %arg3[%add3A_19] : memref<16384xi32, #tpu.memory_space<hbm>> -> memref<16xi32, #tpu.memory_space<hbm>>
      tpu.wait_dma2 semaphore(%run_scoped3A : memref<!tpu.dma_semaphore, #tpu.memory_space<semaphore_mem>>) src(%dma_wait3A_60 : memref<16xi32, #tpu.memory_space<hbm>>) dst(%arg7 : memref<16xi32, #tpu.memory_space<vmem>>)
      tpu.yield
    }) : () -> ()
    %dma_start3A_20 = arith.constant 0 : i32
    %dma_start3A_21 = arith.constant 0 : i32
    %dma_start3A_22 = tpu.memref_slice %arg2[%dma_start3A_20, %dma_start3A_21] : memref<30522x1024xf32, #tpu.memory_space<hbm>> -> memref<30522x1024xf32, #tpu.memory_space<hbm>>
    tpu.enqueue_indirect_dma source(%dma_start3A_22 : memref<30522x1024xf32, #tpu.memory_space<hbm>>) target(%arg11 : memref<16x1024xf32, #tpu.memory_space<vmem>>) offsets(%arg7 : memref<16xi32, #tpu.memory_space<vmem>>) semaphore(%arg15 : memref<!tpu.dma_semaphore, #tpu.memory_space<semaphore_mem>>)
    %add3A_23 = arith.constant 4096 : i32
    %add3A_24 = arith.addi %add3A_23, %mul3A_2 : i32
    %add3A_25 = arith.constant 48 : i32
    %add3A_26 = arith.addi %add3A_24, %add3A_25 : i32
    "tpu.region"() ({
      %run_scoped3A = tpu.sem_alloc : memref<!tpu.dma_semaphore, #tpu.memory_space<semaphore_mem>>
      %dma_start3A_57 = tpu.memref_slice %arg3[%add3A_26] : memref<16384xi32, #tpu.memory_space<hbm>> -> memref<16xi32, #tpu.memory_space<hbm>>
      %dma_start3A_58 = tpu.memref_slice %arg3[%add3A_26] : memref<16384xi32, #tpu.memory_space<hbm>> -> memref<16xi32, #tpu.memory_space<hbm>>
      tpu.enqueue_dma source(%dma_start3A_58 : memref<16xi32, #tpu.memory_space<hbm>>) target(%arg8 : memref<16xi32, #tpu.memory_space<vmem>>) target_semaphore(%run_scoped3A : memref<!tpu.dma_semaphore, #tpu.memory_space<semaphore_mem>>)
      %dma_wait3A_59 = tpu.memref_slice %arg3[%add3A_26] : memref<16384xi32, #tpu.memory_space<hbm>> -> memref<16xi32, #tpu.memory_space<hbm>>
      %dma_wait3A_60 = tpu.memref_slice %arg3[%add3A_26] : memref<16384xi32, #tpu.memory_space<hbm>> -> memref<16xi32, #tpu.memory_space<hbm>>
      tpu.wait_dma2 semaphore(%run_scoped3A : memref<!tpu.dma_semaphore, #tpu.memory_space<semaphore_mem>>) src(%dma_wait3A_60 : memref<16xi32, #tpu.memory_space<hbm>>) dst(%arg8 : memref<16xi32, #tpu.memory_space<vmem>>)
      tpu.yield
    }) : () -> ()
    %dma_start3A_27 = arith.constant 0 : i32
    %dma_start3A_28 = arith.constant 0 : i32
    %dma_start3A_29 = tpu.memref_slice %arg2[%dma_start3A_27, %dma_start3A_28] : memref<30522x1024xf32, #tpu.memory_space<hbm>> -> memref<30522x1024xf32, #tpu.memory_space<hbm>>
    tpu.enqueue_indirect_dma source(%dma_start3A_29 : memref<30522x1024xf32, #tpu.memory_space<hbm>>) target(%arg12 : memref<16x1024xf32, #tpu.memory_space<vmem>>) offsets(%arg8 : memref<16xi32, #tpu.memory_space<vmem>>) semaphore(%arg16 : memref<!tpu.dma_semaphore, #tpu.memory_space<semaphore_mem>>)
    %scan3A = arith.constant 0 : i32
    %scan3A_30 = arith.constant 2 : i32
    %scan3A_31 = arith.addi %scan3A, %scan3A_30 : i32
    %scan3A_32 = arith.constant 1 : i32
    scf.for %scan3A_57 = %scan3A to %scan3A_31 step %scan3A_32  : i32 {
      %mul3A_58 = arith.constant 4 : i32
      %mul3A_59 = arith.muli %scan3A_57, %mul3A_58 : i32
      %add3A_60 = arith.constant 0 : i32
      %add3A_61 = arith.addi %add3A_60, %mul3A_59 : i32
      %add3A_62 = arith.constant 0 : i32
      %add3A_63 = arith.addi %add3A_61, %add3A_62 : i32
      %dma_wait3A_64 = arith.constant 0 : i32
      %dma_wait3A_65 = arith.constant 0 : i32
      %dma_wait3A_66 = tpu.memref_slice %arg2[%dma_wait3A_64, %dma_wait3A_65] : memref<30522x1024xf32, #tpu.memory_space<hbm>> -> memref<30522x1024xf32, #tpu.memory_space<hbm>>
      tpu.wait_indirect_dma semaphore(%arg13 : memref<!tpu.dma_semaphore, #tpu.memory_space<semaphore_mem>>) src(%dma_wait3A_66 : memref<30522x1024xf32, #tpu.memory_space<hbm>>) dst(%arg9 : memref<16x1024xf32, #tpu.memory_space<vmem>>)
      %mul3A_67 = arith.constant 16 : i32
      %mul3A_68 = arith.muli %add3A_63, %mul3A_67 : i32
      %add3A_69 = arith.addi %mul3A_2, %mul3A_68 : i32
      %dma_start3A_70 = arith.constant 0 : i32
      %dma_start3A_71 = tpu.memref_slice %arg4[%add3A_69, %dma_start3A_70] : memref<4096x1024xf32, #tpu.memory_space<hbm>> -> memref<16x1024xf32, #tpu.memory_space<hbm>>
      %dma_start3A_72 = arith.constant 0 : i32
      %dma_start3A_73 = tpu.memref_slice %arg4[%add3A_69, %dma_start3A_72] : memref<4096x1024xf32, #tpu.memory_space<hbm>> -> memref<16x1024xf32, #tpu.memory_space<hbm>>
      tpu.enqueue_dma source(%arg9 : memref<16x1024xf32, #tpu.memory_space<vmem>>) target(%dma_start3A_73 : memref<16x1024xf32, #tpu.memory_space<hbm>>) target_semaphore(%arg17 : memref<!tpu.dma_semaphore, #tpu.memory_space<semaphore_mem>>)
      %ge3A = arith.constant 1 : i32
      %ge3A_74 = arith.cmpi sge, %add3A_63, %ge3A : i32
      %add3A_75 = arith.constant 4 : i32
      %add3A_76 = arith.addi %add3A_63, %add3A_75 : i32
      %sub3A = arith.constant 1 : i32
      %sub3A_77 = arith.subi %add3A_76, %sub3A : i32
      %lt3A = arith.constant 8 : i32
      %lt3A_78 = arith.cmpi slt, %sub3A_77, %lt3A : i32
      %and3A = arith.andi %ge3A_74, %lt3A_78 : i1
      %convert_element_type3A = arith.extui %and3A : i1 to i32
      %cond3A = arith.constant 0 : i32
      %cond3A_79 = arith.cmpi ne, %convert_element_type3A, %cond3A : i32
      scf.if %cond3A_79 {
        %sub3A_152 = arith.constant 1 : i32
        %sub3A_153 = arith.subi %add3A_63, %sub3A_152 : i32
        %mul3A_154 = arith.constant 16 : i32
        %mul3A_155 = arith.muli %sub3A_153, %mul3A_154 : i32
        %add3A_156 = arith.addi %mul3A_2, %mul3A_155 : i32
        %dma_wait3A_157 = arith.constant 0 : i32
        %dma_wait3A_158 = tpu.memref_slice %arg4[%add3A_156, %dma_wait3A_157] : memref<4096x1024xf32, #tpu.memory_space<hbm>> -> memref<16x1024xf32, #tpu.memory_space<hbm>>
        %dma_wait3A_159 = arith.constant 0 : i32
        %dma_wait3A_160 = tpu.memref_slice %arg4[%add3A_156, %dma_wait3A_159] : memref<4096x1024xf32, #tpu.memory_space<hbm>> -> memref<16x1024xf32, #tpu.memory_space<hbm>>
        tpu.wait_dma2 semaphore(%arg20 : memref<!tpu.dma_semaphore, #tpu.memory_space<semaphore_mem>>) src(%arg12 : memref<16x1024xf32, #tpu.memory_space<vmem>>) dst(%dma_wait3A_160 : memref<16x1024xf32, #tpu.memory_space<hbm>>)
        %add3A_161 = arith.constant 4 : i32
        %add3A_162 = arith.addi %add3A_63, %add3A_161 : i32
        %sub3A_163 = arith.constant 1 : i32
        %sub3A_164 = arith.subi %add3A_162, %sub3A_163 : i32
        %add3A_165 = arith.constant 4096 : i32
        %add3A_166 = arith.addi %add3A_165, %mul3A_2 : i32
        %mul3A_167 = arith.constant 16 : i32
        %mul3A_168 = arith.muli %sub3A_164, %mul3A_167 : i32
        %add3A_169 = arith.addi %add3A_166, %mul3A_168 : i32
        "tpu.region"() ({
          %run_scoped3A = tpu.sem_alloc : memref<!tpu.dma_semaphore, #tpu.memory_space<semaphore_mem>>
          %dma_start3A_173 = tpu.memref_slice %arg3[%add3A_169] : memref<16384xi32, #tpu.memory_space<hbm>> -> memref<16xi32, #tpu.memory_space<hbm>>
          %dma_start3A_174 = tpu.memref_slice %arg3[%add3A_169] : memref<16384xi32, #tpu.memory_space<hbm>> -> memref<16xi32, #tpu.memory_space<hbm>>
          tpu.enqueue_dma source(%dma_start3A_174 : memref<16xi32, #tpu.memory_space<hbm>>) target(%arg8 : memref<16xi32, #tpu.memory_space<vmem>>) target_semaphore(%run_scoped3A : memref<!tpu.dma_semaphore, #tpu.memory_space<semaphore_mem>>)
          %dma_wait3A_175 = tpu.memref_slice %arg3[%add3A_169] : memref<16384xi32, #tpu.memory_space<hbm>> -> memref<16xi32, #tpu.memory_space<hbm>>
          %dma_wait3A_176 = tpu.memref_slice %arg3[%add3A_169] : memref<16384xi32, #tpu.memory_space<hbm>> -> memref<16xi32, #tpu.memory_space<hbm>>
          tpu.wait_dma2 semaphore(%run_scoped3A : memref<!tpu.dma_semaphore, #tpu.memory_space<semaphore_mem>>) src(%dma_wait3A_176 : memref<16xi32, #tpu.memory_space<hbm>>) dst(%arg8 : memref<16xi32, #tpu.memory_space<vmem>>)
          tpu.yield
        }) : () -> ()
        %dma_start3A_170 = arith.constant 0 : i32
        %dma_start3A_171 = arith.constant 0 : i32
        %dma_start3A_172 = tpu.memref_slice %arg2[%dma_start3A_170, %dma_start3A_171] : memref<30522x1024xf32, #tpu.memory_space<hbm>> -> memref<30522x1024xf32, #tpu.memory_space<hbm>>
        tpu.enqueue_indirect_dma source(%dma_start3A_172 : memref<30522x1024xf32, #tpu.memory_space<hbm>>) target(%arg12 : memref<16x1024xf32, #tpu.memory_space<vmem>>) offsets(%arg8 : memref<16xi32, #tpu.memory_space<vmem>>) semaphore(%arg16 : memref<!tpu.dma_semaphore, #tpu.memory_space<semaphore_mem>>)
      } else {
      }
      %add3A_80 = arith.constant 1 : i32
      %add3A_81 = arith.addi %add3A_61, %add3A_80 : i32
      %dma_wait3A_82 = arith.constant 0 : i32
      %dma_wait3A_83 = arith.constant 0 : i32
      %dma_wait3A_84 = tpu.memref_slice %arg2[%dma_wait3A_82, %dma_wait3A_83] : memref<30522x1024xf32, #tpu.memory_space<hbm>> -> memref<30522x1024xf32, #tpu.memory_space<hbm>>
      tpu.wait_indirect_dma semaphore(%arg14 : memref<!tpu.dma_semaphore, #tpu.memory_space<semaphore_mem>>) src(%dma_wait3A_84 : memref<30522x1024xf32, #tpu.memory_space<hbm>>) dst(%arg10 : memref<16x1024xf32, #tpu.memory_space<vmem>>)
      %mul3A_85 = arith.constant 16 : i32
      %mul3A_86 = arith.muli %add3A_81, %mul3A_85 : i32
      %add3A_87 = arith.addi %mul3A_2, %mul3A_86 : i32
      %dma_start3A_88 = arith.constant 0 : i32
      %dma_start3A_89 = tpu.memref_slice %arg4[%add3A_87, %dma_start3A_88] : memref<4096x1024xf32, #tpu.memory_space<hbm>> -> memref<16x1024xf32, #tpu.memory_space<hbm>>
      %dma_start3A_90 = arith.constant 0 : i32
      %dma_start3A_91 = tpu.memref_slice %arg4[%add3A_87, %dma_start3A_90] : memref<4096x1024xf32, #tpu.memory_space<hbm>> -> memref<16x1024xf32, #tpu.memory_space<hbm>>
      tpu.enqueue_dma source(%arg10 : memref<16x1024xf32, #tpu.memory_space<vmem>>) target(%dma_start3A_91 : memref<16x1024xf32, #tpu.memory_space<hbm>>) target_semaphore(%arg18 : memref<!tpu.dma_semaphore, #tpu.memory_space<semaphore_mem>>)
      %ge3A_92 = arith.constant 1 : i32
      %ge3A_93 = arith.cmpi sge, %add3A_81, %ge3A_92 : i32
      %add3A_94 = arith.constant 4 : i32
      %add3A_95 = arith.addi %add3A_81, %add3A_94 : i32
      %sub3A_96 = arith.constant 1 : i32
      %sub3A_97 = arith.subi %add3A_95, %sub3A_96 : i32
      %lt3A_98 = arith.constant 8 : i32
      %lt3A_99 = arith.cmpi slt, %sub3A_97, %lt3A_98 : i32
      %and3A_100 = arith.andi %ge3A_93, %lt3A_99 : i1
      %convert_element_type3A_101 = arith.extui %and3A_100 : i1 to i32
      %cond3A_102 = arith.constant 0 : i32
      %cond3A_103 = arith.cmpi ne, %convert_element_type3A_101, %cond3A_102 : i32
      scf.if %cond3A_103 {
        %sub3A_152 = arith.constant 1 : i32
        %sub3A_153 = arith.subi %add3A_81, %sub3A_152 : i32
        %mul3A_154 = arith.constant 16 : i32
        %mul3A_155 = arith.muli %sub3A_153, %mul3A_154 : i32
        %add3A_156 = arith.addi %mul3A_2, %mul3A_155 : i32
        %dma_wait3A_157 = arith.constant 0 : i32
        %dma_wait3A_158 = tpu.memref_slice %arg4[%add3A_156, %dma_wait3A_157] : memref<4096x1024xf32, #tpu.memory_space<hbm>> -> memref<16x1024xf32, #tpu.memory_space<hbm>>
        %dma_wait3A_159 = arith.constant 0 : i32
        %dma_wait3A_160 = tpu.memref_slice %arg4[%add3A_156, %dma_wait3A_159] : memref<4096x1024xf32, #tpu.memory_space<hbm>> -> memref<16x1024xf32, #tpu.memory_space<hbm>>
        tpu.wait_dma2 semaphore(%arg17 : memref<!tpu.dma_semaphore, #tpu.memory_space<semaphore_mem>>) src(%arg9 : memref<16x1024xf32, #tpu.memory_space<vmem>>) dst(%dma_wait3A_160 : memref<16x1024xf32, #tpu.memory_space<hbm>>)
        %add3A_161 = arith.constant 4 : i32
        %add3A_162 = arith.addi %add3A_81, %add3A_161 : i32
        %sub3A_163 = arith.constant 1 : i32
        %sub3A_164 = arith.subi %add3A_162, %sub3A_163 : i32
        %add3A_165 = arith.constant 4096 : i32
        %add3A_166 = arith.addi %add3A_165, %mul3A_2 : i32
        %mul3A_167 = arith.constant 16 : i32
        %mul3A_168 = arith.muli %sub3A_164, %mul3A_167 : i32
        %add3A_169 = arith.addi %add3A_166, %mul3A_168 : i32
        "tpu.region"() ({
          %run_scoped3A = tpu.sem_alloc : memref<!tpu.dma_semaphore, #tpu.memory_space<semaphore_mem>>
          %dma_start3A_173 = tpu.memref_slice %arg3[%add3A_169] : memref<16384xi32, #tpu.memory_space<hbm>> -> memref<16xi32, #tpu.memory_space<hbm>>
          %dma_start3A_174 = tpu.memref_slice %arg3[%add3A_169] : memref<16384xi32, #tpu.memory_space<hbm>> -> memref<16xi32, #tpu.memory_space<hbm>>
          tpu.enqueue_dma source(%dma_start3A_174 : memref<16xi32, #tpu.memory_space<hbm>>) target(%arg5 : memref<16xi32, #tpu.memory_space<vmem>>) target_semaphore(%run_scoped3A : memref<!tpu.dma_semaphore, #tpu.memory_space<semaphore_mem>>)
          %dma_wait3A_175 = tpu.memref_slice %arg3[%add3A_169] : memref<16384xi32, #tpu.memory_space<hbm>> -> memref<16xi32, #tpu.memory_space<hbm>>
          %dma_wait3A_176 = tpu.memref_slice %arg3[%add3A_169] : memref<16384xi32, #tpu.memory_space<hbm>> -> memref<16xi32, #tpu.memory_space<hbm>>
          tpu.wait_dma2 semaphore(%run_scoped3A : memref<!tpu.dma_semaphore, #tpu.memory_space<semaphore_mem>>) src(%dma_wait3A_176 : memref<16xi32, #tpu.memory_space<hbm>>) dst(%arg5 : memref<16xi32, #tpu.memory_space<vmem>>)
          tpu.yield
        }) : () -> ()
        %dma_start3A_170 = arith.constant 0 : i32
        %dma_start3A_171 = arith.constant 0 : i32
        %dma_start3A_172 = tpu.memref_slice %arg2[%dma_start3A_170, %dma_start3A_171] : memref<30522x1024xf32, #tpu.memory_space<hbm>> -> memref<30522x1024xf32, #tpu.memory_space<hbm>>
        tpu.enqueue_indirect_dma source(%dma_start3A_172 : memref<30522x1024xf32, #tpu.memory_space<hbm>>) target(%arg9 : memref<16x1024xf32, #tpu.memory_space<vmem>>) offsets(%arg5 : memref<16xi32, #tpu.memory_space<vmem>>) semaphore(%arg13 : memref<!tpu.dma_semaphore, #tpu.memory_space<semaphore_mem>>)
      } else {
      }
      %add3A_104 = arith.constant 2 : i32
      %add3A_105 = arith.addi %add3A_61, %add3A_104 : i32
      %dma_wait3A_106 = arith.constant 0 : i32
      %dma_wait3A_107 = arith.constant 0 : i32
      %dma_wait3A_108 = tpu.memref_slice %arg2[%dma_wait3A_106, %dma_wait3A_107] : memref<30522x1024xf32, #tpu.memory_space<hbm>> -> memref<30522x1024xf32, #tpu.memory_space<hbm>>
      tpu.wait_indirect_dma semaphore(%arg15 : memref<!tpu.dma_semaphore, #tpu.memory_space<semaphore_mem>>) src(%dma_wait3A_108 : memref<30522x1024xf32, #tpu.memory_space<hbm>>) dst(%arg11 : memref<16x1024xf32, #tpu.memory_space<vmem>>)
      %mul3A_109 = arith.constant 16 : i32
      %mul3A_110 = arith.muli %add3A_105, %mul3A_109 : i32
      %add3A_111 = arith.addi %mul3A_2, %mul3A_110 : i32
      %dma_start3A_112 = arith.constant 0 : i32
      %dma_start3A_113 = tpu.memref_slice %arg4[%add3A_111, %dma_start3A_112] : memref<4096x1024xf32, #tpu.memory_space<hbm>> -> memref<16x1024xf32, #tpu.memory_space<hbm>>
      %dma_start3A_114 = arith.constant 0 : i32
      %dma_start3A_115 = tpu.memref_slice %arg4[%add3A_111, %dma_start3A_114] : memref<4096x1024xf32, #tpu.memory_space<hbm>> -> memref<16x1024xf32, #tpu.memory_space<hbm>>
      tpu.enqueue_dma source(%arg11 : memref<16x1024xf32, #tpu.memory_space<vmem>>) target(%dma_start3A_115 : memref<16x1024xf32, #tpu.memory_space<hbm>>) target_semaphore(%arg19 : memref<!tpu.dma_semaphore, #tpu.memory_space<semaphore_mem>>)
      %ge3A_116 = arith.constant 1 : i32
      %ge3A_117 = arith.cmpi sge, %add3A_105, %ge3A_116 : i32
      %add3A_118 = arith.constant 4 : i32
      %add3A_119 = arith.addi %add3A_105, %add3A_118 : i32
      %sub3A_120 = arith.constant 1 : i32
      %sub3A_121 = arith.subi %add3A_119, %sub3A_120 : i32
      %lt3A_122 = arith.constant 8 : i32
      %lt3A_123 = arith.cmpi slt, %sub3A_121, %lt3A_122 : i32
      %and3A_124 = arith.andi %ge3A_117, %lt3A_123 : i1
      %convert_element_type3A_125 = arith.extui %and3A_124 : i1 to i32
      %cond3A_126 = arith.constant 0 : i32
      %cond3A_127 = arith.cmpi ne, %convert_element_type3A_125, %cond3A_126 : i32
      scf.if %cond3A_127 {
        %sub3A_152 = arith.constant 1 : i32
        %sub3A_153 = arith.subi %add3A_105, %sub3A_152 : i32
        %mul3A_154 = arith.constant 16 : i32
        %mul3A_155 = arith.muli %sub3A_153, %mul3A_154 : i32
        %add3A_156 = arith.addi %mul3A_2, %mul3A_155 : i32
        %dma_wait3A_157 = arith.constant 0 : i32
        %dma_wait3A_158 = tpu.memref_slice %arg4[%add3A_156, %dma_wait3A_157] : memref<4096x1024xf32, #tpu.memory_space<hbm>> -> memref<16x1024xf32, #tpu.memory_space<hbm>>
        %dma_wait3A_159 = arith.constant 0 : i32
        %dma_wait3A_160 = tpu.memref_slice %arg4[%add3A_156, %dma_wait3A_159] : memref<4096x1024xf32, #tpu.memory_space<hbm>> -> memref<16x1024xf32, #tpu.memory_space<hbm>>
        tpu.wait_dma2 semaphore(%arg18 : memref<!tpu.dma_semaphore, #tpu.memory_space<semaphore_mem>>) src(%arg10 : memref<16x1024xf32, #tpu.memory_space<vmem>>) dst(%dma_wait3A_160 : memref<16x1024xf32, #tpu.memory_space<hbm>>)
        %add3A_161 = arith.constant 4 : i32
        %add3A_162 = arith.addi %add3A_105, %add3A_161 : i32
        %sub3A_163 = arith.constant 1 : i32
        %sub3A_164 = arith.subi %add3A_162, %sub3A_163 : i32
        %add3A_165 = arith.constant 4096 : i32
        %add3A_166 = arith.addi %add3A_165, %mul3A_2 : i32
        %mul3A_167 = arith.constant 16 : i32
        %mul3A_168 = arith.muli %sub3A_164, %mul3A_167 : i32
        %add3A_169 = arith.addi %add3A_166, %mul3A_168 : i32
        "tpu.region"() ({
          %run_scoped3A = tpu.sem_alloc : memref<!tpu.dma_semaphore, #tpu.memory_space<semaphore_mem>>
          %dma_start3A_173 = tpu.memref_slice %arg3[%add3A_169] : memref<16384xi32, #tpu.memory_space<hbm>> -> memref<16xi32, #tpu.memory_space<hbm>>
          %dma_start3A_174 = tpu.memref_slice %arg3[%add3A_169] : memref<16384xi32, #tpu.memory_space<hbm>> -> memref<16xi32, #tpu.memory_space<hbm>>
          tpu.enqueue_dma source(%dma_start3A_174 : memref<16xi32, #tpu.memory_space<hbm>>) target(%arg6 : memref<16xi32, #tpu.memory_space<vmem>>) target_semaphore(%run_scoped3A : memref<!tpu.dma_semaphore, #tpu.memory_space<semaphore_mem>>)
          %dma_wait3A_175 = tpu.memref_slice %arg3[%add3A_169] : memref<16384xi32, #tpu.memory_space<hbm>> -> memref<16xi32, #tpu.memory_space<hbm>>
          %dma_wait3A_176 = tpu.memref_slice %arg3[%add3A_169] : memref<16384xi32, #tpu.memory_space<hbm>> -> memref<16xi32, #tpu.memory_space<hbm>>
          tpu.wait_dma2 semaphore(%run_scoped3A : memref<!tpu.dma_semaphore, #tpu.memory_space<semaphore_mem>>) src(%dma_wait3A_176 : memref<16xi32, #tpu.memory_space<hbm>>) dst(%arg6 : memref<16xi32, #tpu.memory_space<vmem>>)
          tpu.yield
        }) : () -> ()
        %dma_start3A_170 = arith.constant 0 : i32
        %dma_start3A_171 = arith.constant 0 : i32
        %dma_start3A_172 = tpu.memref_slice %arg2[%dma_start3A_170, %dma_start3A_171] : memref<30522x1024xf32, #tpu.memory_space<hbm>> -> memref<30522x1024xf32, #tpu.memory_space<hbm>>
        tpu.enqueue_indirect_dma source(%dma_start3A_172 : memref<30522x1024xf32, #tpu.memory_space<hbm>>) target(%arg10 : memref<16x1024xf32, #tpu.memory_space<vmem>>) offsets(%arg6 : memref<16xi32, #tpu.memory_space<vmem>>) semaphore(%arg14 : memref<!tpu.dma_semaphore, #tpu.memory_space<semaphore_mem>>)
      } else {
      }
      %add3A_128 = arith.constant 3 : i32
      %add3A_129 = arith.addi %add3A_61, %add3A_128 : i32
      %dma_wait3A_130 = arith.constant 0 : i32
      %dma_wait3A_131 = arith.constant 0 : i32
      %dma_wait3A_132 = tpu.memref_slice %arg2[%dma_wait3A_130, %dma_wait3A_131] : memref<30522x1024xf32, #tpu.memory_space<hbm>> -> memref<30522x1024xf32, #tpu.memory_space<hbm>>
      tpu.wait_indirect_dma semaphore(%arg16 : memref<!tpu.dma_semaphore, #tpu.memory_space<semaphore_mem>>) src(%dma_wait3A_132 : memref<30522x1024xf32, #tpu.memory_space<hbm>>) dst(%arg12 : memref<16x1024xf32, #tpu.memory_space<vmem>>)
      %mul3A_133 = arith.constant 16 : i32
      %mul3A_134 = arith.muli %add3A_129, %mul3A_133 : i32
      %add3A_135 = arith.addi %mul3A_2, %mul3A_134 : i32
      %dma_start3A_136 = arith.constant 0 : i32
      %dma_start3A_137 = tpu.memref_slice %arg4[%add3A_135, %dma_start3A_136] : memref<4096x1024xf32, #tpu.memory_space<hbm>> -> memref<16x1024xf32, #tpu.memory_space<hbm>>
      %dma_start3A_138 = arith.constant 0 : i32
      %dma_start3A_139 = tpu.memref_slice %arg4[%add3A_135, %dma_start3A_138] : memref<4096x1024xf32, #tpu.memory_space<hbm>> -> memref<16x1024xf32, #tpu.memory_space<hbm>>
      tpu.enqueue_dma source(%arg12 : memref<16x1024xf32, #tpu.memory_space<vmem>>) target(%dma_start3A_139 : memref<16x1024xf32, #tpu.memory_space<hbm>>) target_semaphore(%arg20 : memref<!tpu.dma_semaphore, #tpu.memory_space<semaphore_mem>>)
      %ge3A_140 = arith.constant 1 : i32
      %ge3A_141 = arith.cmpi sge, %add3A_129, %ge3A_140 : i32
      %add3A_142 = arith.constant 4 : i32
      %add3A_143 = arith.addi %add3A_129, %add3A_142 : i32
      %sub3A_144 = arith.constant 1 : i32
      %sub3A_145 = arith.subi %add3A_143, %sub3A_144 : i32
      %lt3A_146 = arith.constant 8 : i32
      %lt3A_147 = arith.cmpi slt, %sub3A_145, %lt3A_146 : i32
      %and3A_148 = arith.andi %ge3A_141, %lt3A_147 : i1
      %convert_element_type3A_149 = arith.extui %and3A_148 : i1 to i32
      %cond3A_150 = arith.constant 0 : i32
      %cond3A_151 = arith.cmpi ne, %convert_element_type3A_149, %cond3A_150 : i32
      scf.if %cond3A_151 {
        %sub3A_152 = arith.constant 1 : i32
        %sub3A_153 = arith.subi %add3A_129, %sub3A_152 : i32
        %mul3A_154 = arith.constant 16 : i32
        %mul3A_155 = arith.muli %sub3A_153, %mul3A_154 : i32
        %add3A_156 = arith.addi %mul3A_2, %mul3A_155 : i32
        %dma_wait3A_157 = arith.constant 0 : i32
        %dma_wait3A_158 = tpu.memref_slice %arg4[%add3A_156, %dma_wait3A_157] : memref<4096x1024xf32, #tpu.memory_space<hbm>> -> memref<16x1024xf32, #tpu.memory_space<hbm>>
        %dma_wait3A_159 = arith.constant 0 : i32
        %dma_wait3A_160 = tpu.memref_slice %arg4[%add3A_156, %dma_wait3A_159] : memref<4096x1024xf32, #tpu.memory_space<hbm>> -> memref<16x1024xf32, #tpu.memory_space<hbm>>
        tpu.wait_dma2 semaphore(%arg19 : memref<!tpu.dma_semaphore, #tpu.memory_space<semaphore_mem>>) src(%arg11 : memref<16x1024xf32, #tpu.memory_space<vmem>>) dst(%dma_wait3A_160 : memref<16x1024xf32, #tpu.memory_space<hbm>>)
        %add3A_161 = arith.constant 4 : i32
        %add3A_162 = arith.addi %add3A_129, %add3A_161 : i32
        %sub3A_163 = arith.constant 1 : i32
        %sub3A_164 = arith.subi %add3A_162, %sub3A_163 : i32
        %add3A_165 = arith.constant 4096 : i32
        %add3A_166 = arith.addi %add3A_165, %mul3A_2 : i32
        %mul3A_167 = arith.constant 16 : i32
        %mul3A_168 = arith.muli %sub3A_164, %mul3A_167 : i32
        %add3A_169 = arith.addi %add3A_166, %mul3A_168 : i32
        "tpu.region"() ({
          %run_scoped3A = tpu.sem_alloc : memref<!tpu.dma_semaphore, #tpu.memory_space<semaphore_mem>>
          %dma_start3A_173 = tpu.memref_slice %arg3[%add3A_169] : memref<16384xi32, #tpu.memory_space<hbm>> -> memref<16xi32, #tpu.memory_space<hbm>>
          %dma_start3A_174 = tpu.memref_slice %arg3[%add3A_169] : memref<16384xi32, #tpu.memory_space<hbm>> -> memref<16xi32, #tpu.memory_space<hbm>>
          tpu.enqueue_dma source(%dma_start3A_174 : memref<16xi32, #tpu.memory_space<hbm>>) target(%arg7 : memref<16xi32, #tpu.memory_space<vmem>>) target_semaphore(%run_scoped3A : memref<!tpu.dma_semaphore, #tpu.memory_space<semaphore_mem>>)
          %dma_wait3A_175 = tpu.memref_slice %arg3[%add3A_169] : memref<16384xi32, #tpu.memory_space<hbm>> -> memref<16xi32, #tpu.memory_space<hbm>>
          %dma_wait3A_176 = tpu.memref_slice %arg3[%add3A_169] : memref<16384xi32, #tpu.memory_space<hbm>> -> memref<16xi32, #tpu.memory_space<hbm>>
          tpu.wait_dma2 semaphore(%run_scoped3A : memref<!tpu.dma_semaphore, #tpu.memory_space<semaphore_mem>>) src(%dma_wait3A_176 : memref<16xi32, #tpu.memory_space<hbm>>) dst(%arg7 : memref<16xi32, #tpu.memory_space<vmem>>)
          tpu.yield
        }) : () -> ()
        %dma_start3A_170 = arith.constant 0 : i32
        %dma_start3A_171 = arith.constant 0 : i32
        %dma_start3A_172 = tpu.memref_slice %arg2[%dma_start3A_170, %dma_start3A_171] : memref<30522x1024xf32, #tpu.memory_space<hbm>> -> memref<30522x1024xf32, #tpu.memory_space<hbm>>
        tpu.enqueue_indirect_dma source(%dma_start3A_172 : memref<30522x1024xf32, #tpu.memory_space<hbm>>) target(%arg11 : memref<16x1024xf32, #tpu.memory_space<vmem>>) offsets(%arg7 : memref<16xi32, #tpu.memory_space<vmem>>) semaphore(%arg15 : memref<!tpu.dma_semaphore, #tpu.memory_space<semaphore_mem>>)
      } else {
      }
    }
    %scan3A_33 = arith.constant 2 : i32
    %add3A_34 = arith.constant 64 : i32
    %add3A_35 = arith.addi %mul3A_2, %add3A_34 : i32
    %dma_wait3A = arith.constant 0 : i32
    %dma_wait3A_36 = tpu.memref_slice %arg4[%add3A_35, %dma_wait3A] : memref<4096x1024xf32, #tpu.memory_space<hbm>> -> memref<16x1024xf32, #tpu.memory_space<hbm>>
    %dma_wait3A_37 = arith.constant 0 : i32
    %dma_wait3A_38 = tpu.memref_slice %arg4[%add3A_35, %dma_wait3A_37] : memref<4096x1024xf32, #tpu.memory_space<hbm>> -> memref<16x1024xf32, #tpu.memory_space<hbm>>
    tpu.wait_dma2 semaphore(%arg17 : memref<!tpu.dma_semaphore, #tpu.memory_space<semaphore_mem>>) src(%arg9 : memref<16x1024xf32, #tpu.memory_space<vmem>>) dst(%dma_wait3A_38 : memref<16x1024xf32, #tpu.memory_space<hbm>>)
    %add3A_39 = arith.constant 80 : i32
    %add3A_40 = arith.addi %mul3A_2, %add3A_39 : i32
    %dma_wait3A_41 = arith.constant 0 : i32
    %dma_wait3A_42 = tpu.memref_slice %arg4[%add3A_40, %dma_wait3A_41] : memref<4096x1024xf32, #tpu.memory_space<hbm>> -> memref<16x1024xf32, #tpu.memory_space<hbm>>
    %dma_wait3A_43 = arith.constant 0 : i32
    %dma_wait3A_44 = tpu.memref_slice %arg4[%add3A_40, %dma_wait3A_43] : memref<4096x1024xf32, #tpu.memory_space<hbm>> -> memref<16x1024xf32, #tpu.memory_space<hbm>>
    tpu.wait_dma2 semaphore(%arg18 : memref<!tpu.dma_semaphore, #tpu.memory_space<semaphore_mem>>) src(%arg10 : memref<16x1024xf32, #tpu.memory_space<vmem>>) dst(%dma_wait3A_44 : memref<16x1024xf32, #tpu.memory_space<hbm>>)
    %add3A_45 = arith.constant 96 : i32
    %add3A_46 = arith.addi %mul3A_2, %add3A_45 : i32
    %dma_wait3A_47 = arith.constant 0 : i32
    %dma_wait3A_48 = tpu.memref_slice %arg4[%add3A_46, %dma_wait3A_47] : memref<4096x1024xf32, #tpu.memory_space<hbm>> -> memref<16x1024xf32, #tpu.memory_space<hbm>>
    %dma_wait3A_49 = arith.constant 0 : i32
    %dma_wait3A_50 = tpu.memref_slice %arg4[%add3A_46, %dma_wait3A_49] : memref<4096x1024xf32, #tpu.memory_space<hbm>> -> memref<16x1024xf32, #tpu.memory_space<hbm>>
    tpu.wait_dma2 semaphore(%arg19 : memref<!tpu.dma_semaphore, #tpu.memory_space<semaphore_mem>>) src(%arg11 : memref<16x1024xf32, #tpu.memory_space<vmem>>) dst(%dma_wait3A_50 : memref<16x1024xf32, #tpu.memory_space<hbm>>)
    %add3A_51 = arith.constant 112 : i32
    %add3A_52 = arith.addi %mul3A_2, %add3A_51 : i32
    %dma_wait3A_53 = arith.constant 0 : i32
    %dma_wait3A_54 = tpu.memref_slice %arg4[%add3A_52, %dma_wait3A_53] : memref<4096x1024xf32, #tpu.memory_space<hbm>> -> memref<16x1024xf32, #tpu.memory_space<hbm>>
    %dma_wait3A_55 = arith.constant 0 : i32
    %dma_wait3A_56 = tpu.memref_slice %arg4[%add3A_52, %dma_wait3A_55] : memref<4096x1024xf32, #tpu.memory_space<hbm>> -> memref<16x1024xf32, #tpu.memory_space<hbm>>
    tpu.wait_dma2 semaphore(%arg20 : memref<!tpu.dma_semaphore, #tpu.memory_space<semaphore_mem>>) src(%arg12 : memref<16x1024xf32, #tpu.memory_space<vmem>>) dst(%dma_wait3A_56 : memref<16x1024xf32, #tpu.memory_space<hbm>>)
    return
  }
}

#map = affine_map<(d0, d1) -> (0, 0)>
#map1 = affine_map<(d0, d1) -> (0)>
module attributes {stable_mosaic.version = 14 : i64} {
  func.func @k(%arg0: i32, %arg1: i32, %arg2: memref<30522x1024xf32, #tpu.memory_space<hbm>>, %arg3: memref<16384xi32, #tpu.memory_space<hbm>>, %arg4: memref<4096x1024xf32, #tpu.memory_space<hbm>>, %arg5: memref<16xi32, #tpu.memory_space<vmem>>, %arg6: memref<16xi32, #tpu.memory_space<vmem>>, %arg7: memref<16xi32, #tpu.memory_space<vmem>>, %arg8: memref<16xi32, #tpu.memory_space<vmem>>, %arg9: memref<16x1024xf32, #tpu.memory_space<vmem>>, %arg10: memref<16x1024xf32, #tpu.memory_space<vmem>>, %arg11: memref<16x1024xf32, #tpu.memory_space<vmem>>, %arg12: memref<16x1024xf32, #tpu.memory_space<vmem>>, %arg13: memref<!tpu.dma_semaphore, #tpu.memory_space<semaphore_mem>>, %arg14: memref<!tpu.dma_semaphore, #tpu.memory_space<semaphore_mem>>, %arg15: memref<!tpu.dma_semaphore, #tpu.memory_space<semaphore_mem>>, %arg16: memref<!tpu.dma_semaphore, #tpu.memory_space<semaphore_mem>>, %arg17: memref<!tpu.dma_semaphore, #tpu.memory_space<semaphore_mem>>, %arg18: memref<!tpu.dma_semaphore, #tpu.memory_space<semaphore_mem>>, %arg19: memref<!tpu.dma_semaphore, #tpu.memory_space<semaphore_mem>>, %arg20: memref<!tpu.dma_semaphore, #tpu.memory_space<semaphore_mem>>) attributes {dimension_semantics = [#tpu.dimension_semantics<core_parallel>, #tpu.dimension_semantics<subcore_parallel>], iteration_bounds = array<i64: 2, 16>, scalar_prefetch = 0 : i64, scratch_operands = 16 : i64, tpu.core_type = #tpu.core_type<sc_vector_subcore>, window_params = [{transform_indices = #map}, {transform_indices = #map1}, {transform_indices = #map}]} {
    %mul3A = arith.constant 2 : i32
    %mul3A_0 = arith.muli %arg1, %mul3A : i32
    %add3A = arith.addi %mul3A_0, %arg0 : i32
    %mul3A_1 = arith.constant 128 : i32
    %mul3A_2 = arith.muli %add3A, %mul3A_1 : i32
    %add3A_3 = arith.constant 0 : i32
    %add3A_4 = arith.addi %add3A_3, %mul3A_2 : i32
    %add3A_5 = arith.constant 0 : i32
    %add3A_6 = arith.addi %add3A_4, %add3A_5 : i32
    "tpu.region"() ({
      %run_scoped3A = tpu.sem_alloc : memref<!tpu.dma_semaphore, #tpu.memory_space<semaphore_mem>>
      %dma_start3A_57 = tpu.memref_slice %arg3[%add3A_6] : memref<16384xi32, #tpu.memory_space<hbm>> -> memref<16xi32, #tpu.memory_space<hbm>>
      %dma_start3A_58 = tpu.memref_slice %arg3[%add3A_6] : memref<16384xi32, #tpu.memory_space<hbm>> -> memref<16xi32, #tpu.memory_space<hbm>>
      tpu.enqueue_dma source(%dma_start3A_58 : memref<16xi32, #tpu.memory_space<hbm>>) target(%arg5 : memref<16xi32, #tpu.memory_space<vmem>>) target_semaphore(%run_scoped3A : memref<!tpu.dma_semaphore, #tpu.memory_space<semaphore_mem>>)
      %dma_wait3A_59 = tpu.memref_slice %arg3[%add3A_6] : memref<16384xi32, #tpu.memory_space<hbm>> -> memref<16xi32, #tpu.memory_space<hbm>>
      %dma_wait3A_60 = tpu.memref_slice %arg3[%add3A_6] : memref<16384xi32, #tpu.memory_space<hbm>> -> memref<16xi32, #tpu.memory_space<hbm>>
      tpu.wait_dma2 semaphore(%run_scoped3A : memref<!tpu.dma_semaphore, #tpu.memory_space<semaphore_mem>>) src(%dma_wait3A_60 : memref<16xi32, #tpu.memory_space<hbm>>) dst(%arg5 : memref<16xi32, #tpu.memory_space<vmem>>)
      tpu.yield
    }) : () -> ()
    %dma_start3A = arith.constant 0 : i32
    %dma_start3A_7 = arith.constant 0 : i32
    %dma_start3A_8 = tpu.memref_slice %arg2[%dma_start3A, %dma_start3A_7] : memref<30522x1024xf32, #tpu.memory_space<hbm>> -> memref<30522x1024xf32, #tpu.memory_space<hbm>>
    tpu.enqueue_indirect_dma source(%dma_start3A_8 : memref<30522x1024xf32, #tpu.memory_space<hbm>>) target(%arg9 : memref<16x1024xf32, #tpu.memory_space<vmem>>) offsets(%arg5 : memref<16xi32, #tpu.memory_space<vmem>>) semaphore(%arg13 : memref<!tpu.dma_semaphore, #tpu.memory_space<semaphore_mem>>)
    %add3A_9 = arith.constant 0 : i32
    %add3A_10 = arith.addi %add3A_9, %mul3A_2 : i32
    %add3A_11 = arith.constant 16 : i32
    %add3A_12 = arith.addi %add3A_10, %add3A_11 : i32
    "tpu.region"() ({
      %run_scoped3A = tpu.sem_alloc : memref<!tpu.dma_semaphore, #tpu.memory_space<semaphore_mem>>
      %dma_start3A_57 = tpu.memref_slice %arg3[%add3A_12] : memref<16384xi32, #tpu.memory_space<hbm>> -> memref<16xi32, #tpu.memory_space<hbm>>
      %dma_start3A_58 = tpu.memref_slice %arg3[%add3A_12] : memref<16384xi32, #tpu.memory_space<hbm>> -> memref<16xi32, #tpu.memory_space<hbm>>
      tpu.enqueue_dma source(%dma_start3A_58 : memref<16xi32, #tpu.memory_space<hbm>>) target(%arg6 : memref<16xi32, #tpu.memory_space<vmem>>) target_semaphore(%run_scoped3A : memref<!tpu.dma_semaphore, #tpu.memory_space<semaphore_mem>>)
      %dma_wait3A_59 = tpu.memref_slice %arg3[%add3A_12] : memref<16384xi32, #tpu.memory_space<hbm>> -> memref<16xi32, #tpu.memory_space<hbm>>
      %dma_wait3A_60 = tpu.memref_slice %arg3[%add3A_12] : memref<16384xi32, #tpu.memory_space<hbm>> -> memref<16xi32, #tpu.memory_space<hbm>>
      tpu.wait_dma2 semaphore(%run_scoped3A : memref<!tpu.dma_semaphore, #tpu.memory_space<semaphore_mem>>) src(%dma_wait3A_60 : memref<16xi32, #tpu.memory_space<hbm>>) dst(%arg6 : memref<16xi32, #tpu.memory_space<vmem>>)
      tpu.yield
    }) : () -> ()
    %dma_start3A_13 = arith.constant 0 : i32
    %dma_start3A_14 = arith.constant 0 : i32
    %dma_start3A_15 = tpu.memref_slice %arg2[%dma_start3A_13, %dma_start3A_14] : memref<30522x1024xf32, #tpu.memory_space<hbm>> -> memref<30522x1024xf32, #tpu.memory_space<hbm>>
    tpu.enqueue_indirect_dma source(%dma_start3A_15 : memref<30522x1024xf32, #tpu.memory_space<hbm>>) target(%arg10 : memref<16x1024xf32, #tpu.memory_space<vmem>>) offsets(%arg6 : memref<16xi32, #tpu.memory_space<vmem>>) semaphore(%arg14 : memref<!tpu.dma_semaphore, #tpu.memory_space<semaphore_mem>>)
    %add3A_16 = arith.constant 0 : i32
    %add3A_17 = arith.addi %add3A_16, %mul3A_2 : i32
    %add3A_18 = arith.constant 32 : i32
    %add3A_19 = arith.addi %add3A_17, %add3A_18 : i32
    "tpu.region"() ({
      %run_scoped3A = tpu.sem_alloc : memref<!tpu.dma_semaphore, #tpu.memory_space<semaphore_mem>>
      %dma_start3A_57 = tpu.memref_slice %arg3[%add3A_19] : memref<16384xi32, #tpu.memory_space<hbm>> -> memref<16xi32, #tpu.memory_space<hbm>>
      %dma_start3A_58 = tpu.memref_slice %arg3[%add3A_19] : memref<16384xi32, #tpu.memory_space<hbm>> -> memref<16xi32, #tpu.memory_space<hbm>>
      tpu.enqueue_dma source(%dma_start3A_58 : memref<16xi32, #tpu.memory_space<hbm>>) target(%arg7 : memref<16xi32, #tpu.memory_space<vmem>>) target_semaphore(%run_scoped3A : memref<!tpu.dma_semaphore, #tpu.memory_space<semaphore_mem>>)
      %dma_wait3A_59 = tpu.memref_slice %arg3[%add3A_19] : memref<16384xi32, #tpu.memory_space<hbm>> -> memref<16xi32, #tpu.memory_space<hbm>>
      %dma_wait3A_60 = tpu.memref_slice %arg3[%add3A_19] : memref<16384xi32, #tpu.memory_space<hbm>> -> memref<16xi32, #tpu.memory_space<hbm>>
      tpu.wait_dma2 semaphore(%run_scoped3A : memref<!tpu.dma_semaphore, #tpu.memory_space<semaphore_mem>>) src(%dma_wait3A_60 : memref<16xi32, #tpu.memory_space<hbm>>) dst(%arg7 : memref<16xi32, #tpu.memory_space<vmem>>)
      tpu.yield
    }) : () -> ()
    %dma_start3A_20 = arith.constant 0 : i32
    %dma_start3A_21 = arith.constant 0 : i32
    %dma_start3A_22 = tpu.memref_slice %arg2[%dma_start3A_20, %dma_start3A_21] : memref<30522x1024xf32, #tpu.memory_space<hbm>> -> memref<30522x1024xf32, #tpu.memory_space<hbm>>
    tpu.enqueue_indirect_dma source(%dma_start3A_22 : memref<30522x1024xf32, #tpu.memory_space<hbm>>) target(%arg11 : memref<16x1024xf32, #tpu.memory_space<vmem>>) offsets(%arg7 : memref<16xi32, #tpu.memory_space<vmem>>) semaphore(%arg15 : memref<!tpu.dma_semaphore, #tpu.memory_space<semaphore_mem>>)
    %add3A_23 = arith.constant 0 : i32
    %add3A_24 = arith.addi %add3A_23, %mul3A_2 : i32
    %add3A_25 = arith.constant 48 : i32
    %add3A_26 = arith.addi %add3A_24, %add3A_25 : i32
    "tpu.region"() ({
      %run_scoped3A = tpu.sem_alloc : memref<!tpu.dma_semaphore, #tpu.memory_space<semaphore_mem>>
      %dma_start3A_57 = tpu.memref_slice %arg3[%add3A_26] : memref<16384xi32, #tpu.memory_space<hbm>> -> memref<16xi32, #tpu.memory_space<hbm>>
      %dma_start3A_58 = tpu.memref_slice %arg3[%add3A_26] : memref<16384xi32, #tpu.memory_space<hbm>> -> memref<16xi32, #tpu.memory_space<hbm>>
      tpu.enqueue_dma source(%dma_start3A_58 : memref<16xi32, #tpu.memory_space<hbm>>) target(%arg8 : memref<16xi32, #tpu.memory_space<vmem>>) target_semaphore(%run_scoped3A : memref<!tpu.dma_semaphore, #tpu.memory_space<semaphore_mem>>)
      %dma_wait3A_59 = tpu.memref_slice %arg3[%add3A_26] : memref<16384xi32, #tpu.memory_space<hbm>> -> memref<16xi32, #tpu.memory_space<hbm>>
      %dma_wait3A_60 = tpu.memref_slice %arg3[%add3A_26] : memref<16384xi32, #tpu.memory_space<hbm>> -> memref<16xi32, #tpu.memory_space<hbm>>
      tpu.wait_dma2 semaphore(%run_scoped3A : memref<!tpu.dma_semaphore, #tpu.memory_space<semaphore_mem>>) src(%dma_wait3A_60 : memref<16xi32, #tpu.memory_space<hbm>>) dst(%arg8 : memref<16xi32, #tpu.memory_space<vmem>>)
      tpu.yield
    }) : () -> ()
    %dma_start3A_27 = arith.constant 0 : i32
    %dma_start3A_28 = arith.constant 0 : i32
    %dma_start3A_29 = tpu.memref_slice %arg2[%dma_start3A_27, %dma_start3A_28] : memref<30522x1024xf32, #tpu.memory_space<hbm>> -> memref<30522x1024xf32, #tpu.memory_space<hbm>>
    tpu.enqueue_indirect_dma source(%dma_start3A_29 : memref<30522x1024xf32, #tpu.memory_space<hbm>>) target(%arg12 : memref<16x1024xf32, #tpu.memory_space<vmem>>) offsets(%arg8 : memref<16xi32, #tpu.memory_space<vmem>>) semaphore(%arg16 : memref<!tpu.dma_semaphore, #tpu.memory_space<semaphore_mem>>)
    %scan3A = arith.constant 0 : i32
    %scan3A_30 = arith.constant 2 : i32
    %scan3A_31 = arith.addi %scan3A, %scan3A_30 : i32
    %scan3A_32 = arith.constant 1 : i32
    scf.for %scan3A_57 = %scan3A to %scan3A_31 step %scan3A_32  : i32 {
      %mul3A_58 = arith.constant 4 : i32
      %mul3A_59 = arith.muli %scan3A_57, %mul3A_58 : i32
      %add3A_60 = arith.constant 0 : i32
      %add3A_61 = arith.addi %add3A_60, %mul3A_59 : i32
      %add3A_62 = arith.constant 0 : i32
      %add3A_63 = arith.addi %add3A_61, %add3A_62 : i32
      %dma_wait3A_64 = arith.constant 0 : i32
      %dma_wait3A_65 = arith.constant 0 : i32
      %dma_wait3A_66 = tpu.memref_slice %arg2[%dma_wait3A_64, %dma_wait3A_65] : memref<30522x1024xf32, #tpu.memory_space<hbm>> -> memref<30522x1024xf32, #tpu.memory_space<hbm>>
      tpu.wait_indirect_dma semaphore(%arg13 : memref<!tpu.dma_semaphore, #tpu.memory_space<semaphore_mem>>) src(%dma_wait3A_66 : memref<30522x1024xf32, #tpu.memory_space<hbm>>) dst(%arg9 : memref<16x1024xf32, #tpu.memory_space<vmem>>)
      %mul3A_67 = arith.constant 16 : i32
      %mul3A_68 = arith.muli %add3A_63, %mul3A_67 : i32
      %add3A_69 = arith.addi %mul3A_2, %mul3A_68 : i32
      %dma_start3A_70 = arith.constant 0 : i32
      %dma_start3A_71 = tpu.memref_slice %arg4[%add3A_69, %dma_start3A_70] : memref<4096x1024xf32, #tpu.memory_space<hbm>> -> memref<16x1024xf32, #tpu.memory_space<hbm>>
      %dma_start3A_72 = arith.constant 0 : i32
      %dma_start3A_73 = tpu.memref_slice %arg4[%add3A_69, %dma_start3A_72] : memref<4096x1024xf32, #tpu.memory_space<hbm>> -> memref<16x1024xf32, #tpu.memory_space<hbm>>
      tpu.enqueue_dma source(%arg9 : memref<16x1024xf32, #tpu.memory_space<vmem>>) target(%dma_start3A_73 : memref<16x1024xf32, #tpu.memory_space<hbm>>) target_semaphore(%arg17 : memref<!tpu.dma_semaphore, #tpu.memory_space<semaphore_mem>>)
      %ge3A = arith.constant 1 : i32
      %ge3A_74 = arith.cmpi sge, %add3A_63, %ge3A : i32
      %add3A_75 = arith.constant 4 : i32
      %add3A_76 = arith.addi %add3A_63, %add3A_75 : i32
      %sub3A = arith.constant 1 : i32
      %sub3A_77 = arith.subi %add3A_76, %sub3A : i32
      %lt3A = arith.constant 8 : i32
      %lt3A_78 = arith.cmpi slt, %sub3A_77, %lt3A : i32
      %and3A = arith.andi %ge3A_74, %lt3A_78 : i1
      %convert_element_type3A = arith.extui %and3A : i1 to i32
      %cond3A = arith.constant 0 : i32
      %cond3A_79 = arith.cmpi ne, %convert_element_type3A, %cond3A : i32
      scf.if %cond3A_79 {
        %sub3A_152 = arith.constant 1 : i32
        %sub3A_153 = arith.subi %add3A_63, %sub3A_152 : i32
        %mul3A_154 = arith.constant 16 : i32
        %mul3A_155 = arith.muli %sub3A_153, %mul3A_154 : i32
        %add3A_156 = arith.addi %mul3A_2, %mul3A_155 : i32
        %dma_wait3A_157 = arith.constant 0 : i32
        %dma_wait3A_158 = tpu.memref_slice %arg4[%add3A_156, %dma_wait3A_157] : memref<4096x1024xf32, #tpu.memory_space<hbm>> -> memref<16x1024xf32, #tpu.memory_space<hbm>>
        %dma_wait3A_159 = arith.constant 0 : i32
        %dma_wait3A_160 = tpu.memref_slice %arg4[%add3A_156, %dma_wait3A_159] : memref<4096x1024xf32, #tpu.memory_space<hbm>> -> memref<16x1024xf32, #tpu.memory_space<hbm>>
        tpu.wait_dma2 semaphore(%arg20 : memref<!tpu.dma_semaphore, #tpu.memory_space<semaphore_mem>>) src(%arg12 : memref<16x1024xf32, #tpu.memory_space<vmem>>) dst(%dma_wait3A_160 : memref<16x1024xf32, #tpu.memory_space<hbm>>)
        %add3A_161 = arith.constant 4 : i32
        %add3A_162 = arith.addi %add3A_63, %add3A_161 : i32
        %sub3A_163 = arith.constant 1 : i32
        %sub3A_164 = arith.subi %add3A_162, %sub3A_163 : i32
        %add3A_165 = arith.constant 0 : i32
        %add3A_166 = arith.addi %add3A_165, %mul3A_2 : i32
        %mul3A_167 = arith.constant 16 : i32
        %mul3A_168 = arith.muli %sub3A_164, %mul3A_167 : i32
        %add3A_169 = arith.addi %add3A_166, %mul3A_168 : i32
        "tpu.region"() ({
          %run_scoped3A = tpu.sem_alloc : memref<!tpu.dma_semaphore, #tpu.memory_space<semaphore_mem>>
          %dma_start3A_173 = tpu.memref_slice %arg3[%add3A_169] : memref<16384xi32, #tpu.memory_space<hbm>> -> memref<16xi32, #tpu.memory_space<hbm>>
          %dma_start3A_174 = tpu.memref_slice %arg3[%add3A_169] : memref<16384xi32, #tpu.memory_space<hbm>> -> memref<16xi32, #tpu.memory_space<hbm>>
          tpu.enqueue_dma source(%dma_start3A_174 : memref<16xi32, #tpu.memory_space<hbm>>) target(%arg8 : memref<16xi32, #tpu.memory_space<vmem>>) target_semaphore(%run_scoped3A : memref<!tpu.dma_semaphore, #tpu.memory_space<semaphore_mem>>)
          %dma_wait3A_175 = tpu.memref_slice %arg3[%add3A_169] : memref<16384xi32, #tpu.memory_space<hbm>> -> memref<16xi32, #tpu.memory_space<hbm>>
          %dma_wait3A_176 = tpu.memref_slice %arg3[%add3A_169] : memref<16384xi32, #tpu.memory_space<hbm>> -> memref<16xi32, #tpu.memory_space<hbm>>
          tpu.wait_dma2 semaphore(%run_scoped3A : memref<!tpu.dma_semaphore, #tpu.memory_space<semaphore_mem>>) src(%dma_wait3A_176 : memref<16xi32, #tpu.memory_space<hbm>>) dst(%arg8 : memref<16xi32, #tpu.memory_space<vmem>>)
          tpu.yield
        }) : () -> ()
        %dma_start3A_170 = arith.constant 0 : i32
        %dma_start3A_171 = arith.constant 0 : i32
        %dma_start3A_172 = tpu.memref_slice %arg2[%dma_start3A_170, %dma_start3A_171] : memref<30522x1024xf32, #tpu.memory_space<hbm>> -> memref<30522x1024xf32, #tpu.memory_space<hbm>>
        tpu.enqueue_indirect_dma source(%dma_start3A_172 : memref<30522x1024xf32, #tpu.memory_space<hbm>>) target(%arg12 : memref<16x1024xf32, #tpu.memory_space<vmem>>) offsets(%arg8 : memref<16xi32, #tpu.memory_space<vmem>>) semaphore(%arg16 : memref<!tpu.dma_semaphore, #tpu.memory_space<semaphore_mem>>)
      } else {
      }
      %add3A_80 = arith.constant 1 : i32
      %add3A_81 = arith.addi %add3A_61, %add3A_80 : i32
      %dma_wait3A_82 = arith.constant 0 : i32
      %dma_wait3A_83 = arith.constant 0 : i32
      %dma_wait3A_84 = tpu.memref_slice %arg2[%dma_wait3A_82, %dma_wait3A_83] : memref<30522x1024xf32, #tpu.memory_space<hbm>> -> memref<30522x1024xf32, #tpu.memory_space<hbm>>
      tpu.wait_indirect_dma semaphore(%arg14 : memref<!tpu.dma_semaphore, #tpu.memory_space<semaphore_mem>>) src(%dma_wait3A_84 : memref<30522x1024xf32, #tpu.memory_space<hbm>>) dst(%arg10 : memref<16x1024xf32, #tpu.memory_space<vmem>>)
      %mul3A_85 = arith.constant 16 : i32
      %mul3A_86 = arith.muli %add3A_81, %mul3A_85 : i32
      %add3A_87 = arith.addi %mul3A_2, %mul3A_86 : i32
      %dma_start3A_88 = arith.constant 0 : i32
      %dma_start3A_89 = tpu.memref_slice %arg4[%add3A_87, %dma_start3A_88] : memref<4096x1024xf32, #tpu.memory_space<hbm>> -> memref<16x1024xf32, #tpu.memory_space<hbm>>
      %dma_start3A_90 = arith.constant 0 : i32
      %dma_start3A_91 = tpu.memref_slice %arg4[%add3A_87, %dma_start3A_90] : memref<4096x1024xf32, #tpu.memory_space<hbm>> -> memref<16x1024xf32, #tpu.memory_space<hbm>>
      tpu.enqueue_dma source(%arg10 : memref<16x1024xf32, #tpu.memory_space<vmem>>) target(%dma_start3A_91 : memref<16x1024xf32, #tpu.memory_space<hbm>>) target_semaphore(%arg18 : memref<!tpu.dma_semaphore, #tpu.memory_space<semaphore_mem>>)
      %ge3A_92 = arith.constant 1 : i32
      %ge3A_93 = arith.cmpi sge, %add3A_81, %ge3A_92 : i32
      %add3A_94 = arith.constant 4 : i32
      %add3A_95 = arith.addi %add3A_81, %add3A_94 : i32
      %sub3A_96 = arith.constant 1 : i32
      %sub3A_97 = arith.subi %add3A_95, %sub3A_96 : i32
      %lt3A_98 = arith.constant 8 : i32
      %lt3A_99 = arith.cmpi slt, %sub3A_97, %lt3A_98 : i32
      %and3A_100 = arith.andi %ge3A_93, %lt3A_99 : i1
      %convert_element_type3A_101 = arith.extui %and3A_100 : i1 to i32
      %cond3A_102 = arith.constant 0 : i32
      %cond3A_103 = arith.cmpi ne, %convert_element_type3A_101, %cond3A_102 : i32
      scf.if %cond3A_103 {
        %sub3A_152 = arith.constant 1 : i32
        %sub3A_153 = arith.subi %add3A_81, %sub3A_152 : i32
        %mul3A_154 = arith.constant 16 : i32
        %mul3A_155 = arith.muli %sub3A_153, %mul3A_154 : i32
        %add3A_156 = arith.addi %mul3A_2, %mul3A_155 : i32
        %dma_wait3A_157 = arith.constant 0 : i32
        %dma_wait3A_158 = tpu.memref_slice %arg4[%add3A_156, %dma_wait3A_157] : memref<4096x1024xf32, #tpu.memory_space<hbm>> -> memref<16x1024xf32, #tpu.memory_space<hbm>>
        %dma_wait3A_159 = arith.constant 0 : i32
        %dma_wait3A_160 = tpu.memref_slice %arg4[%add3A_156, %dma_wait3A_159] : memref<4096x1024xf32, #tpu.memory_space<hbm>> -> memref<16x1024xf32, #tpu.memory_space<hbm>>
        tpu.wait_dma2 semaphore(%arg17 : memref<!tpu.dma_semaphore, #tpu.memory_space<semaphore_mem>>) src(%arg9 : memref<16x1024xf32, #tpu.memory_space<vmem>>) dst(%dma_wait3A_160 : memref<16x1024xf32, #tpu.memory_space<hbm>>)
        %add3A_161 = arith.constant 4 : i32
        %add3A_162 = arith.addi %add3A_81, %add3A_161 : i32
        %sub3A_163 = arith.constant 1 : i32
        %sub3A_164 = arith.subi %add3A_162, %sub3A_163 : i32
        %add3A_165 = arith.constant 0 : i32
        %add3A_166 = arith.addi %add3A_165, %mul3A_2 : i32
        %mul3A_167 = arith.constant 16 : i32
        %mul3A_168 = arith.muli %sub3A_164, %mul3A_167 : i32
        %add3A_169 = arith.addi %add3A_166, %mul3A_168 : i32
        "tpu.region"() ({
          %run_scoped3A = tpu.sem_alloc : memref<!tpu.dma_semaphore, #tpu.memory_space<semaphore_mem>>
          %dma_start3A_173 = tpu.memref_slice %arg3[%add3A_169] : memref<16384xi32, #tpu.memory_space<hbm>> -> memref<16xi32, #tpu.memory_space<hbm>>
          %dma_start3A_174 = tpu.memref_slice %arg3[%add3A_169] : memref<16384xi32, #tpu.memory_space<hbm>> -> memref<16xi32, #tpu.memory_space<hbm>>
          tpu.enqueue_dma source(%dma_start3A_174 : memref<16xi32, #tpu.memory_space<hbm>>) target(%arg5 : memref<16xi32, #tpu.memory_space<vmem>>) target_semaphore(%run_scoped3A : memref<!tpu.dma_semaphore, #tpu.memory_space<semaphore_mem>>)
          %dma_wait3A_175 = tpu.memref_slice %arg3[%add3A_169] : memref<16384xi32, #tpu.memory_space<hbm>> -> memref<16xi32, #tpu.memory_space<hbm>>
          %dma_wait3A_176 = tpu.memref_slice %arg3[%add3A_169] : memref<16384xi32, #tpu.memory_space<hbm>> -> memref<16xi32, #tpu.memory_space<hbm>>
          tpu.wait_dma2 semaphore(%run_scoped3A : memref<!tpu.dma_semaphore, #tpu.memory_space<semaphore_mem>>) src(%dma_wait3A_176 : memref<16xi32, #tpu.memory_space<hbm>>) dst(%arg5 : memref<16xi32, #tpu.memory_space<vmem>>)
          tpu.yield
        }) : () -> ()
        %dma_start3A_170 = arith.constant 0 : i32
        %dma_start3A_171 = arith.constant 0 : i32
        %dma_start3A_172 = tpu.memref_slice %arg2[%dma_start3A_170, %dma_start3A_171] : memref<30522x1024xf32, #tpu.memory_space<hbm>> -> memref<30522x1024xf32, #tpu.memory_space<hbm>>
        tpu.enqueue_indirect_dma source(%dma_start3A_172 : memref<30522x1024xf32, #tpu.memory_space<hbm>>) target(%arg9 : memref<16x1024xf32, #tpu.memory_space<vmem>>) offsets(%arg5 : memref<16xi32, #tpu.memory_space<vmem>>) semaphore(%arg13 : memref<!tpu.dma_semaphore, #tpu.memory_space<semaphore_mem>>)
      } else {
      }
      %add3A_104 = arith.constant 2 : i32
      %add3A_105 = arith.addi %add3A_61, %add3A_104 : i32
      %dma_wait3A_106 = arith.constant 0 : i32
      %dma_wait3A_107 = arith.constant 0 : i32
      %dma_wait3A_108 = tpu.memref_slice %arg2[%dma_wait3A_106, %dma_wait3A_107] : memref<30522x1024xf32, #tpu.memory_space<hbm>> -> memref<30522x1024xf32, #tpu.memory_space<hbm>>
      tpu.wait_indirect_dma semaphore(%arg15 : memref<!tpu.dma_semaphore, #tpu.memory_space<semaphore_mem>>) src(%dma_wait3A_108 : memref<30522x1024xf32, #tpu.memory_space<hbm>>) dst(%arg11 : memref<16x1024xf32, #tpu.memory_space<vmem>>)
      %mul3A_109 = arith.constant 16 : i32
      %mul3A_110 = arith.muli %add3A_105, %mul3A_109 : i32
      %add3A_111 = arith.addi %mul3A_2, %mul3A_110 : i32
      %dma_start3A_112 = arith.constant 0 : i32
      %dma_start3A_113 = tpu.memref_slice %arg4[%add3A_111, %dma_start3A_112] : memref<4096x1024xf32, #tpu.memory_space<hbm>> -> memref<16x1024xf32, #tpu.memory_space<hbm>>
      %dma_start3A_114 = arith.constant 0 : i32
      %dma_start3A_115 = tpu.memref_slice %arg4[%add3A_111, %dma_start3A_114] : memref<4096x1024xf32, #tpu.memory_space<hbm>> -> memref<16x1024xf32, #tpu.memory_space<hbm>>
      tpu.enqueue_dma source(%arg11 : memref<16x1024xf32, #tpu.memory_space<vmem>>) target(%dma_start3A_115 : memref<16x1024xf32, #tpu.memory_space<hbm>>) target_semaphore(%arg19 : memref<!tpu.dma_semaphore, #tpu.memory_space<semaphore_mem>>)
      %ge3A_116 = arith.constant 1 : i32
      %ge3A_117 = arith.cmpi sge, %add3A_105, %ge3A_116 : i32
      %add3A_118 = arith.constant 4 : i32
      %add3A_119 = arith.addi %add3A_105, %add3A_118 : i32
      %sub3A_120 = arith.constant 1 : i32
      %sub3A_121 = arith.subi %add3A_119, %sub3A_120 : i32
      %lt3A_122 = arith.constant 8 : i32
      %lt3A_123 = arith.cmpi slt, %sub3A_121, %lt3A_122 : i32
      %and3A_124 = arith.andi %ge3A_117, %lt3A_123 : i1
      %convert_element_type3A_125 = arith.extui %and3A_124 : i1 to i32
      %cond3A_126 = arith.constant 0 : i32
      %cond3A_127 = arith.cmpi ne, %convert_element_type3A_125, %cond3A_126 : i32
      scf.if %cond3A_127 {
        %sub3A_152 = arith.constant 1 : i32
        %sub3A_153 = arith.subi %add3A_105, %sub3A_152 : i32
        %mul3A_154 = arith.constant 16 : i32
        %mul3A_155 = arith.muli %sub3A_153, %mul3A_154 : i32
        %add3A_156 = arith.addi %mul3A_2, %mul3A_155 : i32
        %dma_wait3A_157 = arith.constant 0 : i32
        %dma_wait3A_158 = tpu.memref_slice %arg4[%add3A_156, %dma_wait3A_157] : memref<4096x1024xf32, #tpu.memory_space<hbm>> -> memref<16x1024xf32, #tpu.memory_space<hbm>>
        %dma_wait3A_159 = arith.constant 0 : i32
        %dma_wait3A_160 = tpu.memref_slice %arg4[%add3A_156, %dma_wait3A_159] : memref<4096x1024xf32, #tpu.memory_space<hbm>> -> memref<16x1024xf32, #tpu.memory_space<hbm>>
        tpu.wait_dma2 semaphore(%arg18 : memref<!tpu.dma_semaphore, #tpu.memory_space<semaphore_mem>>) src(%arg10 : memref<16x1024xf32, #tpu.memory_space<vmem>>) dst(%dma_wait3A_160 : memref<16x1024xf32, #tpu.memory_space<hbm>>)
        %add3A_161 = arith.constant 4 : i32
        %add3A_162 = arith.addi %add3A_105, %add3A_161 : i32
        %sub3A_163 = arith.constant 1 : i32
        %sub3A_164 = arith.subi %add3A_162, %sub3A_163 : i32
        %add3A_165 = arith.constant 0 : i32
        %add3A_166 = arith.addi %add3A_165, %mul3A_2 : i32
        %mul3A_167 = arith.constant 16 : i32
        %mul3A_168 = arith.muli %sub3A_164, %mul3A_167 : i32
        %add3A_169 = arith.addi %add3A_166, %mul3A_168 : i32
        "tpu.region"() ({
          %run_scoped3A = tpu.sem_alloc : memref<!tpu.dma_semaphore, #tpu.memory_space<semaphore_mem>>
          %dma_start3A_173 = tpu.memref_slice %arg3[%add3A_169] : memref<16384xi32, #tpu.memory_space<hbm>> -> memref<16xi32, #tpu.memory_space<hbm>>
          %dma_start3A_174 = tpu.memref_slice %arg3[%add3A_169] : memref<16384xi32, #tpu.memory_space<hbm>> -> memref<16xi32, #tpu.memory_space<hbm>>
          tpu.enqueue_dma source(%dma_start3A_174 : memref<16xi32, #tpu.memory_space<hbm>>) target(%arg6 : memref<16xi32, #tpu.memory_space<vmem>>) target_semaphore(%run_scoped3A : memref<!tpu.dma_semaphore, #tpu.memory_space<semaphore_mem>>)
          %dma_wait3A_175 = tpu.memref_slice %arg3[%add3A_169] : memref<16384xi32, #tpu.memory_space<hbm>> -> memref<16xi32, #tpu.memory_space<hbm>>
          %dma_wait3A_176 = tpu.memref_slice %arg3[%add3A_169] : memref<16384xi32, #tpu.memory_space<hbm>> -> memref<16xi32, #tpu.memory_space<hbm>>
          tpu.wait_dma2 semaphore(%run_scoped3A : memref<!tpu.dma_semaphore, #tpu.memory_space<semaphore_mem>>) src(%dma_wait3A_176 : memref<16xi32, #tpu.memory_space<hbm>>) dst(%arg6 : memref<16xi32, #tpu.memory_space<vmem>>)
          tpu.yield
        }) : () -> ()
        %dma_start3A_170 = arith.constant 0 : i32
        %dma_start3A_171 = arith.constant 0 : i32
        %dma_start3A_172 = tpu.memref_slice %arg2[%dma_start3A_170, %dma_start3A_171] : memref<30522x1024xf32, #tpu.memory_space<hbm>> -> memref<30522x1024xf32, #tpu.memory_space<hbm>>
        tpu.enqueue_indirect_dma source(%dma_start3A_172 : memref<30522x1024xf32, #tpu.memory_space<hbm>>) target(%arg10 : memref<16x1024xf32, #tpu.memory_space<vmem>>) offsets(%arg6 : memref<16xi32, #tpu.memory_space<vmem>>) semaphore(%arg14 : memref<!tpu.dma_semaphore, #tpu.memory_space<semaphore_mem>>)
      } else {
      }
      %add3A_128 = arith.constant 3 : i32
      %add3A_129 = arith.addi %add3A_61, %add3A_128 : i32
      %dma_wait3A_130 = arith.constant 0 : i32
      %dma_wait3A_131 = arith.constant 0 : i32
      %dma_wait3A_132 = tpu.memref_slice %arg2[%dma_wait3A_130, %dma_wait3A_131] : memref<30522x1024xf32, #tpu.memory_space<hbm>> -> memref<30522x1024xf32, #tpu.memory_space<hbm>>
      tpu.wait_indirect_dma semaphore(%arg16 : memref<!tpu.dma_semaphore, #tpu.memory_space<semaphore_mem>>) src(%dma_wait3A_132 : memref<30522x1024xf32, #tpu.memory_space<hbm>>) dst(%arg12 : memref<16x1024xf32, #tpu.memory_space<vmem>>)
      %mul3A_133 = arith.constant 16 : i32
      %mul3A_134 = arith.muli %add3A_129, %mul3A_133 : i32
      %add3A_135 = arith.addi %mul3A_2, %mul3A_134 : i32
      %dma_start3A_136 = arith.constant 0 : i32
      %dma_start3A_137 = tpu.memref_slice %arg4[%add3A_135, %dma_start3A_136] : memref<4096x1024xf32, #tpu.memory_space<hbm>> -> memref<16x1024xf32, #tpu.memory_space<hbm>>
      %dma_start3A_138 = arith.constant 0 : i32
      %dma_start3A_139 = tpu.memref_slice %arg4[%add3A_135, %dma_start3A_138] : memref<4096x1024xf32, #tpu.memory_space<hbm>> -> memref<16x1024xf32, #tpu.memory_space<hbm>>
      tpu.enqueue_dma source(%arg12 : memref<16x1024xf32, #tpu.memory_space<vmem>>) target(%dma_start3A_139 : memref<16x1024xf32, #tpu.memory_space<hbm>>) target_semaphore(%arg20 : memref<!tpu.dma_semaphore, #tpu.memory_space<semaphore_mem>>)
      %ge3A_140 = arith.constant 1 : i32
      %ge3A_141 = arith.cmpi sge, %add3A_129, %ge3A_140 : i32
      %add3A_142 = arith.constant 4 : i32
      %add3A_143 = arith.addi %add3A_129, %add3A_142 : i32
      %sub3A_144 = arith.constant 1 : i32
      %sub3A_145 = arith.subi %add3A_143, %sub3A_144 : i32
      %lt3A_146 = arith.constant 8 : i32
      %lt3A_147 = arith.cmpi slt, %sub3A_145, %lt3A_146 : i32
      %and3A_148 = arith.andi %ge3A_141, %lt3A_147 : i1
      %convert_element_type3A_149 = arith.extui %and3A_148 : i1 to i32
      %cond3A_150 = arith.constant 0 : i32
      %cond3A_151 = arith.cmpi ne, %convert_element_type3A_149, %cond3A_150 : i32
      scf.if %cond3A_151 {
        %sub3A_152 = arith.constant 1 : i32
        %sub3A_153 = arith.subi %add3A_129, %sub3A_152 : i32
        %mul3A_154 = arith.constant 16 : i32
        %mul3A_155 = arith.muli %sub3A_153, %mul3A_154 : i32
        %add3A_156 = arith.addi %mul3A_2, %mul3A_155 : i32
        %dma_wait3A_157 = arith.constant 0 : i32
        %dma_wait3A_158 = tpu.memref_slice %arg4[%add3A_156, %dma_wait3A_157] : memref<4096x1024xf32, #tpu.memory_space<hbm>> -> memref<16x1024xf32, #tpu.memory_space<hbm>>
        %dma_wait3A_159 = arith.constant 0 : i32
        %dma_wait3A_160 = tpu.memref_slice %arg4[%add3A_156, %dma_wait3A_159] : memref<4096x1024xf32, #tpu.memory_space<hbm>> -> memref<16x1024xf32, #tpu.memory_space<hbm>>
        tpu.wait_dma2 semaphore(%arg19 : memref<!tpu.dma_semaphore, #tpu.memory_space<semaphore_mem>>) src(%arg11 : memref<16x1024xf32, #tpu.memory_space<vmem>>) dst(%dma_wait3A_160 : memref<16x1024xf32, #tpu.memory_space<hbm>>)
        %add3A_161 = arith.constant 4 : i32
        %add3A_162 = arith.addi %add3A_129, %add3A_161 : i32
        %sub3A_163 = arith.constant 1 : i32
        %sub3A_164 = arith.subi %add3A_162, %sub3A_163 : i32
        %add3A_165 = arith.constant 0 : i32
        %add3A_166 = arith.addi %add3A_165, %mul3A_2 : i32
        %mul3A_167 = arith.constant 16 : i32
        %mul3A_168 = arith.muli %sub3A_164, %mul3A_167 : i32
        %add3A_169 = arith.addi %add3A_166, %mul3A_168 : i32
        "tpu.region"() ({
          %run_scoped3A = tpu.sem_alloc : memref<!tpu.dma_semaphore, #tpu.memory_space<semaphore_mem>>
          %dma_start3A_173 = tpu.memref_slice %arg3[%add3A_169] : memref<16384xi32, #tpu.memory_space<hbm>> -> memref<16xi32, #tpu.memory_space<hbm>>
          %dma_start3A_174 = tpu.memref_slice %arg3[%add3A_169] : memref<16384xi32, #tpu.memory_space<hbm>> -> memref<16xi32, #tpu.memory_space<hbm>>
          tpu.enqueue_dma source(%dma_start3A_174 : memref<16xi32, #tpu.memory_space<hbm>>) target(%arg7 : memref<16xi32, #tpu.memory_space<vmem>>) target_semaphore(%run_scoped3A : memref<!tpu.dma_semaphore, #tpu.memory_space<semaphore_mem>>)
          %dma_wait3A_175 = tpu.memref_slice %arg3[%add3A_169] : memref<16384xi32, #tpu.memory_space<hbm>> -> memref<16xi32, #tpu.memory_space<hbm>>
          %dma_wait3A_176 = tpu.memref_slice %arg3[%add3A_169] : memref<16384xi32, #tpu.memory_space<hbm>> -> memref<16xi32, #tpu.memory_space<hbm>>
          tpu.wait_dma2 semaphore(%run_scoped3A : memref<!tpu.dma_semaphore, #tpu.memory_space<semaphore_mem>>) src(%dma_wait3A_176 : memref<16xi32, #tpu.memory_space<hbm>>) dst(%arg7 : memref<16xi32, #tpu.memory_space<vmem>>)
          tpu.yield
        }) : () -> ()
        %dma_start3A_170 = arith.constant 0 : i32
        %dma_start3A_171 = arith.constant 0 : i32
        %dma_start3A_172 = tpu.memref_slice %arg2[%dma_start3A_170, %dma_start3A_171] : memref<30522x1024xf32, #tpu.memory_space<hbm>> -> memref<30522x1024xf32, #tpu.memory_space<hbm>>
        tpu.enqueue_indirect_dma source(%dma_start3A_172 : memref<30522x1024xf32, #tpu.memory_space<hbm>>) target(%arg11 : memref<16x1024xf32, #tpu.memory_space<vmem>>) offsets(%arg7 : memref<16xi32, #tpu.memory_space<vmem>>) semaphore(%arg15 : memref<!tpu.dma_semaphore, #tpu.memory_space<semaphore_mem>>)
      } else {
      }
    }
    %scan3A_33 = arith.constant 2 : i32
    %add3A_34 = arith.constant 64 : i32
    %add3A_35 = arith.addi %mul3A_2, %add3A_34 : i32
    %dma_wait3A = arith.constant 0 : i32
    %dma_wait3A_36 = tpu.memref_slice %arg4[%add3A_35, %dma_wait3A] : memref<4096x1024xf32, #tpu.memory_space<hbm>> -> memref<16x1024xf32, #tpu.memory_space<hbm>>
    %dma_wait3A_37 = arith.constant 0 : i32
    %dma_wait3A_38 = tpu.memref_slice %arg4[%add3A_35, %dma_wait3A_37] : memref<4096x1024xf32, #tpu.memory_space<hbm>> -> memref<16x1024xf32, #tpu.memory_space<hbm>>
    tpu.wait_dma2 semaphore(%arg17 : memref<!tpu.dma_semaphore, #tpu.memory_space<semaphore_mem>>) src(%arg9 : memref<16x1024xf32, #tpu.memory_space<vmem>>) dst(%dma_wait3A_38 : memref<16x1024xf32, #tpu.memory_space<hbm>>)
    %add3A_39 = arith.constant 80 : i32
    %add3A_40 = arith.addi %mul3A_2, %add3A_39 : i32
    %dma_wait3A_41 = arith.constant 0 : i32
    %dma_wait3A_42 = tpu.memref_slice %arg4[%add3A_40, %dma_wait3A_41] : memref<4096x1024xf32, #tpu.memory_space<hbm>> -> memref<16x1024xf32, #tpu.memory_space<hbm>>
    %dma_wait3A_43 = arith.constant 0 : i32
    %dma_wait3A_44 = tpu.memref_slice %arg4[%add3A_40, %dma_wait3A_43] : memref<4096x1024xf32, #tpu.memory_space<hbm>> -> memref<16x1024xf32, #tpu.memory_space<hbm>>
    tpu.wait_dma2 semaphore(%arg18 : memref<!tpu.dma_semaphore, #tpu.memory_space<semaphore_mem>>) src(%arg10 : memref<16x1024xf32, #tpu.memory_space<vmem>>) dst(%dma_wait3A_44 : memref<16x1024xf32, #tpu.memory_space<hbm>>)
    %add3A_45 = arith.constant 96 : i32
    %add3A_46 = arith.addi %mul3A_2, %add3A_45 : i32
    %dma_wait3A_47 = arith.constant 0 : i32
    %dma_wait3A_48 = tpu.memref_slice %arg4[%add3A_46, %dma_wait3A_47] : memref<4096x1024xf32, #tpu.memory_space<hbm>> -> memref<16x1024xf32, #tpu.memory_space<hbm>>
    %dma_wait3A_49 = arith.constant 0 : i32
    %dma_wait3A_50 = tpu.memref_slice %arg4[%add3A_46, %dma_wait3A_49] : memref<4096x1024xf32, #tpu.memory_space<hbm>> -> memref<16x1024xf32, #tpu.memory_space<hbm>>
    tpu.wait_dma2 semaphore(%arg19 : memref<!tpu.dma_semaphore, #tpu.memory_space<semaphore_mem>>) src(%arg11 : memref<16x1024xf32, #tpu.memory_space<vmem>>) dst(%dma_wait3A_50 : memref<16x1024xf32, #tpu.memory_space<hbm>>)
    %add3A_51 = arith.constant 112 : i32
    %add3A_52 = arith.addi %mul3A_2, %add3A_51 : i32
    %dma_wait3A_53 = arith.constant 0 : i32
    %dma_wait3A_54 = tpu.memref_slice %arg4[%add3A_52, %dma_wait3A_53] : memref<4096x1024xf32, #tpu.memory_space<hbm>> -> memref<16x1024xf32, #tpu.memory_space<hbm>>
    %dma_wait3A_55 = arith.constant 0 : i32
    %dma_wait3A_56 = tpu.memref_slice %arg4[%add3A_52, %dma_wait3A_55] : memref<4096x1024xf32, #tpu.memory_space<hbm>> -> memref<16x1024xf32, #tpu.memory_space<hbm>>
    tpu.wait_dma2 semaphore(%arg20 : memref<!tpu.dma_semaphore, #tpu.memory_space<semaphore_mem>>) src(%arg12 : memref<16x1024xf32, #tpu.memory_space<vmem>>) dst(%dma_wait3A_56 : memref<16x1024xf32, #tpu.memory_space<hbm>>)
    return
  }
}

#map = affine_map<(d0, d1) -> (0, 0)>
#map1 = affine_map<(d0, d1) -> (0)>
module attributes {stable_mosaic.version = 14 : i64} {
  func.func @k(%arg0: i32, %arg1: i32, %arg2: memref<30522x1024xf32, #tpu.memory_space<hbm>>, %arg3: memref<16384xi32, #tpu.memory_space<hbm>>, %arg4: memref<4096x1024xf32, #tpu.memory_space<hbm>>, %arg5: memref<16xi32, #tpu.memory_space<vmem>>, %arg6: memref<16xi32, #tpu.memory_space<vmem>>, %arg7: memref<16xi32, #tpu.memory_space<vmem>>, %arg8: memref<16xi32, #tpu.memory_space<vmem>>, %arg9: memref<16x1024xf32, #tpu.memory_space<vmem>>, %arg10: memref<16x1024xf32, #tpu.memory_space<vmem>>, %arg11: memref<16x1024xf32, #tpu.memory_space<vmem>>, %arg12: memref<16x1024xf32, #tpu.memory_space<vmem>>, %arg13: memref<!tpu.dma_semaphore, #tpu.memory_space<semaphore_mem>>, %arg14: memref<!tpu.dma_semaphore, #tpu.memory_space<semaphore_mem>>, %arg15: memref<!tpu.dma_semaphore, #tpu.memory_space<semaphore_mem>>, %arg16: memref<!tpu.dma_semaphore, #tpu.memory_space<semaphore_mem>>, %arg17: memref<!tpu.dma_semaphore, #tpu.memory_space<semaphore_mem>>, %arg18: memref<!tpu.dma_semaphore, #tpu.memory_space<semaphore_mem>>, %arg19: memref<!tpu.dma_semaphore, #tpu.memory_space<semaphore_mem>>, %arg20: memref<!tpu.dma_semaphore, #tpu.memory_space<semaphore_mem>>) attributes {dimension_semantics = [#tpu.dimension_semantics<core_parallel>, #tpu.dimension_semantics<subcore_parallel>], iteration_bounds = array<i64: 2, 16>, scalar_prefetch = 0 : i64, scratch_operands = 16 : i64, tpu.core_type = #tpu.core_type<sc_vector_subcore>, window_params = [{transform_indices = #map}, {transform_indices = #map1}, {transform_indices = #map}]} {
    %mul3A = arith.constant 2 : i32
    %mul3A_0 = arith.muli %arg1, %mul3A : i32
    %add3A = arith.addi %mul3A_0, %arg0 : i32
    %mul3A_1 = arith.constant 128 : i32
    %mul3A_2 = arith.muli %add3A, %mul3A_1 : i32
    %add3A_3 = arith.constant 12288 : i32
    %add3A_4 = arith.addi %add3A_3, %mul3A_2 : i32
    %add3A_5 = arith.constant 0 : i32
    %add3A_6 = arith.addi %add3A_4, %add3A_5 : i32
    "tpu.region"() ({
      %run_scoped3A = tpu.sem_alloc : memref<!tpu.dma_semaphore, #tpu.memory_space<semaphore_mem>>
      %dma_start3A_57 = tpu.memref_slice %arg3[%add3A_6] : memref<16384xi32, #tpu.memory_space<hbm>> -> memref<16xi32, #tpu.memory_space<hbm>>
      %dma_start3A_58 = tpu.memref_slice %arg3[%add3A_6] : memref<16384xi32, #tpu.memory_space<hbm>> -> memref<16xi32, #tpu.memory_space<hbm>>
      tpu.enqueue_dma source(%dma_start3A_58 : memref<16xi32, #tpu.memory_space<hbm>>) target(%arg5 : memref<16xi32, #tpu.memory_space<vmem>>) target_semaphore(%run_scoped3A : memref<!tpu.dma_semaphore, #tpu.memory_space<semaphore_mem>>)
      %dma_wait3A_59 = tpu.memref_slice %arg3[%add3A_6] : memref<16384xi32, #tpu.memory_space<hbm>> -> memref<16xi32, #tpu.memory_space<hbm>>
      %dma_wait3A_60 = tpu.memref_slice %arg3[%add3A_6] : memref<16384xi32, #tpu.memory_space<hbm>> -> memref<16xi32, #tpu.memory_space<hbm>>
      tpu.wait_dma2 semaphore(%run_scoped3A : memref<!tpu.dma_semaphore, #tpu.memory_space<semaphore_mem>>) src(%dma_wait3A_60 : memref<16xi32, #tpu.memory_space<hbm>>) dst(%arg5 : memref<16xi32, #tpu.memory_space<vmem>>)
      tpu.yield
    }) : () -> ()
    %dma_start3A = arith.constant 0 : i32
    %dma_start3A_7 = arith.constant 0 : i32
    %dma_start3A_8 = tpu.memref_slice %arg2[%dma_start3A, %dma_start3A_7] : memref<30522x1024xf32, #tpu.memory_space<hbm>> -> memref<30522x1024xf32, #tpu.memory_space<hbm>>
    tpu.enqueue_indirect_dma source(%dma_start3A_8 : memref<30522x1024xf32, #tpu.memory_space<hbm>>) target(%arg9 : memref<16x1024xf32, #tpu.memory_space<vmem>>) offsets(%arg5 : memref<16xi32, #tpu.memory_space<vmem>>) semaphore(%arg13 : memref<!tpu.dma_semaphore, #tpu.memory_space<semaphore_mem>>)
    %add3A_9 = arith.constant 12288 : i32
    %add3A_10 = arith.addi %add3A_9, %mul3A_2 : i32
    %add3A_11 = arith.constant 16 : i32
    %add3A_12 = arith.addi %add3A_10, %add3A_11 : i32
    "tpu.region"() ({
      %run_scoped3A = tpu.sem_alloc : memref<!tpu.dma_semaphore, #tpu.memory_space<semaphore_mem>>
      %dma_start3A_57 = tpu.memref_slice %arg3[%add3A_12] : memref<16384xi32, #tpu.memory_space<hbm>> -> memref<16xi32, #tpu.memory_space<hbm>>
      %dma_start3A_58 = tpu.memref_slice %arg3[%add3A_12] : memref<16384xi32, #tpu.memory_space<hbm>> -> memref<16xi32, #tpu.memory_space<hbm>>
      tpu.enqueue_dma source(%dma_start3A_58 : memref<16xi32, #tpu.memory_space<hbm>>) target(%arg6 : memref<16xi32, #tpu.memory_space<vmem>>) target_semaphore(%run_scoped3A : memref<!tpu.dma_semaphore, #tpu.memory_space<semaphore_mem>>)
      %dma_wait3A_59 = tpu.memref_slice %arg3[%add3A_12] : memref<16384xi32, #tpu.memory_space<hbm>> -> memref<16xi32, #tpu.memory_space<hbm>>
      %dma_wait3A_60 = tpu.memref_slice %arg3[%add3A_12] : memref<16384xi32, #tpu.memory_space<hbm>> -> memref<16xi32, #tpu.memory_space<hbm>>
      tpu.wait_dma2 semaphore(%run_scoped3A : memref<!tpu.dma_semaphore, #tpu.memory_space<semaphore_mem>>) src(%dma_wait3A_60 : memref<16xi32, #tpu.memory_space<hbm>>) dst(%arg6 : memref<16xi32, #tpu.memory_space<vmem>>)
      tpu.yield
    }) : () -> ()
    %dma_start3A_13 = arith.constant 0 : i32
    %dma_start3A_14 = arith.constant 0 : i32
    %dma_start3A_15 = tpu.memref_slice %arg2[%dma_start3A_13, %dma_start3A_14] : memref<30522x1024xf32, #tpu.memory_space<hbm>> -> memref<30522x1024xf32, #tpu.memory_space<hbm>>
    tpu.enqueue_indirect_dma source(%dma_start3A_15 : memref<30522x1024xf32, #tpu.memory_space<hbm>>) target(%arg10 : memref<16x1024xf32, #tpu.memory_space<vmem>>) offsets(%arg6 : memref<16xi32, #tpu.memory_space<vmem>>) semaphore(%arg14 : memref<!tpu.dma_semaphore, #tpu.memory_space<semaphore_mem>>)
    %add3A_16 = arith.constant 12288 : i32
    %add3A_17 = arith.addi %add3A_16, %mul3A_2 : i32
    %add3A_18 = arith.constant 32 : i32
    %add3A_19 = arith.addi %add3A_17, %add3A_18 : i32
    "tpu.region"() ({
      %run_scoped3A = tpu.sem_alloc : memref<!tpu.dma_semaphore, #tpu.memory_space<semaphore_mem>>
      %dma_start3A_57 = tpu.memref_slice %arg3[%add3A_19] : memref<16384xi32, #tpu.memory_space<hbm>> -> memref<16xi32, #tpu.memory_space<hbm>>
      %dma_start3A_58 = tpu.memref_slice %arg3[%add3A_19] : memref<16384xi32, #tpu.memory_space<hbm>> -> memref<16xi32, #tpu.memory_space<hbm>>
      tpu.enqueue_dma source(%dma_start3A_58 : memref<16xi32, #tpu.memory_space<hbm>>) target(%arg7 : memref<16xi32, #tpu.memory_space<vmem>>) target_semaphore(%run_scoped3A : memref<!tpu.dma_semaphore, #tpu.memory_space<semaphore_mem>>)
      %dma_wait3A_59 = tpu.memref_slice %arg3[%add3A_19] : memref<16384xi32, #tpu.memory_space<hbm>> -> memref<16xi32, #tpu.memory_space<hbm>>
      %dma_wait3A_60 = tpu.memref_slice %arg3[%add3A_19] : memref<16384xi32, #tpu.memory_space<hbm>> -> memref<16xi32, #tpu.memory_space<hbm>>
      tpu.wait_dma2 semaphore(%run_scoped3A : memref<!tpu.dma_semaphore, #tpu.memory_space<semaphore_mem>>) src(%dma_wait3A_60 : memref<16xi32, #tpu.memory_space<hbm>>) dst(%arg7 : memref<16xi32, #tpu.memory_space<vmem>>)
      tpu.yield
    }) : () -> ()
    %dma_start3A_20 = arith.constant 0 : i32
    %dma_start3A_21 = arith.constant 0 : i32
    %dma_start3A_22 = tpu.memref_slice %arg2[%dma_start3A_20, %dma_start3A_21] : memref<30522x1024xf32, #tpu.memory_space<hbm>> -> memref<30522x1024xf32, #tpu.memory_space<hbm>>
    tpu.enqueue_indirect_dma source(%dma_start3A_22 : memref<30522x1024xf32, #tpu.memory_space<hbm>>) target(%arg11 : memref<16x1024xf32, #tpu.memory_space<vmem>>) offsets(%arg7 : memref<16xi32, #tpu.memory_space<vmem>>) semaphore(%arg15 : memref<!tpu.dma_semaphore, #tpu.memory_space<semaphore_mem>>)
    %add3A_23 = arith.constant 12288 : i32
    %add3A_24 = arith.addi %add3A_23, %mul3A_2 : i32
    %add3A_25 = arith.constant 48 : i32
    %add3A_26 = arith.addi %add3A_24, %add3A_25 : i32
    "tpu.region"() ({
      %run_scoped3A = tpu.sem_alloc : memref<!tpu.dma_semaphore, #tpu.memory_space<semaphore_mem>>
      %dma_start3A_57 = tpu.memref_slice %arg3[%add3A_26] : memref<16384xi32, #tpu.memory_space<hbm>> -> memref<16xi32, #tpu.memory_space<hbm>>
      %dma_start3A_58 = tpu.memref_slice %arg3[%add3A_26] : memref<16384xi32, #tpu.memory_space<hbm>> -> memref<16xi32, #tpu.memory_space<hbm>>
      tpu.enqueue_dma source(%dma_start3A_58 : memref<16xi32, #tpu.memory_space<hbm>>) target(%arg8 : memref<16xi32, #tpu.memory_space<vmem>>) target_semaphore(%run_scoped3A : memref<!tpu.dma_semaphore, #tpu.memory_space<semaphore_mem>>)
      %dma_wait3A_59 = tpu.memref_slice %arg3[%add3A_26] : memref<16384xi32, #tpu.memory_space<hbm>> -> memref<16xi32, #tpu.memory_space<hbm>>
      %dma_wait3A_60 = tpu.memref_slice %arg3[%add3A_26] : memref<16384xi32, #tpu.memory_space<hbm>> -> memref<16xi32, #tpu.memory_space<hbm>>
      tpu.wait_dma2 semaphore(%run_scoped3A : memref<!tpu.dma_semaphore, #tpu.memory_space<semaphore_mem>>) src(%dma_wait3A_60 : memref<16xi32, #tpu.memory_space<hbm>>) dst(%arg8 : memref<16xi32, #tpu.memory_space<vmem>>)
      tpu.yield
    }) : () -> ()
    %dma_start3A_27 = arith.constant 0 : i32
    %dma_start3A_28 = arith.constant 0 : i32
    %dma_start3A_29 = tpu.memref_slice %arg2[%dma_start3A_27, %dma_start3A_28] : memref<30522x1024xf32, #tpu.memory_space<hbm>> -> memref<30522x1024xf32, #tpu.memory_space<hbm>>
    tpu.enqueue_indirect_dma source(%dma_start3A_29 : memref<30522x1024xf32, #tpu.memory_space<hbm>>) target(%arg12 : memref<16x1024xf32, #tpu.memory_space<vmem>>) offsets(%arg8 : memref<16xi32, #tpu.memory_space<vmem>>) semaphore(%arg16 : memref<!tpu.dma_semaphore, #tpu.memory_space<semaphore_mem>>)
    %scan3A = arith.constant 0 : i32
    %scan3A_30 = arith.constant 2 : i32
    %scan3A_31 = arith.addi %scan3A, %scan3A_30 : i32
    %scan3A_32 = arith.constant 1 : i32
    scf.for %scan3A_57 = %scan3A to %scan3A_31 step %scan3A_32  : i32 {
      %mul3A_58 = arith.constant 4 : i32
      %mul3A_59 = arith.muli %scan3A_57, %mul3A_58 : i32
      %add3A_60 = arith.constant 0 : i32
      %add3A_61 = arith.addi %add3A_60, %mul3A_59 : i32
      %add3A_62 = arith.constant 0 : i32
      %add3A_63 = arith.addi %add3A_61, %add3A_62 : i32
      %dma_wait3A_64 = arith.constant 0 : i32
      %dma_wait3A_65 = arith.constant 0 : i32
      %dma_wait3A_66 = tpu.memref_slice %arg2[%dma_wait3A_64, %dma_wait3A_65] : memref<30522x1024xf32, #tpu.memory_space<hbm>> -> memref<30522x1024xf32, #tpu.memory_space<hbm>>
      tpu.wait_indirect_dma semaphore(%arg13 : memref<!tpu.dma_semaphore, #tpu.memory_space<semaphore_mem>>) src(%dma_wait3A_66 : memref<30522x1024xf32, #tpu.memory_space<hbm>>) dst(%arg9 : memref<16x1024xf32, #tpu.memory_space<vmem>>)
      %mul3A_67 = arith.constant 16 : i32
      %mul3A_68 = arith.muli %add3A_63, %mul3A_67 : i32
      %add3A_69 = arith.addi %mul3A_2, %mul3A_68 : i32
      %dma_start3A_70 = arith.constant 0 : i32
      %dma_start3A_71 = tpu.memref_slice %arg4[%add3A_69, %dma_start3A_70] : memref<4096x1024xf32, #tpu.memory_space<hbm>> -> memref<16x1024xf32, #tpu.memory_space<hbm>>
      %dma_start3A_72 = arith.constant 0 : i32
      %dma_start3A_73 = tpu.memref_slice %arg4[%add3A_69, %dma_start3A_72] : memref<4096x1024xf32, #tpu.memory_space<hbm>> -> memref<16x1024xf32, #tpu.memory_space<hbm>>
      tpu.enqueue_dma source(%arg9 : memref<16x1024xf32, #tpu.memory_space<vmem>>) target(%dma_start3A_73 : memref<16x1024xf32, #tpu.memory_space<hbm>>) target_semaphore(%arg17 : memref<!tpu.dma_semaphore, #tpu.memory_space<semaphore_mem>>)
      %ge3A = arith.constant 1 : i32
      %ge3A_74 = arith.cmpi sge, %add3A_63, %ge3A : i32
      %add3A_75 = arith.constant 4 : i32
      %add3A_76 = arith.addi %add3A_63, %add3A_75 : i32
      %sub3A = arith.constant 1 : i32
      %sub3A_77 = arith.subi %add3A_76, %sub3A : i32
      %lt3A = arith.constant 8 : i32
      %lt3A_78 = arith.cmpi slt, %sub3A_77, %lt3A : i32
      %and3A = arith.andi %ge3A_74, %lt3A_78 : i1
      %convert_element_type3A = arith.extui %and3A : i1 to i32
      %cond3A = arith.constant 0 : i32
      %cond3A_79 = arith.cmpi ne, %convert_element_type3A, %cond3A : i32
      scf.if %cond3A_79 {
        %sub3A_152 = arith.constant 1 : i32
        %sub3A_153 = arith.subi %add3A_63, %sub3A_152 : i32
        %mul3A_154 = arith.constant 16 : i32
        %mul3A_155 = arith.muli %sub3A_153, %mul3A_154 : i32
        %add3A_156 = arith.addi %mul3A_2, %mul3A_155 : i32
        %dma_wait3A_157 = arith.constant 0 : i32
        %dma_wait3A_158 = tpu.memref_slice %arg4[%add3A_156, %dma_wait3A_157] : memref<4096x1024xf32, #tpu.memory_space<hbm>> -> memref<16x1024xf32, #tpu.memory_space<hbm>>
        %dma_wait3A_159 = arith.constant 0 : i32
        %dma_wait3A_160 = tpu.memref_slice %arg4[%add3A_156, %dma_wait3A_159] : memref<4096x1024xf32, #tpu.memory_space<hbm>> -> memref<16x1024xf32, #tpu.memory_space<hbm>>
        tpu.wait_dma2 semaphore(%arg20 : memref<!tpu.dma_semaphore, #tpu.memory_space<semaphore_mem>>) src(%arg12 : memref<16x1024xf32, #tpu.memory_space<vmem>>) dst(%dma_wait3A_160 : memref<16x1024xf32, #tpu.memory_space<hbm>>)
        %add3A_161 = arith.constant 4 : i32
        %add3A_162 = arith.addi %add3A_63, %add3A_161 : i32
        %sub3A_163 = arith.constant 1 : i32
        %sub3A_164 = arith.subi %add3A_162, %sub3A_163 : i32
        %add3A_165 = arith.constant 12288 : i32
        %add3A_166 = arith.addi %add3A_165, %mul3A_2 : i32
        %mul3A_167 = arith.constant 16 : i32
        %mul3A_168 = arith.muli %sub3A_164, %mul3A_167 : i32
        %add3A_169 = arith.addi %add3A_166, %mul3A_168 : i32
        "tpu.region"() ({
          %run_scoped3A = tpu.sem_alloc : memref<!tpu.dma_semaphore, #tpu.memory_space<semaphore_mem>>
          %dma_start3A_173 = tpu.memref_slice %arg3[%add3A_169] : memref<16384xi32, #tpu.memory_space<hbm>> -> memref<16xi32, #tpu.memory_space<hbm>>
          %dma_start3A_174 = tpu.memref_slice %arg3[%add3A_169] : memref<16384xi32, #tpu.memory_space<hbm>> -> memref<16xi32, #tpu.memory_space<hbm>>
          tpu.enqueue_dma source(%dma_start3A_174 : memref<16xi32, #tpu.memory_space<hbm>>) target(%arg8 : memref<16xi32, #tpu.memory_space<vmem>>) target_semaphore(%run_scoped3A : memref<!tpu.dma_semaphore, #tpu.memory_space<semaphore_mem>>)
          %dma_wait3A_175 = tpu.memref_slice %arg3[%add3A_169] : memref<16384xi32, #tpu.memory_space<hbm>> -> memref<16xi32, #tpu.memory_space<hbm>>
          %dma_wait3A_176 = tpu.memref_slice %arg3[%add3A_169] : memref<16384xi32, #tpu.memory_space<hbm>> -> memref<16xi32, #tpu.memory_space<hbm>>
          tpu.wait_dma2 semaphore(%run_scoped3A : memref<!tpu.dma_semaphore, #tpu.memory_space<semaphore_mem>>) src(%dma_wait3A_176 : memref<16xi32, #tpu.memory_space<hbm>>) dst(%arg8 : memref<16xi32, #tpu.memory_space<vmem>>)
          tpu.yield
        }) : () -> ()
        %dma_start3A_170 = arith.constant 0 : i32
        %dma_start3A_171 = arith.constant 0 : i32
        %dma_start3A_172 = tpu.memref_slice %arg2[%dma_start3A_170, %dma_start3A_171] : memref<30522x1024xf32, #tpu.memory_space<hbm>> -> memref<30522x1024xf32, #tpu.memory_space<hbm>>
        tpu.enqueue_indirect_dma source(%dma_start3A_172 : memref<30522x1024xf32, #tpu.memory_space<hbm>>) target(%arg12 : memref<16x1024xf32, #tpu.memory_space<vmem>>) offsets(%arg8 : memref<16xi32, #tpu.memory_space<vmem>>) semaphore(%arg16 : memref<!tpu.dma_semaphore, #tpu.memory_space<semaphore_mem>>)
      } else {
      }
      %add3A_80 = arith.constant 1 : i32
      %add3A_81 = arith.addi %add3A_61, %add3A_80 : i32
      %dma_wait3A_82 = arith.constant 0 : i32
      %dma_wait3A_83 = arith.constant 0 : i32
      %dma_wait3A_84 = tpu.memref_slice %arg2[%dma_wait3A_82, %dma_wait3A_83] : memref<30522x1024xf32, #tpu.memory_space<hbm>> -> memref<30522x1024xf32, #tpu.memory_space<hbm>>
      tpu.wait_indirect_dma semaphore(%arg14 : memref<!tpu.dma_semaphore, #tpu.memory_space<semaphore_mem>>) src(%dma_wait3A_84 : memref<30522x1024xf32, #tpu.memory_space<hbm>>) dst(%arg10 : memref<16x1024xf32, #tpu.memory_space<vmem>>)
      %mul3A_85 = arith.constant 16 : i32
      %mul3A_86 = arith.muli %add3A_81, %mul3A_85 : i32
      %add3A_87 = arith.addi %mul3A_2, %mul3A_86 : i32
      %dma_start3A_88 = arith.constant 0 : i32
      %dma_start3A_89 = tpu.memref_slice %arg4[%add3A_87, %dma_start3A_88] : memref<4096x1024xf32, #tpu.memory_space<hbm>> -> memref<16x1024xf32, #tpu.memory_space<hbm>>
      %dma_start3A_90 = arith.constant 0 : i32
      %dma_start3A_91 = tpu.memref_slice %arg4[%add3A_87, %dma_start3A_90] : memref<4096x1024xf32, #tpu.memory_space<hbm>> -> memref<16x1024xf32, #tpu.memory_space<hbm>>
      tpu.enqueue_dma source(%arg10 : memref<16x1024xf32, #tpu.memory_space<vmem>>) target(%dma_start3A_91 : memref<16x1024xf32, #tpu.memory_space<hbm>>) target_semaphore(%arg18 : memref<!tpu.dma_semaphore, #tpu.memory_space<semaphore_mem>>)
      %ge3A_92 = arith.constant 1 : i32
      %ge3A_93 = arith.cmpi sge, %add3A_81, %ge3A_92 : i32
      %add3A_94 = arith.constant 4 : i32
      %add3A_95 = arith.addi %add3A_81, %add3A_94 : i32
      %sub3A_96 = arith.constant 1 : i32
      %sub3A_97 = arith.subi %add3A_95, %sub3A_96 : i32
      %lt3A_98 = arith.constant 8 : i32
      %lt3A_99 = arith.cmpi slt, %sub3A_97, %lt3A_98 : i32
      %and3A_100 = arith.andi %ge3A_93, %lt3A_99 : i1
      %convert_element_type3A_101 = arith.extui %and3A_100 : i1 to i32
      %cond3A_102 = arith.constant 0 : i32
      %cond3A_103 = arith.cmpi ne, %convert_element_type3A_101, %cond3A_102 : i32
      scf.if %cond3A_103 {
        %sub3A_152 = arith.constant 1 : i32
        %sub3A_153 = arith.subi %add3A_81, %sub3A_152 : i32
        %mul3A_154 = arith.constant 16 : i32
        %mul3A_155 = arith.muli %sub3A_153, %mul3A_154 : i32
        %add3A_156 = arith.addi %mul3A_2, %mul3A_155 : i32
        %dma_wait3A_157 = arith.constant 0 : i32
        %dma_wait3A_158 = tpu.memref_slice %arg4[%add3A_156, %dma_wait3A_157] : memref<4096x1024xf32, #tpu.memory_space<hbm>> -> memref<16x1024xf32, #tpu.memory_space<hbm>>
        %dma_wait3A_159 = arith.constant 0 : i32
        %dma_wait3A_160 = tpu.memref_slice %arg4[%add3A_156, %dma_wait3A_159] : memref<4096x1024xf32, #tpu.memory_space<hbm>> -> memref<16x1024xf32, #tpu.memory_space<hbm>>
        tpu.wait_dma2 semaphore(%arg17 : memref<!tpu.dma_semaphore, #tpu.memory_space<semaphore_mem>>) src(%arg9 : memref<16x1024xf32, #tpu.memory_space<vmem>>) dst(%dma_wait3A_160 : memref<16x1024xf32, #tpu.memory_space<hbm>>)
        %add3A_161 = arith.constant 4 : i32
        %add3A_162 = arith.addi %add3A_81, %add3A_161 : i32
        %sub3A_163 = arith.constant 1 : i32
        %sub3A_164 = arith.subi %add3A_162, %sub3A_163 : i32
        %add3A_165 = arith.constant 12288 : i32
        %add3A_166 = arith.addi %add3A_165, %mul3A_2 : i32
        %mul3A_167 = arith.constant 16 : i32
        %mul3A_168 = arith.muli %sub3A_164, %mul3A_167 : i32
        %add3A_169 = arith.addi %add3A_166, %mul3A_168 : i32
        "tpu.region"() ({
          %run_scoped3A = tpu.sem_alloc : memref<!tpu.dma_semaphore, #tpu.memory_space<semaphore_mem>>
          %dma_start3A_173 = tpu.memref_slice %arg3[%add3A_169] : memref<16384xi32, #tpu.memory_space<hbm>> -> memref<16xi32, #tpu.memory_space<hbm>>
          %dma_start3A_174 = tpu.memref_slice %arg3[%add3A_169] : memref<16384xi32, #tpu.memory_space<hbm>> -> memref<16xi32, #tpu.memory_space<hbm>>
          tpu.enqueue_dma source(%dma_start3A_174 : memref<16xi32, #tpu.memory_space<hbm>>) target(%arg5 : memref<16xi32, #tpu.memory_space<vmem>>) target_semaphore(%run_scoped3A : memref<!tpu.dma_semaphore, #tpu.memory_space<semaphore_mem>>)
          %dma_wait3A_175 = tpu.memref_slice %arg3[%add3A_169] : memref<16384xi32, #tpu.memory_space<hbm>> -> memref<16xi32, #tpu.memory_space<hbm>>
          %dma_wait3A_176 = tpu.memref_slice %arg3[%add3A_169] : memref<16384xi32, #tpu.memory_space<hbm>> -> memref<16xi32, #tpu.memory_space<hbm>>
          tpu.wait_dma2 semaphore(%run_scoped3A : memref<!tpu.dma_semaphore, #tpu.memory_space<semaphore_mem>>) src(%dma_wait3A_176 : memref<16xi32, #tpu.memory_space<hbm>>) dst(%arg5 : memref<16xi32, #tpu.memory_space<vmem>>)
          tpu.yield
        }) : () -> ()
        %dma_start3A_170 = arith.constant 0 : i32
        %dma_start3A_171 = arith.constant 0 : i32
        %dma_start3A_172 = tpu.memref_slice %arg2[%dma_start3A_170, %dma_start3A_171] : memref<30522x1024xf32, #tpu.memory_space<hbm>> -> memref<30522x1024xf32, #tpu.memory_space<hbm>>
        tpu.enqueue_indirect_dma source(%dma_start3A_172 : memref<30522x1024xf32, #tpu.memory_space<hbm>>) target(%arg9 : memref<16x1024xf32, #tpu.memory_space<vmem>>) offsets(%arg5 : memref<16xi32, #tpu.memory_space<vmem>>) semaphore(%arg13 : memref<!tpu.dma_semaphore, #tpu.memory_space<semaphore_mem>>)
      } else {
      }
      %add3A_104 = arith.constant 2 : i32
      %add3A_105 = arith.addi %add3A_61, %add3A_104 : i32
      %dma_wait3A_106 = arith.constant 0 : i32
      %dma_wait3A_107 = arith.constant 0 : i32
      %dma_wait3A_108 = tpu.memref_slice %arg2[%dma_wait3A_106, %dma_wait3A_107] : memref<30522x1024xf32, #tpu.memory_space<hbm>> -> memref<30522x1024xf32, #tpu.memory_space<hbm>>
      tpu.wait_indirect_dma semaphore(%arg15 : memref<!tpu.dma_semaphore, #tpu.memory_space<semaphore_mem>>) src(%dma_wait3A_108 : memref<30522x1024xf32, #tpu.memory_space<hbm>>) dst(%arg11 : memref<16x1024xf32, #tpu.memory_space<vmem>>)
      %mul3A_109 = arith.constant 16 : i32
      %mul3A_110 = arith.muli %add3A_105, %mul3A_109 : i32
      %add3A_111 = arith.addi %mul3A_2, %mul3A_110 : i32
      %dma_start3A_112 = arith.constant 0 : i32
      %dma_start3A_113 = tpu.memref_slice %arg4[%add3A_111, %dma_start3A_112] : memref<4096x1024xf32, #tpu.memory_space<hbm>> -> memref<16x1024xf32, #tpu.memory_space<hbm>>
      %dma_start3A_114 = arith.constant 0 : i32
      %dma_start3A_115 = tpu.memref_slice %arg4[%add3A_111, %dma_start3A_114] : memref<4096x1024xf32, #tpu.memory_space<hbm>> -> memref<16x1024xf32, #tpu.memory_space<hbm>>
      tpu.enqueue_dma source(%arg11 : memref<16x1024xf32, #tpu.memory_space<vmem>>) target(%dma_start3A_115 : memref<16x1024xf32, #tpu.memory_space<hbm>>) target_semaphore(%arg19 : memref<!tpu.dma_semaphore, #tpu.memory_space<semaphore_mem>>)
      %ge3A_116 = arith.constant 1 : i32
      %ge3A_117 = arith.cmpi sge, %add3A_105, %ge3A_116 : i32
      %add3A_118 = arith.constant 4 : i32
      %add3A_119 = arith.addi %add3A_105, %add3A_118 : i32
      %sub3A_120 = arith.constant 1 : i32
      %sub3A_121 = arith.subi %add3A_119, %sub3A_120 : i32
      %lt3A_122 = arith.constant 8 : i32
      %lt3A_123 = arith.cmpi slt, %sub3A_121, %lt3A_122 : i32
      %and3A_124 = arith.andi %ge3A_117, %lt3A_123 : i1
      %convert_element_type3A_125 = arith.extui %and3A_124 : i1 to i32
      %cond3A_126 = arith.constant 0 : i32
      %cond3A_127 = arith.cmpi ne, %convert_element_type3A_125, %cond3A_126 : i32
      scf.if %cond3A_127 {
        %sub3A_152 = arith.constant 1 : i32
        %sub3A_153 = arith.subi %add3A_105, %sub3A_152 : i32
        %mul3A_154 = arith.constant 16 : i32
        %mul3A_155 = arith.muli %sub3A_153, %mul3A_154 : i32
        %add3A_156 = arith.addi %mul3A_2, %mul3A_155 : i32
        %dma_wait3A_157 = arith.constant 0 : i32
        %dma_wait3A_158 = tpu.memref_slice %arg4[%add3A_156, %dma_wait3A_157] : memref<4096x1024xf32, #tpu.memory_space<hbm>> -> memref<16x1024xf32, #tpu.memory_space<hbm>>
        %dma_wait3A_159 = arith.constant 0 : i32
        %dma_wait3A_160 = tpu.memref_slice %arg4[%add3A_156, %dma_wait3A_159] : memref<4096x1024xf32, #tpu.memory_space<hbm>> -> memref<16x1024xf32, #tpu.memory_space<hbm>>
        tpu.wait_dma2 semaphore(%arg18 : memref<!tpu.dma_semaphore, #tpu.memory_space<semaphore_mem>>) src(%arg10 : memref<16x1024xf32, #tpu.memory_space<vmem>>) dst(%dma_wait3A_160 : memref<16x1024xf32, #tpu.memory_space<hbm>>)
        %add3A_161 = arith.constant 4 : i32
        %add3A_162 = arith.addi %add3A_105, %add3A_161 : i32
        %sub3A_163 = arith.constant 1 : i32
        %sub3A_164 = arith.subi %add3A_162, %sub3A_163 : i32
        %add3A_165 = arith.constant 12288 : i32
        %add3A_166 = arith.addi %add3A_165, %mul3A_2 : i32
        %mul3A_167 = arith.constant 16 : i32
        %mul3A_168 = arith.muli %sub3A_164, %mul3A_167 : i32
        %add3A_169 = arith.addi %add3A_166, %mul3A_168 : i32
        "tpu.region"() ({
          %run_scoped3A = tpu.sem_alloc : memref<!tpu.dma_semaphore, #tpu.memory_space<semaphore_mem>>
          %dma_start3A_173 = tpu.memref_slice %arg3[%add3A_169] : memref<16384xi32, #tpu.memory_space<hbm>> -> memref<16xi32, #tpu.memory_space<hbm>>
          %dma_start3A_174 = tpu.memref_slice %arg3[%add3A_169] : memref<16384xi32, #tpu.memory_space<hbm>> -> memref<16xi32, #tpu.memory_space<hbm>>
          tpu.enqueue_dma source(%dma_start3A_174 : memref<16xi32, #tpu.memory_space<hbm>>) target(%arg6 : memref<16xi32, #tpu.memory_space<vmem>>) target_semaphore(%run_scoped3A : memref<!tpu.dma_semaphore, #tpu.memory_space<semaphore_mem>>)
          %dma_wait3A_175 = tpu.memref_slice %arg3[%add3A_169] : memref<16384xi32, #tpu.memory_space<hbm>> -> memref<16xi32, #tpu.memory_space<hbm>>
          %dma_wait3A_176 = tpu.memref_slice %arg3[%add3A_169] : memref<16384xi32, #tpu.memory_space<hbm>> -> memref<16xi32, #tpu.memory_space<hbm>>
          tpu.wait_dma2 semaphore(%run_scoped3A : memref<!tpu.dma_semaphore, #tpu.memory_space<semaphore_mem>>) src(%dma_wait3A_176 : memref<16xi32, #tpu.memory_space<hbm>>) dst(%arg6 : memref<16xi32, #tpu.memory_space<vmem>>)
          tpu.yield
        }) : () -> ()
        %dma_start3A_170 = arith.constant 0 : i32
        %dma_start3A_171 = arith.constant 0 : i32
        %dma_start3A_172 = tpu.memref_slice %arg2[%dma_start3A_170, %dma_start3A_171] : memref<30522x1024xf32, #tpu.memory_space<hbm>> -> memref<30522x1024xf32, #tpu.memory_space<hbm>>
        tpu.enqueue_indirect_dma source(%dma_start3A_172 : memref<30522x1024xf32, #tpu.memory_space<hbm>>) target(%arg10 : memref<16x1024xf32, #tpu.memory_space<vmem>>) offsets(%arg6 : memref<16xi32, #tpu.memory_space<vmem>>) semaphore(%arg14 : memref<!tpu.dma_semaphore, #tpu.memory_space<semaphore_mem>>)
      } else {
      }
      %add3A_128 = arith.constant 3 : i32
      %add3A_129 = arith.addi %add3A_61, %add3A_128 : i32
      %dma_wait3A_130 = arith.constant 0 : i32
      %dma_wait3A_131 = arith.constant 0 : i32
      %dma_wait3A_132 = tpu.memref_slice %arg2[%dma_wait3A_130, %dma_wait3A_131] : memref<30522x1024xf32, #tpu.memory_space<hbm>> -> memref<30522x1024xf32, #tpu.memory_space<hbm>>
      tpu.wait_indirect_dma semaphore(%arg16 : memref<!tpu.dma_semaphore, #tpu.memory_space<semaphore_mem>>) src(%dma_wait3A_132 : memref<30522x1024xf32, #tpu.memory_space<hbm>>) dst(%arg12 : memref<16x1024xf32, #tpu.memory_space<vmem>>)
      %mul3A_133 = arith.constant 16 : i32
      %mul3A_134 = arith.muli %add3A_129, %mul3A_133 : i32
      %add3A_135 = arith.addi %mul3A_2, %mul3A_134 : i32
      %dma_start3A_136 = arith.constant 0 : i32
      %dma_start3A_137 = tpu.memref_slice %arg4[%add3A_135, %dma_start3A_136] : memref<4096x1024xf32, #tpu.memory_space<hbm>> -> memref<16x1024xf32, #tpu.memory_space<hbm>>
      %dma_start3A_138 = arith.constant 0 : i32
      %dma_start3A_139 = tpu.memref_slice %arg4[%add3A_135, %dma_start3A_138] : memref<4096x1024xf32, #tpu.memory_space<hbm>> -> memref<16x1024xf32, #tpu.memory_space<hbm>>
      tpu.enqueue_dma source(%arg12 : memref<16x1024xf32, #tpu.memory_space<vmem>>) target(%dma_start3A_139 : memref<16x1024xf32, #tpu.memory_space<hbm>>) target_semaphore(%arg20 : memref<!tpu.dma_semaphore, #tpu.memory_space<semaphore_mem>>)
      %ge3A_140 = arith.constant 1 : i32
      %ge3A_141 = arith.cmpi sge, %add3A_129, %ge3A_140 : i32
      %add3A_142 = arith.constant 4 : i32
      %add3A_143 = arith.addi %add3A_129, %add3A_142 : i32
      %sub3A_144 = arith.constant 1 : i32
      %sub3A_145 = arith.subi %add3A_143, %sub3A_144 : i32
      %lt3A_146 = arith.constant 8 : i32
      %lt3A_147 = arith.cmpi slt, %sub3A_145, %lt3A_146 : i32
      %and3A_148 = arith.andi %ge3A_141, %lt3A_147 : i1
      %convert_element_type3A_149 = arith.extui %and3A_148 : i1 to i32
      %cond3A_150 = arith.constant 0 : i32
      %cond3A_151 = arith.cmpi ne, %convert_element_type3A_149, %cond3A_150 : i32
      scf.if %cond3A_151 {
        %sub3A_152 = arith.constant 1 : i32
        %sub3A_153 = arith.subi %add3A_129, %sub3A_152 : i32
        %mul3A_154 = arith.constant 16 : i32
        %mul3A_155 = arith.muli %sub3A_153, %mul3A_154 : i32
        %add3A_156 = arith.addi %mul3A_2, %mul3A_155 : i32
        %dma_wait3A_157 = arith.constant 0 : i32
        %dma_wait3A_158 = tpu.memref_slice %arg4[%add3A_156, %dma_wait3A_157] : memref<4096x1024xf32, #tpu.memory_space<hbm>> -> memref<16x1024xf32, #tpu.memory_space<hbm>>
        %dma_wait3A_159 = arith.constant 0 : i32
        %dma_wait3A_160 = tpu.memref_slice %arg4[%add3A_156, %dma_wait3A_159] : memref<4096x1024xf32, #tpu.memory_space<hbm>> -> memref<16x1024xf32, #tpu.memory_space<hbm>>
        tpu.wait_dma2 semaphore(%arg19 : memref<!tpu.dma_semaphore, #tpu.memory_space<semaphore_mem>>) src(%arg11 : memref<16x1024xf32, #tpu.memory_space<vmem>>) dst(%dma_wait3A_160 : memref<16x1024xf32, #tpu.memory_space<hbm>>)
        %add3A_161 = arith.constant 4 : i32
        %add3A_162 = arith.addi %add3A_129, %add3A_161 : i32
        %sub3A_163 = arith.constant 1 : i32
        %sub3A_164 = arith.subi %add3A_162, %sub3A_163 : i32
        %add3A_165 = arith.constant 12288 : i32
        %add3A_166 = arith.addi %add3A_165, %mul3A_2 : i32
        %mul3A_167 = arith.constant 16 : i32
        %mul3A_168 = arith.muli %sub3A_164, %mul3A_167 : i32
        %add3A_169 = arith.addi %add3A_166, %mul3A_168 : i32
        "tpu.region"() ({
          %run_scoped3A = tpu.sem_alloc : memref<!tpu.dma_semaphore, #tpu.memory_space<semaphore_mem>>
          %dma_start3A_173 = tpu.memref_slice %arg3[%add3A_169] : memref<16384xi32, #tpu.memory_space<hbm>> -> memref<16xi32, #tpu.memory_space<hbm>>
          %dma_start3A_174 = tpu.memref_slice %arg3[%add3A_169] : memref<16384xi32, #tpu.memory_space<hbm>> -> memref<16xi32, #tpu.memory_space<hbm>>
          tpu.enqueue_dma source(%dma_start3A_174 : memref<16xi32, #tpu.memory_space<hbm>>) target(%arg7 : memref<16xi32, #tpu.memory_space<vmem>>) target_semaphore(%run_scoped3A : memref<!tpu.dma_semaphore, #tpu.memory_space<semaphore_mem>>)
          %dma_wait3A_175 = tpu.memref_slice %arg3[%add3A_169] : memref<16384xi32, #tpu.memory_space<hbm>> -> memref<16xi32, #tpu.memory_space<hbm>>
          %dma_wait3A_176 = tpu.memref_slice %arg3[%add3A_169] : memref<16384xi32, #tpu.memory_space<hbm>> -> memref<16xi32, #tpu.memory_space<hbm>>
          tpu.wait_dma2 semaphore(%run_scoped3A : memref<!tpu.dma_semaphore, #tpu.memory_space<semaphore_mem>>) src(%dma_wait3A_176 : memref<16xi32, #tpu.memory_space<hbm>>) dst(%arg7 : memref<16xi32, #tpu.memory_space<vmem>>)
          tpu.yield
        }) : () -> ()
        %dma_start3A_170 = arith.constant 0 : i32
        %dma_start3A_171 = arith.constant 0 : i32
        %dma_start3A_172 = tpu.memref_slice %arg2[%dma_start3A_170, %dma_start3A_171] : memref<30522x1024xf32, #tpu.memory_space<hbm>> -> memref<30522x1024xf32, #tpu.memory_space<hbm>>
        tpu.enqueue_indirect_dma source(%dma_start3A_172 : memref<30522x1024xf32, #tpu.memory_space<hbm>>) target(%arg11 : memref<16x1024xf32, #tpu.memory_space<vmem>>) offsets(%arg7 : memref<16xi32, #tpu.memory_space<vmem>>) semaphore(%arg15 : memref<!tpu.dma_semaphore, #tpu.memory_space<semaphore_mem>>)
      } else {
      }
    }
    %scan3A_33 = arith.constant 2 : i32
    %add3A_34 = arith.constant 64 : i32
    %add3A_35 = arith.addi %mul3A_2, %add3A_34 : i32
    %dma_wait3A = arith.constant 0 : i32
    %dma_wait3A_36 = tpu.memref_slice %arg4[%add3A_35, %dma_wait3A] : memref<4096x1024xf32, #tpu.memory_space<hbm>> -> memref<16x1024xf32, #tpu.memory_space<hbm>>
    %dma_wait3A_37 = arith.constant 0 : i32
    %dma_wait3A_38 = tpu.memref_slice %arg4[%add3A_35, %dma_wait3A_37] : memref<4096x1024xf32, #tpu.memory_space<hbm>> -> memref<16x1024xf32, #tpu.memory_space<hbm>>
    tpu.wait_dma2 semaphore(%arg17 : memref<!tpu.dma_semaphore, #tpu.memory_space<semaphore_mem>>) src(%arg9 : memref<16x1024xf32, #tpu.memory_space<vmem>>) dst(%dma_wait3A_38 : memref<16x1024xf32, #tpu.memory_space<hbm>>)
    %add3A_39 = arith.constant 80 : i32
    %add3A_40 = arith.addi %mul3A_2, %add3A_39 : i32
    %dma_wait3A_41 = arith.constant 0 : i32
    %dma_wait3A_42 = tpu.memref_slice %arg4[%add3A_40, %dma_wait3A_41] : memref<4096x1024xf32, #tpu.memory_space<hbm>> -> memref<16x1024xf32, #tpu.memory_space<hbm>>
    %dma_wait3A_43 = arith.constant 0 : i32
    %dma_wait3A_44 = tpu.memref_slice %arg4[%add3A_40, %dma_wait3A_43] : memref<4096x1024xf32, #tpu.memory_space<hbm>> -> memref<16x1024xf32, #tpu.memory_space<hbm>>
    tpu.wait_dma2 semaphore(%arg18 : memref<!tpu.dma_semaphore, #tpu.memory_space<semaphore_mem>>) src(%arg10 : memref<16x1024xf32, #tpu.memory_space<vmem>>) dst(%dma_wait3A_44 : memref<16x1024xf32, #tpu.memory_space<hbm>>)
    %add3A_45 = arith.constant 96 : i32
    %add3A_46 = arith.addi %mul3A_2, %add3A_45 : i32
    %dma_wait3A_47 = arith.constant 0 : i32
    %dma_wait3A_48 = tpu.memref_slice %arg4[%add3A_46, %dma_wait3A_47] : memref<4096x1024xf32, #tpu.memory_space<hbm>> -> memref<16x1024xf32, #tpu.memory_space<hbm>>
    %dma_wait3A_49 = arith.constant 0 : i32
    %dma_wait3A_50 = tpu.memref_slice %arg4[%add3A_46, %dma_wait3A_49] : memref<4096x1024xf32, #tpu.memory_space<hbm>> -> memref<16x1024xf32, #tpu.memory_space<hbm>>
    tpu.wait_dma2 semaphore(%arg19 : memref<!tpu.dma_semaphore, #tpu.memory_space<semaphore_mem>>) src(%arg11 : memref<16x1024xf32, #tpu.memory_space<vmem>>) dst(%dma_wait3A_50 : memref<16x1024xf32, #tpu.memory_space<hbm>>)
    %add3A_51 = arith.constant 112 : i32
    %add3A_52 = arith.addi %mul3A_2, %add3A_51 : i32
    %dma_wait3A_53 = arith.constant 0 : i32
    %dma_wait3A_54 = tpu.memref_slice %arg4[%add3A_52, %dma_wait3A_53] : memref<4096x1024xf32, #tpu.memory_space<hbm>> -> memref<16x1024xf32, #tpu.memory_space<hbm>>
    %dma_wait3A_55 = arith.constant 0 : i32
    %dma_wait3A_56 = tpu.memref_slice %arg4[%add3A_52, %dma_wait3A_55] : memref<4096x1024xf32, #tpu.memory_space<hbm>> -> memref<16x1024xf32, #tpu.memory_space<hbm>>
    tpu.wait_dma2 semaphore(%arg20 : memref<!tpu.dma_semaphore, #tpu.memory_space<semaphore_mem>>) src(%arg12 : memref<16x1024xf32, #tpu.memory_space<vmem>>) dst(%dma_wait3A_56 : memref<16x1024xf32, #tpu.memory_space<hbm>>)
    return
  }
}

#map = affine_map<(d0, d1) -> (0, 0)>
#map1 = affine_map<(d0, d1) -> (0)>
module attributes {stable_mosaic.version = 14 : i64} {
  func.func @k(%arg0: i32, %arg1: i32, %arg2: memref<30522x1024xf32, #tpu.memory_space<hbm>>, %arg3: memref<16384xi32, #tpu.memory_space<hbm>>, %arg4: memref<4096x1024xf32, #tpu.memory_space<hbm>>, %arg5: memref<16xi32, #tpu.memory_space<vmem>>, %arg6: memref<16xi32, #tpu.memory_space<vmem>>, %arg7: memref<16xi32, #tpu.memory_space<vmem>>, %arg8: memref<16xi32, #tpu.memory_space<vmem>>, %arg9: memref<16x1024xf32, #tpu.memory_space<vmem>>, %arg10: memref<16x1024xf32, #tpu.memory_space<vmem>>, %arg11: memref<16x1024xf32, #tpu.memory_space<vmem>>, %arg12: memref<16x1024xf32, #tpu.memory_space<vmem>>, %arg13: memref<!tpu.dma_semaphore, #tpu.memory_space<semaphore_mem>>, %arg14: memref<!tpu.dma_semaphore, #tpu.memory_space<semaphore_mem>>, %arg15: memref<!tpu.dma_semaphore, #tpu.memory_space<semaphore_mem>>, %arg16: memref<!tpu.dma_semaphore, #tpu.memory_space<semaphore_mem>>, %arg17: memref<!tpu.dma_semaphore, #tpu.memory_space<semaphore_mem>>, %arg18: memref<!tpu.dma_semaphore, #tpu.memory_space<semaphore_mem>>, %arg19: memref<!tpu.dma_semaphore, #tpu.memory_space<semaphore_mem>>, %arg20: memref<!tpu.dma_semaphore, #tpu.memory_space<semaphore_mem>>) attributes {dimension_semantics = [#tpu.dimension_semantics<core_parallel>, #tpu.dimension_semantics<subcore_parallel>], iteration_bounds = array<i64: 2, 16>, scalar_prefetch = 0 : i64, scratch_operands = 16 : i64, tpu.core_type = #tpu.core_type<sc_vector_subcore>, window_params = [{transform_indices = #map}, {transform_indices = #map1}, {transform_indices = #map}]} {
    %mul3A = arith.constant 2 : i32
    %mul3A_0 = arith.muli %arg1, %mul3A : i32
    %add3A = arith.addi %mul3A_0, %arg0 : i32
    %mul3A_1 = arith.constant 128 : i32
    %mul3A_2 = arith.muli %add3A, %mul3A_1 : i32
    %add3A_3 = arith.constant 8192 : i32
    %add3A_4 = arith.addi %add3A_3, %mul3A_2 : i32
    %add3A_5 = arith.constant 0 : i32
    %add3A_6 = arith.addi %add3A_4, %add3A_5 : i32
    "tpu.region"() ({
      %run_scoped3A = tpu.sem_alloc : memref<!tpu.dma_semaphore, #tpu.memory_space<semaphore_mem>>
      %dma_start3A_57 = tpu.memref_slice %arg3[%add3A_6] : memref<16384xi32, #tpu.memory_space<hbm>> -> memref<16xi32, #tpu.memory_space<hbm>>
      %dma_start3A_58 = tpu.memref_slice %arg3[%add3A_6] : memref<16384xi32, #tpu.memory_space<hbm>> -> memref<16xi32, #tpu.memory_space<hbm>>
      tpu.enqueue_dma source(%dma_start3A_58 : memref<16xi32, #tpu.memory_space<hbm>>) target(%arg5 : memref<16xi32, #tpu.memory_space<vmem>>) target_semaphore(%run_scoped3A : memref<!tpu.dma_semaphore, #tpu.memory_space<semaphore_mem>>)
      %dma_wait3A_59 = tpu.memref_slice %arg3[%add3A_6] : memref<16384xi32, #tpu.memory_space<hbm>> -> memref<16xi32, #tpu.memory_space<hbm>>
      %dma_wait3A_60 = tpu.memref_slice %arg3[%add3A_6] : memref<16384xi32, #tpu.memory_space<hbm>> -> memref<16xi32, #tpu.memory_space<hbm>>
      tpu.wait_dma2 semaphore(%run_scoped3A : memref<!tpu.dma_semaphore, #tpu.memory_space<semaphore_mem>>) src(%dma_wait3A_60 : memref<16xi32, #tpu.memory_space<hbm>>) dst(%arg5 : memref<16xi32, #tpu.memory_space<vmem>>)
      tpu.yield
    }) : () -> ()
    %dma_start3A = arith.constant 0 : i32
    %dma_start3A_7 = arith.constant 0 : i32
    %dma_start3A_8 = tpu.memref_slice %arg2[%dma_start3A, %dma_start3A_7] : memref<30522x1024xf32, #tpu.memory_space<hbm>> -> memref<30522x1024xf32, #tpu.memory_space<hbm>>
    tpu.enqueue_indirect_dma source(%dma_start3A_8 : memref<30522x1024xf32, #tpu.memory_space<hbm>>) target(%arg9 : memref<16x1024xf32, #tpu.memory_space<vmem>>) offsets(%arg5 : memref<16xi32, #tpu.memory_space<vmem>>) semaphore(%arg13 : memref<!tpu.dma_semaphore, #tpu.memory_space<semaphore_mem>>)
    %add3A_9 = arith.constant 8192 : i32
    %add3A_10 = arith.addi %add3A_9, %mul3A_2 : i32
    %add3A_11 = arith.constant 16 : i32
    %add3A_12 = arith.addi %add3A_10, %add3A_11 : i32
    "tpu.region"() ({
      %run_scoped3A = tpu.sem_alloc : memref<!tpu.dma_semaphore, #tpu.memory_space<semaphore_mem>>
      %dma_start3A_57 = tpu.memref_slice %arg3[%add3A_12] : memref<16384xi32, #tpu.memory_space<hbm>> -> memref<16xi32, #tpu.memory_space<hbm>>
      %dma_start3A_58 = tpu.memref_slice %arg3[%add3A_12] : memref<16384xi32, #tpu.memory_space<hbm>> -> memref<16xi32, #tpu.memory_space<hbm>>
      tpu.enqueue_dma source(%dma_start3A_58 : memref<16xi32, #tpu.memory_space<hbm>>) target(%arg6 : memref<16xi32, #tpu.memory_space<vmem>>) target_semaphore(%run_scoped3A : memref<!tpu.dma_semaphore, #tpu.memory_space<semaphore_mem>>)
      %dma_wait3A_59 = tpu.memref_slice %arg3[%add3A_12] : memref<16384xi32, #tpu.memory_space<hbm>> -> memref<16xi32, #tpu.memory_space<hbm>>
      %dma_wait3A_60 = tpu.memref_slice %arg3[%add3A_12] : memref<16384xi32, #tpu.memory_space<hbm>> -> memref<16xi32, #tpu.memory_space<hbm>>
      tpu.wait_dma2 semaphore(%run_scoped3A : memref<!tpu.dma_semaphore, #tpu.memory_space<semaphore_mem>>) src(%dma_wait3A_60 : memref<16xi32, #tpu.memory_space<hbm>>) dst(%arg6 : memref<16xi32, #tpu.memory_space<vmem>>)
      tpu.yield
    }) : () -> ()
    %dma_start3A_13 = arith.constant 0 : i32
    %dma_start3A_14 = arith.constant 0 : i32
    %dma_start3A_15 = tpu.memref_slice %arg2[%dma_start3A_13, %dma_start3A_14] : memref<30522x1024xf32, #tpu.memory_space<hbm>> -> memref<30522x1024xf32, #tpu.memory_space<hbm>>
    tpu.enqueue_indirect_dma source(%dma_start3A_15 : memref<30522x1024xf32, #tpu.memory_space<hbm>>) target(%arg10 : memref<16x1024xf32, #tpu.memory_space<vmem>>) offsets(%arg6 : memref<16xi32, #tpu.memory_space<vmem>>) semaphore(%arg14 : memref<!tpu.dma_semaphore, #tpu.memory_space<semaphore_mem>>)
    %add3A_16 = arith.constant 8192 : i32
    %add3A_17 = arith.addi %add3A_16, %mul3A_2 : i32
    %add3A_18 = arith.constant 32 : i32
    %add3A_19 = arith.addi %add3A_17, %add3A_18 : i32
    "tpu.region"() ({
      %run_scoped3A = tpu.sem_alloc : memref<!tpu.dma_semaphore, #tpu.memory_space<semaphore_mem>>
      %dma_start3A_57 = tpu.memref_slice %arg3[%add3A_19] : memref<16384xi32, #tpu.memory_space<hbm>> -> memref<16xi32, #tpu.memory_space<hbm>>
      %dma_start3A_58 = tpu.memref_slice %arg3[%add3A_19] : memref<16384xi32, #tpu.memory_space<hbm>> -> memref<16xi32, #tpu.memory_space<hbm>>
      tpu.enqueue_dma source(%dma_start3A_58 : memref<16xi32, #tpu.memory_space<hbm>>) target(%arg7 : memref<16xi32, #tpu.memory_space<vmem>>) target_semaphore(%run_scoped3A : memref<!tpu.dma_semaphore, #tpu.memory_space<semaphore_mem>>)
      %dma_wait3A_59 = tpu.memref_slice %arg3[%add3A_19] : memref<16384xi32, #tpu.memory_space<hbm>> -> memref<16xi32, #tpu.memory_space<hbm>>
      %dma_wait3A_60 = tpu.memref_slice %arg3[%add3A_19] : memref<16384xi32, #tpu.memory_space<hbm>> -> memref<16xi32, #tpu.memory_space<hbm>>
      tpu.wait_dma2 semaphore(%run_scoped3A : memref<!tpu.dma_semaphore, #tpu.memory_space<semaphore_mem>>) src(%dma_wait3A_60 : memref<16xi32, #tpu.memory_space<hbm>>) dst(%arg7 : memref<16xi32, #tpu.memory_space<vmem>>)
      tpu.yield
    }) : () -> ()
    %dma_start3A_20 = arith.constant 0 : i32
    %dma_start3A_21 = arith.constant 0 : i32
    %dma_start3A_22 = tpu.memref_slice %arg2[%dma_start3A_20, %dma_start3A_21] : memref<30522x1024xf32, #tpu.memory_space<hbm>> -> memref<30522x1024xf32, #tpu.memory_space<hbm>>
    tpu.enqueue_indirect_dma source(%dma_start3A_22 : memref<30522x1024xf32, #tpu.memory_space<hbm>>) target(%arg11 : memref<16x1024xf32, #tpu.memory_space<vmem>>) offsets(%arg7 : memref<16xi32, #tpu.memory_space<vmem>>) semaphore(%arg15 : memref<!tpu.dma_semaphore, #tpu.memory_space<semaphore_mem>>)
    %add3A_23 = arith.constant 8192 : i32
    %add3A_24 = arith.addi %add3A_23, %mul3A_2 : i32
    %add3A_25 = arith.constant 48 : i32
    %add3A_26 = arith.addi %add3A_24, %add3A_25 : i32
    "tpu.region"() ({
      %run_scoped3A = tpu.sem_alloc : memref<!tpu.dma_semaphore, #tpu.memory_space<semaphore_mem>>
      %dma_start3A_57 = tpu.memref_slice %arg3[%add3A_26] : memref<16384xi32, #tpu.memory_space<hbm>> -> memref<16xi32, #tpu.memory_space<hbm>>
      %dma_start3A_58 = tpu.memref_slice %arg3[%add3A_26] : memref<16384xi32, #tpu.memory_space<hbm>> -> memref<16xi32, #tpu.memory_space<hbm>>
      tpu.enqueue_dma source(%dma_start3A_58 : memref<16xi32, #tpu.memory_space<hbm>>) target(%arg8 : memref<16xi32, #tpu.memory_space<vmem>>) target_semaphore(%run_scoped3A : memref<!tpu.dma_semaphore, #tpu.memory_space<semaphore_mem>>)
      %dma_wait3A_59 = tpu.memref_slice %arg3[%add3A_26] : memref<16384xi32, #tpu.memory_space<hbm>> -> memref<16xi32, #tpu.memory_space<hbm>>
      %dma_wait3A_60 = tpu.memref_slice %arg3[%add3A_26] : memref<16384xi32, #tpu.memory_space<hbm>> -> memref<16xi32, #tpu.memory_space<hbm>>
      tpu.wait_dma2 semaphore(%run_scoped3A : memref<!tpu.dma_semaphore, #tpu.memory_space<semaphore_mem>>) src(%dma_wait3A_60 : memref<16xi32, #tpu.memory_space<hbm>>) dst(%arg8 : memref<16xi32, #tpu.memory_space<vmem>>)
      tpu.yield
    }) : () -> ()
    %dma_start3A_27 = arith.constant 0 : i32
    %dma_start3A_28 = arith.constant 0 : i32
    %dma_start3A_29 = tpu.memref_slice %arg2[%dma_start3A_27, %dma_start3A_28] : memref<30522x1024xf32, #tpu.memory_space<hbm>> -> memref<30522x1024xf32, #tpu.memory_space<hbm>>
    tpu.enqueue_indirect_dma source(%dma_start3A_29 : memref<30522x1024xf32, #tpu.memory_space<hbm>>) target(%arg12 : memref<16x1024xf32, #tpu.memory_space<vmem>>) offsets(%arg8 : memref<16xi32, #tpu.memory_space<vmem>>) semaphore(%arg16 : memref<!tpu.dma_semaphore, #tpu.memory_space<semaphore_mem>>)
    %scan3A = arith.constant 0 : i32
    %scan3A_30 = arith.constant 2 : i32
    %scan3A_31 = arith.addi %scan3A, %scan3A_30 : i32
    %scan3A_32 = arith.constant 1 : i32
    scf.for %scan3A_57 = %scan3A to %scan3A_31 step %scan3A_32  : i32 {
      %mul3A_58 = arith.constant 4 : i32
      %mul3A_59 = arith.muli %scan3A_57, %mul3A_58 : i32
      %add3A_60 = arith.constant 0 : i32
      %add3A_61 = arith.addi %add3A_60, %mul3A_59 : i32
      %add3A_62 = arith.constant 0 : i32
      %add3A_63 = arith.addi %add3A_61, %add3A_62 : i32
      %dma_wait3A_64 = arith.constant 0 : i32
      %dma_wait3A_65 = arith.constant 0 : i32
      %dma_wait3A_66 = tpu.memref_slice %arg2[%dma_wait3A_64, %dma_wait3A_65] : memref<30522x1024xf32, #tpu.memory_space<hbm>> -> memref<30522x1024xf32, #tpu.memory_space<hbm>>
      tpu.wait_indirect_dma semaphore(%arg13 : memref<!tpu.dma_semaphore, #tpu.memory_space<semaphore_mem>>) src(%dma_wait3A_66 : memref<30522x1024xf32, #tpu.memory_space<hbm>>) dst(%arg9 : memref<16x1024xf32, #tpu.memory_space<vmem>>)
      %mul3A_67 = arith.constant 16 : i32
      %mul3A_68 = arith.muli %add3A_63, %mul3A_67 : i32
      %add3A_69 = arith.addi %mul3A_2, %mul3A_68 : i32
      %dma_start3A_70 = arith.constant 0 : i32
      %dma_start3A_71 = tpu.memref_slice %arg4[%add3A_69, %dma_start3A_70] : memref<4096x1024xf32, #tpu.memory_space<hbm>> -> memref<16x1024xf32, #tpu.memory_space<hbm>>
      %dma_start3A_72 = arith.constant 0 : i32
      %dma_start3A_73 = tpu.memref_slice %arg4[%add3A_69, %dma_start3A_72] : memref<4096x1024xf32, #tpu.memory_space<hbm>> -> memref<16x1024xf32, #tpu.memory_space<hbm>>
      tpu.enqueue_dma source(%arg9 : memref<16x1024xf32, #tpu.memory_space<vmem>>) target(%dma_start3A_73 : memref<16x1024xf32, #tpu.memory_space<hbm>>) target_semaphore(%arg17 : memref<!tpu.dma_semaphore, #tpu.memory_space<semaphore_mem>>)
      %ge3A = arith.constant 1 : i32
      %ge3A_74 = arith.cmpi sge, %add3A_63, %ge3A : i32
      %add3A_75 = arith.constant 4 : i32
      %add3A_76 = arith.addi %add3A_63, %add3A_75 : i32
      %sub3A = arith.constant 1 : i32
      %sub3A_77 = arith.subi %add3A_76, %sub3A : i32
      %lt3A = arith.constant 8 : i32
      %lt3A_78 = arith.cmpi slt, %sub3A_77, %lt3A : i32
      %and3A = arith.andi %ge3A_74, %lt3A_78 : i1
      %convert_element_type3A = arith.extui %and3A : i1 to i32
      %cond3A = arith.constant 0 : i32
      %cond3A_79 = arith.cmpi ne, %convert_element_type3A, %cond3A : i32
      scf.if %cond3A_79 {
        %sub3A_152 = arith.constant 1 : i32
        %sub3A_153 = arith.subi %add3A_63, %sub3A_152 : i32
        %mul3A_154 = arith.constant 16 : i32
        %mul3A_155 = arith.muli %sub3A_153, %mul3A_154 : i32
        %add3A_156 = arith.addi %mul3A_2, %mul3A_155 : i32
        %dma_wait3A_157 = arith.constant 0 : i32
        %dma_wait3A_158 = tpu.memref_slice %arg4[%add3A_156, %dma_wait3A_157] : memref<4096x1024xf32, #tpu.memory_space<hbm>> -> memref<16x1024xf32, #tpu.memory_space<hbm>>
        %dma_wait3A_159 = arith.constant 0 : i32
        %dma_wait3A_160 = tpu.memref_slice %arg4[%add3A_156, %dma_wait3A_159] : memref<4096x1024xf32, #tpu.memory_space<hbm>> -> memref<16x1024xf32, #tpu.memory_space<hbm>>
        tpu.wait_dma2 semaphore(%arg20 : memref<!tpu.dma_semaphore, #tpu.memory_space<semaphore_mem>>) src(%arg12 : memref<16x1024xf32, #tpu.memory_space<vmem>>) dst(%dma_wait3A_160 : memref<16x1024xf32, #tpu.memory_space<hbm>>)
        %add3A_161 = arith.constant 4 : i32
        %add3A_162 = arith.addi %add3A_63, %add3A_161 : i32
        %sub3A_163 = arith.constant 1 : i32
        %sub3A_164 = arith.subi %add3A_162, %sub3A_163 : i32
        %add3A_165 = arith.constant 8192 : i32
        %add3A_166 = arith.addi %add3A_165, %mul3A_2 : i32
        %mul3A_167 = arith.constant 16 : i32
        %mul3A_168 = arith.muli %sub3A_164, %mul3A_167 : i32
        %add3A_169 = arith.addi %add3A_166, %mul3A_168 : i32
        "tpu.region"() ({
          %run_scoped3A = tpu.sem_alloc : memref<!tpu.dma_semaphore, #tpu.memory_space<semaphore_mem>>
          %dma_start3A_173 = tpu.memref_slice %arg3[%add3A_169] : memref<16384xi32, #tpu.memory_space<hbm>> -> memref<16xi32, #tpu.memory_space<hbm>>
          %dma_start3A_174 = tpu.memref_slice %arg3[%add3A_169] : memref<16384xi32, #tpu.memory_space<hbm>> -> memref<16xi32, #tpu.memory_space<hbm>>
          tpu.enqueue_dma source(%dma_start3A_174 : memref<16xi32, #tpu.memory_space<hbm>>) target(%arg8 : memref<16xi32, #tpu.memory_space<vmem>>) target_semaphore(%run_scoped3A : memref<!tpu.dma_semaphore, #tpu.memory_space<semaphore_mem>>)
          %dma_wait3A_175 = tpu.memref_slice %arg3[%add3A_169] : memref<16384xi32, #tpu.memory_space<hbm>> -> memref<16xi32, #tpu.memory_space<hbm>>
          %dma_wait3A_176 = tpu.memref_slice %arg3[%add3A_169] : memref<16384xi32, #tpu.memory_space<hbm>> -> memref<16xi32, #tpu.memory_space<hbm>>
          tpu.wait_dma2 semaphore(%run_scoped3A : memref<!tpu.dma_semaphore, #tpu.memory_space<semaphore_mem>>) src(%dma_wait3A_176 : memref<16xi32, #tpu.memory_space<hbm>>) dst(%arg8 : memref<16xi32, #tpu.memory_space<vmem>>)
          tpu.yield
        }) : () -> ()
        %dma_start3A_170 = arith.constant 0 : i32
        %dma_start3A_171 = arith.constant 0 : i32
        %dma_start3A_172 = tpu.memref_slice %arg2[%dma_start3A_170, %dma_start3A_171] : memref<30522x1024xf32, #tpu.memory_space<hbm>> -> memref<30522x1024xf32, #tpu.memory_space<hbm>>
        tpu.enqueue_indirect_dma source(%dma_start3A_172 : memref<30522x1024xf32, #tpu.memory_space<hbm>>) target(%arg12 : memref<16x1024xf32, #tpu.memory_space<vmem>>) offsets(%arg8 : memref<16xi32, #tpu.memory_space<vmem>>) semaphore(%arg16 : memref<!tpu.dma_semaphore, #tpu.memory_space<semaphore_mem>>)
      } else {
      }
      %add3A_80 = arith.constant 1 : i32
      %add3A_81 = arith.addi %add3A_61, %add3A_80 : i32
      %dma_wait3A_82 = arith.constant 0 : i32
      %dma_wait3A_83 = arith.constant 0 : i32
      %dma_wait3A_84 = tpu.memref_slice %arg2[%dma_wait3A_82, %dma_wait3A_83] : memref<30522x1024xf32, #tpu.memory_space<hbm>> -> memref<30522x1024xf32, #tpu.memory_space<hbm>>
      tpu.wait_indirect_dma semaphore(%arg14 : memref<!tpu.dma_semaphore, #tpu.memory_space<semaphore_mem>>) src(%dma_wait3A_84 : memref<30522x1024xf32, #tpu.memory_space<hbm>>) dst(%arg10 : memref<16x1024xf32, #tpu.memory_space<vmem>>)
      %mul3A_85 = arith.constant 16 : i32
      %mul3A_86 = arith.muli %add3A_81, %mul3A_85 : i32
      %add3A_87 = arith.addi %mul3A_2, %mul3A_86 : i32
      %dma_start3A_88 = arith.constant 0 : i32
      %dma_start3A_89 = tpu.memref_slice %arg4[%add3A_87, %dma_start3A_88] : memref<4096x1024xf32, #tpu.memory_space<hbm>> -> memref<16x1024xf32, #tpu.memory_space<hbm>>
      %dma_start3A_90 = arith.constant 0 : i32
      %dma_start3A_91 = tpu.memref_slice %arg4[%add3A_87, %dma_start3A_90] : memref<4096x1024xf32, #tpu.memory_space<hbm>> -> memref<16x1024xf32, #tpu.memory_space<hbm>>
      tpu.enqueue_dma source(%arg10 : memref<16x1024xf32, #tpu.memory_space<vmem>>) target(%dma_start3A_91 : memref<16x1024xf32, #tpu.memory_space<hbm>>) target_semaphore(%arg18 : memref<!tpu.dma_semaphore, #tpu.memory_space<semaphore_mem>>)
      %ge3A_92 = arith.constant 1 : i32
      %ge3A_93 = arith.cmpi sge, %add3A_81, %ge3A_92 : i32
      %add3A_94 = arith.constant 4 : i32
      %add3A_95 = arith.addi %add3A_81, %add3A_94 : i32
      %sub3A_96 = arith.constant 1 : i32
      %sub3A_97 = arith.subi %add3A_95, %sub3A_96 : i32
      %lt3A_98 = arith.constant 8 : i32
      %lt3A_99 = arith.cmpi slt, %sub3A_97, %lt3A_98 : i32
      %and3A_100 = arith.andi %ge3A_93, %lt3A_99 : i1
      %convert_element_type3A_101 = arith.extui %and3A_100 : i1 to i32
      %cond3A_102 = arith.constant 0 : i32
      %cond3A_103 = arith.cmpi ne, %convert_element_type3A_101, %cond3A_102 : i32
      scf.if %cond3A_103 {
        %sub3A_152 = arith.constant 1 : i32
        %sub3A_153 = arith.subi %add3A_81, %sub3A_152 : i32
        %mul3A_154 = arith.constant 16 : i32
        %mul3A_155 = arith.muli %sub3A_153, %mul3A_154 : i32
        %add3A_156 = arith.addi %mul3A_2, %mul3A_155 : i32
        %dma_wait3A_157 = arith.constant 0 : i32
        %dma_wait3A_158 = tpu.memref_slice %arg4[%add3A_156, %dma_wait3A_157] : memref<4096x1024xf32, #tpu.memory_space<hbm>> -> memref<16x1024xf32, #tpu.memory_space<hbm>>
        %dma_wait3A_159 = arith.constant 0 : i32
        %dma_wait3A_160 = tpu.memref_slice %arg4[%add3A_156, %dma_wait3A_159] : memref<4096x1024xf32, #tpu.memory_space<hbm>> -> memref<16x1024xf32, #tpu.memory_space<hbm>>
        tpu.wait_dma2 semaphore(%arg17 : memref<!tpu.dma_semaphore, #tpu.memory_space<semaphore_mem>>) src(%arg9 : memref<16x1024xf32, #tpu.memory_space<vmem>>) dst(%dma_wait3A_160 : memref<16x1024xf32, #tpu.memory_space<hbm>>)
        %add3A_161 = arith.constant 4 : i32
        %add3A_162 = arith.addi %add3A_81, %add3A_161 : i32
        %sub3A_163 = arith.constant 1 : i32
        %sub3A_164 = arith.subi %add3A_162, %sub3A_163 : i32
        %add3A_165 = arith.constant 8192 : i32
        %add3A_166 = arith.addi %add3A_165, %mul3A_2 : i32
        %mul3A_167 = arith.constant 16 : i32
        %mul3A_168 = arith.muli %sub3A_164, %mul3A_167 : i32
        %add3A_169 = arith.addi %add3A_166, %mul3A_168 : i32
        "tpu.region"() ({
          %run_scoped3A = tpu.sem_alloc : memref<!tpu.dma_semaphore, #tpu.memory_space<semaphore_mem>>
          %dma_start3A_173 = tpu.memref_slice %arg3[%add3A_169] : memref<16384xi32, #tpu.memory_space<hbm>> -> memref<16xi32, #tpu.memory_space<hbm>>
          %dma_start3A_174 = tpu.memref_slice %arg3[%add3A_169] : memref<16384xi32, #tpu.memory_space<hbm>> -> memref<16xi32, #tpu.memory_space<hbm>>
          tpu.enqueue_dma source(%dma_start3A_174 : memref<16xi32, #tpu.memory_space<hbm>>) target(%arg5 : memref<16xi32, #tpu.memory_space<vmem>>) target_semaphore(%run_scoped3A : memref<!tpu.dma_semaphore, #tpu.memory_space<semaphore_mem>>)
          %dma_wait3A_175 = tpu.memref_slice %arg3[%add3A_169] : memref<16384xi32, #tpu.memory_space<hbm>> -> memref<16xi32, #tpu.memory_space<hbm>>
          %dma_wait3A_176 = tpu.memref_slice %arg3[%add3A_169] : memref<16384xi32, #tpu.memory_space<hbm>> -> memref<16xi32, #tpu.memory_space<hbm>>
          tpu.wait_dma2 semaphore(%run_scoped3A : memref<!tpu.dma_semaphore, #tpu.memory_space<semaphore_mem>>) src(%dma_wait3A_176 : memref<16xi32, #tpu.memory_space<hbm>>) dst(%arg5 : memref<16xi32, #tpu.memory_space<vmem>>)
          tpu.yield
        }) : () -> ()
        %dma_start3A_170 = arith.constant 0 : i32
        %dma_start3A_171 = arith.constant 0 : i32
        %dma_start3A_172 = tpu.memref_slice %arg2[%dma_start3A_170, %dma_start3A_171] : memref<30522x1024xf32, #tpu.memory_space<hbm>> -> memref<30522x1024xf32, #tpu.memory_space<hbm>>
        tpu.enqueue_indirect_dma source(%dma_start3A_172 : memref<30522x1024xf32, #tpu.memory_space<hbm>>) target(%arg9 : memref<16x1024xf32, #tpu.memory_space<vmem>>) offsets(%arg5 : memref<16xi32, #tpu.memory_space<vmem>>) semaphore(%arg13 : memref<!tpu.dma_semaphore, #tpu.memory_space<semaphore_mem>>)
      } else {
      }
      %add3A_104 = arith.constant 2 : i32
      %add3A_105 = arith.addi %add3A_61, %add3A_104 : i32
      %dma_wait3A_106 = arith.constant 0 : i32
      %dma_wait3A_107 = arith.constant 0 : i32
      %dma_wait3A_108 = tpu.memref_slice %arg2[%dma_wait3A_106, %dma_wait3A_107] : memref<30522x1024xf32, #tpu.memory_space<hbm>> -> memref<30522x1024xf32, #tpu.memory_space<hbm>>
      tpu.wait_indirect_dma semaphore(%arg15 : memref<!tpu.dma_semaphore, #tpu.memory_space<semaphore_mem>>) src(%dma_wait3A_108 : memref<30522x1024xf32, #tpu.memory_space<hbm>>) dst(%arg11 : memref<16x1024xf32, #tpu.memory_space<vmem>>)
      %mul3A_109 = arith.constant 16 : i32
      %mul3A_110 = arith.muli %add3A_105, %mul3A_109 : i32
      %add3A_111 = arith.addi %mul3A_2, %mul3A_110 : i32
      %dma_start3A_112 = arith.constant 0 : i32
      %dma_start3A_113 = tpu.memref_slice %arg4[%add3A_111, %dma_start3A_112] : memref<4096x1024xf32, #tpu.memory_space<hbm>> -> memref<16x1024xf32, #tpu.memory_space<hbm>>
      %dma_start3A_114 = arith.constant 0 : i32
      %dma_start3A_115 = tpu.memref_slice %arg4[%add3A_111, %dma_start3A_114] : memref<4096x1024xf32, #tpu.memory_space<hbm>> -> memref<16x1024xf32, #tpu.memory_space<hbm>>
      tpu.enqueue_dma source(%arg11 : memref<16x1024xf32, #tpu.memory_space<vmem>>) target(%dma_start3A_115 : memref<16x1024xf32, #tpu.memory_space<hbm>>) target_semaphore(%arg19 : memref<!tpu.dma_semaphore, #tpu.memory_space<semaphore_mem>>)
      %ge3A_116 = arith.constant 1 : i32
      %ge3A_117 = arith.cmpi sge, %add3A_105, %ge3A_116 : i32
      %add3A_118 = arith.constant 4 : i32
      %add3A_119 = arith.addi %add3A_105, %add3A_118 : i32
      %sub3A_120 = arith.constant 1 : i32
      %sub3A_121 = arith.subi %add3A_119, %sub3A_120 : i32
      %lt3A_122 = arith.constant 8 : i32
      %lt3A_123 = arith.cmpi slt, %sub3A_121, %lt3A_122 : i32
      %and3A_124 = arith.andi %ge3A_117, %lt3A_123 : i1
      %convert_element_type3A_125 = arith.extui %and3A_124 : i1 to i32
      %cond3A_126 = arith.constant 0 : i32
      %cond3A_127 = arith.cmpi ne, %convert_element_type3A_125, %cond3A_126 : i32
      scf.if %cond3A_127 {
        %sub3A_152 = arith.constant 1 : i32
        %sub3A_153 = arith.subi %add3A_105, %sub3A_152 : i32
        %mul3A_154 = arith.constant 16 : i32
        %mul3A_155 = arith.muli %sub3A_153, %mul3A_154 : i32
        %add3A_156 = arith.addi %mul3A_2, %mul3A_155 : i32
        %dma_wait3A_157 = arith.constant 0 : i32
        %dma_wait3A_158 = tpu.memref_slice %arg4[%add3A_156, %dma_wait3A_157] : memref<4096x1024xf32, #tpu.memory_space<hbm>> -> memref<16x1024xf32, #tpu.memory_space<hbm>>
        %dma_wait3A_159 = arith.constant 0 : i32
        %dma_wait3A_160 = tpu.memref_slice %arg4[%add3A_156, %dma_wait3A_159] : memref<4096x1024xf32, #tpu.memory_space<hbm>> -> memref<16x1024xf32, #tpu.memory_space<hbm>>
        tpu.wait_dma2 semaphore(%arg18 : memref<!tpu.dma_semaphore, #tpu.memory_space<semaphore_mem>>) src(%arg10 : memref<16x1024xf32, #tpu.memory_space<vmem>>) dst(%dma_wait3A_160 : memref<16x1024xf32, #tpu.memory_space<hbm>>)
        %add3A_161 = arith.constant 4 : i32
        %add3A_162 = arith.addi %add3A_105, %add3A_161 : i32
        %sub3A_163 = arith.constant 1 : i32
        %sub3A_164 = arith.subi %add3A_162, %sub3A_163 : i32
        %add3A_165 = arith.constant 8192 : i32
        %add3A_166 = arith.addi %add3A_165, %mul3A_2 : i32
        %mul3A_167 = arith.constant 16 : i32
        %mul3A_168 = arith.muli %sub3A_164, %mul3A_167 : i32
        %add3A_169 = arith.addi %add3A_166, %mul3A_168 : i32
        "tpu.region"() ({
          %run_scoped3A = tpu.sem_alloc : memref<!tpu.dma_semaphore, #tpu.memory_space<semaphore_mem>>
          %dma_start3A_173 = tpu.memref_slice %arg3[%add3A_169] : memref<16384xi32, #tpu.memory_space<hbm>> -> memref<16xi32, #tpu.memory_space<hbm>>
          %dma_start3A_174 = tpu.memref_slice %arg3[%add3A_169] : memref<16384xi32, #tpu.memory_space<hbm>> -> memref<16xi32, #tpu.memory_space<hbm>>
          tpu.enqueue_dma source(%dma_start3A_174 : memref<16xi32, #tpu.memory_space<hbm>>) target(%arg6 : memref<16xi32, #tpu.memory_space<vmem>>) target_semaphore(%run_scoped3A : memref<!tpu.dma_semaphore, #tpu.memory_space<semaphore_mem>>)
          %dma_wait3A_175 = tpu.memref_slice %arg3[%add3A_169] : memref<16384xi32, #tpu.memory_space<hbm>> -> memref<16xi32, #tpu.memory_space<hbm>>
          %dma_wait3A_176 = tpu.memref_slice %arg3[%add3A_169] : memref<16384xi32, #tpu.memory_space<hbm>> -> memref<16xi32, #tpu.memory_space<hbm>>
          tpu.wait_dma2 semaphore(%run_scoped3A : memref<!tpu.dma_semaphore, #tpu.memory_space<semaphore_mem>>) src(%dma_wait3A_176 : memref<16xi32, #tpu.memory_space<hbm>>) dst(%arg6 : memref<16xi32, #tpu.memory_space<vmem>>)
          tpu.yield
        }) : () -> ()
        %dma_start3A_170 = arith.constant 0 : i32
        %dma_start3A_171 = arith.constant 0 : i32
        %dma_start3A_172 = tpu.memref_slice %arg2[%dma_start3A_170, %dma_start3A_171] : memref<30522x1024xf32, #tpu.memory_space<hbm>> -> memref<30522x1024xf32, #tpu.memory_space<hbm>>
        tpu.enqueue_indirect_dma source(%dma_start3A_172 : memref<30522x1024xf32, #tpu.memory_space<hbm>>) target(%arg10 : memref<16x1024xf32, #tpu.memory_space<vmem>>) offsets(%arg6 : memref<16xi32, #tpu.memory_space<vmem>>) semaphore(%arg14 : memref<!tpu.dma_semaphore, #tpu.memory_space<semaphore_mem>>)
      } else {
      }
      %add3A_128 = arith.constant 3 : i32
      %add3A_129 = arith.addi %add3A_61, %add3A_128 : i32
      %dma_wait3A_130 = arith.constant 0 : i32
      %dma_wait3A_131 = arith.constant 0 : i32
      %dma_wait3A_132 = tpu.memref_slice %arg2[%dma_wait3A_130, %dma_wait3A_131] : memref<30522x1024xf32, #tpu.memory_space<hbm>> -> memref<30522x1024xf32, #tpu.memory_space<hbm>>
      tpu.wait_indirect_dma semaphore(%arg16 : memref<!tpu.dma_semaphore, #tpu.memory_space<semaphore_mem>>) src(%dma_wait3A_132 : memref<30522x1024xf32, #tpu.memory_space<hbm>>) dst(%arg12 : memref<16x1024xf32, #tpu.memory_space<vmem>>)
      %mul3A_133 = arith.constant 16 : i32
      %mul3A_134 = arith.muli %add3A_129, %mul3A_133 : i32
      %add3A_135 = arith.addi %mul3A_2, %mul3A_134 : i32
      %dma_start3A_136 = arith.constant 0 : i32
      %dma_start3A_137 = tpu.memref_slice %arg4[%add3A_135, %dma_start3A_136] : memref<4096x1024xf32, #tpu.memory_space<hbm>> -> memref<16x1024xf32, #tpu.memory_space<hbm>>
      %dma_start3A_138 = arith.constant 0 : i32
      %dma_start3A_139 = tpu.memref_slice %arg4[%add3A_135, %dma_start3A_138] : memref<4096x1024xf32, #tpu.memory_space<hbm>> -> memref<16x1024xf32, #tpu.memory_space<hbm>>
      tpu.enqueue_dma source(%arg12 : memref<16x1024xf32, #tpu.memory_space<vmem>>) target(%dma_start3A_139 : memref<16x1024xf32, #tpu.memory_space<hbm>>) target_semaphore(%arg20 : memref<!tpu.dma_semaphore, #tpu.memory_space<semaphore_mem>>)
      %ge3A_140 = arith.constant 1 : i32
      %ge3A_141 = arith.cmpi sge, %add3A_129, %ge3A_140 : i32
      %add3A_142 = arith.constant 4 : i32
      %add3A_143 = arith.addi %add3A_129, %add3A_142 : i32
      %sub3A_144 = arith.constant 1 : i32
      %sub3A_145 = arith.subi %add3A_143, %sub3A_144 : i32
      %lt3A_146 = arith.constant 8 : i32
      %lt3A_147 = arith.cmpi slt, %sub3A_145, %lt3A_146 : i32
      %and3A_148 = arith.andi %ge3A_141, %lt3A_147 : i1
      %convert_element_type3A_149 = arith.extui %and3A_148 : i1 to i32
      %cond3A_150 = arith.constant 0 : i32
      %cond3A_151 = arith.cmpi ne, %convert_element_type3A_149, %cond3A_150 : i32
      scf.if %cond3A_151 {
        %sub3A_152 = arith.constant 1 : i32
        %sub3A_153 = arith.subi %add3A_129, %sub3A_152 : i32
        %mul3A_154 = arith.constant 16 : i32
        %mul3A_155 = arith.muli %sub3A_153, %mul3A_154 : i32
        %add3A_156 = arith.addi %mul3A_2, %mul3A_155 : i32
        %dma_wait3A_157 = arith.constant 0 : i32
        %dma_wait3A_158 = tpu.memref_slice %arg4[%add3A_156, %dma_wait3A_157] : memref<4096x1024xf32, #tpu.memory_space<hbm>> -> memref<16x1024xf32, #tpu.memory_space<hbm>>
        %dma_wait3A_159 = arith.constant 0 : i32
        %dma_wait3A_160 = tpu.memref_slice %arg4[%add3A_156, %dma_wait3A_159] : memref<4096x1024xf32, #tpu.memory_space<hbm>> -> memref<16x1024xf32, #tpu.memory_space<hbm>>
        tpu.wait_dma2 semaphore(%arg19 : memref<!tpu.dma_semaphore, #tpu.memory_space<semaphore_mem>>) src(%arg11 : memref<16x1024xf32, #tpu.memory_space<vmem>>) dst(%dma_wait3A_160 : memref<16x1024xf32, #tpu.memory_space<hbm>>)
        %add3A_161 = arith.constant 4 : i32
        %add3A_162 = arith.addi %add3A_129, %add3A_161 : i32
        %sub3A_163 = arith.constant 1 : i32
        %sub3A_164 = arith.subi %add3A_162, %sub3A_163 : i32
        %add3A_165 = arith.constant 8192 : i32
        %add3A_166 = arith.addi %add3A_165, %mul3A_2 : i32
        %mul3A_167 = arith.constant 16 : i32
        %mul3A_168 = arith.muli %sub3A_164, %mul3A_167 : i32
        %add3A_169 = arith.addi %add3A_166, %mul3A_168 : i32
        "tpu.region"() ({
          %run_scoped3A = tpu.sem_alloc : memref<!tpu.dma_semaphore, #tpu.memory_space<semaphore_mem>>
          %dma_start3A_173 = tpu.memref_slice %arg3[%add3A_169] : memref<16384xi32, #tpu.memory_space<hbm>> -> memref<16xi32, #tpu.memory_space<hbm>>
          %dma_start3A_174 = tpu.memref_slice %arg3[%add3A_169] : memref<16384xi32, #tpu.memory_space<hbm>> -> memref<16xi32, #tpu.memory_space<hbm>>
          tpu.enqueue_dma source(%dma_start3A_174 : memref<16xi32, #tpu.memory_space<hbm>>) target(%arg7 : memref<16xi32, #tpu.memory_space<vmem>>) target_semaphore(%run_scoped3A : memref<!tpu.dma_semaphore, #tpu.memory_space<semaphore_mem>>)
          %dma_wait3A_175 = tpu.memref_slice %arg3[%add3A_169] : memref<16384xi32, #tpu.memory_space<hbm>> -> memref<16xi32, #tpu.memory_space<hbm>>
          %dma_wait3A_176 = tpu.memref_slice %arg3[%add3A_169] : memref<16384xi32, #tpu.memory_space<hbm>> -> memref<16xi32, #tpu.memory_space<hbm>>
          tpu.wait_dma2 semaphore(%run_scoped3A : memref<!tpu.dma_semaphore, #tpu.memory_space<semaphore_mem>>) src(%dma_wait3A_176 : memref<16xi32, #tpu.memory_space<hbm>>) dst(%arg7 : memref<16xi32, #tpu.memory_space<vmem>>)
          tpu.yield
        }) : () -> ()
        %dma_start3A_170 = arith.constant 0 : i32
        %dma_start3A_171 = arith.constant 0 : i32
        %dma_start3A_172 = tpu.memref_slice %arg2[%dma_start3A_170, %dma_start3A_171] : memref<30522x1024xf32, #tpu.memory_space<hbm>> -> memref<30522x1024xf32, #tpu.memory_space<hbm>>
        tpu.enqueue_indirect_dma source(%dma_start3A_172 : memref<30522x1024xf32, #tpu.memory_space<hbm>>) target(%arg11 : memref<16x1024xf32, #tpu.memory_space<vmem>>) offsets(%arg7 : memref<16xi32, #tpu.memory_space<vmem>>) semaphore(%arg15 : memref<!tpu.dma_semaphore, #tpu.memory_space<semaphore_mem>>)
      } else {
      }
    }
    %scan3A_33 = arith.constant 2 : i32
    %add3A_34 = arith.constant 64 : i32
    %add3A_35 = arith.addi %mul3A_2, %add3A_34 : i32
    %dma_wait3A = arith.constant 0 : i32
    %dma_wait3A_36 = tpu.memref_slice %arg4[%add3A_35, %dma_wait3A] : memref<4096x1024xf32, #tpu.memory_space<hbm>> -> memref<16x1024xf32, #tpu.memory_space<hbm>>
    %dma_wait3A_37 = arith.constant 0 : i32
    %dma_wait3A_38 = tpu.memref_slice %arg4[%add3A_35, %dma_wait3A_37] : memref<4096x1024xf32, #tpu.memory_space<hbm>> -> memref<16x1024xf32, #tpu.memory_space<hbm>>
    tpu.wait_dma2 semaphore(%arg17 : memref<!tpu.dma_semaphore, #tpu.memory_space<semaphore_mem>>) src(%arg9 : memref<16x1024xf32, #tpu.memory_space<vmem>>) dst(%dma_wait3A_38 : memref<16x1024xf32, #tpu.memory_space<hbm>>)
    %add3A_39 = arith.constant 80 : i32
    %add3A_40 = arith.addi %mul3A_2, %add3A_39 : i32
    %dma_wait3A_41 = arith.constant 0 : i32
    %dma_wait3A_42 = tpu.memref_slice %arg4[%add3A_40, %dma_wait3A_41] : memref<4096x1024xf32, #tpu.memory_space<hbm>> -> memref<16x1024xf32, #tpu.memory_space<hbm>>
    %dma_wait3A_43 = arith.constant 0 : i32
    %dma_wait3A_44 = tpu.memref_slice %arg4[%add3A_40, %dma_wait3A_43] : memref<4096x1024xf32, #tpu.memory_space<hbm>> -> memref<16x1024xf32, #tpu.memory_space<hbm>>
    tpu.wait_dma2 semaphore(%arg18 : memref<!tpu.dma_semaphore, #tpu.memory_space<semaphore_mem>>) src(%arg10 : memref<16x1024xf32, #tpu.memory_space<vmem>>) dst(%dma_wait3A_44 : memref<16x1024xf32, #tpu.memory_space<hbm>>)
    %add3A_45 = arith.constant 96 : i32
    %add3A_46 = arith.addi %mul3A_2, %add3A_45 : i32
    %dma_wait3A_47 = arith.constant 0 : i32
    %dma_wait3A_48 = tpu.memref_slice %arg4[%add3A_46, %dma_wait3A_47] : memref<4096x1024xf32, #tpu.memory_space<hbm>> -> memref<16x1024xf32, #tpu.memory_space<hbm>>
    %dma_wait3A_49 = arith.constant 0 : i32
    %dma_wait3A_50 = tpu.memref_slice %arg4[%add3A_46, %dma_wait3A_49] : memref<4096x1024xf32, #tpu.memory_space<hbm>> -> memref<16x1024xf32, #tpu.memory_space<hbm>>
    tpu.wait_dma2 semaphore(%arg19 : memref<!tpu.dma_semaphore, #tpu.memory_space<semaphore_mem>>) src(%arg11 : memref<16x1024xf32, #tpu.memory_space<vmem>>) dst(%dma_wait3A_50 : memref<16x1024xf32, #tpu.memory_space<hbm>>)
    %add3A_51 = arith.constant 112 : i32
    %add3A_52 = arith.addi %mul3A_2, %add3A_51 : i32
    %dma_wait3A_53 = arith.constant 0 : i32
    %dma_wait3A_54 = tpu.memref_slice %arg4[%add3A_52, %dma_wait3A_53] : memref<4096x1024xf32, #tpu.memory_space<hbm>> -> memref<16x1024xf32, #tpu.memory_space<hbm>>
    %dma_wait3A_55 = arith.constant 0 : i32
    %dma_wait3A_56 = tpu.memref_slice %arg4[%add3A_52, %dma_wait3A_55] : memref<4096x1024xf32, #tpu.memory_space<hbm>> -> memref<16x1024xf32, #tpu.memory_space<hbm>>
    tpu.wait_dma2 semaphore(%arg20 : memref<!tpu.dma_semaphore, #tpu.memory_space<semaphore_mem>>) src(%arg12 : memref<16x1024xf32, #tpu.memory_space<vmem>>) dst(%dma_wait3A_56 : memref<16x1024xf32, #tpu.memory_space<hbm>>)
    return
  }
}

module attributes {stable_mosaic.version = 14 : i64} {
  func.func @_tc_body(%arg0: i32, %arg1: memref<512x1024xf32, #tpu.memory_space<vmem>>, %arg2: memref<1x1x512xi32, #tpu.memory_space<vmem>>, %arg3: memref<512x1024xf32, #tpu.memory_space<vmem>>, %arg4: memref<2x1024xf32, #tpu.memory_space<vmem>>, %arg5: memref<1x1024xf32, #tpu.memory_space<vmem>>, %arg6: memref<1x1024xf32, #tpu.memory_space<vmem>>, %arg7: memref<512x1024xf32, #tpu.memory_space<vmem>>) attributes {dimension_semantics = [#tpu.dimension_semantics<arbitrary>], iteration_bounds = array<i64: 8>, scalar_prefetch = 0 : i64, scratch_operands = 0 : i64, tpu.core_type = #tpu.core_type<tc>, window_params = [{transform_indices = @transform_0, window_bounds = array<i64: 512, 1024>}, {transform_indices = @transform_1, window_bounds = array<i64: 1, 1, 512>}, {pipeline_mode = #tpu.pipeline_mode<synchronous>, transform_indices = @transform_2, window_bounds = array<i64: 512, 1024>}, {pipeline_mode = #tpu.pipeline_mode<synchronous>, transform_indices = @transform_3, window_bounds = array<i64: 2, 1024>}, {pipeline_mode = #tpu.pipeline_mode<synchronous>, transform_indices = @transform_4, window_bounds = array<i64: 1, 1024>}, {pipeline_mode = #tpu.pipeline_mode<synchronous>, transform_indices = @transform_5, window_bounds = array<i64: 1, 1024>}, {transform_indices = @transform_6, window_bounds = array<i64: 512, 1024>}]} {
    %get3A = arith.constant 0 : index
    %get3A_0 = arith.constant 0 : index
    %get3A_1 = arith.constant 0 : index
    %get3A_2 = vector.load %arg2[%get3A, %get3A_0, %get3A_1] : memref<1x1x512xi32, #tpu.memory_space<vmem>>, vector<1x1x512xi32>
    %get3A_3 = vector.shape_cast %get3A_2 : vector<1x1x512xi32> to vector<512xi32>
    %convert_element_type3A = arith.sitofp %get3A_3 : vector<512xi32> to vector<512xf32>
    %broadcast_in_dim3A = vector.shape_cast %convert_element_type3A : vector<512xf32> to vector<512x1xf32>
    %get3A_4 = arith.constant 0 : index
    %get3A_5 = arith.constant 0 : index
    %get3A_6 = vector.load %arg4[%get3A_4, %get3A_5] : memref<2x1024xf32, #tpu.memory_space<vmem>>, vector<1x1024xf32>
    %get3A_7 = vector.shape_cast %get3A_6 : vector<1x1024xf32> to vector<1024xf32>
    %broadcast_in_dim3A_8 = vector.shape_cast %get3A_7 : vector<1024xf32> to vector<1x1024xf32>
    %get3A_9 = arith.constant 1 : index
    %get3A_10 = arith.constant 0 : index
    %get3A_11 = vector.load %arg4[%get3A_9, %get3A_10] : memref<2x1024xf32, #tpu.memory_space<vmem>>, vector<1x1024xf32>
    %get3A_12 = vector.shape_cast %get3A_11 : vector<1x1024xf32> to vector<1024xf32>
    %get3A_13 = arith.constant 0 : index
    %get3A_14 = arith.constant 0 : index
    %get3A_15 = vector.load %arg4[%get3A_13, %get3A_14] : memref<2x1024xf32, #tpu.memory_space<vmem>>, vector<1x1024xf32>
    %get3A_16 = vector.shape_cast %get3A_15 : vector<1x1024xf32> to vector<1024xf32>
    %sub3A = arith.subf %get3A_12, %get3A_16 : vector<1024xf32>
    %broadcast_in_dim3A_17 = vector.shape_cast %sub3A : vector<1024xf32> to vector<1x1024xf32>
    %get3A_18 = arith.constant 0 : index
    %get3A_19 = arith.constant 0 : index
    %get3A_20 = vector.load %arg1[%get3A_18, %get3A_19] : memref<512x1024xf32, #tpu.memory_space<vmem>>, vector<512x1024xf32>
    %get3A_21 = arith.constant 0 : index
    %get3A_22 = arith.constant 0 : index
    %get3A_23 = vector.load %arg3[%get3A_21, %get3A_22] : memref<512x1024xf32, #tpu.memory_space<vmem>>, vector<512x1024xf32>
    %add3A = arith.addf %get3A_20, %get3A_23 : vector<512x1024xf32>
    %add3A_24 = vector.broadcast %broadcast_in_dim3A_8 : vector<1x1024xf32> to vector<512x1024xf32>
    %add3A_25 = arith.addf %add3A, %add3A_24 : vector<512x1024xf32>
    %mul3A = vector.broadcast %broadcast_in_dim3A : vector<512x1xf32> to vector<512x1024xf32>
    %mul3A_26 = vector.broadcast %broadcast_in_dim3A_17 : vector<1x1024xf32> to vector<512x1024xf32>
    %mul3A_27 = arith.mulf %mul3A, %mul3A_26 : vector<512x1024xf32>
    %add3A_28 = arith.addf %add3A_25, %mul3A_27 : vector<512x1024xf32>
    %reduce_sum3A = arith.constant dense<0.000000e+00> : vector<512xf32>
    %reduce_sum3A_29 = vector.multi_reduction <add>, %add3A_28, %reduce_sum3A [1] : vector<512x1024xf32> to vector<512xf32>
    %broadcast_in_dim3A_30 = vector.shape_cast %reduce_sum3A_29 : vector<512xf32> to vector<512x1xf32>
    %div3A = arith.constant 1.024000e+03 : f32
    %div3A_31 = vector.broadcast %div3A : f32 to vector<512x1xf32>
    %div3A_32 = arith.divf %broadcast_in_dim3A_30, %div3A_31 : vector<512x1xf32>
    %sub3A_33 = vector.broadcast %div3A_32 : vector<512x1xf32> to vector<512x1024xf32>
    %sub3A_34 = arith.subf %add3A_28, %sub3A_33 : vector<512x1024xf32>
    %mul3A_35 = arith.mulf %sub3A_34, %sub3A_34 : vector<512x1024xf32>
    %reduce_sum3A_36 = arith.constant dense<0.000000e+00> : vector<512xf32>
    %reduce_sum3A_37 = vector.multi_reduction <add>, %mul3A_35, %reduce_sum3A_36 [1] : vector<512x1024xf32> to vector<512xf32>
    %broadcast_in_dim3A_38 = vector.shape_cast %reduce_sum3A_37 : vector<512xf32> to vector<512x1xf32>
    %div3A_39 = arith.constant 1.024000e+03 : f32
    %div3A_40 = vector.broadcast %div3A_39 : f32 to vector<512x1xf32>
    %div3A_41 = arith.divf %broadcast_in_dim3A_38, %div3A_40 : vector<512x1xf32>
    %add3A_42 = arith.constant 9.99999996E-13 : f32
    %add3A_43 = vector.broadcast %add3A_42 : f32 to vector<512x1xf32>
    %add3A_44 = arith.addf %div3A_41, %add3A_43 : vector<512x1xf32>
    %rsqrt3A = math.rsqrt %add3A_44 : vector<512x1xf32>
    %mul3A_45 = vector.broadcast %rsqrt3A : vector<512x1xf32> to vector<512x1024xf32>
    %mul3A_46 = arith.mulf %sub3A_34, %mul3A_45 : vector<512x1024xf32>
    %get3A_47 = arith.constant 0 : index
    %get3A_48 = arith.constant 0 : index
    %get3A_49 = vector.load %arg5[%get3A_47, %get3A_48] : memref<1x1024xf32, #tpu.memory_space<vmem>>, vector<1x1024xf32>
    %mul3A_50 = vector.broadcast %get3A_49 : vector<1x1024xf32> to vector<512x1024xf32>
    %mul3A_51 = arith.mulf %mul3A_46, %mul3A_50 : vector<512x1024xf32>
    %get3A_52 = arith.constant 0 : index
    %get3A_53 = arith.constant 0 : index
    %get3A_54 = vector.load %arg6[%get3A_52, %get3A_53] : memref<1x1024xf32, #tpu.memory_space<vmem>>, vector<1x1024xf32>
    %add3A_55 = vector.broadcast %get3A_54 : vector<1x1024xf32> to vector<512x1024xf32>
    %add3A_56 = arith.addf %mul3A_51, %add3A_55 : vector<512x1024xf32>
    %swap3A = arith.constant 0 : index
    %swap3A_57 = arith.constant 0 : index
    %swap3A_58 = vector.load %arg7[%swap3A, %swap3A_57] : memref<512x1024xf32, #tpu.memory_space<vmem>>, vector<512x1024xf32>
    tpu.vector_store %arg7[%swap3A, %swap3A_57], %add3A_56 {strides = array<i32>} : memref<512x1024xf32, #tpu.memory_space<vmem>>, vector<512x1024xf32>,
    return
  }
  func.func @transform_0(%arg0: i32) -> (i32, i32) {
    %c0_i32 = arith.constant 0 : i32
    %c0_i32_0 = arith.constant 0 : i32
    return %arg0, %c0_i32 : i32, i32
  }
  func.func @transform_1(%arg0: i32) -> (i32, i32, i32) {
    %add3A = arith.constant 0 : i32
    %add3A_0 = arith.addi %arg0, %add3A : i32
    %c0_i32 = arith.constant 0 : i32
    %c0_i32_1 = arith.constant 0 : i32
    %c0_i32_2 = arith.constant 0 : i32
    return %add3A_0, %c0_i32, %c0_i32_1 : i32, i32, i32
  }
  func.func @transform_2(%arg0: i32) -> (i32, i32) {
    %c0_i32 = arith.constant 0 : i32
    %c0_i32_0 = arith.constant 0 : i32
    %c0_i32_1 = arith.constant 0 : i32
    return %c0_i32, %c0_i32_0 : i32, i32
  }
  func.func @transform_3(%arg0: i32) -> (i32, i32) {
    %c0_i32 = arith.constant 0 : i32
    %c0_i32_0 = arith.constant 0 : i32
    %c0_i32_1 = arith.constant 0 : i32
    return %c0_i32, %c0_i32_0 : i32, i32
  }
  func.func @transform_4(%arg0: i32) -> (i32, i32) {
    %c0_i32 = arith.constant 0 : i32
    %c0_i32_0 = arith.constant 0 : i32
    %c0_i32_1 = arith.constant 0 : i32
    return %c0_i32, %c0_i32_0 : i32, i32
  }
  func.func @transform_5(%arg0: i32) -> (i32, i32) {
    %c0_i32 = arith.constant 0 : i32
    %c0_i32_0 = arith.constant 0 : i32
    %c0_i32_1 = arith.constant 0 : i32
    return %c0_i32, %c0_i32_0 : i32, i32
  }
  func.func @transform_6(%arg0: i32) -> (i32, i32) {
    %add3A = arith.constant 0 : i32
    %add3A_0 = arith.addi %arg0, %add3A : i32
    %c0_i32 = arith.constant 0 : i32
    %c0_i32_1 = arith.constant 0 : i32
    return %add3A_0, %c0_i32 : i32, i32
  }
}

module attributes {stable_mosaic.version = 14 : i64} {
  func.func @_tc_body(%arg0: i32, %arg1: memref<16384x1024xf32, #tpu.memory_space<any>>, %arg2: memref<512x1024xf32, #tpu.memory_space<vmem>>, %arg3: memref<1x1x512xi32, #tpu.memory_space<vmem>>, %arg4: memref<512x1024xf32, #tpu.memory_space<vmem>>, %arg5: memref<2x1024xf32, #tpu.memory_space<vmem>>, %arg6: memref<1x1024xf32, #tpu.memory_space<vmem>>, %arg7: memref<1x1024xf32, #tpu.memory_space<vmem>>, %arg8: memref<512x1024xf32, #tpu.memory_space<vmem>>) attributes {dimension_semantics = [#tpu.dimension_semantics<arbitrary>], iteration_bounds = array<i64: 8>, scalar_prefetch = 0 : i64, scratch_operands = 0 : i64, tpu.core_type = #tpu.core_type<tc>, window_params = [{}, {transform_indices = @transform_1, window_bounds = array<i64: 512, 1024>}, {transform_indices = @transform_2, window_bounds = array<i64: 1, 1, 512>}, {pipeline_mode = #tpu.pipeline_mode<synchronous>, transform_indices = @transform_3, window_bounds = array<i64: 512, 1024>}, {pipeline_mode = #tpu.pipeline_mode<synchronous>, transform_indices = @transform_4, window_bounds = array<i64: 2, 1024>}, {pipeline_mode = #tpu.pipeline_mode<synchronous>, transform_indices = @transform_5, window_bounds = array<i64: 1, 1024>}, {pipeline_mode = #tpu.pipeline_mode<synchronous>, transform_indices = @transform_6, window_bounds = array<i64: 1, 1024>}, {transform_indices = @transform_7, window_bounds = array<i64: 512, 1024>}]} {
    %get3A = arith.constant 0 : index
    %get3A_0 = arith.constant 0 : index
    %get3A_1 = arith.constant 0 : index
    %get3A_2 = vector.load %arg3[%get3A, %get3A_0, %get3A_1] : memref<1x1x512xi32, #tpu.memory_space<vmem>>, vector<1x1x512xi32>
    %get3A_3 = vector.shape_cast %get3A_2 : vector<1x1x512xi32> to vector<512xi32>
    %convert_element_type3A = arith.sitofp %get3A_3 : vector<512xi32> to vector<512xf32>
    %broadcast_in_dim3A = vector.shape_cast %convert_element_type3A : vector<512xf32> to vector<512x1xf32>
    %get3A_4 = arith.constant 0 : index
    %get3A_5 = arith.constant 0 : index
    %get3A_6 = vector.load %arg5[%get3A_4, %get3A_5] : memref<2x1024xf32, #tpu.memory_space<vmem>>, vector<1x1024xf32>
    %get3A_7 = vector.shape_cast %get3A_6 : vector<1x1024xf32> to vector<1024xf32>
    %broadcast_in_dim3A_8 = vector.shape_cast %get3A_7 : vector<1024xf32> to vector<1x1024xf32>
    %get3A_9 = arith.constant 1 : index
    %get3A_10 = arith.constant 0 : index
    %get3A_11 = vector.load %arg5[%get3A_9, %get3A_10] : memref<2x1024xf32, #tpu.memory_space<vmem>>, vector<1x1024xf32>
    %get3A_12 = vector.shape_cast %get3A_11 : vector<1x1024xf32> to vector<1024xf32>
    %get3A_13 = arith.constant 0 : index
    %get3A_14 = arith.constant 0 : index
    %get3A_15 = vector.load %arg5[%get3A_13, %get3A_14] : memref<2x1024xf32, #tpu.memory_space<vmem>>, vector<1x1024xf32>
    %get3A_16 = vector.shape_cast %get3A_15 : vector<1x1024xf32> to vector<1024xf32>
    %sub3A = arith.subf %get3A_12, %get3A_16 : vector<1024xf32>
    %broadcast_in_dim3A_17 = vector.shape_cast %sub3A : vector<1024xf32> to vector<1x1024xf32>
    %get3A_18 = arith.constant 0 : index
    %get3A_19 = arith.constant 0 : index
    %get3A_20 = vector.load %arg2[%get3A_18, %get3A_19] : memref<512x1024xf32, #tpu.memory_space<vmem>>, vector<512x1024xf32>
    %get3A_21 = arith.constant 0 : index
    %get3A_22 = arith.constant 0 : index
    %get3A_23 = vector.load %arg4[%get3A_21, %get3A_22] : memref<512x1024xf32, #tpu.memory_space<vmem>>, vector<512x1024xf32>
    %add3A = arith.addf %get3A_20, %get3A_23 : vector<512x1024xf32>
    %add3A_24 = vector.broadcast %broadcast_in_dim3A_8 : vector<1x1024xf32> to vector<512x1024xf32>
    %add3A_25 = arith.addf %add3A, %add3A_24 : vector<512x1024xf32>
    %mul3A = vector.broadcast %broadcast_in_dim3A : vector<512x1xf32> to vector<512x1024xf32>
    %mul3A_26 = vector.broadcast %broadcast_in_dim3A_17 : vector<1x1024xf32> to vector<512x1024xf32>
    %mul3A_27 = arith.mulf %mul3A, %mul3A_26 : vector<512x1024xf32>
    %add3A_28 = arith.addf %add3A_25, %mul3A_27 : vector<512x1024xf32>
    %reduce_sum3A = arith.constant dense<0.000000e+00> : vector<512xf32>
    %reduce_sum3A_29 = vector.multi_reduction <add>, %add3A_28, %reduce_sum3A [1] : vector<512x1024xf32> to vector<512xf32>
    %broadcast_in_dim3A_30 = vector.shape_cast %reduce_sum3A_29 : vector<512xf32> to vector<512x1xf32>
    %div3A = arith.constant 1.024000e+03 : f32
    %div3A_31 = vector.broadcast %div3A : f32 to vector<512x1xf32>
    %div3A_32 = arith.divf %broadcast_in_dim3A_30, %div3A_31 : vector<512x1xf32>
    %sub3A_33 = vector.broadcast %div3A_32 : vector<512x1xf32> to vector<512x1024xf32>
    %sub3A_34 = arith.subf %add3A_28, %sub3A_33 : vector<512x1024xf32>
    %mul3A_35 = arith.mulf %sub3A_34, %sub3A_34 : vector<512x1024xf32>
    %reduce_sum3A_36 = arith.constant dense<0.000000e+00> : vector<512xf32>
    %reduce_sum3A_37 = vector.multi_reduction <add>, %mul3A_35, %reduce_sum3A_36 [1] : vector<512x1024xf32> to vector<512xf32>
    %broadcast_in_dim3A_38 = vector.shape_cast %reduce_sum3A_37 : vector<512xf32> to vector<512x1xf32>
    %div3A_39 = arith.constant 1.024000e+03 : f32
    %div3A_40 = vector.broadcast %div3A_39 : f32 to vector<512x1xf32>
    %div3A_41 = arith.divf %broadcast_in_dim3A_38, %div3A_40 : vector<512x1xf32>
    %add3A_42 = arith.constant 9.99999996E-13 : f32
    %add3A_43 = vector.broadcast %add3A_42 : f32 to vector<512x1xf32>
    %add3A_44 = arith.addf %div3A_41, %add3A_43 : vector<512x1xf32>
    %rsqrt3A = math.rsqrt %add3A_44 : vector<512x1xf32>
    %mul3A_45 = vector.broadcast %rsqrt3A : vector<512x1xf32> to vector<512x1024xf32>
    %mul3A_46 = arith.mulf %sub3A_34, %mul3A_45 : vector<512x1024xf32>
    %get3A_47 = arith.constant 0 : index
    %get3A_48 = arith.constant 0 : index
    %get3A_49 = vector.load %arg6[%get3A_47, %get3A_48] : memref<1x1024xf32, #tpu.memory_space<vmem>>, vector<1x1024xf32>
    %mul3A_50 = vector.broadcast %get3A_49 : vector<1x1024xf32> to vector<512x1024xf32>
    %mul3A_51 = arith.mulf %mul3A_46, %mul3A_50 : vector<512x1024xf32>
    %get3A_52 = arith.constant 0 : index
    %get3A_53 = arith.constant 0 : index
    %get3A_54 = vector.load %arg7[%get3A_52, %get3A_53] : memref<1x1024xf32, #tpu.memory_space<vmem>>, vector<1x1024xf32>
    %add3A_55 = vector.broadcast %get3A_54 : vector<1x1024xf32> to vector<512x1024xf32>
    %add3A_56 = arith.addf %mul3A_51, %add3A_55 : vector<512x1024xf32>
    %swap3A = arith.constant 0 : index
    %swap3A_57 = arith.constant 0 : index
    %swap3A_58 = vector.load %arg8[%swap3A, %swap3A_57] : memref<512x1024xf32, #tpu.memory_space<vmem>>, vector<512x1024xf32>
    tpu.vector_store %arg8[%swap3A, %swap3A_57], %add3A_56 {strides = array<i32>} : memref<512x1024xf32, #tpu.memory_space<vmem>>, vector<512x1024xf32>,
    return
  }
  func.func @transform_1(%arg0: i32) -> (i32, i32) {
    %c0_i32 = arith.constant 0 : i32
    %c0_i32_0 = arith.constant 0 : i32
    return %arg0, %c0_i32 : i32, i32
  }
  func.func @transform_2(%arg0: i32) -> (i32, i32, i32) {
    %add3A = arith.constant 8 : i32
    %add3A_0 = arith.addi %arg0, %add3A : i32
    %c0_i32 = arith.constant 0 : i32
    %c0_i32_1 = arith.constant 0 : i32
    %c0_i32_2 = arith.constant 0 : i32
    return %add3A_0, %c0_i32, %c0_i32_1 : i32, i32, i32
  }
  func.func @transform_3(%arg0: i32) -> (i32, i32) {
    %c0_i32 = arith.constant 0 : i32
    %c0_i32_0 = arith.constant 0 : i32
    %c0_i32_1 = arith.constant 0 : i32
    return %c0_i32, %c0_i32_0 : i32, i32
  }
  func.func @transform_4(%arg0: i32) -> (i32, i32) {
    %c0_i32 = arith.constant 0 : i32
    %c0_i32_0 = arith.constant 0 : i32
    %c0_i32_1 = arith.constant 0 : i32
    return %c0_i32, %c0_i32_0 : i32, i32
  }
  func.func @transform_5(%arg0: i32) -> (i32, i32) {
    %c0_i32 = arith.constant 0 : i32
    %c0_i32_0 = arith.constant 0 : i32
    %c0_i32_1 = arith.constant 0 : i32
    return %c0_i32, %c0_i32_0 : i32, i32
  }
  func.func @transform_6(%arg0: i32) -> (i32, i32) {
    %c0_i32 = arith.constant 0 : i32
    %c0_i32_0 = arith.constant 0 : i32
    %c0_i32_1 = arith.constant 0 : i32
    return %c0_i32, %c0_i32_0 : i32, i32
  }
  func.func @transform_7(%arg0: i32) -> (i32, i32) {
    %add3A = arith.constant 8 : i32
    %add3A_0 = arith.addi %arg0, %add3A : i32
    %c0_i32 = arith.constant 0 : i32
    %c0_i32_1 = arith.constant 0 : i32
    return %add3A_0, %c0_i32 : i32, i32
  }
}

module attributes {stable_mosaic.version = 14 : i64} {
  func.func @_tc_body(%arg0: i32, %arg1: memref<16384x1024xf32, #tpu.memory_space<any>>, %arg2: memref<512x1024xf32, #tpu.memory_space<vmem>>, %arg3: memref<1x1x512xi32, #tpu.memory_space<vmem>>, %arg4: memref<512x1024xf32, #tpu.memory_space<vmem>>, %arg5: memref<2x1024xf32, #tpu.memory_space<vmem>>, %arg6: memref<1x1024xf32, #tpu.memory_space<vmem>>, %arg7: memref<1x1024xf32, #tpu.memory_space<vmem>>, %arg8: memref<512x1024xf32, #tpu.memory_space<vmem>>) attributes {dimension_semantics = [#tpu.dimension_semantics<arbitrary>], iteration_bounds = array<i64: 8>, scalar_prefetch = 0 : i64, scratch_operands = 0 : i64, tpu.core_type = #tpu.core_type<tc>, window_params = [{}, {transform_indices = @transform_1, window_bounds = array<i64: 512, 1024>}, {transform_indices = @transform_2, window_bounds = array<i64: 1, 1, 512>}, {pipeline_mode = #tpu.pipeline_mode<synchronous>, transform_indices = @transform_3, window_bounds = array<i64: 512, 1024>}, {pipeline_mode = #tpu.pipeline_mode<synchronous>, transform_indices = @transform_4, window_bounds = array<i64: 2, 1024>}, {pipeline_mode = #tpu.pipeline_mode<synchronous>, transform_indices = @transform_5, window_bounds = array<i64: 1, 1024>}, {pipeline_mode = #tpu.pipeline_mode<synchronous>, transform_indices = @transform_6, window_bounds = array<i64: 1, 1024>}, {transform_indices = @transform_7, window_bounds = array<i64: 512, 1024>}]} {
    %get3A = arith.constant 0 : index
    %get3A_0 = arith.constant 0 : index
    %get3A_1 = arith.constant 0 : index
    %get3A_2 = vector.load %arg3[%get3A, %get3A_0, %get3A_1] : memref<1x1x512xi32, #tpu.memory_space<vmem>>, vector<1x1x512xi32>
    %get3A_3 = vector.shape_cast %get3A_2 : vector<1x1x512xi32> to vector<512xi32>
    %convert_element_type3A = arith.sitofp %get3A_3 : vector<512xi32> to vector<512xf32>
    %broadcast_in_dim3A = vector.shape_cast %convert_element_type3A : vector<512xf32> to vector<512x1xf32>
    %get3A_4 = arith.constant 0 : index
    %get3A_5 = arith.constant 0 : index
    %get3A_6 = vector.load %arg5[%get3A_4, %get3A_5] : memref<2x1024xf32, #tpu.memory_space<vmem>>, vector<1x1024xf32>
    %get3A_7 = vector.shape_cast %get3A_6 : vector<1x1024xf32> to vector<1024xf32>
    %broadcast_in_dim3A_8 = vector.shape_cast %get3A_7 : vector<1024xf32> to vector<1x1024xf32>
    %get3A_9 = arith.constant 1 : index
    %get3A_10 = arith.constant 0 : index
    %get3A_11 = vector.load %arg5[%get3A_9, %get3A_10] : memref<2x1024xf32, #tpu.memory_space<vmem>>, vector<1x1024xf32>
    %get3A_12 = vector.shape_cast %get3A_11 : vector<1x1024xf32> to vector<1024xf32>
    %get3A_13 = arith.constant 0 : index
    %get3A_14 = arith.constant 0 : index
    %get3A_15 = vector.load %arg5[%get3A_13, %get3A_14] : memref<2x1024xf32, #tpu.memory_space<vmem>>, vector<1x1024xf32>
    %get3A_16 = vector.shape_cast %get3A_15 : vector<1x1024xf32> to vector<1024xf32>
    %sub3A = arith.subf %get3A_12, %get3A_16 : vector<1024xf32>
    %broadcast_in_dim3A_17 = vector.shape_cast %sub3A : vector<1024xf32> to vector<1x1024xf32>
    %get3A_18 = arith.constant 0 : index
    %get3A_19 = arith.constant 0 : index
    %get3A_20 = vector.load %arg2[%get3A_18, %get3A_19] : memref<512x1024xf32, #tpu.memory_space<vmem>>, vector<512x1024xf32>
    %get3A_21 = arith.constant 0 : index
    %get3A_22 = arith.constant 0 : index
    %get3A_23 = vector.load %arg4[%get3A_21, %get3A_22] : memref<512x1024xf32, #tpu.memory_space<vmem>>, vector<512x1024xf32>
    %add3A = arith.addf %get3A_20, %get3A_23 : vector<512x1024xf32>
    %add3A_24 = vector.broadcast %broadcast_in_dim3A_8 : vector<1x1024xf32> to vector<512x1024xf32>
    %add3A_25 = arith.addf %add3A, %add3A_24 : vector<512x1024xf32>
    %mul3A = vector.broadcast %broadcast_in_dim3A : vector<512x1xf32> to vector<512x1024xf32>
    %mul3A_26 = vector.broadcast %broadcast_in_dim3A_17 : vector<1x1024xf32> to vector<512x1024xf32>
    %mul3A_27 = arith.mulf %mul3A, %mul3A_26 : vector<512x1024xf32>
    %add3A_28 = arith.addf %add3A_25, %mul3A_27 : vector<512x1024xf32>
    %reduce_sum3A = arith.constant dense<0.000000e+00> : vector<512xf32>
    %reduce_sum3A_29 = vector.multi_reduction <add>, %add3A_28, %reduce_sum3A [1] : vector<512x1024xf32> to vector<512xf32>
    %broadcast_in_dim3A_30 = vector.shape_cast %reduce_sum3A_29 : vector<512xf32> to vector<512x1xf32>
    %div3A = arith.constant 1.024000e+03 : f32
    %div3A_31 = vector.broadcast %div3A : f32 to vector<512x1xf32>
    %div3A_32 = arith.divf %broadcast_in_dim3A_30, %div3A_31 : vector<512x1xf32>
    %sub3A_33 = vector.broadcast %div3A_32 : vector<512x1xf32> to vector<512x1024xf32>
    %sub3A_34 = arith.subf %add3A_28, %sub3A_33 : vector<512x1024xf32>
    %mul3A_35 = arith.mulf %sub3A_34, %sub3A_34 : vector<512x1024xf32>
    %reduce_sum3A_36 = arith.constant dense<0.000000e+00> : vector<512xf32>
    %reduce_sum3A_37 = vector.multi_reduction <add>, %mul3A_35, %reduce_sum3A_36 [1] : vector<512x1024xf32> to vector<512xf32>
    %broadcast_in_dim3A_38 = vector.shape_cast %reduce_sum3A_37 : vector<512xf32> to vector<512x1xf32>
    %div3A_39 = arith.constant 1.024000e+03 : f32
    %div3A_40 = vector.broadcast %div3A_39 : f32 to vector<512x1xf32>
    %div3A_41 = arith.divf %broadcast_in_dim3A_38, %div3A_40 : vector<512x1xf32>
    %add3A_42 = arith.constant 9.99999996E-13 : f32
    %add3A_43 = vector.broadcast %add3A_42 : f32 to vector<512x1xf32>
    %add3A_44 = arith.addf %div3A_41, %add3A_43 : vector<512x1xf32>
    %rsqrt3A = math.rsqrt %add3A_44 : vector<512x1xf32>
    %mul3A_45 = vector.broadcast %rsqrt3A : vector<512x1xf32> to vector<512x1024xf32>
    %mul3A_46 = arith.mulf %sub3A_34, %mul3A_45 : vector<512x1024xf32>
    %get3A_47 = arith.constant 0 : index
    %get3A_48 = arith.constant 0 : index
    %get3A_49 = vector.load %arg6[%get3A_47, %get3A_48] : memref<1x1024xf32, #tpu.memory_space<vmem>>, vector<1x1024xf32>
    %mul3A_50 = vector.broadcast %get3A_49 : vector<1x1024xf32> to vector<512x1024xf32>
    %mul3A_51 = arith.mulf %mul3A_46, %mul3A_50 : vector<512x1024xf32>
    %get3A_52 = arith.constant 0 : index
    %get3A_53 = arith.constant 0 : index
    %get3A_54 = vector.load %arg7[%get3A_52, %get3A_53] : memref<1x1024xf32, #tpu.memory_space<vmem>>, vector<1x1024xf32>
    %add3A_55 = vector.broadcast %get3A_54 : vector<1x1024xf32> to vector<512x1024xf32>
    %add3A_56 = arith.addf %mul3A_51, %add3A_55 : vector<512x1024xf32>
    %swap3A = arith.constant 0 : index
    %swap3A_57 = arith.constant 0 : index
    %swap3A_58 = vector.load %arg8[%swap3A, %swap3A_57] : memref<512x1024xf32, #tpu.memory_space<vmem>>, vector<512x1024xf32>
    tpu.vector_store %arg8[%swap3A, %swap3A_57], %add3A_56 {strides = array<i32>} : memref<512x1024xf32, #tpu.memory_space<vmem>>, vector<512x1024xf32>,
    return
  }
  func.func @transform_1(%arg0: i32) -> (i32, i32) {
    %c0_i32 = arith.constant 0 : i32
    %c0_i32_0 = arith.constant 0 : i32
    return %arg0, %c0_i32 : i32, i32
  }
  func.func @transform_2(%arg0: i32) -> (i32, i32, i32) {
    %add3A = arith.constant 16 : i32
    %add3A_0 = arith.addi %arg0, %add3A : i32
    %c0_i32 = arith.constant 0 : i32
    %c0_i32_1 = arith.constant 0 : i32
    %c0_i32_2 = arith.constant 0 : i32
    return %add3A_0, %c0_i32, %c0_i32_1 : i32, i32, i32
  }
  func.func @transform_3(%arg0: i32) -> (i32, i32) {
    %c0_i32 = arith.constant 0 : i32
    %c0_i32_0 = arith.constant 0 : i32
    %c0_i32_1 = arith.constant 0 : i32
    return %c0_i32, %c0_i32_0 : i32, i32
  }
  func.func @transform_4(%arg0: i32) -> (i32, i32) {
    %c0_i32 = arith.constant 0 : i32
    %c0_i32_0 = arith.constant 0 : i32
    %c0_i32_1 = arith.constant 0 : i32
    return %c0_i32, %c0_i32_0 : i32, i32
  }
  func.func @transform_5(%arg0: i32) -> (i32, i32) {
    %c0_i32 = arith.constant 0 : i32
    %c0_i32_0 = arith.constant 0 : i32
    %c0_i32_1 = arith.constant 0 : i32
    return %c0_i32, %c0_i32_0 : i32, i32
  }
  func.func @transform_6(%arg0: i32) -> (i32, i32) {
    %c0_i32 = arith.constant 0 : i32
    %c0_i32_0 = arith.constant 0 : i32
    %c0_i32_1 = arith.constant 0 : i32
    return %c0_i32, %c0_i32_0 : i32, i32
  }
  func.func @transform_7(%arg0: i32) -> (i32, i32) {
    %add3A = arith.constant 16 : i32
    %add3A_0 = arith.addi %arg0, %add3A : i32
    %c0_i32 = arith.constant 0 : i32
    %c0_i32_1 = arith.constant 0 : i32
    return %add3A_0, %c0_i32 : i32, i32
  }
}

module attributes {stable_mosaic.version = 14 : i64} {
  func.func @_tc_body(%arg0: i32, %arg1: memref<16384x1024xf32, #tpu.memory_space<any>>, %arg2: memref<512x1024xf32, #tpu.memory_space<vmem>>, %arg3: memref<1x1x512xi32, #tpu.memory_space<vmem>>, %arg4: memref<512x1024xf32, #tpu.memory_space<vmem>>, %arg5: memref<2x1024xf32, #tpu.memory_space<vmem>>, %arg6: memref<1x1024xf32, #tpu.memory_space<vmem>>, %arg7: memref<1x1024xf32, #tpu.memory_space<vmem>>, %arg8: memref<512x1024xf32, #tpu.memory_space<vmem>>) attributes {dimension_semantics = [#tpu.dimension_semantics<arbitrary>], iteration_bounds = array<i64: 8>, scalar_prefetch = 0 : i64, scratch_operands = 0 : i64, tpu.core_type = #tpu.core_type<tc>, window_params = [{}, {transform_indices = @transform_1, window_bounds = array<i64: 512, 1024>}, {transform_indices = @transform_2, window_bounds = array<i64: 1, 1, 512>}, {pipeline_mode = #tpu.pipeline_mode<synchronous>, transform_indices = @transform_3, window_bounds = array<i64: 512, 1024>}, {pipeline_mode = #tpu.pipeline_mode<synchronous>, transform_indices = @transform_4, window_bounds = array<i64: 2, 1024>}, {pipeline_mode = #tpu.pipeline_mode<synchronous>, transform_indices = @transform_5, window_bounds = array<i64: 1, 1024>}, {pipeline_mode = #tpu.pipeline_mode<synchronous>, transform_indices = @transform_6, window_bounds = array<i64: 1, 1024>}, {transform_indices = @transform_7, window_bounds = array<i64: 512, 1024>}]} {
    %get3A = arith.constant 0 : index
    %get3A_0 = arith.constant 0 : index
    %get3A_1 = arith.constant 0 : index
    %get3A_2 = vector.load %arg3[%get3A, %get3A_0, %get3A_1] : memref<1x1x512xi32, #tpu.memory_space<vmem>>, vector<1x1x512xi32>
    %get3A_3 = vector.shape_cast %get3A_2 : vector<1x1x512xi32> to vector<512xi32>
    %convert_element_type3A = arith.sitofp %get3A_3 : vector<512xi32> to vector<512xf32>
    %broadcast_in_dim3A = vector.shape_cast %convert_element_type3A : vector<512xf32> to vector<512x1xf32>
    %get3A_4 = arith.constant 0 : index
    %get3A_5 = arith.constant 0 : index
    %get3A_6 = vector.load %arg5[%get3A_4, %get3A_5] : memref<2x1024xf32, #tpu.memory_space<vmem>>, vector<1x1024xf32>
    %get3A_7 = vector.shape_cast %get3A_6 : vector<1x1024xf32> to vector<1024xf32>
    %broadcast_in_dim3A_8 = vector.shape_cast %get3A_7 : vector<1024xf32> to vector<1x1024xf32>
    %get3A_9 = arith.constant 1 : index
    %get3A_10 = arith.constant 0 : index
    %get3A_11 = vector.load %arg5[%get3A_9, %get3A_10] : memref<2x1024xf32, #tpu.memory_space<vmem>>, vector<1x1024xf32>
    %get3A_12 = vector.shape_cast %get3A_11 : vector<1x1024xf32> to vector<1024xf32>
    %get3A_13 = arith.constant 0 : index
    %get3A_14 = arith.constant 0 : index
    %get3A_15 = vector.load %arg5[%get3A_13, %get3A_14] : memref<2x1024xf32, #tpu.memory_space<vmem>>, vector<1x1024xf32>
    %get3A_16 = vector.shape_cast %get3A_15 : vector<1x1024xf32> to vector<1024xf32>
    %sub3A = arith.subf %get3A_12, %get3A_16 : vector<1024xf32>
    %broadcast_in_dim3A_17 = vector.shape_cast %sub3A : vector<1024xf32> to vector<1x1024xf32>
    %get3A_18 = arith.constant 0 : index
    %get3A_19 = arith.constant 0 : index
    %get3A_20 = vector.load %arg2[%get3A_18, %get3A_19] : memref<512x1024xf32, #tpu.memory_space<vmem>>, vector<512x1024xf32>
    %get3A_21 = arith.constant 0 : index
    %get3A_22 = arith.constant 0 : index
    %get3A_23 = vector.load %arg4[%get3A_21, %get3A_22] : memref<512x1024xf32, #tpu.memory_space<vmem>>, vector<512x1024xf32>
    %add3A = arith.addf %get3A_20, %get3A_23 : vector<512x1024xf32>
    %add3A_24 = vector.broadcast %broadcast_in_dim3A_8 : vector<1x1024xf32> to vector<512x1024xf32>
    %add3A_25 = arith.addf %add3A, %add3A_24 : vector<512x1024xf32>
    %mul3A = vector.broadcast %broadcast_in_dim3A : vector<512x1xf32> to vector<512x1024xf32>
    %mul3A_26 = vector.broadcast %broadcast_in_dim3A_17 : vector<1x1024xf32> to vector<512x1024xf32>
    %mul3A_27 = arith.mulf %mul3A, %mul3A_26 : vector<512x1024xf32>
    %add3A_28 = arith.addf %add3A_25, %mul3A_27 : vector<512x1024xf32>
    %reduce_sum3A = arith.constant dense<0.000000e+00> : vector<512xf32>
    %reduce_sum3A_29 = vector.multi_reduction <add>, %add3A_28, %reduce_sum3A [1] : vector<512x1024xf32> to vector<512xf32>
    %broadcast_in_dim3A_30 = vector.shape_cast %reduce_sum3A_29 : vector<512xf32> to vector<512x1xf32>
    %div3A = arith.constant 1.024000e+03 : f32
    %div3A_31 = vector.broadcast %div3A : f32 to vector<512x1xf32>
    %div3A_32 = arith.divf %broadcast_in_dim3A_30, %div3A_31 : vector<512x1xf32>
    %sub3A_33 = vector.broadcast %div3A_32 : vector<512x1xf32> to vector<512x1024xf32>
    %sub3A_34 = arith.subf %add3A_28, %sub3A_33 : vector<512x1024xf32>
    %mul3A_35 = arith.mulf %sub3A_34, %sub3A_34 : vector<512x1024xf32>
    %reduce_sum3A_36 = arith.constant dense<0.000000e+00> : vector<512xf32>
    %reduce_sum3A_37 = vector.multi_reduction <add>, %mul3A_35, %reduce_sum3A_36 [1] : vector<512x1024xf32> to vector<512xf32>
    %broadcast_in_dim3A_38 = vector.shape_cast %reduce_sum3A_37 : vector<512xf32> to vector<512x1xf32>
    %div3A_39 = arith.constant 1.024000e+03 : f32
    %div3A_40 = vector.broadcast %div3A_39 : f32 to vector<512x1xf32>
    %div3A_41 = arith.divf %broadcast_in_dim3A_38, %div3A_40 : vector<512x1xf32>
    %add3A_42 = arith.constant 9.99999996E-13 : f32
    %add3A_43 = vector.broadcast %add3A_42 : f32 to vector<512x1xf32>
    %add3A_44 = arith.addf %div3A_41, %add3A_43 : vector<512x1xf32>
    %rsqrt3A = math.rsqrt %add3A_44 : vector<512x1xf32>
    %mul3A_45 = vector.broadcast %rsqrt3A : vector<512x1xf32> to vector<512x1024xf32>
    %mul3A_46 = arith.mulf %sub3A_34, %mul3A_45 : vector<512x1024xf32>
    %get3A_47 = arith.constant 0 : index
    %get3A_48 = arith.constant 0 : index
    %get3A_49 = vector.load %arg6[%get3A_47, %get3A_48] : memref<1x1024xf32, #tpu.memory_space<vmem>>, vector<1x1024xf32>
    %mul3A_50 = vector.broadcast %get3A_49 : vector<1x1024xf32> to vector<512x1024xf32>
    %mul3A_51 = arith.mulf %mul3A_46, %mul3A_50 : vector<512x1024xf32>
    %get3A_52 = arith.constant 0 : index
    %get3A_53 = arith.constant 0 : index
    %get3A_54 = vector.load %arg7[%get3A_52, %get3A_53] : memref<1x1024xf32, #tpu.memory_space<vmem>>, vector<1x1024xf32>
    %add3A_55 = vector.broadcast %get3A_54 : vector<1x1024xf32> to vector<512x1024xf32>
    %add3A_56 = arith.addf %mul3A_51, %add3A_55 : vector<512x1024xf32>
    %swap3A = arith.constant 0 : index
    %swap3A_57 = arith.constant 0 : index
    %swap3A_58 = vector.load %arg8[%swap3A, %swap3A_57] : memref<512x1024xf32, #tpu.memory_space<vmem>>, vector<512x1024xf32>
    tpu.vector_store %arg8[%swap3A, %swap3A_57], %add3A_56 {strides = array<i32>} : memref<512x1024xf32, #tpu.memory_space<vmem>>, vector<512x1024xf32>,
    return
  }
  func.func @transform_1(%arg0: i32) -> (i32, i32) {
    %c0_i32 = arith.constant 0 : i32
    %c0_i32_0 = arith.constant 0 : i32
    return %arg0, %c0_i32 : i32, i32
  }
  func.func @transform_2(%arg0: i32) -> (i32, i32, i32) {
    %add3A = arith.constant 24 : i32
    %add3A_0 = arith.addi %arg0, %add3A : i32
    %c0_i32 = arith.constant 0 : i32
    %c0_i32_1 = arith.constant 0 : i32
    %c0_i32_2 = arith.constant 0 : i32
    return %add3A_0, %c0_i32, %c0_i32_1 : i32, i32, i32
  }
  func.func @transform_3(%arg0: i32) -> (i32, i32) {
    %c0_i32 = arith.constant 0 : i32
    %c0_i32_0 = arith.constant 0 : i32
    %c0_i32_1 = arith.constant 0 : i32
    return %c0_i32, %c0_i32_0 : i32, i32
  }
  func.func @transform_4(%arg0: i32) -> (i32, i32) {
    %c0_i32 = arith.constant 0 : i32
    %c0_i32_0 = arith.constant 0 : i32
    %c0_i32_1 = arith.constant 0 : i32
    return %c0_i32, %c0_i32_0 : i32, i32
  }
  func.func @transform_5(%arg0: i32) -> (i32, i32) {
    %c0_i32 = arith.constant 0 : i32
    %c0_i32_0 = arith.constant 0 : i32
    %c0_i32_1 = arith.constant 0 : i32
    return %c0_i32, %c0_i32_0 : i32, i32
  }
  func.func @transform_6(%arg0: i32) -> (i32, i32) {
    %c0_i32 = arith.constant 0 : i32
    %c0_i32_0 = arith.constant 0 : i32
    %c0_i32_1 = arith.constant 0 : i32
    return %c0_i32, %c0_i32_0 : i32, i32
  }
  func.func @transform_7(%arg0: i32) -> (i32, i32) {
    %add3A = arith.constant 24 : i32
    %add3A_0 = arith.addi %arg0, %add3A : i32
    %c0_i32 = arith.constant 0 : i32
    %c0_i32_1 = arith.constant 0 : i32
    return %add3A_0, %c0_i32 : i32, i32
  }
}

</mosaic_0001>

<sc_bundles>
// kernel: kernel.10.cloned.1.call-start
scs
__scs_entry_jumppad:
0x0: {  	(pc) =	sbr.rel $0x88, $3  }
0x1: {  	(tag) =	ssettag $0x0;
	lr =	simm.s32 $0x1  }
0x2: {  	[smem:$0x3F9A] =	sst lr;
	_ =	strace $0xD0000000  }
0x3: {  	_ = 	snop  }
0x4: {  	_ = 	snop  }
0x5: {  	_ = 	snop  }
0x6: {  	_ = 	snop  }
0x7: {  	_ = 	snop  }
__scs_overlays_trampoline_lowered:
0x8: {  	[smem:$0x3FA9] =	sst s0  }
0x9: {  	[smem:$0x3FAA] =	sst s1  }
0xa: {  	[smem:$0x3FAB] =	sst s2  }
0xb: {  	[smem:$0x3FAC] =	sst s3  }
0xc: {  	[smem:$0x3FAD] =	sst s4  }
0xd: {  	[smem:$0x3FAE] =	sst s5  }
0xe: {  	[smem:$0x3FAF] =	sst s6  }
0xf: {  	[smem:$0x3FB0] =	sst s7  }
0x10: {  	[smem:$0x3FB1] =	sst s8  }
0x11: {  	[smem:$0x3FB2] =	sst s9;
	s0 =	simm.s32 @!p0 $0x0  }
0x12: {  	s1 =	sld [smem:$0x3F98];
	s0 =	simm.s32 @p0 $0x1  }
0x13: {  	[smem:$0x3FB3] =	sst s0;
	s0 =	simm.s32 @!p1 $0x0  }
0x14: {  	s2 =	sld [smem:$0x3F97];
	s0 =	simm.s32 @p1 $0x1  }
0x15: {  	[smem:$0x3FB4] =	sst s0;
	s0 =	simm.s32 @!p2 $0x0  }
0x16: {  	s3 =	sld [smem:$0x3FDB];
	s0 =	simm.s32 @p2 $0x1  }
0x17: {  	s4 =	simm.s32 $0x1BF5;
	[smem:$0x3FB6] =	sst s0  }
0x18: {  	s0 =	sld [smem:$0x3F99];
	_ =	swait.ge [sflag:s4], $0x0  }
0x19: {  	s7 =	sld [smem:$0x3F9A]  }
0x1a: {  	s8 =	sadd.s32 $0xFFFFE003, lr  }
0x1b: {  	s9 =	sadd.s32 $0xFFFFFEF7, lr;
	s5 =	simm.s32 $0xFFFFFFFF;
	p2 =	slt.u32 s8, $0xFFFFF086  }
0x1c: {  	p1 =	slt.u32 s9, $0xF7A;
	s5 =	simm.s32 @!p2 $0x0  }
0x1d: {  	s5 =	simm.s32 @p1 $0x1;
	p0 =	seq.s32 s7, s2  }
0x1e: {  	s7 =	smul.u32 @!p0 $0xF7A, s2;
	p2 =	seq.s32 @!p0 s5, $0x0  }
0x1f: {  	s9 =	smul.u32 $0xF7A, s1;
	s8 =	simm.s32 @!p0 $0x1BF5;
	p2 =	por !p2, p0  }
0x20: {  	[sflag:s8] =	ssyncset.s32 @!p0 $0xFFFFF086;
	s6 =	sadd.s32 @!p0 s3, s7;
	s7 =	simm.s32 @!p0 $0x108  }
0x21: {  	s3 =	sadd.s32 s3, s9;
	s6 =	sadd.s32 @!p0 $0x88, s6;
	s7 =	simm.s32 @p2 $0x1082  }
0x22: {  	[simem:s7], [sflag:s8] =	dma.local @!p0 [hbm:s6], $0xF7A  }
0x23: {  	s9 =	sor.u32 $0xD0000000, s2;
	s6 =	simm.s32 $0x108;
	_ =	swait.ge @!p0 [sflag:s8], $0x0  }
0x24: {  	s3 =	sadd.s32 $0x88, s3;
	s6 =	simm.s32 @!p1 $0x1082;
	[sflag:s4] =	ssyncset.s32 $0xFFFFF086  }
0x25: {  	[simem:s6], [sflag:s4] =	dma.local [hbm:s3], $0xF7A  }
0x26: {  	[smem:$0x3F9A] =	sst s1;
	(tag) =	ssettag s2;
	_ =	strace s9  }
0x27: {  	s1 =	sld [smem:$0x3FAA]  }
0x28: {  	s2 =	sld [smem:$0x3FAB]  }
0x29: {  	s4 =	sld [smem:$0x3FAD]  }
0x2a: {  	p0 =	seq.s32 s5, $0x0;
	s5 =	sld [smem:$0x3FAE]  }
0x2b: {  	s6 =	sld [smem:$0x3FAF]  }
0x2c: {  	s7 =	sld [smem:$0x3FB0]  }
0x2d: {  	s3 =	simm.s32 $0x108;
	s8 =	sld [smem:$0x3FB1]  }
0x2e: {  	s3 =	simm.s32 @!p0 $0x1082;
	s9 =	sld [smem:$0x3FB2]  }
0x2f: {  	lr =	sadd.s32 s0, s3;
	s0 =	sld [smem:$0x3FA9]  }
0x30: {  	s3 =	sld [smem:$0x3FAC]  }
0x31: {  	[smem:$0x3FB5] =	sst s10  }
0x32: {  	s10 =	sld [smem:$0x3FB3];
	_ =	sdelay $0x3  }
0x33: {  	p0 =	seq.s32 s10, $0x1;
	s10 =	sld [smem:$0x3FB5];
	_ =	sdelay $0x3  }
0x34: {  	[smem:$0x3FB5] =	sst s10  }
0x35: {  	s10 =	sld [smem:$0x3FB4];
	_ =	sdelay $0x3  }
0x36: {  	p1 =	seq.s32 s10, $0x1;
	s10 =	sld [smem:$0x3FB5];
	_ =	sdelay $0x3  }
0x37: {  	[smem:$0x3FB5] =	sst s10  }
0x38: {  	s10 =	sld [smem:$0x3FB6]  }
0x39: {  	_ = 	snop;
	(pc) =	sbr.ind lr, $3  }
0x3a: {  	_ = 	snop  }
0x3b: {  	_ = 	snop  }
0x3c: {  	p2 =	seq.s32 s10, $0x1;
	s10 =	sld [smem:$0x3FB5]  }
0x3d: {  	_ =	shalt  }
0x3e: {  	_ =	shalt  }
0x3f: {  	_ =	shalt  }
0x40: {  	_ =	shalt  }
0x41: {  	_ =	shalt  }
0x42: {  	_ =	shalt  }
0x43: {  	_ =	shalt  }
0x44: {  	_ =	shalt  }
0x45: {  	_ =	shalt  }
0x46: {  	_ =	shalt  }
0x47: {  	_ =	shalt  }
0x48: {  	_ =	shalt  }
0x49: {  	_ =	shalt  }
0x4a: {  	_ =	shalt  }
0x4b: {  	_ =	shalt  }
0x4c: {  	_ =	shalt  }
0x4d: {  	_ =	shalt  }
0x4e: {  	_ =	shalt  }
0x4f: {  	_ =	shalt  }
0x50: {  	_ =	shalt  }
0x51: {  	_ =	shalt  }
0x52: {  	_ =	shalt  }
0x53: {  	_ =	shalt  }
0x54: {  	_ =	shalt  }
0x55: {  	_ =	shalt  }
0x56: {  	_ =	shalt  }
0x57: {  	_ =	shalt  }
0x58: {  	_ =	shalt  }
0x59: {  	_ =	shalt  }
0x5a: {  	_ =	shalt  }
0x5b: {  	_ =	shalt  }
0x5c: {  	_ =	shalt  }
0x5d: {  	_ =	shalt  }
0x5e: {  	_ =	shalt  }
0x5f: {  	_ =	shalt  }
0x60: {  	_ =	shalt  }
0x61: {  	_ =	shalt  }
0x62: {  	_ =	shalt  }
0x63: {  	_ =	shalt  }
0x64: {  	_ =	shalt  }
0x65: {  	_ =	shalt  }
0x66: {  	_ =	shalt  }
0x67: {  	_ =	shalt  }
0x68: {  	_ =	shalt  }
0x69: {  	_ =	shalt  }
0x6a: {  	_ =	shalt  }
0x6b: {  	_ =	shalt  }
0x6c: {  	_ =	shalt  }
0x6d: {  	_ =	shalt  }
0x6e: {  	_ =	shalt  }
0x6f: {  	_ =	shalt  }
0x70: {  	_ =	shalt  }
0x71: {  	_ =	shalt  }
0x72: {  	_ =	shalt  }
0x73: {  	_ =	shalt  }
0x74: {  	_ =	shalt  }
0x75: {  	_ =	shalt  }
0x76: {  	_ =	shalt  }
0x77: {  	_ =	shalt  }
0x78: {  	_ =	shalt  }
0x79: {  	_ =	shalt  }
0x7a: {  	_ =	shalt  }
0x7b: {  	_ =	shalt  }
0x7c: {  	_ =	shalt  }
0x7d: {  	_ =	shalt  }
0x7e: {  	_ =	shalt  }
0x7f: {  	_ =	shalt  }
0x80: {  	_ =	shalt  }
0x81: {  	_ =	shalt  }
0x82: {  	_ =	shalt  }
0x83: {  	_ =	shalt  }
0x84: {  	_ =	shalt  }
0x85: {  	_ =	shalt  }
0x86: {  	_ =	shalt  }
0x87: {  	_ =	shalt  }
.Lfunc_end0:
.L_simem_size_0:
called_computation_lowered:
.L_overlay_start_0:
0x88: {  	s2 =	sld [smem:$0x3FD9]  }
0x89: {  	s3 =	sld [smem:$0x3FFE];
	_ =	sdelay $0x1  }
0x8a: {  	s1 =	srdreg.scid  }
0x8b: {  	s0 =	sand.u32 $0x1, s1  }
0x8c: {  	s17 =	sshll.u32 s0, $0xA;
	s2 =	sadd.s32 s3, s2  }
0x8d: {  	s2 =	sadd.s32 s2, s17  }
0x8e: {  	[smem:$0x3FC1] =	sst s2  }
0x8f: {  	_ = 	snop  }
0x90: {  	s2 =	sld [smem:$0x3FC7]  }
0x91: {  	s18 =	sld [smem:$0x3FD0];
	(tm) =	ssettm $0x1  }
0x92: {  	s4 =	sld [smem:$0x3FFB];
	_ =	sdelay $0x3  }
0x93: {  	_ =	strace s4  }
0x94: {  	s4 =	sld [smem:$0x3FFC];
	_ =	sdelay $0x3  }
0x95: {  	_ =	strace s4  }
0x96: {  	s4 =	sld [smem:$0x3FFD];
	_ =	sdelay $0x3  }
0x97: {  	_ =	strace s4  }
0x98: {  	_ =	strace $0x8FFFFFFF  }
0x99: {  	s19 =	sld [smem:$0x3FDB];
	_ =	sdelay $0x1  }
0x9a: {  	s5 =	simm.s32 $_scs_section_size  }
0x9b: {  	s6 =	simm.s32 $_size__tile_overlayer_lowered;
	s7 =	simm.s32 $_tile_overlayer_lowered  }
0x9c: {  	s22 =	simm.s32 $0x1BFF;
	s21 =	sshll.u32 s7, $0x1;
	s4 =	sadd.s32 s5, s19  }
0x9d: {  	s8 =	simm.s32 $0x0;
	s20 =	sshll.u32 s6, $0x1;
	s6 =	sadd.s32 s21, s4  }
0x9e: {  	[timem:s8], [sflag:s22] =	dma.local [hbm:s6], s20  }
0x9f: {  	_ =	swait.ge [sflag:s22], s20  }
0xa0: {  	s5 =	ssub.s32 $0x0, s20;
	[sflag:s22] =	ssyncset.done $0x0  }
0xa1: {  	[sflag:s22] =	ssyncadd.s32 s5;
	_ =	sdelay $0x1  }
0xa2: {  	s23 =	simm.s32 $0x1B8B  }
0xa3: {  	_ =	swait.ge [sflag:s23], $0x1  }
0xa4: {  	[sflag:s23] =	ssyncset.done $0x0  }
0xa5: {  	s25 =	simm.s32 $0x1B8E;
	s24 =	sld [smem:$0x3FFE];
	[sflag:s23] =	ssyncadd.s32 $0xFFFFFFFF  }
0xa6: {  	s26 =	simm.s32 $execute0_lowered;
	[smem:$0x3FD2] =	sst s25  }
0xa7: {  	s6 =	sshll.u32 s26, $0x1;
	_ =	strace $0x80000046;
	[dreg:$0x1] =	wrdreg $0xFFFFFFFF  }
0xa8: {  	s28 =	simm.s32 $_size_execute0_lowered;
	s4 =	sadd.s32 s4, s6;
	[dreg:$0x0] =	wrdreg $0x0  }
0xa9: {  	s6 =	sshll.u32 s28, $0x1;
	[dreg:$0x2] =	wrdreg s4  }
0xaa: {  	[dreg:$0x3] =	wrdreg s6  }
0xab: {  	[dreg:$0x4] =	wrdreg $0xC0  }
0xac: {  	_ =	task [dreg:s8], $0x5FFFF  }
0xad: {  	[dreg:$0x1] =	wrdreg $0xFFFFFFFF  }
0xae: {  	[dreg:$0x0] =	wrdreg $0x60  }
0xaf: {  	[dreg:$0x2] =	wrdreg s2  }
0xb0: {  	[dreg:$0x3] =	wrdreg s24  }
0xb1: {  	[dreg:$0x4] =	wrdreg s18  }
0xb2: {  	[dreg:$0x5] =	wrdreg $0x9  }
0xb3: {  	_ =	task.clear_ibuf [dreg:s8], $0x6FFFF;
	_ =	strace $0x90000046  }
0xb4: {  	s29 =	simm.s32 $0x9;
	_ =	strace $0x80000048  }
0xb5: {  	_ =	swait.ge [sflag:s29], $0x1  }
0xb6: {  	[sflag:s29] =	ssyncadd.s32 $0xFFFFFFFF  }
0xb7: {  	_ =	strace $0x90000048  }
0xb8: {  	_ =	sfence  }
0xb9: {  	s30 =	sld [smem:$0x0];
	_ =	sdelay $0x2  }
0xba: {  	s31 =	sshll.u32 s1, $0xD;
	s1 =	sshrl.u32 s1, $0x2  }
0xbb: {  	s3 =	sand.u32 $0x4000, s31;
	s1 =	sadd.s32 s1, s30  }
0xbc: {  	s0 =	sor.u32 s3, s0;
	s1 =	sshll.u32 s1, $0x11  }
0xbd: {  	s0 =	sor.u32 s1, s0  }
0xbe: {  	s0 =	sadd.s32 $0x8F2B, s0  }
0xbf: {  	[sflag:s0] =	ssyncadd.remote.s32 $0x1  }
0xc0: {  	_ =	sfence.sel $0xFFFF  }
0xc1: {  	[dreg:$0x0] =	wrdreg $0xFFFFFFFF;
	(pc) =	sbr.abs _section_cstart, $3  }
0xc2: {  	[dreg:$0x1] =	wrdreg $0xFFFFFFFF  }
0xc3: {  	_ =	task.clear_ibuf [dreg:s8], $0x2FFFF;
	_ =	strace $0x9FFFFFFF  }
0xc4: {  	(tm) =	ssettm $0x7FFFFFFF  }
0xc5: {  	_ =	shalt  }
tec
execute0_lowered:
.L_overlay_start_1:
0x0: {  	(tag) =	ssettag $0x1  }
0x1: {  	s1 =	rddreg [dreg:$0x0]  }
0x2: {  	s0 =	rddreg [dreg:$0x1]  }
0x3: {  	s6 =	rddreg [dreg:$0x2];
	s2 =	srdreg.scid;
	s4 =	simm.s32 $0x0  }
0x4: {  	s3 =	stileid.u32;
	s12 =	simm.s32 $0x4200;
	s11 =	simm.s32 $0x9200  }
0x5: {  	s15 =	simm.s32 $0x9A00;
	s28 =	simm.s32 $0xBA00;
	s30 =	simm.s32 $0xC200  }
0x6: {  	s29 =	simm.s32 $0x1;
	s14 =	simm.s32 $0x6;
	s16 =	simm.s32 $0x4  }
0x7: {  	s17 =	simm.s32 $0x7;
	s18 =	simm.s32 $0x8;
	s2 =	sand.u32 $0x1, s2  }
0x8: {  	[smem:$0x7FF] =	sst s4;
	s3 =	sshll.u32 s3, $0x8;
	s7 =	sadd.s32 $0x2200, s0  }
0x9: {  	s8 =	sadd.s32 $0x100, s1;
	s9 =	sadd.s32 $0x200, s1;
	s10 =	sadd.s32 $0x300, s1  }
0xa: {  	s22 =	sadd.s32 $0x800, s6;
	_ =	strace $0x80000047;
	[dreg:$0x5] =	wrdreg s7  }
0xb: {  	s24 =	sadd.s32 $0x1000, s6;
	s5 =	sshll.u32 s2, $0x7;
	[dreg:$0x9] =	wrdreg s22  }
0xc: {  	s2 =	ssub.s32 $0x2, s2;
	[dreg:$0xb] =	wrdreg s24;
	s5 =	sor.u32 s5, s3  }
0xd: {  	s19 =	sshrl.u32 s2, $0x1;
	s3 =	sshrl.u32 s5, $0x3;
	s13 =	sshll.u32 s5, $0x7  }
0xe: {  	s0 =	ssub.s32 s2, s19;
	[dreg:$0x4] =	wrdreg s5;
	s26 =	sadd.s32 s13, s24  }
0xf: {  	s5 =	simm.s32 $0x5;
	s20 =	sadd.s32 s7, s3;
	[dreg:$0xe] =	wrdreg s26  }
0x10: {  	s19 =	simm.s32 $0x0;
	s0 =	smax.u32 s0, $0x1;
	[dreg:$0x6] =	wrdreg s20  }
0x11: {  	s24 =	simm.s32 $0x9;
	s3 =	sadd.s32 $0x2, s20;
	[dreg:$0x10] =	wrdreg s0  }
0x12: {  	s7 =	simm.s32 $0xAA00;
	s21 =	sadd.s32 $0x4, s20;
	[dreg:$0x7] =	wrdreg s3  }
0x13: {  	s23 =	sadd.s32 $0x6, s20;
	s25 =	sadd.s32 $0x8, s20;
	[dreg:$0x8] =	wrdreg s21  }
.Ltmp0:
0x14: {  	s31 =	sadd.s32 $0xA, s20;
	[dreg:$0xa] =	wrdreg s23;
	(pc) =	sbr.rel .LBB2_1-.Ltmp0, $4  }
0x15: {  	s0 =	simm.s32 $0x8200;
	s26 =	simm.s32 $0xB200;
	[dreg:$0xd] =	wrdreg s25  }
0x16: {  	v2 =	vlaneseq.u32;
	s3 =	sadd.s32 s13, s22;
	[dreg:$0xf] =	wrdreg s31;
	s21 =	sadd.s32 s6, s13  }
0x17: {  	vm0 =	vmmov $0xffff;
	v1 =	vshrl.u32 v2, $0x3;
	s22 =	sadd.s32 $0xC, s20;
	s25 =	simm.s32 $0x200;
	s23 =	simm.s32 $0xA200  }
0x18: {  	v0 =	vand.u32 $0x7, v2;
	v2 =	vor.u32 $0x8, v2;
	v1 =	vmul.u32 $0x8, v1;
	s6 =	simm.s32 $0x3;
	[dreg:$0xc] =	wrdreg s3;
	s3 =	simm.s32 $0x2  }
.LBB2_7:
0x19: {  	_ =	swait.ge [sflag:s5], $0x4000  }
0x1a: {  	[sflag:s5] =	ssyncset.done $0x0  }
0x1b: {  	[sflag:s5] =	ssyncadd.s32 $0xFFFFC000  }
0x1c: {  	_ =	swait.ge [sflag:s14], $0x4000  }
0x1d: {  	[sflag:s14] =	ssyncset.done $0x0  }
0x1e: {  	[sflag:s14] =	ssyncadd.s32 $0xFFFFC000  }
0x1f: {  	_ =	swait.ge [sflag:s17], $0x4000  }
0x20: {  	[sflag:s17] =	ssyncset.done $0x0  }
0x21: {  	[sflag:s17] =	ssyncadd.s32 $0xFFFFC000  }
0x22: {  	_ =	swait.ge [sflag:s18], $0x4000  }
0x23: {  	s19 =	rddreg [dreg:$0x11]  }
0x24: {  	s2 =	rddreg [dreg:$0x10];
	s19 =	sadd.s32 $0x1, s19  }
0x25: {  	p0 =	sne.s32 s19, s2  }
.Ltmp1:
0x26: {  	_ = 	snop;
	(pc) =	sbr.rel @!p0 .LBB2_8-.Ltmp1, $3  }
0x27: {  	_ =	sdelay $0x1  }
0x28: {  	[sflag:s18] =	ssyncset.done $0x0  }
0x29: {  	[sflag:s18] =	ssyncadd.s32 $0xFFFFC000  }
.LBB2_1:
0x2a: {  	[dreg:$0x11] =	wrdreg s19  }
0x2b: {  	s2 =	rddreg [dreg:$0x6]  }
0x2c: {  	[tilespmem:s4], [sflag:$0x9] =	stream.linear.gather [hbm4b:s2+s4], $0x10, $0x38;
	[tilespmem:$0x10200] =	vst v63  }
0x2d: {  	_ =	swait.ge [sflag:s24], $0x10  }
0x2e: {  	[sflag:s24] =	ssyncset.done $0x0  }
0x2f: {  	[sflag:s24] =	ssyncadd.s32 $0xFFFFFFF0  }
0x30: {  	v3 =	vld [tilespmem:$0x0];
	_ =	sdelay $0x4  }
0x31: {  	v4 =	vshll.u32 v3, $0x3  }
0x32: {  	v3 =	vand.u32 $0x7, v3;
	v4 =	vand.u32 $0xFFFFFFC0, v4  }
0x33: {  	v3 =	vor.u32 v3, v4  }
0x34: {  	v4 =	vperm.xlane v3, v0;
	_ =	sdelay $0x1  }
0x35: {  	v4 =	vadd.s32 v1, v4;
	_ =	sdelay $0x4  }
0x36: {  	[tilespmem:s25], [sflag:$0x1] =	stream.indirect_vreg.gather [hbm4b:s1+s4], $0x80, v4, vm0, $0xb8;
	[tilespmem:$0x10200] =	vst v63  }
0x37: {  	s31 =	simm.s32 $0xA00;
	v3 =	vperm.xlane v3, v2  }
0x38: {  	[tilespmem:s31], [sflag:$0x1] =	stream.indirect_vreg.gather [hbm4b:s8+s4], $0x80, v4, vm0, $0xb8;
	[tilespmem:$0x10200] =	vst v63  }
0x39: {  	s19 =	simm.s32 $0x1200;
	v3 =	vadd.s32 v1, v3  }
0x3a: {  	[tilespmem:s19], [sflag:$0x1] =	stream.indirect_vreg.gather [hbm4b:s9+s4], $0x80, v4, vm0, $0xb8;
	[tilespmem:$0x10200] =	vst v63  }
0x3b: {  	s20 =	simm.s32 $0x1A00  }
0x3c: {  	[tilespmem:s20], [sflag:$0x1] =	stream.indirect_vreg.gather [hbm4b:s10+s4], $0x80, v4, vm0, $0xb8;
	[tilespmem:$0x10200] =	vst v63  }
0x3d: {  	s31 =	simm.s32 $0x2200  }
0x3e: {  	[tilespmem:s31], [sflag:$0x1] =	stream.indirect_vreg.gather [hbm4b:s1+s4], $0x80, v3, vm0, $0xb8;
	[tilespmem:$0x10200] =	vst v63  }
0x3f: {  	s19 =	simm.s32 $0x2A00  }
0x40: {  	[tilespmem:s19], [sflag:$0x1] =	stream.indirect_vreg.gather [hbm4b:s8+s4], $0x80, v3, vm0, $0xb8;
	[tilespmem:$0x10200] =	vst v63  }
0x41: {  	s20 =	simm.s32 $0x3200  }
0x42: {  	[tilespmem:s20], [sflag:$0x1] =	stream.indirect_vreg.gather [hbm4b:s9+s4], $0x80, v3, vm0, $0xb8;
	[tilespmem:$0x10200] =	vst v63  }
0x43: {  	s31 =	simm.s32 $0x3A00  }
0x44: {  	[tilespmem:s31], [sflag:$0x1] =	stream.indirect_vreg.gather [hbm4b:s10+s4], $0x80, v3, vm0, $0xb8;
	[tilespmem:$0x10200] =	vst v63  }
0x45: {  	s19 =	rddreg [dreg:$0x7];
	s20 =	simm.s32 $0x80  }
0x46: {  	[tilespmem:s20], [sflag:$0x9] =	stream.linear.gather [hbm4b:s19+s4], $0x10, $0x38;
	[tilespmem:$0x10200] =	vst v63  }
0x47: {  	_ =	swait.ge [sflag:s24], $0x10  }
0x48: {  	[sflag:s24] =	ssyncset.done $0x0  }
0x49: {  	[sflag:s24] =	ssyncadd.s32 $0xFFFFFFF0  }
0x4a: {  	v3 =	vld [tilespmem:$0x80];
	_ =	sdelay $0x4  }
0x4b: {  	v61 =	vshll.u32 v3, $0x3  }
0x4c: {  	v3 =	vand.u32 $0x7, v3;
	v4 =	vand.u32 $0xFFFFFFC0, v61  }
0x4d: {  	v3 =	vor.u32 v3, v4  }
0x4e: {  	v4 =	vperm.xlane v3, v0;
	_ =	sdelay $0x1  }
0x4f: {  	v4 =	vadd.s32 v1, v4;
	_ =	sdelay $0x4  }
0x50: {  	[tilespmem:s12], [sflag:$0x2] =	stream.indirect_vreg.gather [hbm4b:s1+s4], $0x80, v4, vm0, $0xb8;
	[tilespmem:$0x10200] =	vst v63  }
0x51: {  	s31 =	simm.s32 $0x4A00;
	v3 =	vperm.xlane v3, v2  }
0x52: {  	[tilespmem:s31], [sflag:$0x2] =	stream.indirect_vreg.gather [hbm4b:s8+s4], $0x80, v4, vm0, $0xb8;
	[tilespmem:$0x10200] =	vst v63  }
0x53: {  	s19 =	simm.s32 $0x5200;
	v3 =	vadd.s32 v1, v3  }
0x54: {  	[tilespmem:s19], [sflag:$0x2] =	stream.indirect_vreg.gather [hbm4b:s9+s4], $0x80, v4, vm0, $0xb8;
	[tilespmem:$0x10200] =	vst v63  }
0x55: {  	s20 =	simm.s32 $0x5A00  }
0x56: {  	[tilespmem:s20], [sflag:$0x2] =	stream.indirect_vreg.gather [hbm4b:s10+s4], $0x80, v4, vm0, $0xb8;
	[tilespmem:$0x10200] =	vst v63  }
0x57: {  	s31 =	simm.s32 $0x6200  }
0x58: {  	[tilespmem:s31], [sflag:$0x2] =	stream.indirect_vreg.gather [hbm4b:s1+s4], $0x80, v3, vm0, $0xb8;
	[tilespmem:$0x10200] =	vst v63  }
0x59: {  	s19 =	simm.s32 $0x6A00  }
0x5a: {  	[tilespmem:s19], [sflag:$0x2] =	stream.indirect_vreg.gather [hbm4b:s8+s4], $0x80, v3, vm0, $0xb8;
	[tilespmem:$0x10200] =	vst v63  }
0x5b: {  	s20 =	simm.s32 $0x7200  }
0x5c: {  	[tilespmem:s20], [sflag:$0x2] =	stream.indirect_vreg.gather [hbm4b:s9+s4], $0x80, v3, vm0, $0xb8;
	[tilespmem:$0x10200] =	vst v63  }
0x5d: {  	s31 =	simm.s32 $0x7A00  }
0x5e: {  	[tilespmem:s31], [sflag:$0x2] =	stream.indirect_vreg.gather [hbm4b:s10+s4], $0x80, v3, vm0, $0xb8;
	[tilespmem:$0x10200] =	vst v63  }
0x5f: {  	s19 =	rddreg [dreg:$0x8];
	s20 =	simm.s32 $0x100  }
0x60: {  	[tilespmem:s20], [sflag:$0x9] =	stream.linear.gather [hbm4b:s19+s4], $0x10, $0x38;
	[tilespmem:$0x10200] =	vst v63  }
0x61: {  	_ =	swait.ge [sflag:s24], $0x10  }
0x62: {  	[sflag:s24] =	ssyncset.done $0x0  }
0x63: {  	[sflag:s24] =	ssyncadd.s32 $0xFFFFFFF0  }
0x64: {  	v3 =	vld [tilespmem:$0x100];
	_ =	sdelay $0x4  }
0x65: {  	v62 =	vshll.u32 v3, $0x3  }
0x66: {  	v3 =	vand.u32 $0x7, v3;
	v4 =	vand.u32 $0xFFFFFFC0, v62  }
0x67: {  	v3 =	vor.u32 v3, v4  }
0x68: {  	v4 =	vperm.xlane v3, v0;
	_ =	sdelay $0x1  }
0x69: {  	v4 =	vadd.s32 v1, v4;
	_ =	sdelay $0x4  }
0x6a: {  	[tilespmem:s0], [sflag:$0x3] =	stream.indirect_vreg.gather [hbm4b:s1+s4], $0x80, v4, vm0, $0xb8;
	[tilespmem:$0x10200] =	vst v63  }
0x6b: {  	s31 =	simm.s32 $0x8A00;
	v3 =	vperm.xlane v3, v2  }
0x6c: {  	[tilespmem:s31], [sflag:$0x3] =	stream.indirect_vreg.gather [hbm4b:s8+s4], $0x80, v4, vm0, $0xb8;
	[tilespmem:$0x10200] =	vst v63  }
0x6d: {  	v3 =	vadd.s32 v1, v3  }
0x6e: {  	[tilespmem:s11], [sflag:$0x3] =	stream.indirect_vreg.gather [hbm4b:s9+s4], $0x80, v4, vm0, $0xb8;
	[tilespmem:$0x10200] =	vst v63  }
0x6f: {  	_ = 	snop  }
0x70: {  	[tilespmem:s15], [sflag:$0x3] =	stream.indirect_vreg.gather [hbm4b:s10+s4], $0x80, v4, vm0, $0xb8;
	[tilespmem:$0x10200] =	vst v63  }
0x71: {  	_ = 	snop  }
0x72: {  	[tilespmem:s23], [sflag:$0x3] =	stream.indirect_vreg.gather [hbm4b:s1+s4], $0x80, v3, vm0, $0xb8;
	[tilespmem:$0x10200] =	vst v63  }
0x73: {  	_ = 	snop  }
0x74: {  	[tilespmem:s7], [sflag:$0x3] =	stream.indirect_vreg.gather [hbm4b:s8+s4], $0x80, v3, vm0, $0xb8;
	[tilespmem:$0x10200] =	vst v63  }
0x75: {  	_ = 	snop  }
0x76: {  	[tilespmem:s26], [sflag:$0x3] =	stream.indirect_vreg.gather [hbm4b:s9+s4], $0x80, v3, vm0, $0xb8;
	[tilespmem:$0x10200] =	vst v63  }
0x77: {  	_ = 	snop  }
0x78: {  	[tilespmem:s28], [sflag:$0x3] =	stream.indirect_vreg.gather [hbm4b:s10+s4], $0x80, v3, vm0, $0xb8;
	[tilespmem:$0x10200] =	vst v63  }
0x79: {  	s20 =	simm.s32 $0x180;
	s19 =	rddreg [dreg:$0xa]  }
0x7a: {  	[tilespmem:s20], [sflag:$0x9] =	stream.linear.gather [hbm4b:s19+s4], $0x10, $0x38;
	[tilespmem:$0x10200] =	vst v63  }
0x7b: {  	_ =	swait.ge [sflag:s24], $0x10  }
0x7c: {  	[sflag:s24] =	ssyncset.done $0x0  }
0x7d: {  	[sflag:s24] =	ssyncadd.s32 $0xFFFFFFF0  }
0x7e: {  	v3 =	vld [tilespmem:$0x180];
	_ =	sdelay $0x4  }
0x7f: {  	v63 =	vshll.u32 v3, $0x3  }
0x80: {  	v3 =	vand.u32 $0x7, v3;
	v4 =	vand.u32 $0xFFFFFFC0, v63  }
0x81: {  	v3 =	vor.u32 v3, v4  }
0x82: {  	v4 =	vperm.xlane v3, v0;
	_ =	sdelay $0x1  }
0x83: {  	v4 =	vadd.s32 v1, v4;
	_ =	sdelay $0x4  }
0x84: {  	[tilespmem:s30], [sflag:$0x4] =	stream.indirect_vreg.gather [hbm4b:s1+s4], $0x80, v4, vm0, $0xb8;
	[tilespmem:$0x10200] =	vst v63  }
0x85: {  	s31 =	simm.s32 $0xCA00;
	v3 =	vperm.xlane v3, v2  }
0x86: {  	[tilespmem:s31], [sflag:$0x4] =	stream.indirect_vreg.gather [hbm4b:s8+s4], $0x80, v4, vm0, $0xb8;
	[tilespmem:$0x10200] =	vst v63  }
0x87: {  	s19 =	simm.s32 $0xD200;
	v3 =	vadd.s32 v1, v3  }
0x88: {  	[tilespmem:s19], [sflag:$0x4] =	stream.indirect_vreg.gather [hbm4b:s9+s4], $0x80, v4, vm0, $0xb8;
	[tilespmem:$0x10200] =	vst v63  }
0x89: {  	s20 =	simm.s32 $0xDA00  }
0x8a: {  	[tilespmem:s20], [sflag:$0x4] =	stream.indirect_vreg.gather [hbm4b:s10+s4], $0x80, v4, vm0, $0xb8;
	[tilespmem:$0x10200] =	vst v63  }
0x8b: {  	s31 =	simm.s32 $0xE200  }
0x8c: {  	[tilespmem:s31], [sflag:$0x4] =	stream.indirect_vreg.gather [hbm4b:s1+s4], $0x80, v3, vm0, $0xb8;
	[tilespmem:$0x10200] =	vst v63  }
0x8d: {  	s19 =	simm.s32 $0xEA00  }
0x8e: {  	[tilespmem:s19], [sflag:$0x4] =	stream.indirect_vreg.gather [hbm4b:s8+s4], $0x80, v3, vm0, $0xb8;
	[tilespmem:$0x10200] =	vst v63  }
0x8f: {  	s20 =	simm.s32 $0xF200  }
0x90: {  	[tilespmem:s20], [sflag:$0x4] =	stream.indirect_vreg.gather [hbm4b:s9+s4], $0x80, v3, vm0, $0xb8;
	[tilespmem:$0x10200] =	vst v63  }
0x91: {  	p0 =	por $0x1, $0x1;
	s31 =	simm.s32 $0xFA00;
	s19 =	simm.s32 $0x0  }
0x92: {  	[tilespmem:s31], [sflag:$0x4] =	stream.indirect_vreg.gather [hbm4b:s10+s4], $0x80, v3, vm0, $0xb8;
	[tilespmem:$0x10200] =	vst v63  }
.LBB2_2:
0x93: {  	_ =	swait.ge [sflag:s29], $0x4000  }
.Ltmp2:
0x94: {  	[sflag:s29] =	ssyncset.done $0x0;
	(pc) =	sbr.rel @!p0 .LBB2_3-.Ltmp2, $4  }
0x95: {  	s20 =	sshll.u32 s19, $0xD;
	[sflag:s29] =	ssyncadd.s32 $0xFFFFC000  }
0x96: {  	s20 =	sor.u32 s13, s20;
	s31 =	rddreg [dreg:$0x2]  }
0x97: {  	s19 =	sshllo.u32 s19, $0x2;
	s31 =	sadd.s32 s31, s20  }
0x98: {  	[hbm4b:s31+s4] =	stream.linear.scatter [tilespmem:s25], [sflag:$0x5], $0x4000, $0x38;
	[tilespmem:$0x10200] =	vst v63  }
0x99: {  	_ =	swait.ge [sflag:s3], $0x4000  }
0x9a: {  	[sflag:s3] =	ssyncset.done $0x0  }
0x9b: {  	s2 =	rddreg [dreg:$0xc];
	[sflag:s3] =	ssyncadd.s32 $0xFFFFC000  }
0x9c: {  	[hbm4b:s2+s4] =	stream.linear.scatter [tilespmem:s12], [sflag:$0x6], $0x4000, $0x38;
	[tilespmem:$0x10200] =	vst v63  }
0x9d: {  	_ =	swait.ge [sflag:s5], $0x4000  }
0x9e: {  	[sflag:s5] =	ssyncset.done $0x0  }
0x9f: {  	s20 =	rddreg [dreg:$0xd];
	[sflag:s5] =	ssyncadd.s32 $0xFFFFC000  }
0xa0: {  	[tilespmem:s4], [sflag:$0x9] =	stream.linear.gather [hbm4b:s20+s4], $0x10, $0x38;
	[tilespmem:$0x10200] =	vst v63  }
0xa1: {  	_ =	swait.ge [sflag:s24], $0x10  }
0xa2: {  	[sflag:s24] =	ssyncset.done $0x0  }
0xa3: {  	[sflag:s24] =	ssyncadd.s32 $0xFFFFFFF0  }
0xa4: {  	v3 =	vld [tilespmem:$0x0];
	_ =	sdelay $0x4  }
0xa5: {  	v4 =	vshll.u32 v3, $0x3  }
0xa6: {  	v3 =	vand.u32 $0x7, v3;
	v4 =	vand.u32 $0xFFFFFFC0, v4  }
0xa7: {  	v3 =	vor.u32 v3, v4  }
0xa8: {  	v4 =	vperm.xlane v3, v0;
	_ =	sdelay $0x1  }
0xa9: {  	v4 =	vadd.s32 v1, v4;
	_ =	sdelay $0x4  }
0xaa: {  	[tilespmem:s25], [sflag:$0x1] =	stream.indirect_vreg.gather [hbm4b:s1+s4], $0x80, v4, vm0, $0xb8;
	[tilespmem:$0x10200] =	vst v63  }
0xab: {  	s31 =	simm.s32 $0xA00;
	v3 =	vperm.xlane v3, v2  }
0xac: {  	[tilespmem:s31], [sflag:$0x1] =	stream.indirect_vreg.gather [hbm4b:s8+s4], $0x80, v4, vm0, $0xb8;
	[tilespmem:$0x10200] =	vst v63  }
0xad: {  	s20 =	simm.s32 $0x1200;
	v3 =	vadd.s32 v1, v3  }
0xae: {  	[tilespmem:s20], [sflag:$0x1] =	stream.indirect_vreg.gather [hbm4b:s9+s4], $0x80, v4, vm0, $0xb8;
	[tilespmem:$0x10200] =	vst v63  }
0xaf: {  	s31 =	simm.s32 $0x1A00  }
0xb0: {  	[tilespmem:s31], [sflag:$0x1] =	stream.indirect_vreg.gather [hbm4b:s10+s4], $0x80, v4, vm0, $0xb8;
	[tilespmem:$0x10200] =	vst v63  }
0xb1: {  	s20 =	simm.s32 $0x2200  }
0xb2: {  	[tilespmem:s20], [sflag:$0x1] =	stream.indirect_vreg.gather [hbm4b:s1+s4], $0x80, v3, vm0, $0xb8;
	[tilespmem:$0x10200] =	vst v63  }
0xb3: {  	s31 =	simm.s32 $0x2A00  }
0xb4: {  	[tilespmem:s31], [sflag:$0x1] =	stream.indirect_vreg.gather [hbm4b:s8+s4], $0x80, v3, vm0, $0xb8;
	[tilespmem:$0x10200] =	vst v63  }
0xb5: {  	s20 =	simm.s32 $0x3200  }
0xb6: {  	[tilespmem:s20], [sflag:$0x1] =	stream.indirect_vreg.gather [hbm4b:s9+s4], $0x80, v3, vm0, $0xb8;
	[tilespmem:$0x10200] =	vst v63  }
0xb7: {  	s31 =	simm.s32 $0x3A00  }
0xb8: {  	[tilespmem:s31], [sflag:$0x1] =	stream.indirect_vreg.gather [hbm4b:s10+s4], $0x80, v3, vm0, $0xb8;
	[tilespmem:$0x10200] =	vst v63  }
0xb9: {  	_ =	swait.ge [sflag:s6], $0x4000  }
0xba: {  	[sflag:s6] =	ssyncset.done $0x0  }
0xbb: {  	s20 =	rddreg [dreg:$0xe];
	[sflag:s6] =	ssyncadd.s32 $0xFFFFC000  }
0xbc: {  	[hbm4b:s20+s4] =	stream.linear.scatter [tilespmem:s0], [sflag:$0x7], $0x4000, $0x38;
	[tilespmem:$0x10200] =	vst v63  }
0xbd: {  	_ =	swait.ge [sflag:s14], $0x4000  }
0xbe: {  	[sflag:s14] =	ssyncset.done $0x0  }
0xbf: {  	s20 =	simm.s32 $0x80;
	s31 =	rddreg [dreg:$0xf];
	[sflag:s14] =	ssyncadd.s32 $0xFFFFC000  }
0xc0: {  	[tilespmem:s20], [sflag:$0x9] =	stream.linear.gather [hbm4b:s31+s4], $0x10, $0x38;
	[tilespmem:$0x10200] =	vst v63  }
0xc1: {  	_ =	swait.ge [sflag:s24], $0x10  }
0xc2: {  	[sflag:s24] =	ssyncset.done $0x0  }
0xc3: {  	[sflag:s24] =	ssyncadd.s32 $0xFFFFFFF0  }
0xc4: {  	v3 =	vld [tilespmem:$0x80];
	_ =	sdelay $0x4  }
0xc5: {  	v63 =	vshll.u32 v3, $0x3  }
0xc6: {  	v3 =	vand.u32 $0x7, v3;
	v4 =	vand.u32 $0xFFFFFFC0, v63  }
0xc7: {  	v3 =	vor.u32 v3, v4  }
0xc8: {  	v4 =	vperm.xlane v3, v0;
	_ =	sdelay $0x1  }
0xc9: {  	v4 =	vadd.s32 v1, v4;
	_ =	sdelay $0x4  }
0xca: {  	[tilespmem:s12], [sflag:$0x2] =	stream.indirect_vreg.gather [hbm4b:s1+s4], $0x80, v4, vm0, $0xb8;
	[tilespmem:$0x10200] =	vst v63  }
0xcb: {  	s31 =	simm.s32 $0x4A00;
	v3 =	vperm.xlane v3, v2  }
0xcc: {  	[tilespmem:s31], [sflag:$0x2] =	stream.indirect_vreg.gather [hbm4b:s8+s4], $0x80, v4, vm0, $0xb8;
	[tilespmem:$0x10200] =	vst v63  }
0xcd: {  	s20 =	simm.s32 $0x5200;
	v3 =	vadd.s32 v1, v3  }
0xce: {  	[tilespmem:s20], [sflag:$0x2] =	stream.indirect_vreg.gather [hbm4b:s9+s4], $0x80, v4, vm0, $0xb8;
	[tilespmem:$0x10200] =	vst v63  }
0xcf: {  	s31 =	simm.s32 $0x5A00  }
0xd0: {  	[tilespmem:s31], [sflag:$0x2] =	stream.indirect_vreg.gather [hbm4b:s10+s4], $0x80, v4, vm0, $0xb8;
	[tilespmem:$0x10200] =	vst v63  }
0xd1: {  	s20 =	simm.s32 $0x6200  }
0xd2: {  	[tilespmem:s20], [sflag:$0x2] =	stream.indirect_vreg.gather [hbm4b:s1+s4], $0x80, v3, vm0, $0xb8;
	[tilespmem:$0x10200] =	vst v63  }
0xd3: {  	s31 =	simm.s32 $0x6A00  }
0xd4: {  	[tilespmem:s31], [sflag:$0x2] =	stream.indirect_vreg.gather [hbm4b:s8+s4], $0x80, v3, vm0, $0xb8;
	[tilespmem:$0x10200] =	vst v63  }
.Ltmp3:
0xd5: {  	_ = 	snop;
	(pc) =	sbr.rel .LBB2_5-.Ltmp3, $4  }
0xd6: {  	s20 =	simm.s32 $0x7200  }
0xd7: {  	[tilespmem:s20], [sflag:$0x2] =	stream.indirect_vreg.gather [hbm4b:s9+s4], $0x80, v3, vm0, $0xb8;
	[tilespmem:$0x10200] =	vst v63  }
0xd8: {  	s31 =	simm.s32 $0x7A00  }
0xd9: {  	[tilespmem:s31], [sflag:$0x2] =	stream.indirect_vreg.gather [hbm4b:s10+s4], $0x80, v3, vm0, $0xb8;
	[tilespmem:$0x10200] =	vst v63  }
.LBB2_3:
0xda: {  	_ =	swait.ge [sflag:s18], $0x4000  }
0xdb: {  	s31 =	sshll.u32 s19, $0x4;
	s2 =	rddreg [dreg:$0x4]  }
0xdc: {  	s31 =	sor.u32 s2, s31  }
0xdd: {  	[sflag:s18] =	ssyncset.done $0x0;
	s2 =	rddreg [dreg:$0x5];
	s31 =	sshrl.u32 s31, $0x3  }
0xde: {  	[sflag:s18] =	ssyncadd.s32 $0xFFFFC000;
	s31 =	sadd.s32 s2, s31;
	s2 =	simm.s32 $0x180  }
0xdf: {  	[tilespmem:s2], [sflag:$0x9] =	stream.linear.gather [hbm4b:s31+s4], $0x10, $0x38;
	[tilespmem:$0x10200] =	vst v63  }
0xe0: {  	_ =	swait.ge [sflag:s24], $0x10  }
0xe1: {  	[sflag:s24] =	ssyncset.done $0x0  }
0xe2: {  	[sflag:s24] =	ssyncadd.s32 $0xFFFFFFF0  }
0xe3: {  	v3 =	vld [tilespmem:$0x180];
	_ =	sdelay $0x4  }
0xe4: {  	v4 =	vshll.u32 v3, $0x3  }
0xe5: {  	v3 =	vand.u32 $0x7, v3;
	v4 =	vand.u32 $0xFFFFFFC0, v4  }
0xe6: {  	v3 =	vor.u32 v3, v4  }
0xe7: {  	v4 =	vperm.xlane v3, v0;
	_ =	sdelay $0x1  }
0xe8: {  	v4 =	vadd.s32 v1, v4;
	_ =	sdelay $0x4  }
0xe9: {  	[tilespmem:s30], [sflag:$0x4] =	stream.indirect_vreg.gather [hbm4b:s1+s4], $0x80, v4, vm0, $0xb8;
	[tilespmem:$0x10200] =	vst v63  }
0xea: {  	s31 =	simm.s32 $0xCA00;
	v3 =	vperm.xlane v3, v2  }
0xeb: {  	[tilespmem:s31], [sflag:$0x4] =	stream.indirect_vreg.gather [hbm4b:s8+s4], $0x80, v4, vm0, $0xb8;
	[tilespmem:$0x10200] =	vst v63  }
0xec: {  	v3 =	vadd.s32 v1, v3;
	s31 =	simm.s32 $0xD200  }
0xed: {  	[tilespmem:s31], [sflag:$0x4] =	stream.indirect_vreg.gather [hbm4b:s9+s4], $0x80, v4, vm0, $0xb8;
	[tilespmem:$0x10200] =	vst v63  }
0xee: {  	s31 =	simm.s32 $0xDA00  }
0xef: {  	[tilespmem:s31], [sflag:$0x4] =	stream.indirect_vreg.gather [hbm4b:s10+s4], $0x80, v4, vm0, $0xb8;
	[tilespmem:$0x10200] =	vst v63  }
0xf0: {  	s31 =	simm.s32 $0xE200  }
0xf1: {  	[tilespmem:s31], [sflag:$0x4] =	stream.indirect_vreg.gather [hbm4b:s1+s4], $0x80, v3, vm0, $0xb8;
	[tilespmem:$0x10200] =	vst v63  }
0xf2: {  	s31 =	simm.s32 $0xEA00  }
0xf3: {  	[tilespmem:s31], [sflag:$0x4] =	stream.indirect_vreg.gather [hbm4b:s8+s4], $0x80, v3, vm0, $0xb8;
	[tilespmem:$0x10200] =	vst v63  }
0xf4: {  	s31 =	simm.s32 $0xF200  }
0xf5: {  	[tilespmem:s31], [sflag:$0x4] =	stream.indirect_vreg.gather [hbm4b:s9+s4], $0x80, v3, vm0, $0xb8;
	[tilespmem:$0x10200] =	vst v63  }
0xf6: {  	s31 =	simm.s32 $0xFA00  }
0xf7: {  	[tilespmem:s31], [sflag:$0x4] =	stream.indirect_vreg.gather [hbm4b:s10+s4], $0x80, v3, vm0, $0xb8;
	[tilespmem:$0x10200] =	vst v63  }
0xf8: {  	_ =	swait.ge [sflag:s3], $0x4000  }
0xf9: {  	[sflag:s3] =	ssyncset.done $0x0;
	s31 =	rddreg [dreg:$0x9]  }
0xfa: {  	[sflag:s3] =	ssyncadd.s32 $0xFFFFC000;
	s2 =	sadd.s32 s20, s31  }
0xfb: {  	[hbm4b:s2+s4] =	stream.linear.scatter [tilespmem:s12], [sflag:$0x6], $0x4000, $0x38;
	[tilespmem:$0x10200] =	vst v63  }
0xfc: {  	_ =	swait.ge [sflag:s6], $0x4000  }
0xfd: {  	[sflag:s6] =	ssyncset.done $0x0;
	s31 =	rddreg [dreg:$0xb]  }
0xfe: {  	[sflag:s6] =	ssyncadd.s32 $0xFFFFC000;
	s31 =	sadd.s32 s20, s31  }
0xff: {  	[hbm4b:s31+s4] =	stream.linear.scatter [tilespmem:s0], [sflag:$0x7], $0x4000, $0x38;
	[tilespmem:$0x10200] =	vst v63  }
.LBB2_5:
.Ltmp4:
0x100: {  	(pc) =	sbr.rel @!p0 .LBB2_7-.Ltmp4, $4  }
0x101: {  	_ =	swait.ge [sflag:s16], $0x4000  }
0x102: {  	s19 =	sshll.u32 s19, $0xB;
	[sflag:s16] =	ssyncset.done $0x0  }
0x103: {  	s19 =	sadd.s32 s19, s21;
	[sflag:s16] =	ssyncadd.s32 $0xFFFFC000  }
0x104: {  	[hbm4b:s19+s4] =	stream.linear.scatter [tilespmem:s30], [sflag:$0x8], $0x4000, $0x38;
	[tilespmem:$0x10200] =	vst v63  }
0x105: {  	_ =	swait.ge [sflag:s17], $0x4000  }
0x106: {  	[sflag:s17] =	ssyncset.done $0x0  }
0x107: {  	s2 =	simm.s32 $0x100;
	[sflag:s17] =	ssyncadd.s32 $0xFFFFC000  }
0x108: {  	[tilespmem:s2], [sflag:$0x9] =	stream.linear.gather [hbm4b:s22+s4], $0x10, $0x38;
	[tilespmem:$0x10200] =	vst v63  }
0x109: {  	_ =	swait.ge [sflag:s24], $0x10  }
0x10a: {  	[sflag:s24] =	ssyncset.done $0x0  }
0x10b: {  	[sflag:s24] =	ssyncadd.s32 $0xFFFFFFF0  }
0x10c: {  	v3 =	vld [tilespmem:$0x100];
	_ =	sdelay $0x4  }
0x10d: {  	v4 =	vshll.u32 v3, $0x3  }
0x10e: {  	v3 =	vand.u32 $0x7, v3;
	v4 =	vand.u32 $0xFFFFFFC0, v4  }
0x10f: {  	v3 =	vor.u32 v3, v4  }
0x110: {  	v4 =	vperm.xlane v3, v0;
	_ =	sdelay $0x1  }
0x111: {  	v4 =	vadd.s32 v1, v4;
	_ =	sdelay $0x4  }
0x112: {  	[tilespmem:s0], [sflag:$0x3] =	stream.indirect_vreg.gather [hbm4b:s1+s4], $0x80, v4, vm0, $0xb8;
	[tilespmem:$0x10200] =	vst v63  }
0x113: {  	s31 =	simm.s32 $0x8A00;
	v3 =	vperm.xlane v3, v2  }
0x114: {  	[tilespmem:s31], [sflag:$0x3] =	stream.indirect_vreg.gather [hbm4b:s8+s4], $0x80, v4, vm0, $0xb8;
	[tilespmem:$0x10200] =	vst v63  }
0x115: {  	v3 =	vadd.s32 v1, v3  }
0x116: {  	[tilespmem:s11], [sflag:$0x3] =	stream.indirect_vreg.gather [hbm4b:s9+s4], $0x80, v4, vm0, $0xb8;
	[tilespmem:$0x10200] =	vst v63  }
0x117: {  	_ = 	snop  }
0x118: {  	[tilespmem:s15], [sflag:$0x3] =	stream.indirect_vreg.gather [hbm4b:s10+s4], $0x80, v4, vm0, $0xb8;
	[tilespmem:$0x10200] =	vst v63  }
0x119: {  	_ = 	snop  }
0x11a: {  	[tilespmem:s23], [sflag:$0x3] =	stream.indirect_vreg.gather [hbm4b:s1+s4], $0x80, v3, vm0, $0xb8;
	[tilespmem:$0x10200] =	vst v63  }
0x11b: {  	_ = 	snop  }
0x11c: {  	[tilespmem:s7], [sflag:$0x3] =	stream.indirect_vreg.gather [hbm4b:s8+s4], $0x80, v3, vm0, $0xb8;
	[tilespmem:$0x10200] =	vst v63  }
.Ltmp5:
0x11d: {  	_ = 	snop;
	(pc) =	sbr.rel .LBB2_2-.Ltmp5, $4  }
0x11e: {  	_ = 	snop  }
0x11f: {  	[tilespmem:s26], [sflag:$0x3] =	stream.indirect_vreg.gather [hbm4b:s9+s4], $0x80, v3, vm0, $0xb8;
	[tilespmem:$0x10200] =	vst v63  }
0x120: {  	s19 =	simm.s32 $0x1;
	p0 =	por $0x0, $0x0  }
0x121: {  	[tilespmem:s28], [sflag:$0x3] =	stream.indirect_vreg.gather [hbm4b:s10+s4], $0x80, v3, vm0, $0xb8;
	[tilespmem:$0x10200] =	vst v63  }
.LBB2_8:
0x122: {  	_ =	sfence.sel $0x180000  }
0x123: {  	[bflag:$0x0] =	sbarrier.arrive $0xFFFF  }
0x124: {  	_ =	strace $0x90000047  }
0x125: {  	s0 =	stileid.u32;
	[bflag:$0x2] =	sbarrier.arrive $0xFFFF  }
0x126: {  	p0 =	sne.s32 s0, $0x0;
	s0 =	rddreg [dreg:$0x3]  }
0x127: {  	s0 =	sadd.s32 @!p0 $0x100000, s0  }
0x128: {  	[sflag:s0] =	ssyncadd.tile.s32 @!p0 $0x1;
	_ =	shalt  }
.Lfunc_end2:
_tile_overlayer_lowered:
.L_overlay_start_2:
0x129: {  	(tag) =	ssettag $0x2  }
0x12a: {  	s0 =	rddreg [dreg:$0x0];
	s2 =	stileid.u32  }
0x12b: {  	s1 =	rddreg [dreg:$0x1];
	p0 =	sne.s32 s2, $0x0  }
0x12c: {  	s3 =	rddreg [dreg:$0x2];
	[bflag:$0x3] =	sbarrier.arrive $0xFFFF;
	s2 =	simm.s32 @!p0 $0x1C09  }
0x12d: {  	[timem:s3], [sflag:s2] =	dma.local @!p0 [hbm:s0], s1  }
0x12e: {  	s0 =	simm.s32 @!p0 $0x9  }
0x12f: {  	_ =	swait.ge @!p0 [sflag:s0], s1  }
0x130: {  	s1 =	ssub.s32 @!p0 $0x0, s1;
	[sflag:s0] =	ssyncset.done @!p0 $0x0  }
0x131: {  	[sflag:s0] =	ssyncadd.s32 @!p0 s1  }
0x132: {  	[bflag:$0x3] =	sbarrier.arrive $0xFFFF  }
0x133: {  	_ =	shalt  }

// kernel: kernel.13.cloned.1.call-start
scs
__scs_entry_jumppad:
0x0: {  	(pc) =	sbr.rel $0x88, $3  }
0x1: {  	(tag) =	ssettag $0x0;
	lr =	simm.s32 $0x1  }
0x2: {  	[smem:$0x3F9A] =	sst lr;
	_ =	strace $0xD0000000  }
0x3: {  	_ = 	snop  }
0x4: {  	_ = 	snop  }
0x5: {  	_ = 	snop  }
0x6: {  	_ = 	snop  }
0x7: {  	_ = 	snop  }
__scs_overlays_trampoline_lowered:
0x8: {  	[smem:$0x3FA9] =	sst s0  }
0x9: {  	[smem:$0x3FAA] =	sst s1  }
0xa: {  	[smem:$0x3FAB] =	sst s2  }
0xb: {  	[smem:$0x3FAC] =	sst s3  }
0xc: {  	[smem:$0x3FAD] =	sst s4  }
0xd: {  	[smem:$0x3FAE] =	sst s5  }
0xe: {  	[smem:$0x3FAF] =	sst s6  }
0xf: {  	[smem:$0x3FB0] =	sst s7  }
0x10: {  	[smem:$0x3FB1] =	sst s8  }
0x11: {  	[smem:$0x3FB2] =	sst s9;
	s0 =	simm.s32 @!p0 $0x0  }
0x12: {  	s1 =	sld [smem:$0x3F98];
	s0 =	simm.s32 @p0 $0x1  }
0x13: {  	[smem:$0x3FB3] =	sst s0;
	s0 =	simm.s32 @!p1 $0x0  }
0x14: {  	s2 =	sld [smem:$0x3F97];
	s0 =	simm.s32 @p1 $0x1  }
0x15: {  	[smem:$0x3FB4] =	sst s0;
	s0 =	simm.s32 @!p2 $0x0  }
0x16: {  	s3 =	sld [smem:$0x3FDB];
	s0 =	simm.s32 @p2 $0x1  }
0x17: {  	s4 =	simm.s32 $0x1BF5;
	[smem:$0x3FB6] =	sst s0  }
0x18: {  	s0 =	sld [smem:$0x3F99];
	_ =	swait.ge [sflag:s4], $0x0  }
0x19: {  	s7 =	sld [smem:$0x3F9A]  }
0x1a: {  	s8 =	sadd.s32 $0xFFFFE003, lr  }
0x1b: {  	s9 =	sadd.s32 $0xFFFFFEF7, lr;
	s5 =	simm.s32 $0xFFFFFFFF;
	p2 =	slt.u32 s8, $0xFFFFF086  }
0x1c: {  	p1 =	slt.u32 s9, $0xF7A;
	s5 =	simm.s32 @!p2 $0x0  }
0x1d: {  	s5 =	simm.s32 @p1 $0x1;
	p0 =	seq.s32 s7, s2  }
0x1e: {  	s7 =	smul.u32 @!p0 $0xF7A, s2;
	p2 =	seq.s32 @!p0 s5, $0x0  }
0x1f: {  	s9 =	smul.u32 $0xF7A, s1;
	s8 =	simm.s32 @!p0 $0x1BF5;
	p2 =	por !p2, p0  }
0x20: {  	[sflag:s8] =	ssyncset.s32 @!p0 $0xFFFFF086;
	s6 =	sadd.s32 @!p0 s3, s7;
	s7 =	simm.s32 @!p0 $0x108  }
0x21: {  	s3 =	sadd.s32 s3, s9;
	s6 =	sadd.s32 @!p0 $0x88, s6;
	s7 =	simm.s32 @p2 $0x1082  }
0x22: {  	[simem:s7], [sflag:s8] =	dma.local @!p0 [hbm:s6], $0xF7A  }
0x23: {  	s9 =	sor.u32 $0xD0000000, s2;
	s6 =	simm.s32 $0x108;
	_ =	swait.ge @!p0 [sflag:s8], $0x0  }
0x24: {  	s3 =	sadd.s32 $0x88, s3;
	s6 =	simm.s32 @!p1 $0x1082;
	[sflag:s4] =	ssyncset.s32 $0xFFFFF086  }
0x25: {  	[simem:s6], [sflag:s4] =	dma.local [hbm:s3], $0xF7A  }
0x26: {  	[smem:$0x3F9A] =	sst s1;
	(tag) =	ssettag s2;
	_ =	strace s9  }
0x27: {  	s1 =	sld [smem:$0x3FAA]  }
0x28: {  	s2 =	sld [smem:$0x3FAB]  }
0x29: {  	s4 =	sld [smem:$0x3FAD]  }
0x2a: {  	p0 =	seq.s32 s5, $0x0;
	s5 =	sld [smem:$0x3FAE]  }
0x2b: {  	s6 =	sld [smem:$0x3FAF]  }
0x2c: {  	s7 =	sld [smem:$0x3FB0]  }
0x2d: {  	s3 =	simm.s32 $0x108;
	s8 =	sld [smem:$0x3FB1]  }
0x2e: {  	s3 =	simm.s32 @!p0 $0x1082;
	s9 =	sld [smem:$0x3FB2]  }
0x2f: {  	lr =	sadd.s32 s0, s3;
	s0 =	sld [smem:$0x3FA9]  }
0x30: {  	s3 =	sld [smem:$0x3FAC]  }
0x31: {  	[smem:$0x3FB5] =	sst s10  }
0x32: {  	s10 =	sld [smem:$0x3FB3];
	_ =	sdelay $0x3  }
0x33: {  	p0 =	seq.s32 s10, $0x1;
	s10 =	sld [smem:$0x3FB5];
	_ =	sdelay $0x3  }
0x34: {  	[smem:$0x3FB5] =	sst s10  }
0x35: {  	s10 =	sld [smem:$0x3FB4];
	_ =	sdelay $0x3  }
0x36: {  	p1 =	seq.s32 s10, $0x1;
	s10 =	sld [smem:$0x3FB5];
	_ =	sdelay $0x3  }
0x37: {  	[smem:$0x3FB5] =	sst s10  }
0x38: {  	s10 =	sld [smem:$0x3FB6]  }
0x39: {  	_ = 	snop;
	(pc) =	sbr.ind lr, $3  }
0x3a: {  	_ = 	snop  }
0x3b: {  	_ = 	snop  }
0x3c: {  	p2 =	seq.s32 s10, $0x1;
	s10 =	sld [smem:$0x3FB5]  }
0x3d: {  	_ =	shalt  }
0x3e: {  	_ =	shalt  }
0x3f: {  	_ =	shalt  }
0x40: {  	_ =	shalt  }
0x41: {  	_ =	shalt  }
0x42: {  	_ =	shalt  }
0x43: {  	_ =	shalt  }
0x44: {  	_ =	shalt  }
0x45: {  	_ =	shalt  }
0x46: {  	_ =	shalt  }
0x47: {  	_ =	shalt  }
0x48: {  	_ =	shalt  }
0x49: {  	_ =	shalt  }
0x4a: {  	_ =	shalt  }
0x4b: {  	_ =	shalt  }
0x4c: {  	_ =	shalt  }
0x4d: {  	_ =	shalt  }
0x4e: {  	_ =	shalt  }
0x4f: {  	_ =	shalt  }
0x50: {  	_ =	shalt  }
0x51: {  	_ =	shalt  }
0x52: {  	_ =	shalt  }
0x53: {  	_ =	shalt  }
0x54: {  	_ =	shalt  }
0x55: {  	_ =	shalt  }
0x56: {  	_ =	shalt  }
0x57: {  	_ =	shalt  }
0x58: {  	_ =	shalt  }
0x59: {  	_ =	shalt  }
0x5a: {  	_ =	shalt  }
0x5b: {  	_ =	shalt  }
0x5c: {  	_ =	shalt  }
0x5d: {  	_ =	shalt  }
0x5e: {  	_ =	shalt  }
0x5f: {  	_ =	shalt  }
0x60: {  	_ =	shalt  }
0x61: {  	_ =	shalt  }
0x62: {  	_ =	shalt  }
0x63: {  	_ =	shalt  }
0x64: {  	_ =	shalt  }
0x65: {  	_ =	shalt  }
0x66: {  	_ =	shalt  }
0x67: {  	_ =	shalt  }
0x68: {  	_ =	shalt  }
0x69: {  	_ =	shalt  }
0x6a: {  	_ =	shalt  }
0x6b: {  	_ =	shalt  }
0x6c: {  	_ =	shalt  }
0x6d: {  	_ =	shalt  }
0x6e: {  	_ =	shalt  }
0x6f: {  	_ =	shalt  }
0x70: {  	_ =	shalt  }
0x71: {  	_ =	shalt  }
0x72: {  	_ =	shalt  }
0x73: {  	_ =	shalt  }
0x74: {  	_ =	shalt  }
0x75: {  	_ =	shalt  }
0x76: {  	_ =	shalt  }
0x77: {  	_ =	shalt  }
0x78: {  	_ =	shalt  }
0x79: {  	_ =	shalt  }
0x7a: {  	_ =	shalt  }
0x7b: {  	_ =	shalt  }
0x7c: {  	_ =	shalt  }
0x7d: {  	_ =	shalt  }
0x7e: {  	_ =	shalt  }
0x7f: {  	_ =	shalt  }
0x80: {  	_ =	shalt  }
0x81: {  	_ =	shalt  }
0x82: {  	_ =	shalt  }
0x83: {  	_ =	shalt  }
0x84: {  	_ =	shalt  }
0x85: {  	_ =	shalt  }
0x86: {  	_ =	shalt  }
0x87: {  	_ =	shalt  }
.Lfunc_end0:
.L_simem_size_0:
called_computation.1_lowered:
.L_overlay_start_0:
0x88: {  	s2 =	sld [smem:$0x3FD9]  }
0x89: {  	s3 =	sld [smem:$0x3FFE];
	_ =	sdelay $0x1  }
0x8a: {  	s1 =	srdreg.scid  }
0x8b: {  	s0 =	sand.u32 $0x1, s1  }
0x8c: {  	s17 =	sshll.u32 s0, $0xA;
	s2 =	sadd.s32 s3, s2  }
0x8d: {  	s2 =	sadd.s32 s2, s17  }
0x8e: {  	[smem:$0x3FC1] =	sst s2  }
0x8f: {  	_ = 	snop  }
0x90: {  	s18 =	sld [smem:$0x3FC7];
	(tm) =	ssettm $0x1  }
0x91: {  	s19 =	sld [smem:$0x3FFB];
	_ =	sdelay $0x3  }
0x92: {  	_ =	strace s19  }
0x93: {  	s2 =	sld [smem:$0x3FFC];
	_ =	sdelay $0x3  }
0x94: {  	_ =	strace s2  }
0x95: {  	s2 =	sld [smem:$0x3FFD];
	_ =	sdelay $0x3  }
0x96: {  	_ =	strace s2  }
0x97: {  	_ =	strace $0x8FFFFFFF  }
0x98: {  	s20 =	sld [smem:$0x3FDB];
	_ =	sdelay $0x1  }
0x99: {  	s4 =	simm.s32 $_scs_section_size  }
0x9a: {  	s5 =	simm.s32 $_size__tile_overlayer_lowered;
	s6 =	simm.s32 $_tile_overlayer_lowered  }
0x9b: {  	s7 =	simm.s32 $0x1BFF;
	s21 =	sshll.u32 s6, $0x1;
	s4 =	sadd.s32 s4, s20  }
0x9c: {  	s22 =	simm.s32 $0x0;
	s5 =	sshll.u32 s5, $0x1;
	s6 =	sadd.s32 s21, s4  }
0x9d: {  	[timem:s22], [sflag:s7] =	dma.local [hbm:s6], s5  }
0x9e: {  	_ =	swait.ge [sflag:s7], s5  }
0x9f: {  	s5 =	ssub.s32 $0x0, s5;
	[sflag:s7] =	ssyncset.done $0x0  }
0xa0: {  	[sflag:s7] =	ssyncadd.s32 s5;
	_ =	sdelay $0x1  }
0xa1: {  	s23 =	simm.s32 $0x1B8B  }
0xa2: {  	_ =	swait.ge [sflag:s23], $0x1  }
0xa3: {  	[sflag:s23] =	ssyncset.done $0x0  }
0xa4: {  	[sflag:s23] =	ssyncadd.s32 $0xFFFFFFFF  }
0xa5: {  	s5 =	sld [smem:$0x0]  }
0xa6: {  	s6 =	sand.u32 $0xFFFFFFFE, s1  }
0xa7: {  	p0 =	sne.s32 s1, s6  }
0xa8: {  	s6 =	sshll.u32 @p0 s6, $0xE  }
0xa9: {  	s6 =	sadd.s32 @p0 $0x11B8D, s6;
	s7 =	sshll.u32 @p0 s5, $0x11  }
0xaa: {  	s6 =	sor.u32 @p0 s7, s6  }
0xab: {  	[sflag:s6] =	ssyncadd.remote.s32 @p0 $0x1;
	_ =	sdelay $0x1  }
0xac: {  	s6 =	simm.s32 @p0 $0x1B8D  }
0xad: {  	_ =	swait.eq @p0 [sflag:s6], $0x1  }
0xae: {  	[sflag:s6] =	ssyncadd.s32 @p0 $0xFFFFFFFF  }
0xaf: {  	s7 =	sshll.u32 @!p0 s1, $0xE  }
0xb0: {  	s7 =	sor.u32 @!p0 $0x4000, s7;
	s6 =	simm.s32 @!p0 $0x1B8D  }
0xb1: {  	s5 =	sshll.u32 @!p0 s5, $0x11;
	s7 =	sadd.s32 @!p0 $0x11B8D, s7;
	_ =	swait.eq @!p0 [sflag:s6], $0x1  }
0xb2: {  	s5 =	sor.u32 @!p0 s5, s7;
	[sflag:s6] =	ssyncadd.s32 @!p0 $0xFFFFFFFF  }
0xb3: {  	s25 =	simm.s32 $0x1B8E;
	s24 =	sld [smem:$0x3FFE];
	[sflag:s5] =	ssyncadd.remote.s32 @!p0 $0x1  }
0xb4: {  	s26 =	simm.s32 $execute0_lowered;
	[smem:$0x3FD2] =	sst s25  }
0xb5: {  	s6 =	sshll.u32 s26, $0x1;
	_ =	strace $0x80000049;
	[dreg:$0x1] =	wrdreg $0xFFFFFFFF  }
0xb6: {  	s28 =	simm.s32 $_size_execute0_lowered;
	s4 =	sadd.s32 s4, s6;
	[dreg:$0x0] =	wrdreg $0x0  }
0xb7: {  	s6 =	sshll.u32 s28, $0x1;
	[dreg:$0x2] =	wrdreg s4  }
0xb8: {  	[dreg:$0x3] =	wrdreg s6  }
0xb9: {  	[dreg:$0x4] =	wrdreg $0xC0  }
0xba: {  	_ =	task [dreg:s22], $0x5FFFF  }
0xbb: {  	[dreg:$0x1] =	wrdreg $0xFFFFFFFF  }
0xbc: {  	[dreg:$0x0] =	wrdreg $0x60  }
0xbd: {  	[dreg:$0x2] =	wrdreg s18  }
0xbe: {  	[dreg:$0x3] =	wrdreg s24  }
0xbf: {  	[dreg:$0x4] =	wrdreg $0xA  }
0xc0: {  	_ =	task.clear_ibuf [dreg:s22], $0x5FFFF;
	_ =	strace $0x90000049  }
0xc1: {  	s29 =	simm.s32 $0xA;
	_ =	strace $0x8000004B  }
0xc2: {  	_ =	swait.ge [sflag:s29], $0x1  }
0xc3: {  	[sflag:s29] =	ssyncadd.s32 $0xFFFFFFFF  }
0xc4: {  	_ =	strace $0x9000004B  }
0xc5: {  	_ =	sfence  }
0xc6: {  	s30 =	sld [smem:$0x0];
	_ =	sdelay $0x2  }
0xc7: {  	s31 =	sshll.u32 s1, $0xD;
	s1 =	sshrl.u32 s1, $0x2  }
0xc8: {  	s4 =	sand.u32 $0x4000, s31;
	s1 =	sadd.s32 s1, s30  }
0xc9: {  	s0 =	sor.u32 s4, s0;
	s1 =	sshll.u32 s1, $0x11  }
0xca: {  	s0 =	sor.u32 s1, s0  }
0xcb: {  	s0 =	sadd.s32 $0x8F2B, s0  }
0xcc: {  	[sflag:s0] =	ssyncadd.remote.s32 $0x1  }
0xcd: {  	_ =	sfence.sel $0xFFFF  }
0xce: {  	[dreg:$0x0] =	wrdreg $0xFFFFFFFF;
	(pc) =	sbr.abs _section_cstart, $3  }
0xcf: {  	[dreg:$0x1] =	wrdreg $0xFFFFFFFF  }
0xd0: {  	_ =	task.clear_ibuf [dreg:s22], $0x2FFFF;
	_ =	strace $0x9FFFFFFF  }
0xd1: {  	(tm) =	ssettm $0x7FFFFFFF  }
tec
execute0_lowered:
.L_overlay_start_1:
0x0: {  	(tag) =	ssettag $0x1  }
0x1: {  	s1 =	rddreg [dreg:$0x0]  }
0x2: {  	s0 =	rddreg [dreg:$0x1];
	s3 =	simm.s32 $0x0;
	s2 =	srdreg.scid  }
0x3: {  	s4 =	stileid.u32;
	s11 =	simm.s32 $0x4200;
	s12 =	simm.s32 $0x9A00  }
0x4: {  	s15 =	simm.s32 $0xA200;
	s28 =	simm.s32 $0xBA00;
	s30 =	simm.s32 $0xC200  }
0x5: {  	s29 =	simm.s32 $0x1;
	s14 =	simm.s32 $0x3;
	s16 =	simm.s32 $0x6  }
0x6: {  	s17 =	simm.s32 $0x4;
	[smem:$0x7FF] =	sst s3;
	s2 =	sand.u32 $0x1, s2  }
0x7: {  	s4 =	sshll.u32 s4, $0x8;
	s9 =	sadd.s32 $0x2200, s0;
	s8 =	sadd.s32 $0x100, s1  }
0x8: {  	s10 =	sadd.s32 $0x300, s1;
	s23 =	sadd.s32 $0x3200, s0;
	_ =	strace $0x8000004A  }
0x9: {  	s5 =	sshll.u32 s2, $0x7;
	s2 =	ssub.s32 $0x2, s2;
	[dreg:$0x3] =	wrdreg s9  }
0xa: {  	[dreg:$0x8] =	wrdreg s23;
	s4 =	sor.u32 s5, s4;
	s5 =	sadd.s32 $0x2A00, s0  }
0xb: {  	s6 =	sshrl.u32 s2, $0x1;
	s0 =	sadd.s32 $0x3A00, s0;
	s7 =	sor.u32 $0x1000, s4  }
0xc: {  	s2 =	ssub.s32 s2, s6;
	s13 =	sshll.u32 s4, $0x7;
	[dreg:$0xa] =	wrdreg s0  }
0xd: {  	s19 =	sshrl.u32 s4, $0x3;
	[dreg:$0x4] =	wrdreg s7;
	s4 =	sadd.s32 s13, s23  }
0xe: {  	s18 =	sshrl.u32 s7, $0x3;
	s0 =	sadd.s32 s13, s0;
	[dreg:$0xb] =	wrdreg s4  }
0xf: {  	s20 =	sadd.s32 s19, s9;
	s31 =	smax.u32 s2, $0x1;
	[dreg:$0xd] =	wrdreg s0  }
0x10: {  	s21 =	sadd.s32 s5, s13;
	s6 =	sadd.s32 s9, s18;
	[dreg:$0xf] =	wrdreg s31  }
0x11: {  	s23 =	simm.s32 $0xAA00;
	s7 =	sadd.s32 $0x202, s20;
	[dreg:$0x5] =	wrdreg s6  }
0x12: {  	s19 =	simm.s32 $0x8;
	s22 =	sadd.s32 $0x204, s20;
	[dreg:$0x6] =	wrdreg s7  }
0x13: {  	s9 =	sadd.s32 $0x200, s1;
	s24 =	sadd.s32 $0x206, s20;
	[dreg:$0x7] =	wrdreg s22  }
.Ltmp0:
0x14: {  	s25 =	sadd.s32 $0x208, s20;
	[dreg:$0x9] =	wrdreg s24;
	(pc) =	sbr.rel .LBB2_1-.Ltmp0, $4  }
0x15: {  	s26 =	sadd.s32 $0x20A, s20;
	s0 =	simm.s32 $0x8200;
	[dreg:$0xc] =	wrdreg s25  }
0x16: {  	v2 =	vlaneseq.u32;
	s4 =	simm.s32 $0x2;
	s18 =	simm.s32 $0x7;
	[dreg:$0xe] =	wrdreg s26  }
0x17: {  	vm0 =	vmmov $0xffff;
	v1 =	vshrl.u32 v2, $0x3;
	s22 =	sadd.s32 $0x20C, s20;
	s24 =	simm.s32 $0x9;
	s25 =	simm.s32 $0x200  }
0x18: {  	v0 =	vand.u32 $0x7, v2;
	v2 =	vor.u32 $0x8, v2;
	v1 =	vmul.u32 $0x8, v1;
	s26 =	simm.s32 $0xB200;
	s6 =	simm.s32 $0x5;
	s7 =	simm.s32 $0x0  }
.LBB2_7:
0x19: {  	_ =	swait.ge [sflag:s6], $0x4000  }
0x1a: {  	[sflag:s6] =	ssyncset.done $0x0  }
0x1b: {  	[sflag:s6] =	ssyncadd.s32 $0xFFFFC000  }
0x1c: {  	_ =	swait.ge [sflag:s16], $0x4000  }
0x1d: {  	[sflag:s16] =	ssyncset.done $0x0  }
0x1e: {  	[sflag:s16] =	ssyncadd.s32 $0xFFFFC000  }
0x1f: {  	_ =	swait.ge [sflag:s18], $0x4000  }
0x20: {  	[sflag:s18] =	ssyncset.done $0x0  }
0x21: {  	[sflag:s18] =	ssyncadd.s32 $0xFFFFC000  }
0x22: {  	_ =	swait.ge [sflag:s19], $0x4000  }
0x23: {  	s7 =	rddreg [dreg:$0x10]  }
0x24: {  	s2 =	rddreg [dreg:$0xf];
	s7 =	sadd.s32 $0x1, s7  }
0x25: {  	p0 =	sne.s32 s7, s2  }
.Ltmp1:
0x26: {  	_ = 	snop;
	(pc) =	sbr.rel @!p0 .LBB2_8-.Ltmp1, $3  }
0x27: {  	_ =	sdelay $0x1  }
0x28: {  	[sflag:s19] =	ssyncset.done $0x0  }
0x29: {  	[sflag:s19] =	ssyncadd.s32 $0xFFFFC000  }
.LBB2_1:
0x2a: {  	[dreg:$0x10] =	wrdreg s7  }
0x2b: {  	s2 =	rddreg [dreg:$0x5]  }
0x2c: {  	[tilespmem:s3], [sflag:$0x9] =	stream.linear.gather [hbm4b:s2+s3], $0x10, $0x38;
	[tilespmem:$0x10200] =	vst v63  }
0x2d: {  	_ =	swait.ge [sflag:s24], $0x10  }
0x2e: {  	[sflag:s24] =	ssyncset.done $0x0  }
0x2f: {  	[sflag:s24] =	ssyncadd.s32 $0xFFFFFFF0  }
0x30: {  	v3 =	vld [tilespmem:$0x0];
	_ =	sdelay $0x4  }
0x31: {  	v4 =	vshll.u32 v3, $0x3  }
0x32: {  	v3 =	vand.u32 $0x7, v3;
	v4 =	vand.u32 $0xFFFFFFC0, v4  }
0x33: {  	v3 =	vor.u32 v3, v4  }
0x34: {  	v4 =	vperm.xlane v3, v0;
	_ =	sdelay $0x1  }
0x35: {  	v4 =	vadd.s32 v1, v4;
	_ =	sdelay $0x4  }
0x36: {  	[tilespmem:s25], [sflag:$0x1] =	stream.indirect_vreg.gather [hbm4b:s1+s3], $0x80, v4, vm0, $0xb8;
	[tilespmem:$0x10200] =	vst v63  }
0x37: {  	s7 =	simm.s32 $0xA00;
	v3 =	vperm.xlane v3, v2  }
0x38: {  	[tilespmem:s7], [sflag:$0x1] =	stream.indirect_vreg.gather [hbm4b:s8+s3], $0x80, v4, vm0, $0xb8;
	[tilespmem:$0x10200] =	vst v63  }
0x39: {  	s20 =	simm.s32 $0x1200;
	v3 =	vadd.s32 v1, v3  }
0x3a: {  	[tilespmem:s20], [sflag:$0x1] =	stream.indirect_vreg.gather [hbm4b:s9+s3], $0x80, v4, vm0, $0xb8;
	[tilespmem:$0x10200] =	vst v63  }
0x3b: {  	s31 =	simm.s32 $0x1A00  }
0x3c: {  	[tilespmem:s31], [sflag:$0x1] =	stream.indirect_vreg.gather [hbm4b:s10+s3], $0x80, v4, vm0, $0xb8;
	[tilespmem:$0x10200] =	vst v63  }
0x3d: {  	s7 =	simm.s32 $0x2200  }
0x3e: {  	[tilespmem:s7], [sflag:$0x1] =	stream.indirect_vreg.gather [hbm4b:s1+s3], $0x80, v3, vm0, $0xb8;
	[tilespmem:$0x10200] =	vst v63  }
0x3f: {  	s20 =	simm.s32 $0x2A00  }
0x40: {  	[tilespmem:s20], [sflag:$0x1] =	stream.indirect_vreg.gather [hbm4b:s8+s3], $0x80, v3, vm0, $0xb8;
	[tilespmem:$0x10200] =	vst v63  }
0x41: {  	s31 =	simm.s32 $0x3200  }
0x42: {  	[tilespmem:s31], [sflag:$0x1] =	stream.indirect_vreg.gather [hbm4b:s9+s3], $0x80, v3, vm0, $0xb8;
	[tilespmem:$0x10200] =	vst v63  }
0x43: {  	s7 =	simm.s32 $0x3A00  }
0x44: {  	[tilespmem:s7], [sflag:$0x1] =	stream.indirect_vreg.gather [hbm4b:s10+s3], $0x80, v3, vm0, $0xb8;
	[tilespmem:$0x10200] =	vst v63  }
0x45: {  	s20 =	rddreg [dreg:$0x6];
	s31 =	simm.s32 $0x80  }
0x46: {  	[tilespmem:s31], [sflag:$0x9] =	stream.linear.gather [hbm4b:s20+s3], $0x10, $0x38;
	[tilespmem:$0x10200] =	vst v63  }
0x47: {  	_ =	swait.ge [sflag:s24], $0x10  }
0x48: {  	[sflag:s24] =	ssyncset.done $0x0  }
0x49: {  	[sflag:s24] =	ssyncadd.s32 $0xFFFFFFF0  }
0x4a: {  	v3 =	vld [tilespmem:$0x80];
	_ =	sdelay $0x4  }
0x4b: {  	v61 =	vshll.u32 v3, $0x3  }
0x4c: {  	v3 =	vand.u32 $0x7, v3;
	v4 =	vand.u32 $0xFFFFFFC0, v61  }
0x4d: {  	v3 =	vor.u32 v3, v4  }
0x4e: {  	v4 =	vperm.xlane v3, v0;
	_ =	sdelay $0x1  }
0x4f: {  	v4 =	vadd.s32 v1, v4;
	_ =	sdelay $0x4  }
0x50: {  	[tilespmem:s11], [sflag:$0x2] =	stream.indirect_vreg.gather [hbm4b:s1+s3], $0x80, v4, vm0, $0xb8;
	[tilespmem:$0x10200] =	vst v63  }
0x51: {  	s7 =	simm.s32 $0x4A00;
	v3 =	vperm.xlane v3, v2  }
0x52: {  	[tilespmem:s7], [sflag:$0x2] =	stream.indirect_vreg.gather [hbm4b:s8+s3], $0x80, v4, vm0, $0xb8;
	[tilespmem:$0x10200] =	vst v63  }
0x53: {  	s20 =	simm.s32 $0x5200;
	v3 =	vadd.s32 v1, v3  }
0x54: {  	[tilespmem:s20], [sflag:$0x2] =	stream.indirect_vreg.gather [hbm4b:s9+s3], $0x80, v4, vm0, $0xb8;
	[tilespmem:$0x10200] =	vst v63  }
0x55: {  	s31 =	simm.s32 $0x5A00  }
0x56: {  	[tilespmem:s31], [sflag:$0x2] =	stream.indirect_vreg.gather [hbm4b:s10+s3], $0x80, v4, vm0, $0xb8;
	[tilespmem:$0x10200] =	vst v63  }
0x57: {  	s7 =	simm.s32 $0x6200  }
0x58: {  	[tilespmem:s7], [sflag:$0x2] =	stream.indirect_vreg.gather [hbm4b:s1+s3], $0x80, v3, vm0, $0xb8;
	[tilespmem:$0x10200] =	vst v63  }
0x59: {  	s20 =	simm.s32 $0x6A00  }
0x5a: {  	[tilespmem:s20], [sflag:$0x2] =	stream.indirect_vreg.gather [hbm4b:s8+s3], $0x80, v3, vm0, $0xb8;
	[tilespmem:$0x10200] =	vst v63  }
0x5b: {  	s31 =	simm.s32 $0x7200  }
0x5c: {  	[tilespmem:s31], [sflag:$0x2] =	stream.indirect_vreg.gather [hbm4b:s9+s3], $0x80, v3, vm0, $0xb8;
	[tilespmem:$0x10200] =	vst v63  }
0x5d: {  	s7 =	simm.s32 $0x7A00  }
0x5e: {  	[tilespmem:s7], [sflag:$0x2] =	stream.indirect_vreg.gather [hbm4b:s10+s3], $0x80, v3, vm0, $0xb8;
	[tilespmem:$0x10200] =	vst v63  }
0x5f: {  	s20 =	rddreg [dreg:$0x7];
	s31 =	simm.s32 $0x100  }
0x60: {  	[tilespmem:s31], [sflag:$0x9] =	stream.linear.gather [hbm4b:s20+s3], $0x10, $0x38;
	[tilespmem:$0x10200] =	vst v63  }
0x61: {  	_ =	swait.ge [sflag:s24], $0x10  }
0x62: {  	[sflag:s24] =	ssyncset.done $0x0  }
0x63: {  	[sflag:s24] =	ssyncadd.s32 $0xFFFFFFF0  }
0x64: {  	v3 =	vld [tilespmem:$0x100];
	_ =	sdelay $0x4  }
0x65: {  	v62 =	vshll.u32 v3, $0x3  }
0x66: {  	v3 =	vand.u32 $0x7, v3;
	v4 =	vand.u32 $0xFFFFFFC0, v62  }
0x67: {  	v3 =	vor.u32 v3, v4  }
0x68: {  	v4 =	vperm.xlane v3, v0;
	_ =	sdelay $0x1  }
0x69: {  	v4 =	vadd.s32 v1, v4;
	_ =	sdelay $0x4  }
0x6a: {  	[tilespmem:s0], [sflag:$0x3] =	stream.indirect_vreg.gather [hbm4b:s1+s3], $0x80, v4, vm0, $0xb8;
	[tilespmem:$0x10200] =	vst v63  }
0x6b: {  	s20 =	simm.s32 $0x8A00;
	v3 =	vperm.xlane v3, v2  }
0x6c: {  	[tilespmem:s20], [sflag:$0x3] =	stream.indirect_vreg.gather [hbm4b:s8+s3], $0x80, v4, vm0, $0xb8;
	[tilespmem:$0x10200] =	vst v63  }
0x6d: {  	s31 =	simm.s32 $0x9200;
	v3 =	vadd.s32 v1, v3  }
0x6e: {  	[tilespmem:s31], [sflag:$0x3] =	stream.indirect_vreg.gather [hbm4b:s9+s3], $0x80, v4, vm0, $0xb8;
	[tilespmem:$0x10200] =	vst v63  }
0x6f: {  	_ = 	snop  }
0x70: {  	[tilespmem:s12], [sflag:$0x3] =	stream.indirect_vreg.gather [hbm4b:s10+s3], $0x80, v4, vm0, $0xb8;
	[tilespmem:$0x10200] =	vst v63  }
0x71: {  	_ = 	snop  }
0x72: {  	[tilespmem:s15], [sflag:$0x3] =	stream.indirect_vreg.gather [hbm4b:s1+s3], $0x80, v3, vm0, $0xb8;
	[tilespmem:$0x10200] =	vst v63  }
0x73: {  	_ = 	snop  }
0x74: {  	[tilespmem:s23], [sflag:$0x3] =	stream.indirect_vreg.gather [hbm4b:s8+s3], $0x80, v3, vm0, $0xb8;
	[tilespmem:$0x10200] =	vst v63  }
0x75: {  	_ = 	snop  }
0x76: {  	[tilespmem:s26], [sflag:$0x3] =	stream.indirect_vreg.gather [hbm4b:s9+s3], $0x80, v3, vm0, $0xb8;
	[tilespmem:$0x10200] =	vst v63  }
0x77: {  	_ = 	snop  }
0x78: {  	[tilespmem:s28], [sflag:$0x3] =	stream.indirect_vreg.gather [hbm4b:s10+s3], $0x80, v3, vm0, $0xb8;
	[tilespmem:$0x10200] =	vst v63  }
0x79: {  	s7 =	rddreg [dreg:$0x9];
	s20 =	simm.s32 $0x180  }
0x7a: {  	[tilespmem:s20], [sflag:$0x9] =	stream.linear.gather [hbm4b:s7+s3], $0x10, $0x38;
	[tilespmem:$0x10200] =	vst v63  }
0x7b: {  	_ =	swait.ge [sflag:s24], $0x10  }
0x7c: {  	[sflag:s24] =	ssyncset.done $0x0  }
0x7d: {  	[sflag:s24] =	ssyncadd.s32 $0xFFFFFFF0  }
0x7e: {  	v3 =	vld [tilespmem:$0x180];
	_ =	sdelay $0x4  }
0x7f: {  	v63 =	vshll.u32 v3, $0x3  }
0x80: {  	v3 =	vand.u32 $0x7, v3;
	v4 =	vand.u32 $0xFFFFFFC0, v63  }
0x81: {  	v3 =	vor.u32 v3, v4  }
0x82: {  	v4 =	vperm.xlane v3, v0;
	_ =	sdelay $0x1  }
0x83: {  	v4 =	vadd.s32 v1, v4;
	_ =	sdelay $0x4  }
0x84: {  	[tilespmem:s30], [sflag:$0x4] =	stream.indirect_vreg.gather [hbm4b:s1+s3], $0x80, v4, vm0, $0xb8;
	[tilespmem:$0x10200] =	vst v63  }
0x85: {  	s31 =	simm.s32 $0xCA00;
	v3 =	vperm.xlane v3, v2  }
0x86: {  	[tilespmem:s31], [sflag:$0x4] =	stream.indirect_vreg.gather [hbm4b:s8+s3], $0x80, v4, vm0, $0xb8;
	[tilespmem:$0x10200] =	vst v63  }
0x87: {  	s7 =	simm.s32 $0xD200;
	v3 =	vadd.s32 v1, v3  }
0x88: {  	[tilespmem:s7], [sflag:$0x4] =	stream.indirect_vreg.gather [hbm4b:s9+s3], $0x80, v4, vm0, $0xb8;
	[tilespmem:$0x10200] =	vst v63  }
0x89: {  	s20 =	simm.s32 $0xDA00  }
0x8a: {  	[tilespmem:s20], [sflag:$0x4] =	stream.indirect_vreg.gather [hbm4b:s10+s3], $0x80, v4, vm0, $0xb8;
	[tilespmem:$0x10200] =	vst v63  }
0x8b: {  	s31 =	simm.s32 $0xE200  }
0x8c: {  	[tilespmem:s31], [sflag:$0x4] =	stream.indirect_vreg.gather [hbm4b:s1+s3], $0x80, v3, vm0, $0xb8;
	[tilespmem:$0x10200] =	vst v63  }
0x8d: {  	s7 =	simm.s32 $0xEA00  }
0x8e: {  	[tilespmem:s7], [sflag:$0x4] =	stream.indirect_vreg.gather [hbm4b:s8+s3], $0x80, v3, vm0, $0xb8;
	[tilespmem:$0x10200] =	vst v63  }
0x8f: {  	s20 =	simm.s32 $0xF200  }
0x90: {  	[tilespmem:s20], [sflag:$0x4] =	stream.indirect_vreg.gather [hbm4b:s9+s3], $0x80, v3, vm0, $0xb8;
	[tilespmem:$0x10200] =	vst v63  }
0x91: {  	p0 =	por $0x1, $0x1;
	s31 =	simm.s32 $0xFA00;
	s20 =	simm.s32 $0x0  }
0x92: {  	[tilespmem:s31], [sflag:$0x4] =	stream.indirect_vreg.gather [hbm4b:s10+s3], $0x80, v3, vm0, $0xb8;
	[tilespmem:$0x10200] =	vst v63  }
.LBB2_2:
.Ltmp2:
0x93: {  	(pc) =	sbr.rel @!p0 .LBB2_3-.Ltmp2, $4  }
0x94: {  	_ =	swait.ge [sflag:s29], $0x4000;
	s31 =	sshll.u32 s20, $0xD  }
0x95: {  	[sflag:s29] =	ssyncset.done $0x0;
	s31 =	sor.u32 s13, s31  }
0x96: {  	s20 =	sshllo.u32 s20, $0x2;
	[sflag:s29] =	ssyncadd.s32 $0xFFFFC000;
	s2 =	sadd.s32 s5, s31  }
0x97: {  	[hbm4b:s2+s3] =	stream.linear.scatter [tilespmem:s25], [sflag:$0x5], $0x4000, $0x38;
	[tilespmem:$0x10200] =	vst v63  }
0x98: {  	_ =	swait.ge [sflag:s4], $0x4000  }
0x99: {  	[sflag:s4] =	ssyncset.done $0x0  }
0x9a: {  	s2 =	rddreg [dreg:$0xb];
	[sflag:s4] =	ssyncadd.s32 $0xFFFFC000  }
0x9b: {  	[hbm4b:s2+s3] =	stream.linear.scatter [tilespmem:s11], [sflag:$0x6], $0x4000, $0x38;
	[tilespmem:$0x10200] =	vst v63  }
0x9c: {  	_ =	swait.ge [sflag:s6], $0x4000  }
0x9d: {  	[sflag:s6] =	ssyncset.done $0x0  }
0x9e: {  	s7 =	rddreg [dreg:$0xc];
	[sflag:s6] =	ssyncadd.s32 $0xFFFFC000  }
0x9f: {  	[tilespmem:s3], [sflag:$0x9] =	stream.linear.gather [hbm4b:s7+s3], $0x10, $0x38;
	[tilespmem:$0x10200] =	vst v63  }
0xa0: {  	_ =	swait.ge [sflag:s24], $0x10  }
0xa1: {  	[sflag:s24] =	ssyncset.done $0x0  }
0xa2: {  	[sflag:s24] =	ssyncadd.s32 $0xFFFFFFF0  }
0xa3: {  	v3 =	vld [tilespmem:$0x0];
	_ =	sdelay $0x4  }
0xa4: {  	v4 =	vshll.u32 v3, $0x3  }
0xa5: {  	v3 =	vand.u32 $0x7, v3;
	v4 =	vand.u32 $0xFFFFFFC0, v4  }
0xa6: {  	v3 =	vor.u32 v3, v4  }
0xa7: {  	v4 =	vperm.xlane v3, v0;
	_ =	sdelay $0x1  }
0xa8: {  	v4 =	vadd.s32 v1, v4;
	_ =	sdelay $0x4  }
0xa9: {  	[tilespmem:s25], [sflag:$0x1] =	stream.indirect_vreg.gather [hbm4b:s1+s3], $0x80, v4, vm0, $0xb8;
	[tilespmem:$0x10200] =	vst v63  }
0xaa: {  	s31 =	simm.s32 $0xA00;
	v3 =	vperm.xlane v3, v2  }
0xab: {  	[tilespmem:s31], [sflag:$0x1] =	stream.indirect_vreg.gather [hbm4b:s8+s3], $0x80, v4, vm0, $0xb8;
	[tilespmem:$0x10200] =	vst v63  }
0xac: {  	s7 =	simm.s32 $0x1200;
	v3 =	vadd.s32 v1, v3  }
0xad: {  	[tilespmem:s7], [sflag:$0x1] =	stream.indirect_vreg.gather [hbm4b:s9+s3], $0x80, v4, vm0, $0xb8;
	[tilespmem:$0x10200] =	vst v63  }
0xae: {  	s31 =	simm.s32 $0x1A00  }
0xaf: {  	[tilespmem:s31], [sflag:$0x1] =	stream.indirect_vreg.gather [hbm4b:s10+s3], $0x80, v4, vm0, $0xb8;
	[tilespmem:$0x10200] =	vst v63  }
0xb0: {  	s7 =	simm.s32 $0x2200  }
0xb1: {  	[tilespmem:s7], [sflag:$0x1] =	stream.indirect_vreg.gather [hbm4b:s1+s3], $0x80, v3, vm0, $0xb8;
	[tilespmem:$0x10200] =	vst v63  }
0xb2: {  	s31 =	simm.s32 $0x2A00  }
0xb3: {  	[tilespmem:s31], [sflag:$0x1] =	stream.indirect_vreg.gather [hbm4b:s8+s3], $0x80, v3, vm0, $0xb8;
	[tilespmem:$0x10200] =	vst v63  }
0xb4: {  	s7 =	simm.s32 $0x3200  }
0xb5: {  	[tilespmem:s7], [sflag:$0x1] =	stream.indirect_vreg.gather [hbm4b:s9+s3], $0x80, v3, vm0, $0xb8;
	[tilespmem:$0x10200] =	vst v63  }
0xb6: {  	s31 =	simm.s32 $0x3A00  }
0xb7: {  	[tilespmem:s31], [sflag:$0x1] =	stream.indirect_vreg.gather [hbm4b:s10+s3], $0x80, v3, vm0, $0xb8;
	[tilespmem:$0x10200] =	vst v63  }
0xb8: {  	_ =	swait.ge [sflag:s14], $0x4000  }
0xb9: {  	[sflag:s14] =	ssyncset.done $0x0  }
0xba: {  	s7 =	rddreg [dreg:$0xd];
	[sflag:s14] =	ssyncadd.s32 $0xFFFFC000  }
0xbb: {  	[hbm4b:s7+s3] =	stream.linear.scatter [tilespmem:s0], [sflag:$0x7], $0x4000, $0x38;
	[tilespmem:$0x10200] =	vst v63  }
0xbc: {  	_ =	swait.ge [sflag:s16], $0x4000  }
0xbd: {  	[sflag:s16] =	ssyncset.done $0x0  }
0xbe: {  	s7 =	simm.s32 $0x80;
	s31 =	rddreg [dreg:$0xe];
	[sflag:s16] =	ssyncadd.s32 $0xFFFFC000  }
0xbf: {  	[tilespmem:s7], [sflag:$0x9] =	stream.linear.gather [hbm4b:s31+s3], $0x10, $0x38;
	[tilespmem:$0x10200] =	vst v63  }
0xc0: {  	_ =	swait.ge [sflag:s24], $0x10  }
0xc1: {  	[sflag:s24] =	ssyncset.done $0x0  }
0xc2: {  	[sflag:s24] =	ssyncadd.s32 $0xFFFFFFF0  }
0xc3: {  	v3 =	vld [tilespmem:$0x80];
	_ =	sdelay $0x4  }
0xc4: {  	v63 =	vshll.u32 v3, $0x3  }
0xc5: {  	v3 =	vand.u32 $0x7, v3;
	v4 =	vand.u32 $0xFFFFFFC0, v63  }
0xc6: {  	v3 =	vor.u32 v3, v4  }
0xc7: {  	v4 =	vperm.xlane v3, v0;
	_ =	sdelay $0x1  }
0xc8: {  	v4 =	vadd.s32 v1, v4;
	_ =	sdelay $0x4  }
0xc9: {  	[tilespmem:s11], [sflag:$0x2] =	stream.indirect_vreg.gather [hbm4b:s1+s3], $0x80, v4, vm0, $0xb8;
	[tilespmem:$0x10200] =	vst v63  }
0xca: {  	s31 =	simm.s32 $0x4A00;
	v3 =	vperm.xlane v3, v2  }
0xcb: {  	[tilespmem:s31], [sflag:$0x2] =	stream.indirect_vreg.gather [hbm4b:s8+s3], $0x80, v4, vm0, $0xb8;
	[tilespmem:$0x10200] =	vst v63  }
0xcc: {  	s7 =	simm.s32 $0x5200;
	v3 =	vadd.s32 v1, v3  }
0xcd: {  	[tilespmem:s7], [sflag:$0x2] =	stream.indirect_vreg.gather [hbm4b:s9+s3], $0x80, v4, vm0, $0xb8;
	[tilespmem:$0x10200] =	vst v63  }
0xce: {  	s31 =	simm.s32 $0x5A00  }
0xcf: {  	[tilespmem:s31], [sflag:$0x2] =	stream.indirect_vreg.gather [hbm4b:s10+s3], $0x80, v4, vm0, $0xb8;
	[tilespmem:$0x10200] =	vst v63  }
0xd0: {  	s7 =	simm.s32 $0x6200  }
0xd1: {  	[tilespmem:s7], [sflag:$0x2] =	stream.indirect_vreg.gather [hbm4b:s1+s3], $0x80, v3, vm0, $0xb8;
	[tilespmem:$0x10200] =	vst v63  }
0xd2: {  	s31 =	simm.s32 $0x6A00  }
0xd3: {  	[tilespmem:s31], [sflag:$0x2] =	stream.indirect_vreg.gather [hbm4b:s8+s3], $0x80, v3, vm0, $0xb8;
	[tilespmem:$0x10200] =	vst v63  }
.Ltmp3:
0xd4: {  	_ = 	snop;
	(pc) =	sbr.rel .LBB2_5-.Ltmp3, $4  }
0xd5: {  	s7 =	simm.s32 $0x7200  }
0xd6: {  	[tilespmem:s7], [sflag:$0x2] =	stream.indirect_vreg.gather [hbm4b:s9+s3], $0x80, v3, vm0, $0xb8;
	[tilespmem:$0x10200] =	vst v63  }
0xd7: {  	s31 =	simm.s32 $0x7A00  }
0xd8: {  	[tilespmem:s31], [sflag:$0x2] =	stream.indirect_vreg.gather [hbm4b:s10+s3], $0x80, v3, vm0, $0xb8;
	[tilespmem:$0x10200] =	vst v63  }
.LBB2_3:
0xd9: {  	_ =	swait.ge [sflag:s19], $0x4000  }
0xda: {  	s2 =	sshll.u32 s20, $0x4;
	s7 =	rddreg [dreg:$0x4]  }
0xdb: {  	s2 =	sor.u32 s7, s2  }
0xdc: {  	[sflag:s19] =	ssyncset.done $0x0;
	s7 =	rddreg [dreg:$0x3];
	s2 =	sshrl.u32 s2, $0x3  }
0xdd: {  	[sflag:s19] =	ssyncadd.s32 $0xFFFFC000;
	s2 =	sadd.s32 s7, s2;
	s7 =	simm.s32 $0x180  }
0xde: {  	[tilespmem:s7], [sflag:$0x9] =	stream.linear.gather [hbm4b:s2+s3], $0x10, $0x38;
	[tilespmem:$0x10200] =	vst v63  }
0xdf: {  	_ =	swait.ge [sflag:s24], $0x10  }
0xe0: {  	[sflag:s24] =	ssyncset.done $0x0  }
0xe1: {  	[sflag:s24] =	ssyncadd.s32 $0xFFFFFFF0  }
0xe2: {  	v3 =	vld [tilespmem:$0x180];
	_ =	sdelay $0x4  }
0xe3: {  	v4 =	vshll.u32 v3, $0x3  }
0xe4: {  	v3 =	vand.u32 $0x7, v3;
	v4 =	vand.u32 $0xFFFFFFC0, v4  }
0xe5: {  	v3 =	vor.u32 v3, v4  }
0xe6: {  	v4 =	vperm.xlane v3, v0;
	_ =	sdelay $0x1  }
0xe7: {  	v4 =	vadd.s32 v1, v4;
	_ =	sdelay $0x4  }
0xe8: {  	[tilespmem:s30], [sflag:$0x4] =	stream.indirect_vreg.gather [hbm4b:s1+s3], $0x80, v4, vm0, $0xb8;
	[tilespmem:$0x10200] =	vst v63  }
0xe9: {  	s7 =	simm.s32 $0xCA00;
	v3 =	vperm.xlane v3, v2  }
0xea: {  	[tilespmem:s7], [sflag:$0x4] =	stream.indirect_vreg.gather [hbm4b:s8+s3], $0x80, v4, vm0, $0xb8;
	[tilespmem:$0x10200] =	vst v63  }
0xeb: {  	v3 =	vadd.s32 v1, v3;
	s7 =	simm.s32 $0xD200  }
0xec: {  	[tilespmem:s7], [sflag:$0x4] =	stream.indirect_vreg.gather [hbm4b:s9+s3], $0x80, v4, vm0, $0xb8;
	[tilespmem:$0x10200] =	vst v63  }
0xed: {  	s7 =	simm.s32 $0xDA00  }
0xee: {  	[tilespmem:s7], [sflag:$0x4] =	stream.indirect_vreg.gather [hbm4b:s10+s3], $0x80, v4, vm0, $0xb8;
	[tilespmem:$0x10200] =	vst v63  }
0xef: {  	s7 =	simm.s32 $0xE200  }
0xf0: {  	[tilespmem:s7], [sflag:$0x4] =	stream.indirect_vreg.gather [hbm4b:s1+s3], $0x80, v3, vm0, $0xb8;
	[tilespmem:$0x10200] =	vst v63  }
0xf1: {  	s7 =	simm.s32 $0xEA00  }
0xf2: {  	[tilespmem:s7], [sflag:$0x4] =	stream.indirect_vreg.gather [hbm4b:s8+s3], $0x80, v3, vm0, $0xb8;
	[tilespmem:$0x10200] =	vst v63  }
0xf3: {  	s7 =	simm.s32 $0xF200  }
0xf4: {  	[tilespmem:s7], [sflag:$0x4] =	stream.indirect_vreg.gather [hbm4b:s9+s3], $0x80, v3, vm0, $0xb8;
	[tilespmem:$0x10200] =	vst v63  }
0xf5: {  	s7 =	simm.s32 $0xFA00  }
0xf6: {  	[tilespmem:s7], [sflag:$0x4] =	stream.indirect_vreg.gather [hbm4b:s10+s3], $0x80, v3, vm0, $0xb8;
	[tilespmem:$0x10200] =	vst v63  }
0xf7: {  	_ =	swait.ge [sflag:s4], $0x4000  }
0xf8: {  	[sflag:s4] =	ssyncset.done $0x0;
	s7 =	rddreg [dreg:$0x8]  }
0xf9: {  	[sflag:s4] =	ssyncadd.s32 $0xFFFFC000;
	s2 =	sadd.s32 s31, s7  }
0xfa: {  	[hbm4b:s2+s3] =	stream.linear.scatter [tilespmem:s11], [sflag:$0x6], $0x4000, $0x38;
	[tilespmem:$0x10200] =	vst v63  }
0xfb: {  	_ =	swait.ge [sflag:s14], $0x4000  }
0xfc: {  	[sflag:s14] =	ssyncset.done $0x0;
	s7 =	rddreg [dreg:$0xa]  }
0xfd: {  	[sflag:s14] =	ssyncadd.s32 $0xFFFFC000;
	s2 =	sadd.s32 s31, s7  }
0xfe: {  	[hbm4b:s2+s3] =	stream.linear.scatter [tilespmem:s0], [sflag:$0x7], $0x4000, $0x38;
	[tilespmem:$0x10200] =	vst v63  }
.LBB2_5:
.Ltmp4:
0xff: {  	(pc) =	sbr.rel @!p0 .LBB2_7-.Ltmp4, $4  }
0x100: {  	_ =	swait.ge [sflag:s17], $0x4000  }
0x101: {  	s2 =	sshll.u32 s20, $0xB;
	[sflag:s17] =	ssyncset.done $0x0  }
0x102: {  	s2 =	sadd.s32 s2, s21;
	[sflag:s17] =	ssyncadd.s32 $0xFFFFC000  }
0x103: {  	[hbm4b:s2+s3] =	stream.linear.scatter [tilespmem:s30], [sflag:$0x8], $0x4000, $0x38;
	[tilespmem:$0x10200] =	vst v63  }
0x104: {  	_ =	swait.ge [sflag:s18], $0x4000  }
0x105: {  	[sflag:s18] =	ssyncset.done $0x0  }
0x106: {  	s2 =	simm.s32 $0x100;
	[sflag:s18] =	ssyncadd.s32 $0xFFFFC000  }
0x107: {  	[tilespmem:s2], [sflag:$0x9] =	stream.linear.gather [hbm4b:s22+s3], $0x10, $0x38;
	[tilespmem:$0x10200] =	vst v63  }
0x108: {  	_ =	swait.ge [sflag:s24], $0x10  }
0x109: {  	[sflag:s24] =	ssyncset.done $0x0  }
0x10a: {  	[sflag:s24] =	ssyncadd.s32 $0xFFFFFFF0  }
0x10b: {  	v3 =	vld [tilespmem:$0x100];
	_ =	sdelay $0x4  }
0x10c: {  	v4 =	vshll.u32 v3, $0x3  }
0x10d: {  	v3 =	vand.u32 $0x7, v3;
	v4 =	vand.u32 $0xFFFFFFC0, v4  }
0x10e: {  	v3 =	vor.u32 v3, v4  }
0x10f: {  	v4 =	vperm.xlane v3, v0;
	_ =	sdelay $0x1  }
0x110: {  	v4 =	vadd.s32 v1, v4;
	_ =	sdelay $0x4  }
0x111: {  	[tilespmem:s0], [sflag:$0x3] =	stream.indirect_vreg.gather [hbm4b:s1+s3], $0x80, v4, vm0, $0xb8;
	[tilespmem:$0x10200] =	vst v63  }
0x112: {  	s20 =	simm.s32 $0x8A00;
	v3 =	vperm.xlane v3, v2  }
0x113: {  	[tilespmem:s20], [sflag:$0x3] =	stream.indirect_vreg.gather [hbm4b:s8+s3], $0x80, v4, vm0, $0xb8;
	[tilespmem:$0x10200] =	vst v63  }
0x114: {  	s31 =	simm.s32 $0x9200;
	v3 =	vadd.s32 v1, v3  }
0x115: {  	[tilespmem:s31], [sflag:$0x3] =	stream.indirect_vreg.gather [hbm4b:s9+s3], $0x80, v4, vm0, $0xb8;
	[tilespmem:$0x10200] =	vst v63  }
0x116: {  	_ = 	snop  }
0x117: {  	[tilespmem:s12], [sflag:$0x3] =	stream.indirect_vreg.gather [hbm4b:s10+s3], $0x80, v4, vm0, $0xb8;
	[tilespmem:$0x10200] =	vst v63  }
0x118: {  	_ = 	snop  }
0x119: {  	[tilespmem:s15], [sflag:$0x3] =	stream.indirect_vreg.gather [hbm4b:s1+s3], $0x80, v3, vm0, $0xb8;
	[tilespmem:$0x10200] =	vst v63  }
0x11a: {  	_ = 	snop  }
0x11b: {  	[tilespmem:s23], [sflag:$0x3] =	stream.indirect_vreg.gather [hbm4b:s8+s3], $0x80, v3, vm0, $0xb8;
	[tilespmem:$0x10200] =	vst v63  }
.Ltmp5:
0x11c: {  	_ = 	snop;
	(pc) =	sbr.rel .LBB2_2-.Ltmp5, $4  }
0x11d: {  	_ = 	snop  }
0x11e: {  	[tilespmem:s26], [sflag:$0x3] =	stream.indirect_vreg.gather [hbm4b:s9+s3], $0x80, v3, vm0, $0xb8;
	[tilespmem:$0x10200] =	vst v63  }
0x11f: {  	p0 =	por $0x0, $0x0;
	s20 =	simm.s32 $0x1  }
0x120: {  	[tilespmem:s28], [sflag:$0x3] =	stream.indirect_vreg.gather [hbm4b:s10+s3], $0x80, v3, vm0, $0xb8;
	[tilespmem:$0x10200] =	vst v63  }
.LBB2_8:
0x121: {  	_ =	sfence.sel $0x180000  }
0x122: {  	[bflag:$0x0] =	sbarrier.arrive $0xFFFF  }
0x123: {  	_ =	strace $0x9000004A  }
0x124: {  	s0 =	stileid.u32;
	[bflag:$0x2] =	sbarrier.arrive $0xFFFF  }
0x125: {  	p0 =	sne.s32 s0, $0x0;
	s0 =	rddreg [dreg:$0x2]  }
0x126: {  	s0 =	sadd.s32 @!p0 $0x100000, s0  }
0x127: {  	[sflag:s0] =	ssyncadd.tile.s32 @!p0 $0x1;
	_ =	shalt  }
.Lfunc_end2:
_tile_overlayer_lowered:
.L_overlay_start_2:
0x128: {  	(tag) =	ssettag $0x2  }
0x129: {  	s0 =	rddreg [dreg:$0x0];
	s2 =	stileid.u32  }
0x12a: {  	s1 =	rddreg [dreg:$0x1];
	p0 =	sne.s32 s2, $0x0  }
0x12b: {  	s3 =	rddreg [dreg:$0x2];
	[bflag:$0x3] =	sbarrier.arrive $0xFFFF;
	s2 =	simm.s32 @!p0 $0x1C09  }
0x12c: {  	[timem:s3], [sflag:s2] =	dma.local @!p0 [hbm:s0], s1  }
0x12d: {  	s0 =	simm.s32 @!p0 $0x9  }
0x12e: {  	_ =	swait.ge @!p0 [sflag:s0], s1  }
0x12f: {  	s1 =	ssub.s32 @!p0 $0x0, s1;
	[sflag:s0] =	ssyncset.done @!p0 $0x0  }
0x130: {  	[sflag:s0] =	ssyncadd.s32 @!p0 s1  }
0x131: {  	[bflag:$0x3] =	sbarrier.arrive $0xFFFF  }
0x132: {  	_ =	shalt  }

// kernel: kernel.16.cloned.1.call-start
scs
__scs_entry_jumppad:
0x0: {  	(pc) =	sbr.rel $0x88, $3  }
0x1: {  	(tag) =	ssettag $0x0;
	lr =	simm.s32 $0x1  }
0x2: {  	[smem:$0x3F9A] =	sst lr;
	_ =	strace $0xD0000000  }
0x3: {  	_ = 	snop  }
0x4: {  	_ = 	snop  }
0x5: {  	_ = 	snop  }
0x6: {  	_ = 	snop  }
0x7: {  	_ = 	snop  }
__scs_overlays_trampoline_lowered:
0x8: {  	[smem:$0x3FA9] =	sst s0  }
0x9: {  	[smem:$0x3FAA] =	sst s1  }
0xa: {  	[smem:$0x3FAB] =	sst s2  }
0xb: {  	[smem:$0x3FAC] =	sst s3  }
0xc: {  	[smem:$0x3FAD] =	sst s4  }
0xd: {  	[smem:$0x3FAE] =	sst s5  }
0xe: {  	[smem:$0x3FAF] =	sst s6  }
0xf: {  	[smem:$0x3FB0] =	sst s7  }
0x10: {  	[smem:$0x3FB1] =	sst s8  }
0x11: {  	[smem:$0x3FB2] =	sst s9;
	s0 =	simm.s32 @!p0 $0x0  }
0x12: {  	s1 =	sld [smem:$0x3F98];
	s0 =	simm.s32 @p0 $0x1  }
0x13: {  	[smem:$0x3FB3] =	sst s0;
	s0 =	simm.s32 @!p1 $0x0  }
0x14: {  	s2 =	sld [smem:$0x3F97];
	s0 =	simm.s32 @p1 $0x1  }
0x15: {  	[smem:$0x3FB4] =	sst s0;
	s0 =	simm.s32 @!p2 $0x0  }
0x16: {  	s3 =	sld [smem:$0x3FDB];
	s0 =	simm.s32 @p2 $0x1  }
0x17: {  	s4 =	simm.s32 $0x1BF5;
	[smem:$0x3FB6] =	sst s0  }
0x18: {  	s0 =	sld [smem:$0x3F99];
	_ =	swait.ge [sflag:s4], $0x0  }
0x19: {  	s7 =	sld [smem:$0x3F9A]  }
0x1a: {  	s8 =	sadd.s32 $0xFFFFE003, lr  }
0x1b: {  	s9 =	sadd.s32 $0xFFFFFEF7, lr;
	s5 =	simm.s32 $0xFFFFFFFF;
	p2 =	slt.u32 s8, $0xFFFFF086  }
0x1c: {  	p1 =	slt.u32 s9, $0xF7A;
	s5 =	simm.s32 @!p2 $0x0  }
0x1d: {  	s5 =	simm.s32 @p1 $0x1;
	p0 =	seq.s32 s7, s2  }
0x1e: {  	s7 =	smul.u32 @!p0 $0xF7A, s2;
	p2 =	seq.s32 @!p0 s5, $0x0  }
0x1f: {  	s9 =	smul.u32 $0xF7A, s1;
	s8 =	simm.s32 @!p0 $0x1BF5;
	p2 =	por !p2, p0  }
0x20: {  	[sflag:s8] =	ssyncset.s32 @!p0 $0xFFFFF086;
	s6 =	sadd.s32 @!p0 s3, s7;
	s7 =	simm.s32 @!p0 $0x108  }
0x21: {  	s3 =	sadd.s32 s3, s9;
	s6 =	sadd.s32 @!p0 $0x88, s6;
	s7 =	simm.s32 @p2 $0x1082  }
0x22: {  	[simem:s7], [sflag:s8] =	dma.local @!p0 [hbm:s6], $0xF7A  }
0x23: {  	s9 =	sor.u32 $0xD0000000, s2;
	s6 =	simm.s32 $0x108;
	_ =	swait.ge @!p0 [sflag:s8], $0x0  }
0x24: {  	s3 =	sadd.s32 $0x88, s3;
	s6 =	simm.s32 @!p1 $0x1082;
	[sflag:s4] =	ssyncset.s32 $0xFFFFF086  }
0x25: {  	[simem:s6], [sflag:s4] =	dma.local [hbm:s3], $0xF7A  }
0x26: {  	[smem:$0x3F9A] =	sst s1;
	(tag) =	ssettag s2;
	_ =	strace s9  }
0x27: {  	s1 =	sld [smem:$0x3FAA]  }
0x28: {  	s2 =	sld [smem:$0x3FAB]  }
0x29: {  	s4 =	sld [smem:$0x3FAD]  }
0x2a: {  	p0 =	seq.s32 s5, $0x0;
	s5 =	sld [smem:$0x3FAE]  }
0x2b: {  	s6 =	sld [smem:$0x3FAF]  }
0x2c: {  	s7 =	sld [smem:$0x3FB0]  }
0x2d: {  	s3 =	simm.s32 $0x108;
	s8 =	sld [smem:$0x3FB1]  }
0x2e: {  	s3 =	simm.s32 @!p0 $0x1082;
	s9 =	sld [smem:$0x3FB2]  }
0x2f: {  	lr =	sadd.s32 s0, s3;
	s0 =	sld [smem:$0x3FA9]  }
0x30: {  	s3 =	sld [smem:$0x3FAC]  }
0x31: {  	[smem:$0x3FB5] =	sst s10  }
0x32: {  	s10 =	sld [smem:$0x3FB3];
	_ =	sdelay $0x3  }
0x33: {  	p0 =	seq.s32 s10, $0x1;
	s10 =	sld [smem:$0x3FB5];
	_ =	sdelay $0x3  }
0x34: {  	[smem:$0x3FB5] =	sst s10  }
0x35: {  	s10 =	sld [smem:$0x3FB4];
	_ =	sdelay $0x3  }
0x36: {  	p1 =	seq.s32 s10, $0x1;
	s10 =	sld [smem:$0x3FB5];
	_ =	sdelay $0x3  }
0x37: {  	[smem:$0x3FB5] =	sst s10  }
0x38: {  	s10 =	sld [smem:$0x3FB6]  }
0x39: {  	_ = 	snop;
	(pc) =	sbr.ind lr, $3  }
0x3a: {  	_ = 	snop  }
0x3b: {  	_ = 	snop  }
0x3c: {  	p2 =	seq.s32 s10, $0x1;
	s10 =	sld [smem:$0x3FB5]  }
0x3d: {  	_ =	shalt  }
0x3e: {  	_ =	shalt  }
0x3f: {  	_ =	shalt  }
0x40: {  	_ =	shalt  }
0x41: {  	_ =	shalt  }
0x42: {  	_ =	shalt  }
0x43: {  	_ =	shalt  }
0x44: {  	_ =	shalt  }
0x45: {  	_ =	shalt  }
0x46: {  	_ =	shalt  }
0x47: {  	_ =	shalt  }
0x48: {  	_ =	shalt  }
0x49: {  	_ =	shalt  }
0x4a: {  	_ =	shalt  }
0x4b: {  	_ =	shalt  }
0x4c: {  	_ =	shalt  }
0x4d: {  	_ =	shalt  }
0x4e: {  	_ =	shalt  }
0x4f: {  	_ =	shalt  }
0x50: {  	_ =	shalt  }
0x51: {  	_ =	shalt  }
0x52: {  	_ =	shalt  }
0x53: {  	_ =	shalt  }
0x54: {  	_ =	shalt  }
0x55: {  	_ =	shalt  }
0x56: {  	_ =	shalt  }
0x57: {  	_ =	shalt  }
0x58: {  	_ =	shalt  }
0x59: {  	_ =	shalt  }
0x5a: {  	_ =	shalt  }
0x5b: {  	_ =	shalt  }
0x5c: {  	_ =	shalt  }
0x5d: {  	_ =	shalt  }
0x5e: {  	_ =	shalt  }
0x5f: {  	_ =	shalt  }
0x60: {  	_ =	shalt  }
0x61: {  	_ =	shalt  }
0x62: {  	_ =	shalt  }
0x63: {  	_ =	shalt  }
0x64: {  	_ =	shalt  }
0x65: {  	_ =	shalt  }
0x66: {  	_ =	shalt  }
0x67: {  	_ =	shalt  }
0x68: {  	_ =	shalt  }
0x69: {  	_ =	shalt  }
0x6a: {  	_ =	shalt  }
0x6b: {  	_ =	shalt  }
0x6c: {  	_ =	shalt  }
0x6d: {  	_ =	shalt  }
0x6e: {  	_ =	shalt  }
0x6f: {  	_ =	shalt  }
0x70: {  	_ =	shalt  }
0x71: {  	_ =	shalt  }
0x72: {  	_ =	shalt  }
0x73: {  	_ =	shalt  }
0x74: {  	_ =	shalt  }
0x75: {  	_ =	shalt  }
0x76: {  	_ =	shalt  }
0x77: {  	_ =	shalt  }
0x78: {  	_ =	shalt  }
0x79: {  	_ =	shalt  }
0x7a: {  	_ =	shalt  }
0x7b: {  	_ =	shalt  }
0x7c: {  	_ =	shalt  }
0x7d: {  	_ =	shalt  }
0x7e: {  	_ =	shalt  }
0x7f: {  	_ =	shalt  }
0x80: {  	_ =	shalt  }
0x81: {  	_ =	shalt  }
0x82: {  	_ =	shalt  }
0x83: {  	_ =	shalt  }
0x84: {  	_ =	shalt  }
0x85: {  	_ =	shalt  }
0x86: {  	_ =	shalt  }
0x87: {  	_ =	shalt  }
.Lfunc_end0:
.L_simem_size_0:
called_computation.2_lowered:
.L_overlay_start_0:
0x88: {  	s2 =	sld [smem:$0x3FD9]  }
0x89: {  	s3 =	sld [smem:$0x3FFE];
	_ =	sdelay $0x1  }
0x8a: {  	s1 =	srdreg.scid  }
0x8b: {  	s0 =	sand.u32 $0x1, s1  }
0x8c: {  	s17 =	sshll.u32 s0, $0xA;
	s2 =	sadd.s32 s3, s2  }
0x8d: {  	s2 =	sadd.s32 s2, s17  }
0x8e: {  	[smem:$0x3FC1] =	sst s2  }
0x8f: {  	_ = 	snop  }
0x90: {  	s18 =	sld [smem:$0x3FC7];
	(tm) =	ssettm $0x1  }
0x91: {  	s19 =	sld [smem:$0x3FFB];
	_ =	sdelay $0x3  }
0x92: {  	_ =	strace s19  }
0x93: {  	s2 =	sld [smem:$0x3FFC];
	_ =	sdelay $0x3  }
0x94: {  	_ =	strace s2  }
0x95: {  	s2 =	sld [smem:$0x3FFD];
	_ =	sdelay $0x3  }
0x96: {  	_ =	strace s2  }
0x97: {  	_ =	strace $0x8FFFFFFF  }
0x98: {  	s20 =	sld [smem:$0x3FDB];
	_ =	sdelay $0x1  }
0x99: {  	s4 =	simm.s32 $_scs_section_size  }
0x9a: {  	s5 =	simm.s32 $_size__tile_overlayer_lowered;
	s6 =	simm.s32 $_tile_overlayer_lowered  }
0x9b: {  	s7 =	simm.s32 $0x1BFF;
	s21 =	sshll.u32 s6, $0x1;
	s4 =	sadd.s32 s4, s20  }
0x9c: {  	s22 =	simm.s32 $0x0;
	s5 =	sshll.u32 s5, $0x1;
	s6 =	sadd.s32 s21, s4  }
0x9d: {  	[timem:s22], [sflag:s7] =	dma.local [hbm:s6], s5  }
0x9e: {  	_ =	swait.ge [sflag:s7], s5  }
0x9f: {  	s5 =	ssub.s32 $0x0, s5;
	[sflag:s7] =	ssyncset.done $0x0  }
0xa0: {  	[sflag:s7] =	ssyncadd.s32 s5;
	_ =	sdelay $0x1  }
0xa1: {  	s23 =	simm.s32 $0x1B8B  }
0xa2: {  	_ =	swait.ge [sflag:s23], $0x1  }
0xa3: {  	[sflag:s23] =	ssyncset.done $0x0  }
0xa4: {  	[sflag:s23] =	ssyncadd.s32 $0xFFFFFFFF  }
0xa5: {  	s5 =	sld [smem:$0x0]  }
0xa6: {  	s6 =	sand.u32 $0xFFFFFFFE, s1  }
0xa7: {  	p0 =	sne.s32 s1, s6  }
0xa8: {  	s6 =	sshll.u32 @p0 s6, $0xE  }
0xa9: {  	s6 =	sadd.s32 @p0 $0x11B8D, s6;
	s7 =	sshll.u32 @p0 s5, $0x11  }
0xaa: {  	s6 =	sor.u32 @p0 s7, s6  }
0xab: {  	[sflag:s6] =	ssyncadd.remote.s32 @p0 $0x1;
	_ =	sdelay $0x1  }
0xac: {  	s6 =	simm.s32 @p0 $0x1B8D  }
0xad: {  	_ =	swait.eq @p0 [sflag:s6], $0x1  }
0xae: {  	[sflag:s6] =	ssyncadd.s32 @p0 $0xFFFFFFFF  }
0xaf: {  	s7 =	sshll.u32 @!p0 s1, $0xE  }
0xb0: {  	s7 =	sor.u32 @!p0 $0x4000, s7;
	s6 =	simm.s32 @!p0 $0x1B8D  }
0xb1: {  	s5 =	sshll.u32 @!p0 s5, $0x11;
	s7 =	sadd.s32 @!p0 $0x11B8D, s7;
	_ =	swait.eq @!p0 [sflag:s6], $0x1  }
0xb2: {  	s5 =	sor.u32 @!p0 s5, s7;
	[sflag:s6] =	ssyncadd.s32 @!p0 $0xFFFFFFFF  }
0xb3: {  	s25 =	simm.s32 $0x1B8E;
	s24 =	sld [smem:$0x3FFE];
	[sflag:s5] =	ssyncadd.remote.s32 @!p0 $0x1  }
0xb4: {  	s26 =	simm.s32 $execute0_lowered;
	[smem:$0x3FD2] =	sst s25  }
0xb5: {  	s6 =	sshll.u32 s26, $0x1;
	_ =	strace $0x8000004C;
	[dreg:$0x1] =	wrdreg $0xFFFFFFFF  }
0xb6: {  	s28 =	simm.s32 $_size_execute0_lowered;
	s4 =	sadd.s32 s4, s6;
	[dreg:$0x0] =	wrdreg $0x0  }
0xb7: {  	s6 =	sshll.u32 s28, $0x1;
	[dreg:$0x2] =	wrdreg s4  }
0xb8: {  	[dreg:$0x3] =	wrdreg s6  }
0xb9: {  	[dreg:$0x4] =	wrdreg $0xC0  }
0xba: {  	_ =	task [dreg:s22], $0x5FFFF  }
0xbb: {  	[dreg:$0x1] =	wrdreg $0xFFFFFFFF  }
0xbc: {  	[dreg:$0x0] =	wrdreg $0x60  }
0xbd: {  	[dreg:$0x2] =	wrdreg s18  }
0xbe: {  	[dreg:$0x3] =	wrdreg s24  }
0xbf: {  	[dreg:$0x4] =	wrdreg $0xB  }
0xc0: {  	_ =	task.clear_ibuf [dreg:s22], $0x5FFFF;
	_ =	strace $0x9000004C  }
0xc1: {  	s29 =	simm.s32 $0xB;
	_ =	strace $0x8000004E  }
0xc2: {  	_ =	swait.ge [sflag:s29], $0x1  }
0xc3: {  	[sflag:s29] =	ssyncadd.s32 $0xFFFFFFFF  }
0xc4: {  	_ =	strace $0x9000004E  }
0xc5: {  	_ =	sfence  }
0xc6: {  	s30 =	sld [smem:$0x0];
	_ =	sdelay $0x2  }
0xc7: {  	s31 =	sshll.u32 s1, $0xD;
	s1 =	sshrl.u32 s1, $0x2  }
0xc8: {  	s4 =	sand.u32 $0x4000, s31;
	s1 =	sadd.s32 s1, s30  }
0xc9: {  	s0 =	sor.u32 s4, s0;
	s1 =	sshll.u32 s1, $0x11  }
0xca: {  	s0 =	sor.u32 s1, s0  }
0xcb: {  	s0 =	sadd.s32 $0x8F2B, s0  }
0xcc: {  	[sflag:s0] =	ssyncadd.remote.s32 $0x1  }
0xcd: {  	_ =	sfence.sel $0xFFFF  }
0xce: {  	[dreg:$0x0] =	wrdreg $0xFFFFFFFF;
	(pc) =	sbr.abs _section_cstart, $3  }
0xcf: {  	[dreg:$0x1] =	wrdreg $0xFFFFFFFF  }
0xd0: {  	_ =	task.clear_ibuf [dreg:s22], $0x2FFFF;
	_ =	strace $0x9FFFFFFF  }
0xd1: {  	(tm) =	ssettm $0x7FFFFFFF  }
tec
execute0_lowered:
.L_overlay_start_1:
0x0: {  	(tag) =	ssettag $0x1  }
0x1: {  	s1 =	rddreg [dreg:$0x0]  }
0x2: {  	s0 =	rddreg [dreg:$0x1];
	s3 =	simm.s32 $0x0;
	s2 =	srdreg.scid  }
0x3: {  	s4 =	stileid.u32;
	s11 =	simm.s32 $0x4200;
	s12 =	simm.s32 $0x9A00  }
0x4: {  	s15 =	simm.s32 $0xA200;
	s28 =	simm.s32 $0xBA00;
	s30 =	simm.s32 $0xC200  }
0x5: {  	s29 =	simm.s32 $0x1;
	s14 =	simm.s32 $0x3;
	s16 =	simm.s32 $0x6  }
0x6: {  	s17 =	simm.s32 $0x4;
	[smem:$0x7FF] =	sst s3;
	s2 =	sand.u32 $0x1, s2  }
0x7: {  	s4 =	sshll.u32 s4, $0x8;
	s9 =	sadd.s32 $0x2200, s0;
	s8 =	sadd.s32 $0x100, s1  }
0x8: {  	s10 =	sadd.s32 $0x300, s1;
	s23 =	sadd.s32 $0x83200, s0;
	_ =	strace $0x8000004D  }
0x9: {  	s5 =	sshll.u32 s2, $0x7;
	s2 =	ssub.s32 $0x2, s2;
	[dreg:$0x3] =	wrdreg s9  }
0xa: {  	[dreg:$0x8] =	wrdreg s23;
	s4 =	sor.u32 s5, s4;
	s5 =	sadd.s32 $0x82A00, s0  }
0xb: {  	s6 =	sshrl.u32 s2, $0x1;
	s0 =	sadd.s32 $0x83A00, s0;
	s7 =	sor.u32 $0x2000, s4  }
0xc: {  	s2 =	ssub.s32 s2, s6;
	s13 =	sshll.u32 s4, $0x7;
	[dreg:$0xa] =	wrdreg s0  }
0xd: {  	s19 =	sshrl.u32 s4, $0x3;
	[dreg:$0x4] =	wrdreg s7;
	s4 =	sadd.s32 s13, s23  }
0xe: {  	s18 =	sshrl.u32 s7, $0x3;
	s0 =	sadd.s32 s13, s0;
	[dreg:$0xb] =	wrdreg s4  }
0xf: {  	s20 =	sadd.s32 s19, s9;
	s31 =	smax.u32 s2, $0x1;
	[dreg:$0xd] =	wrdreg s0  }
0x10: {  	s21 =	sadd.s32 s5, s13;
	s6 =	sadd.s32 s9, s18;
	[dreg:$0xf] =	wrdreg s31  }
0x11: {  	s23 =	simm.s32 $0xAA00;
	s7 =	sadd.s32 $0x402, s20;
	[dreg:$0x5] =	wrdreg s6  }
0x12: {  	s19 =	simm.s32 $0x8;
	s22 =	sadd.s32 $0x404, s20;
	[dreg:$0x6] =	wrdreg s7  }
0x13: {  	s9 =	sadd.s32 $0x200, s1;
	s24 =	sadd.s32 $0x406, s20;
	[dreg:$0x7] =	wrdreg s22  }
.Ltmp0:
0x14: {  	s25 =	sadd.s32 $0x408, s20;
	[dreg:$0x9] =	wrdreg s24;
	(pc) =	sbr.rel .LBB2_1-.Ltmp0, $4  }
0x15: {  	s26 =	sadd.s32 $0x40A, s20;
	s0 =	simm.s32 $0x8200;
	[dreg:$0xc] =	wrdreg s25  }
0x16: {  	v2 =	vlaneseq.u32;
	s4 =	simm.s32 $0x2;
	s18 =	simm.s32 $0x7;
	[dreg:$0xe] =	wrdreg s26  }
0x17: {  	vm0 =	vmmov $0xffff;
	v1 =	vshrl.u32 v2, $0x3;
	s22 =	sadd.s32 $0x40C, s20;
	s24 =	simm.s32 $0x9;
	s25 =	simm.s32 $0x200  }
0x18: {  	v0 =	vand.u32 $0x7, v2;
	v2 =	vor.u32 $0x8, v2;
	v1 =	vmul.u32 $0x8, v1;
	s26 =	simm.s32 $0xB200;
	s6 =	simm.s32 $0x5;
	s7 =	simm.s32 $0x0  }
.LBB2_7:
0x19: {  	_ =	swait.ge [sflag:s6], $0x4000  }
0x1a: {  	[sflag:s6] =	ssyncset.done $0x0  }
0x1b: {  	[sflag:s6] =	ssyncadd.s32 $0xFFFFC000  }
0x1c: {  	_ =	swait.ge [sflag:s16], $0x4000  }
0x1d: {  	[sflag:s16] =	ssyncset.done $0x0  }
0x1e: {  	[sflag:s16] =	ssyncadd.s32 $0xFFFFC000  }
0x1f: {  	_ =	swait.ge [sflag:s18], $0x4000  }
0x20: {  	[sflag:s18] =	ssyncset.done $0x0  }
0x21: {  	[sflag:s18] =	ssyncadd.s32 $0xFFFFC000  }
0x22: {  	_ =	swait.ge [sflag:s19], $0x4000  }
0x23: {  	s7 =	rddreg [dreg:$0x10]  }
0x24: {  	s2 =	rddreg [dreg:$0xf];
	s7 =	sadd.s32 $0x1, s7  }
0x25: {  	p0 =	sne.s32 s7, s2  }
.Ltmp1:
0x26: {  	_ = 	snop;
	(pc) =	sbr.rel @!p0 .LBB2_8-.Ltmp1, $3  }
0x27: {  	_ =	sdelay $0x1  }
0x28: {  	[sflag:s19] =	ssyncset.done $0x0  }
0x29: {  	[sflag:s19] =	ssyncadd.s32 $0xFFFFC000  }
.LBB2_1:
0x2a: {  	[dreg:$0x10] =	wrdreg s7  }
0x2b: {  	s2 =	rddreg [dreg:$0x5]  }
0x2c: {  	[tilespmem:s3], [sflag:$0x9] =	stream.linear.gather [hbm4b:s2+s3], $0x10, $0x38;
	[tilespmem:$0x10200] =	vst v63  }
0x2d: {  	_ =	swait.ge [sflag:s24], $0x10  }
0x2e: {  	[sflag:s24] =	ssyncset.done $0x0  }
0x2f: {  	[sflag:s24] =	ssyncadd.s32 $0xFFFFFFF0  }
0x30: {  	v3 =	vld [tilespmem:$0x0];
	_ =	sdelay $0x4  }
0x31: {  	v4 =	vshll.u32 v3, $0x3  }
0x32: {  	v3 =	vand.u32 $0x7, v3;
	v4 =	vand.u32 $0xFFFFFFC0, v4  }
0x33: {  	v3 =	vor.u32 v3, v4  }
0x34: {  	v4 =	vperm.xlane v3, v0;
	_ =	sdelay $0x1  }
0x35: {  	v4 =	vadd.s32 v1, v4;
	_ =	sdelay $0x4  }
0x36: {  	[tilespmem:s25], [sflag:$0x1] =	stream.indirect_vreg.gather [hbm4b:s1+s3], $0x80, v4, vm0, $0xb8;
	[tilespmem:$0x10200] =	vst v63  }
0x37: {  	s7 =	simm.s32 $0xA00;
	v3 =	vperm.xlane v3, v2  }
0x38: {  	[tilespmem:s7], [sflag:$0x1] =	stream.indirect_vreg.gather [hbm4b:s8+s3], $0x80, v4, vm0, $0xb8;
	[tilespmem:$0x10200] =	vst v63  }
0x39: {  	s20 =	simm.s32 $0x1200;
	v3 =	vadd.s32 v1, v3  }
0x3a: {  	[tilespmem:s20], [sflag:$0x1] =	stream.indirect_vreg.gather [hbm4b:s9+s3], $0x80, v4, vm0, $0xb8;
	[tilespmem:$0x10200] =	vst v63  }
0x3b: {  	s31 =	simm.s32 $0x1A00  }
0x3c: {  	[tilespmem:s31], [sflag:$0x1] =	stream.indirect_vreg.gather [hbm4b:s10+s3], $0x80, v4, vm0, $0xb8;
	[tilespmem:$0x10200] =	vst v63  }
0x3d: {  	s7 =	simm.s32 $0x2200  }
0x3e: {  	[tilespmem:s7], [sflag:$0x1] =	stream.indirect_vreg.gather [hbm4b:s1+s3], $0x80, v3, vm0, $0xb8;
	[tilespmem:$0x10200] =	vst v63  }
0x3f: {  	s20 =	simm.s32 $0x2A00  }
0x40: {  	[tilespmem:s20], [sflag:$0x1] =	stream.indirect_vreg.gather [hbm4b:s8+s3], $0x80, v3, vm0, $0xb8;
	[tilespmem:$0x10200] =	vst v63  }
0x41: {  	s31 =	simm.s32 $0x3200  }
0x42: {  	[tilespmem:s31], [sflag:$0x1] =	stream.indirect_vreg.gather [hbm4b:s9+s3], $0x80, v3, vm0, $0xb8;
	[tilespmem:$0x10200] =	vst v63  }
0x43: {  	s7 =	simm.s32 $0x3A00  }
0x44: {  	[tilespmem:s7], [sflag:$0x1] =	stream.indirect_vreg.gather [hbm4b:s10+s3], $0x80, v3, vm0, $0xb8;
	[tilespmem:$0x10200] =	vst v63  }
0x45: {  	s20 =	rddreg [dreg:$0x6];
	s31 =	simm.s32 $0x80  }
0x46: {  	[tilespmem:s31], [sflag:$0x9] =	stream.linear.gather [hbm4b:s20+s3], $0x10, $0x38;
	[tilespmem:$0x10200] =	vst v63  }
0x47: {  	_ =	swait.ge [sflag:s24], $0x10  }
0x48: {  	[sflag:s24] =	ssyncset.done $0x0  }
0x49: {  	[sflag:s24] =	ssyncadd.s32 $0xFFFFFFF0  }
0x4a: {  	v3 =	vld [tilespmem:$0x80];
	_ =	sdelay $0x4  }
0x4b: {  	v61 =	vshll.u32 v3, $0x3  }
0x4c: {  	v3 =	vand.u32 $0x7, v3;
	v4 =	vand.u32 $0xFFFFFFC0, v61  }
0x4d: {  	v3 =	vor.u32 v3, v4  }
0x4e: {  	v4 =	vperm.xlane v3, v0;
	_ =	sdelay $0x1  }
0x4f: {  	v4 =	vadd.s32 v1, v4;
	_ =	sdelay $0x4  }
0x50: {  	[tilespmem:s11], [sflag:$0x2] =	stream.indirect_vreg.gather [hbm4b:s1+s3], $0x80, v4, vm0, $0xb8;
	[tilespmem:$0x10200] =	vst v63  }
0x51: {  	s7 =	simm.s32 $0x4A00;
	v3 =	vperm.xlane v3, v2  }
0x52: {  	[tilespmem:s7], [sflag:$0x2] =	stream.indirect_vreg.gather [hbm4b:s8+s3], $0x80, v4, vm0, $0xb8;
	[tilespmem:$0x10200] =	vst v63  }
0x53: {  	s20 =	simm.s32 $0x5200;
	v3 =	vadd.s32 v1, v3  }
0x54: {  	[tilespmem:s20], [sflag:$0x2] =	stream.indirect_vreg.gather [hbm4b:s9+s3], $0x80, v4, vm0, $0xb8;
	[tilespmem:$0x10200] =	vst v63  }
0x55: {  	s31 =	simm.s32 $0x5A00  }
0x56: {  	[tilespmem:s31], [sflag:$0x2] =	stream.indirect_vreg.gather [hbm4b:s10+s3], $0x80, v4, vm0, $0xb8;
	[tilespmem:$0x10200] =	vst v63  }
0x57: {  	s7 =	simm.s32 $0x6200  }
0x58: {  	[tilespmem:s7], [sflag:$0x2] =	stream.indirect_vreg.gather [hbm4b:s1+s3], $0x80, v3, vm0, $0xb8;
	[tilespmem:$0x10200] =	vst v63  }
0x59: {  	s20 =	simm.s32 $0x6A00  }
0x5a: {  	[tilespmem:s20], [sflag:$0x2] =	stream.indirect_vreg.gather [hbm4b:s8+s3], $0x80, v3, vm0, $0xb8;
	[tilespmem:$0x10200] =	vst v63  }
0x5b: {  	s31 =	simm.s32 $0x7200  }
0x5c: {  	[tilespmem:s31], [sflag:$0x2] =	stream.indirect_vreg.gather [hbm4b:s9+s3], $0x80, v3, vm0, $0xb8;
	[tilespmem:$0x10200] =	vst v63  }
0x5d: {  	s7 =	simm.s32 $0x7A00  }
0x5e: {  	[tilespmem:s7], [sflag:$0x2] =	stream.indirect_vreg.gather [hbm4b:s10+s3], $0x80, v3, vm0, $0xb8;
	[tilespmem:$0x10200] =	vst v63  }
0x5f: {  	s20 =	rddreg [dreg:$0x7];
	s31 =	simm.s32 $0x100  }
0x60: {  	[tilespmem:s31], [sflag:$0x9] =	stream.linear.gather [hbm4b:s20+s3], $0x10, $0x38;
	[tilespmem:$0x10200] =	vst v63  }
0x61: {  	_ =	swait.ge [sflag:s24], $0x10  }
0x62: {  	[sflag:s24] =	ssyncset.done $0x0  }
0x63: {  	[sflag:s24] =	ssyncadd.s32 $0xFFFFFFF0  }
0x64: {  	v3 =	vld [tilespmem:$0x100];
	_ =	sdelay $0x4  }
0x65: {  	v62 =	vshll.u32 v3, $0x3  }
0x66: {  	v3 =	vand.u32 $0x7, v3;
	v4 =	vand.u32 $0xFFFFFFC0, v62  }
0x67: {  	v3 =	vor.u32 v3, v4  }
0x68: {  	v4 =	vperm.xlane v3, v0;
	_ =	sdelay $0x1  }
0x69: {  	v4 =	vadd.s32 v1, v4;
	_ =	sdelay $0x4  }
0x6a: {  	[tilespmem:s0], [sflag:$0x3] =	stream.indirect_vreg.gather [hbm4b:s1+s3], $0x80, v4, vm0, $0xb8;
	[tilespmem:$0x10200] =	vst v63  }
0x6b: {  	s20 =	simm.s32 $0x8A00;
	v3 =	vperm.xlane v3, v2  }
0x6c: {  	[tilespmem:s20], [sflag:$0x3] =	stream.indirect_vreg.gather [hbm4b:s8+s3], $0x80, v4, vm0, $0xb8;
	[tilespmem:$0x10200] =	vst v63  }
0x6d: {  	s31 =	simm.s32 $0x9200;
	v3 =	vadd.s32 v1, v3  }
0x6e: {  	[tilespmem:s31], [sflag:$0x3] =	stream.indirect_vreg.gather [hbm4b:s9+s3], $0x80, v4, vm0, $0xb8;
	[tilespmem:$0x10200] =	vst v63  }
0x6f: {  	_ = 	snop  }
0x70: {  	[tilespmem:s12], [sflag:$0x3] =	stream.indirect_vreg.gather [hbm4b:s10+s3], $0x80, v4, vm0, $0xb8;
	[tilespmem:$0x10200] =	vst v63  }
0x71: {  	_ = 	snop  }
0x72: {  	[tilespmem:s15], [sflag:$0x3] =	stream.indirect_vreg.gather [hbm4b:s1+s3], $0x80, v3, vm0, $0xb8;
	[tilespmem:$0x10200] =	vst v63  }
0x73: {  	_ = 	snop  }
0x74: {  	[tilespmem:s23], [sflag:$0x3] =	stream.indirect_vreg.gather [hbm4b:s8+s3], $0x80, v3, vm0, $0xb8;
	[tilespmem:$0x10200] =	vst v63  }
0x75: {  	_ = 	snop  }
0x76: {  	[tilespmem:s26], [sflag:$0x3] =	stream.indirect_vreg.gather [hbm4b:s9+s3], $0x80, v3, vm0, $0xb8;
	[tilespmem:$0x10200] =	vst v63  }
0x77: {  	_ = 	snop  }
0x78: {  	[tilespmem:s28], [sflag:$0x3] =	stream.indirect_vreg.gather [hbm4b:s10+s3], $0x80, v3, vm0, $0xb8;
	[tilespmem:$0x10200] =	vst v63  }
0x79: {  	s7 =	rddreg [dreg:$0x9];
	s20 =	simm.s32 $0x180  }
0x7a: {  	[tilespmem:s20], [sflag:$0x9] =	stream.linear.gather [hbm4b:s7+s3], $0x10, $0x38;
	[tilespmem:$0x10200] =	vst v63  }
0x7b: {  	_ =	swait.ge [sflag:s24], $0x10  }
0x7c: {  	[sflag:s24] =	ssyncset.done $0x0  }
0x7d: {  	[sflag:s24] =	ssyncadd.s32 $0xFFFFFFF0  }
0x7e: {  	v3 =	vld [tilespmem:$0x180];
	_ =	sdelay $0x4  }
0x7f: {  	v63 =	vshll.u32 v3, $0x3  }
0x80: {  	v3 =	vand.u32 $0x7, v3;
	v4 =	vand.u32 $0xFFFFFFC0, v63  }
0x81: {  	v3 =	vor.u32 v3, v4  }
0x82: {  	v4 =	vperm.xlane v3, v0;
	_ =	sdelay $0x1  }
0x83: {  	v4 =	vadd.s32 v1, v4;
	_ =	sdelay $0x4  }
0x84: {  	[tilespmem:s30], [sflag:$0x4] =	stream.indirect_vreg.gather [hbm4b:s1+s3], $0x80, v4, vm0, $0xb8;
	[tilespmem:$0x10200] =	vst v63  }
0x85: {  	s31 =	simm.s32 $0xCA00;
	v3 =	vperm.xlane v3, v2  }
0x86: {  	[tilespmem:s31], [sflag:$0x4] =	stream.indirect_vreg.gather [hbm4b:s8+s3], $0x80, v4, vm0, $0xb8;
	[tilespmem:$0x10200] =	vst v63  }
0x87: {  	s7 =	simm.s32 $0xD200;
	v3 =	vadd.s32 v1, v3  }
0x88: {  	[tilespmem:s7], [sflag:$0x4] =	stream.indirect_vreg.gather [hbm4b:s9+s3], $0x80, v4, vm0, $0xb8;
	[tilespmem:$0x10200] =	vst v63  }
0x89: {  	s20 =	simm.s32 $0xDA00  }
0x8a: {  	[tilespmem:s20], [sflag:$0x4] =	stream.indirect_vreg.gather [hbm4b:s10+s3], $0x80, v4, vm0, $0xb8;
	[tilespmem:$0x10200] =	vst v63  }
0x8b: {  	s31 =	simm.s32 $0xE200  }
0x8c: {  	[tilespmem:s31], [sflag:$0x4] =	stream.indirect_vreg.gather [hbm4b:s1+s3], $0x80, v3, vm0, $0xb8;
	[tilespmem:$0x10200] =	vst v63  }
0x8d: {  	s7 =	simm.s32 $0xEA00  }
0x8e: {  	[tilespmem:s7], [sflag:$0x4] =	stream.indirect_vreg.gather [hbm4b:s8+s3], $0x80, v3, vm0, $0xb8;
	[tilespmem:$0x10200] =	vst v63  }
0x8f: {  	s20 =	simm.s32 $0xF200  }
0x90: {  	[tilespmem:s20], [sflag:$0x4] =	stream.indirect_vreg.gather [hbm4b:s9+s3], $0x80, v3, vm0, $0xb8;
	[tilespmem:$0x10200] =	vst v63  }
0x91: {  	p0 =	por $0x1, $0x1;
	s31 =	simm.s32 $0xFA00;
	s20 =	simm.s32 $0x0  }
0x92: {  	[tilespmem:s31], [sflag:$0x4] =	stream.indirect_vreg.gather [hbm4b:s10+s3], $0x80, v3, vm0, $0xb8;
	[tilespmem:$0x10200] =	vst v63  }
.LBB2_2:
.Ltmp2:
0x93: {  	(pc) =	sbr.rel @!p0 .LBB2_3-.Ltmp2, $4  }
0x94: {  	_ =	swait.ge [sflag:s29], $0x4000;
	s31 =	sshll.u32 s20, $0xD  }
0x95: {  	[sflag:s29] =	ssyncset.done $0x0;
	s31 =	sor.u32 s13, s31  }
0x96: {  	s20 =	sshllo.u32 s20, $0x2;
	[sflag:s29] =	ssyncadd.s32 $0xFFFFC000;
	s2 =	sadd.s32 s5, s31  }
0x97: {  	[hbm4b:s2+s3] =	stream.linear.scatter [tilespmem:s25], [sflag:$0x5], $0x4000, $0x38;
	[tilespmem:$0x10200] =	vst v63  }
0x98: {  	_ =	swait.ge [sflag:s4], $0x4000  }
0x99: {  	[sflag:s4] =	ssyncset.done $0x0  }
0x9a: {  	s2 =	rddreg [dreg:$0xb];
	[sflag:s4] =	ssyncadd.s32 $0xFFFFC000  }
0x9b: {  	[hbm4b:s2+s3] =	stream.linear.scatter [tilespmem:s11], [sflag:$0x6], $0x4000, $0x38;
	[tilespmem:$0x10200] =	vst v63  }
0x9c: {  	_ =	swait.ge [sflag:s6], $0x4000  }
0x9d: {  	[sflag:s6] =	ssyncset.done $0x0  }
0x9e: {  	s7 =	rddreg [dreg:$0xc];
	[sflag:s6] =	ssyncadd.s32 $0xFFFFC000  }
0x9f: {  	[tilespmem:s3], [sflag:$0x9] =	stream.linear.gather [hbm4b:s7+s3], $0x10, $0x38;
	[tilespmem:$0x10200] =	vst v63  }
0xa0: {  	_ =	swait.ge [sflag:s24], $0x10  }
0xa1: {  	[sflag:s24] =	ssyncset.done $0x0  }
0xa2: {  	[sflag:s24] =	ssyncadd.s32 $0xFFFFFFF0  }
0xa3: {  	v3 =	vld [tilespmem:$0x0];
	_ =	sdelay $0x4  }
0xa4: {  	v4 =	vshll.u32 v3, $0x3  }
0xa5: {  	v3 =	vand.u32 $0x7, v3;
	v4 =	vand.u32 $0xFFFFFFC0, v4  }
0xa6: {  	v3 =	vor.u32 v3, v4  }
0xa7: {  	v4 =	vperm.xlane v3, v0;
	_ =	sdelay $0x1  }
0xa8: {  	v4 =	vadd.s32 v1, v4;
	_ =	sdelay $0x4  }
0xa9: {  	[tilespmem:s25], [sflag:$0x1] =	stream.indirect_vreg.gather [hbm4b:s1+s3], $0x80, v4, vm0, $0xb8;
	[tilespmem:$0x10200] =	vst v63  }
0xaa: {  	s31 =	simm.s32 $0xA00;
	v3 =	vperm.xlane v3, v2  }
0xab: {  	[tilespmem:s31], [sflag:$0x1] =	stream.indirect_vreg.gather [hbm4b:s8+s3], $0x80, v4, vm0, $0xb8;
	[tilespmem:$0x10200] =	vst v63  }
0xac: {  	s7 =	simm.s32 $0x1200;
	v3 =	vadd.s32 v1, v3  }
0xad: {  	[tilespmem:s7], [sflag:$0x1] =	stream.indirect_vreg.gather [hbm4b:s9+s3], $0x80, v4, vm0, $0xb8;
	[tilespmem:$0x10200] =	vst v63  }
0xae: {  	s31 =	simm.s32 $0x1A00  }
0xaf: {  	[tilespmem:s31], [sflag:$0x1] =	stream.indirect_vreg.gather [hbm4b:s10+s3], $0x80, v4, vm0, $0xb8;
	[tilespmem:$0x10200] =	vst v63  }
0xb0: {  	s7 =	simm.s32 $0x2200  }
0xb1: {  	[tilespmem:s7], [sflag:$0x1] =	stream.indirect_vreg.gather [hbm4b:s1+s3], $0x80, v3, vm0, $0xb8;
	[tilespmem:$0x10200] =	vst v63  }
0xb2: {  	s31 =	simm.s32 $0x2A00  }
0xb3: {  	[tilespmem:s31], [sflag:$0x1] =	stream.indirect_vreg.gather [hbm4b:s8+s3], $0x80, v3, vm0, $0xb8;
	[tilespmem:$0x10200] =	vst v63  }
0xb4: {  	s7 =	simm.s32 $0x3200  }
0xb5: {  	[tilespmem:s7], [sflag:$0x1] =	stream.indirect_vreg.gather [hbm4b:s9+s3], $0x80, v3, vm0, $0xb8;
	[tilespmem:$0x10200] =	vst v63  }
0xb6: {  	s31 =	simm.s32 $0x3A00  }
0xb7: {  	[tilespmem:s31], [sflag:$0x1] =	stream.indirect_vreg.gather [hbm4b:s10+s3], $0x80, v3, vm0, $0xb8;
	[tilespmem:$0x10200] =	vst v63  }
0xb8: {  	_ =	swait.ge [sflag:s14], $0x4000  }
0xb9: {  	[sflag:s14] =	ssyncset.done $0x0  }
0xba: {  	s7 =	rddreg [dreg:$0xd];
	[sflag:s14] =	ssyncadd.s32 $0xFFFFC000  }
0xbb: {  	[hbm4b:s7+s3] =	stream.linear.scatter [tilespmem:s0], [sflag:$0x7], $0x4000, $0x38;
	[tilespmem:$0x10200] =	vst v63  }
0xbc: {  	_ =	swait.ge [sflag:s16], $0x4000  }
0xbd: {  	[sflag:s16] =	ssyncset.done $0x0  }
0xbe: {  	s7 =	simm.s32 $0x80;
	s31 =	rddreg [dreg:$0xe];
	[sflag:s16] =	ssyncadd.s32 $0xFFFFC000  }
0xbf: {  	[tilespmem:s7], [sflag:$0x9] =	stream.linear.gather [hbm4b:s31+s3], $0x10, $0x38;
	[tilespmem:$0x10200] =	vst v63  }
0xc0: {  	_ =	swait.ge [sflag:s24], $0x10  }
0xc1: {  	[sflag:s24] =	ssyncset.done $0x0  }
0xc2: {  	[sflag:s24] =	ssyncadd.s32 $0xFFFFFFF0  }
0xc3: {  	v3 =	vld [tilespmem:$0x80];
	_ =	sdelay $0x4  }
0xc4: {  	v63 =	vshll.u32 v3, $0x3  }
0xc5: {  	v3 =	vand.u32 $0x7, v3;
	v4 =	vand.u32 $0xFFFFFFC0, v63  }
0xc6: {  	v3 =	vor.u32 v3, v4  }
0xc7: {  	v4 =	vperm.xlane v3, v0;
	_ =	sdelay $0x1  }
0xc8: {  	v4 =	vadd.s32 v1, v4;
	_ =	sdelay $0x4  }
0xc9: {  	[tilespmem:s11], [sflag:$0x2] =	stream.indirect_vreg.gather [hbm4b:s1+s3], $0x80, v4, vm0, $0xb8;
	[tilespmem:$0x10200] =	vst v63  }
0xca: {  	s31 =	simm.s32 $0x4A00;
	v3 =	vperm.xlane v3, v2  }
0xcb: {  	[tilespmem:s31], [sflag:$0x2] =	stream.indirect_vreg.gather [hbm4b:s8+s3], $0x80, v4, vm0, $0xb8;
	[tilespmem:$0x10200] =	vst v63  }
0xcc: {  	s7 =	simm.s32 $0x5200;
	v3 =	vadd.s32 v1, v3  }
0xcd: {  	[tilespmem:s7], [sflag:$0x2] =	stream.indirect_vreg.gather [hbm4b:s9+s3], $0x80, v4, vm0, $0xb8;
	[tilespmem:$0x10200] =	vst v63  }
0xce: {  	s31 =	simm.s32 $0x5A00  }
0xcf: {  	[tilespmem:s31], [sflag:$0x2] =	stream.indirect_vreg.gather [hbm4b:s10+s3], $0x80, v4, vm0, $0xb8;
	[tilespmem:$0x10200] =	vst v63  }
0xd0: {  	s7 =	simm.s32 $0x6200  }
0xd1: {  	[tilespmem:s7], [sflag:$0x2] =	stream.indirect_vreg.gather [hbm4b:s1+s3], $0x80, v3, vm0, $0xb8;
	[tilespmem:$0x10200] =	vst v63  }
0xd2: {  	s31 =	simm.s32 $0x6A00  }
0xd3: {  	[tilespmem:s31], [sflag:$0x2] =	stream.indirect_vreg.gather [hbm4b:s8+s3], $0x80, v3, vm0, $0xb8;
	[tilespmem:$0x10200] =	vst v63  }
.Ltmp3:
0xd4: {  	_ = 	snop;
	(pc) =	sbr.rel .LBB2_5-.Ltmp3, $4  }
0xd5: {  	s7 =	simm.s32 $0x7200  }
0xd6: {  	[tilespmem:s7], [sflag:$0x2] =	stream.indirect_vreg.gather [hbm4b:s9+s3], $0x80, v3, vm0, $0xb8;
	[tilespmem:$0x10200] =	vst v63  }
0xd7: {  	s31 =	simm.s32 $0x7A00  }
0xd8: {  	[tilespmem:s31], [sflag:$0x2] =	stream.indirect_vreg.gather [hbm4b:s10+s3], $0x80, v3, vm0, $0xb8;
	[tilespmem:$0x10200] =	vst v63  }
.LBB2_3:
0xd9: {  	_ =	swait.ge [sflag:s19], $0x4000  }
0xda: {  	s2 =	sshll.u32 s20, $0x4;
	s7 =	rddreg [dreg:$0x4]  }
0xdb: {  	s2 =	sor.u32 s7, s2  }
0xdc: {  	[sflag:s19] =	ssyncset.done $0x0;
	s7 =	rddreg [dreg:$0x3];
	s2 =	sshrl.u32 s2, $0x3  }
0xdd: {  	[sflag:s19] =	ssyncadd.s32 $0xFFFFC000;
	s2 =	sadd.s32 s7, s2;
	s7 =	simm.s32 $0x180  }
0xde: {  	[tilespmem:s7], [sflag:$0x9] =	stream.linear.gather [hbm4b:s2+s3], $0x10, $0x38;
	[tilespmem:$0x10200] =	vst v63  }
0xdf: {  	_ =	swait.ge [sflag:s24], $0x10  }
0xe0: {  	[sflag:s24] =	ssyncset.done $0x0  }
0xe1: {  	[sflag:s24] =	ssyncadd.s32 $0xFFFFFFF0  }
0xe2: {  	v3 =	vld [tilespmem:$0x180];
	_ =	sdelay $0x4  }
0xe3: {  	v4 =	vshll.u32 v3, $0x3  }
0xe4: {  	v3 =	vand.u32 $0x7, v3;
	v4 =	vand.u32 $0xFFFFFFC0, v4  }
0xe5: {  	v3 =	vor.u32 v3, v4  }
0xe6: {  	v4 =	vperm.xlane v3, v0;
	_ =	sdelay $0x1  }
0xe7: {  	v4 =	vadd.s32 v1, v4;
	_ =	sdelay $0x4  }
0xe8: {  	[tilespmem:s30], [sflag:$0x4] =	stream.indirect_vreg.gather [hbm4b:s1+s3], $0x80, v4, vm0, $0xb8;
	[tilespmem:$0x10200] =	vst v63  }
0xe9: {  	s7 =	simm.s32 $0xCA00;
	v3 =	vperm.xlane v3, v2  }
0xea: {  	[tilespmem:s7], [sflag:$0x4] =	stream.indirect_vreg.gather [hbm4b:s8+s3], $0x80, v4, vm0, $0xb8;
	[tilespmem:$0x10200] =	vst v63  }
0xeb: {  	v3 =	vadd.s32 v1, v3;
	s7 =	simm.s32 $0xD200  }
0xec: {  	[tilespmem:s7], [sflag:$0x4] =	stream.indirect_vreg.gather [hbm4b:s9+s3], $0x80, v4, vm0, $0xb8;
	[tilespmem:$0x10200] =	vst v63  }
0xed: {  	s7 =	simm.s32 $0xDA00  }
0xee: {  	[tilespmem:s7], [sflag:$0x4] =	stream.indirect_vreg.gather [hbm4b:s10+s3], $0x80, v4, vm0, $0xb8;
	[tilespmem:$0x10200] =	vst v63  }
0xef: {  	s7 =	simm.s32 $0xE200  }
0xf0: {  	[tilespmem:s7], [sflag:$0x4] =	stream.indirect_vreg.gather [hbm4b:s1+s3], $0x80, v3, vm0, $0xb8;
	[tilespmem:$0x10200] =	vst v63  }
0xf1: {  	s7 =	simm.s32 $0xEA00  }
0xf2: {  	[tilespmem:s7], [sflag:$0x4] =	stream.indirect_vreg.gather [hbm4b:s8+s3], $0x80, v3, vm0, $0xb8;
	[tilespmem:$0x10200] =	vst v63  }
0xf3: {  	s7 =	simm.s32 $0xF200  }
0xf4: {  	[tilespmem:s7], [sflag:$0x4] =	stream.indirect_vreg.gather [hbm4b:s9+s3], $0x80, v3, vm0, $0xb8;
	[tilespmem:$0x10200] =	vst v63  }
0xf5: {  	s7 =	simm.s32 $0xFA00  }
0xf6: {  	[tilespmem:s7], [sflag:$0x4] =	stream.indirect_vreg.gather [hbm4b:s10+s3], $0x80, v3, vm0, $0xb8;
	[tilespmem:$0x10200] =	vst v63  }
0xf7: {  	_ =	swait.ge [sflag:s4], $0x4000  }
0xf8: {  	[sflag:s4] =	ssyncset.done $0x0;
	s7 =	rddreg [dreg:$0x8]  }
0xf9: {  	[sflag:s4] =	ssyncadd.s32 $0xFFFFC000;
	s2 =	sadd.s32 s31, s7  }
0xfa: {  	[hbm4b:s2+s3] =	stream.linear.scatter [tilespmem:s11], [sflag:$0x6], $0x4000, $0x38;
	[tilespmem:$0x10200] =	vst v63  }
0xfb: {  	_ =	swait.ge [sflag:s14], $0x4000  }
0xfc: {  	[sflag:s14] =	ssyncset.done $0x0;
	s7 =	rddreg [dreg:$0xa]  }
0xfd: {  	[sflag:s14] =	ssyncadd.s32 $0xFFFFC000;
	s2 =	sadd.s32 s31, s7  }
0xfe: {  	[hbm4b:s2+s3] =	stream.linear.scatter [tilespmem:s0], [sflag:$0x7], $0x4000, $0x38;
	[tilespmem:$0x10200] =	vst v63  }
.LBB2_5:
.Ltmp4:
0xff: {  	(pc) =	sbr.rel @!p0 .LBB2_7-.Ltmp4, $4  }
0x100: {  	_ =	swait.ge [sflag:s17], $0x4000  }
0x101: {  	s2 =	sshll.u32 s20, $0xB;
	[sflag:s17] =	ssyncset.done $0x0  }
0x102: {  	s2 =	sadd.s32 s2, s21;
	[sflag:s17] =	ssyncadd.s32 $0xFFFFC000  }
0x103: {  	[hbm4b:s2+s3] =	stream.linear.scatter [tilespmem:s30], [sflag:$0x8], $0x4000, $0x38;
	[tilespmem:$0x10200] =	vst v63  }
0x104: {  	_ =	swait.ge [sflag:s18], $0x4000  }
0x105: {  	[sflag:s18] =	ssyncset.done $0x0  }
0x106: {  	s2 =	simm.s32 $0x100;
	[sflag:s18] =	ssyncadd.s32 $0xFFFFC000  }
0x107: {  	[tilespmem:s2], [sflag:$0x9] =	stream.linear.gather [hbm4b:s22+s3], $0x10, $0x38;
	[tilespmem:$0x10200] =	vst v63  }
0x108: {  	_ =	swait.ge [sflag:s24], $0x10  }
0x109: {  	[sflag:s24] =	ssyncset.done $0x0  }
0x10a: {  	[sflag:s24] =	ssyncadd.s32 $0xFFFFFFF0  }
0x10b: {  	v3 =	vld [tilespmem:$0x100];
	_ =	sdelay $0x4  }
0x10c: {  	v4 =	vshll.u32 v3, $0x3  }
0x10d: {  	v3 =	vand.u32 $0x7, v3;
	v4 =	vand.u32 $0xFFFFFFC0, v4  }
0x10e: {  	v3 =	vor.u32 v3, v4  }
0x10f: {  	v4 =	vperm.xlane v3, v0;
	_ =	sdelay $0x1  }
0x110: {  	v4 =	vadd.s32 v1, v4;
	_ =	sdelay $0x4  }
0x111: {  	[tilespmem:s0], [sflag:$0x3] =	stream.indirect_vreg.gather [hbm4b:s1+s3], $0x80, v4, vm0, $0xb8;
	[tilespmem:$0x10200] =	vst v63  }
0x112: {  	s20 =	simm.s32 $0x8A00;
	v3 =	vperm.xlane v3, v2  }
0x113: {  	[tilespmem:s20], [sflag:$0x3] =	stream.indirect_vreg.gather [hbm4b:s8+s3], $0x80, v4, vm0, $0xb8;
	[tilespmem:$0x10200] =	vst v63  }
0x114: {  	s31 =	simm.s32 $0x9200;
	v3 =	vadd.s32 v1, v3  }
0x115: {  	[tilespmem:s31], [sflag:$0x3] =	stream.indirect_vreg.gather [hbm4b:s9+s3], $0x80, v4, vm0, $0xb8;
	[tilespmem:$0x10200] =	vst v63  }
0x116: {  	_ = 	snop  }
0x117: {  	[tilespmem:s12], [sflag:$0x3] =	stream.indirect_vreg.gather [hbm4b:s10+s3], $0x80, v4, vm0, $0xb8;
	[tilespmem:$0x10200] =	vst v63  }
0x118: {  	_ = 	snop  }
0x119: {  	[tilespmem:s15], [sflag:$0x3] =	stream.indirect_vreg.gather [hbm4b:s1+s3], $0x80, v3, vm0, $0xb8;
	[tilespmem:$0x10200] =	vst v63  }
0x11a: {  	_ = 	snop  }
0x11b: {  	[tilespmem:s23], [sflag:$0x3] =	stream.indirect_vreg.gather [hbm4b:s8+s3], $0x80, v3, vm0, $0xb8;
	[tilespmem:$0x10200] =	vst v63  }
.Ltmp5:
0x11c: {  	_ = 	snop;
	(pc) =	sbr.rel .LBB2_2-.Ltmp5, $4  }
0x11d: {  	_ = 	snop  }
0x11e: {  	[tilespmem:s26], [sflag:$0x3] =	stream.indirect_vreg.gather [hbm4b:s9+s3], $0x80, v3, vm0, $0xb8;
	[tilespmem:$0x10200] =	vst v63  }
0x11f: {  	p0 =	por $0x0, $0x0;
	s20 =	simm.s32 $0x1  }
0x120: {  	[tilespmem:s28], [sflag:$0x3] =	stream.indirect_vreg.gather [hbm4b:s10+s3], $0x80, v3, vm0, $0xb8;
	[tilespmem:$0x10200] =	vst v63  }
.LBB2_8:
0x121: {  	_ =	sfence.sel $0x180000  }
0x122: {  	[bflag:$0x0] =	sbarrier.arrive $0xFFFF  }
0x123: {  	_ =	strace $0x9000004D  }
0x124: {  	s0 =	stileid.u32;
	[bflag:$0x2] =	sbarrier.arrive $0xFFFF  }
0x125: {  	p0 =	sne.s32 s0, $0x0;
	s0 =	rddreg [dreg:$0x2]  }
0x126: {  	s0 =	sadd.s32 @!p0 $0x100000, s0  }
0x127: {  	[sflag:s0] =	ssyncadd.tile.s32 @!p0 $0x1;
	_ =	shalt  }
.Lfunc_end2:
_tile_overlayer_lowered:
.L_overlay_start_2:
0x128: {  	(tag) =	ssettag $0x2  }
0x129: {  	s0 =	rddreg [dreg:$0x0];
	s2 =	stileid.u32  }
0x12a: {  	s1 =	rddreg [dreg:$0x1];
	p0 =	sne.s32 s2, $0x0  }
0x12b: {  	s3 =	rddreg [dreg:$0x2];
	[bflag:$0x3] =	sbarrier.arrive $0xFFFF;
	s2 =	simm.s32 @!p0 $0x1C09  }
0x12c: {  	[timem:s3], [sflag:s2] =	dma.local @!p0 [hbm:s0], s1  }
0x12d: {  	s0 =	simm.s32 @!p0 $0x9  }
0x12e: {  	_ =	swait.ge @!p0 [sflag:s0], s1  }
0x12f: {  	s1 =	ssub.s32 @!p0 $0x0, s1;
	[sflag:s0] =	ssyncset.done @!p0 $0x0  }
0x130: {  	[sflag:s0] =	ssyncadd.s32 @!p0 s1  }
0x131: {  	[bflag:$0x3] =	sbarrier.arrive $0xFFFF  }
0x132: {  	_ =	shalt  }

// kernel: kernel.19.cloned.1.call-start
scs
__scs_entry_jumppad:
0x0: {  	(pc) =	sbr.rel $0x88, $3  }
0x1: {  	(tag) =	ssettag $0x0;
	lr =	simm.s32 $0x1  }
0x2: {  	[smem:$0x3F9A] =	sst lr;
	_ =	strace $0xD0000000  }
0x3: {  	_ = 	snop  }
0x4: {  	_ = 	snop  }
0x5: {  	_ = 	snop  }
0x6: {  	_ = 	snop  }
0x7: {  	_ = 	snop  }
__scs_overlays_trampoline_lowered:
0x8: {  	[smem:$0x3FA9] =	sst s0  }
0x9: {  	[smem:$0x3FAA] =	sst s1  }
0xa: {  	[smem:$0x3FAB] =	sst s2  }
0xb: {  	[smem:$0x3FAC] =	sst s3  }
0xc: {  	[smem:$0x3FAD] =	sst s4  }
0xd: {  	[smem:$0x3FAE] =	sst s5  }
0xe: {  	[smem:$0x3FAF] =	sst s6  }
0xf: {  	[smem:$0x3FB0] =	sst s7  }
0x10: {  	[smem:$0x3FB1] =	sst s8  }
0x11: {  	[smem:$0x3FB2] =	sst s9;
	s0 =	simm.s32 @!p0 $0x0  }
0x12: {  	s1 =	sld [smem:$0x3F98];
	s0 =	simm.s32 @p0 $0x1  }
0x13: {  	[smem:$0x3FB3] =	sst s0;
	s0 =	simm.s32 @!p1 $0x0  }
0x14: {  	s2 =	sld [smem:$0x3F97];
	s0 =	simm.s32 @p1 $0x1  }
0x15: {  	[smem:$0x3FB4] =	sst s0;
	s0 =	simm.s32 @!p2 $0x0  }
0x16: {  	s3 =	sld [smem:$0x3FDB];
	s0 =	simm.s32 @p2 $0x1  }
0x17: {  	s4 =	simm.s32 $0x1BF5;
	[smem:$0x3FB6] =	sst s0  }
0x18: {  	s0 =	sld [smem:$0x3F99];
	_ =	swait.ge [sflag:s4], $0x0  }
0x19: {  	s7 =	sld [smem:$0x3F9A]  }
0x1a: {  	s8 =	sadd.s32 $0xFFFFE003, lr  }
0x1b: {  	s9 =	sadd.s32 $0xFFFFFEF7, lr;
	s5 =	simm.s32 $0xFFFFFFFF;
	p2 =	slt.u32 s8, $0xFFFFF086  }
0x1c: {  	p1 =	slt.u32 s9, $0xF7A;
	s5 =	simm.s32 @!p2 $0x0  }
0x1d: {  	s5 =	simm.s32 @p1 $0x1;
	p0 =	seq.s32 s7, s2  }
0x1e: {  	s7 =	smul.u32 @!p0 $0xF7A, s2;
	p2 =	seq.s32 @!p0 s5, $0x0  }
0x1f: {  	s9 =	smul.u32 $0xF7A, s1;
	s8 =	simm.s32 @!p0 $0x1BF5;
	p2 =	por !p2, p0  }
0x20: {  	[sflag:s8] =	ssyncset.s32 @!p0 $0xFFFFF086;
	s6 =	sadd.s32 @!p0 s3, s7;
	s7 =	simm.s32 @!p0 $0x108  }
0x21: {  	s3 =	sadd.s32 s3, s9;
	s6 =	sadd.s32 @!p0 $0x88, s6;
	s7 =	simm.s32 @p2 $0x1082  }
0x22: {  	[simem:s7], [sflag:s8] =	dma.local @!p0 [hbm:s6], $0xF7A  }
0x23: {  	s9 =	sor.u32 $0xD0000000, s2;
	s6 =	simm.s32 $0x108;
	_ =	swait.ge @!p0 [sflag:s8], $0x0  }
0x24: {  	s3 =	sadd.s32 $0x88, s3;
	s6 =	simm.s32 @!p1 $0x1082;
	[sflag:s4] =	ssyncset.s32 $0xFFFFF086  }
0x25: {  	[simem:s6], [sflag:s4] =	dma.local [hbm:s3], $0xF7A  }
0x26: {  	[smem:$0x3F9A] =	sst s1;
	(tag) =	ssettag s2;
	_ =	strace s9  }
0x27: {  	s1 =	sld [smem:$0x3FAA]  }
0x28: {  	s2 =	sld [smem:$0x3FAB]  }
0x29: {  	s4 =	sld [smem:$0x3FAD]  }
0x2a: {  	p0 =	seq.s32 s5, $0x0;
	s5 =	sld [smem:$0x3FAE]  }
0x2b: {  	s6 =	sld [smem:$0x3FAF]  }
0x2c: {  	s7 =	sld [smem:$0x3FB0]  }
0x2d: {  	s3 =	simm.s32 $0x108;
	s8 =	sld [smem:$0x3FB1]  }
0x2e: {  	s3 =	simm.s32 @!p0 $0x1082;
	s9 =	sld [smem:$0x3FB2]  }
0x2f: {  	lr =	sadd.s32 s0, s3;
	s0 =	sld [smem:$0x3FA9]  }
0x30: {  	s3 =	sld [smem:$0x3FAC]  }
0x31: {  	[smem:$0x3FB5] =	sst s10  }
0x32: {  	s10 =	sld [smem:$0x3FB3];
	_ =	sdelay $0x3  }
0x33: {  	p0 =	seq.s32 s10, $0x1;
	s10 =	sld [smem:$0x3FB5];
	_ =	sdelay $0x3  }
0x34: {  	[smem:$0x3FB5] =	sst s10  }
0x35: {  	s10 =	sld [smem:$0x3FB4];
	_ =	sdelay $0x3  }
0x36: {  	p1 =	seq.s32 s10, $0x1;
	s10 =	sld [smem:$0x3FB5];
	_ =	sdelay $0x3  }
0x37: {  	[smem:$0x3FB5] =	sst s10  }
0x38: {  	s10 =	sld [smem:$0x3FB6]  }
0x39: {  	_ = 	snop;
	(pc) =	sbr.ind lr, $3  }
0x3a: {  	_ = 	snop  }
0x3b: {  	_ = 	snop  }
0x3c: {  	p2 =	seq.s32 s10, $0x1;
	s10 =	sld [smem:$0x3FB5]  }
0x3d: {  	_ =	shalt  }
0x3e: {  	_ =	shalt  }
0x3f: {  	_ =	shalt  }
0x40: {  	_ =	shalt  }
0x41: {  	_ =	shalt  }
0x42: {  	_ =	shalt  }
0x43: {  	_ =	shalt  }
0x44: {  	_ =	shalt  }
0x45: {  	_ =	shalt  }
0x46: {  	_ =	shalt  }
0x47: {  	_ =	shalt  }
0x48: {  	_ =	shalt  }
0x49: {  	_ =	shalt  }
0x4a: {  	_ =	shalt  }
0x4b: {  	_ =	shalt  }
0x4c: {  	_ =	shalt  }
0x4d: {  	_ =	shalt  }
0x4e: {  	_ =	shalt  }
0x4f: {  	_ =	shalt  }
0x50: {  	_ =	shalt  }
0x51: {  	_ =	shalt  }
0x52: {  	_ =	shalt  }
0x53: {  	_ =	shalt  }
0x54: {  	_ =	shalt  }
0x55: {  	_ =	shalt  }
0x56: {  	_ =	shalt  }
0x57: {  	_ =	shalt  }
0x58: {  	_ =	shalt  }
0x59: {  	_ =	shalt  }
0x5a: {  	_ =	shalt  }
0x5b: {  	_ =	shalt  }
0x5c: {  	_ =	shalt  }
0x5d: {  	_ =	shalt  }
0x5e: {  	_ =	shalt  }
0x5f: {  	_ =	shalt  }
0x60: {  	_ =	shalt  }
0x61: {  	_ =	shalt  }
0x62: {  	_ =	shalt  }
0x63: {  	_ =	shalt  }
0x64: {  	_ =	shalt  }
0x65: {  	_ =	shalt  }
0x66: {  	_ =	shalt  }
0x67: {  	_ =	shalt  }
0x68: {  	_ =	shalt  }
0x69: {  	_ =	shalt  }
0x6a: {  	_ =	shalt  }
0x6b: {  	_ =	shalt  }
0x6c: {  	_ =	shalt  }
0x6d: {  	_ =	shalt  }
0x6e: {  	_ =	shalt  }
0x6f: {  	_ =	shalt  }
0x70: {  	_ =	shalt  }
0x71: {  	_ =	shalt  }
0x72: {  	_ =	shalt  }
0x73: {  	_ =	shalt  }
0x74: {  	_ =	shalt  }
0x75: {  	_ =	shalt  }
0x76: {  	_ =	shalt  }
0x77: {  	_ =	shalt  }
0x78: {  	_ =	shalt  }
0x79: {  	_ =	shalt  }
0x7a: {  	_ =	shalt  }
0x7b: {  	_ =	shalt  }
0x7c: {  	_ =	shalt  }
0x7d: {  	_ =	shalt  }
0x7e: {  	_ =	shalt  }
0x7f: {  	_ =	shalt  }
0x80: {  	_ =	shalt  }
0x81: {  	_ =	shalt  }
0x82: {  	_ =	shalt  }
0x83: {  	_ =	shalt  }
0x84: {  	_ =	shalt  }
0x85: {  	_ =	shalt  }
0x86: {  	_ =	shalt  }
0x87: {  	_ =	shalt  }
.Lfunc_end0:
.L_simem_size_0:
called_computation.3_lowered:
.L_overlay_start_0:
0x88: {  	s2 =	sld [smem:$0x3FD9]  }
0x89: {  	s3 =	sld [smem:$0x3FFE];
	_ =	sdelay $0x1  }
0x8a: {  	s1 =	srdreg.scid  }
0x8b: {  	s0 =	sand.u32 $0x1, s1  }
0x8c: {  	s17 =	sshll.u32 s0, $0xA;
	s2 =	sadd.s32 s3, s2  }
0x8d: {  	s2 =	sadd.s32 s2, s17  }
0x8e: {  	[smem:$0x3FC1] =	sst s2  }
0x8f: {  	_ = 	snop  }
0x90: {  	s18 =	sld [smem:$0x3FC7];
	(tm) =	ssettm $0x1  }
0x91: {  	s19 =	sld [smem:$0x3FFB];
	_ =	sdelay $0x3  }
0x92: {  	_ =	strace s19  }
0x93: {  	s2 =	sld [smem:$0x3FFC];
	_ =	sdelay $0x3  }
0x94: {  	_ =	strace s2  }
0x95: {  	s2 =	sld [smem:$0x3FFD];
	_ =	sdelay $0x3  }
0x96: {  	_ =	strace s2  }
0x97: {  	_ =	strace $0x8FFFFFFF  }
0x98: {  	s20 =	sld [smem:$0x3FDB];
	_ =	sdelay $0x1  }
0x99: {  	s4 =	simm.s32 $_scs_section_size  }
0x9a: {  	s5 =	simm.s32 $_size__tile_overlayer_lowered;
	s6 =	simm.s32 $_tile_overlayer_lowered  }
0x9b: {  	s7 =	simm.s32 $0x1BFF;
	s21 =	sshll.u32 s6, $0x1;
	s4 =	sadd.s32 s4, s20  }
0x9c: {  	s22 =	simm.s32 $0x0;
	s5 =	sshll.u32 s5, $0x1;
	s6 =	sadd.s32 s21, s4  }
0x9d: {  	[timem:s22], [sflag:s7] =	dma.local [hbm:s6], s5  }
0x9e: {  	_ =	swait.ge [sflag:s7], s5  }
0x9f: {  	s5 =	ssub.s32 $0x0, s5;
	[sflag:s7] =	ssyncset.done $0x0  }
0xa0: {  	[sflag:s7] =	ssyncadd.s32 s5;
	_ =	sdelay $0x1  }
0xa1: {  	s23 =	simm.s32 $0x1B8B  }
0xa2: {  	_ =	swait.ge [sflag:s23], $0x1  }
0xa3: {  	[sflag:s23] =	ssyncset.done $0x0  }
0xa4: {  	[sflag:s23] =	ssyncadd.s32 $0xFFFFFFFF  }
0xa5: {  	s5 =	sld [smem:$0x0]  }
0xa6: {  	s6 =	sand.u32 $0xFFFFFFFE, s1  }
0xa7: {  	p0 =	sne.s32 s1, s6  }
0xa8: {  	s6 =	sshll.u32 @p0 s6, $0xE  }
0xa9: {  	s6 =	sadd.s32 @p0 $0x11B8D, s6;
	s7 =	sshll.u32 @p0 s5, $0x11  }
0xaa: {  	s6 =	sor.u32 @p0 s7, s6  }
0xab: {  	[sflag:s6] =	ssyncadd.remote.s32 @p0 $0x1;
	_ =	sdelay $0x1  }
0xac: {  	s6 =	simm.s32 @p0 $0x1B8D  }
0xad: {  	_ =	swait.eq @p0 [sflag:s6], $0x1  }
0xae: {  	[sflag:s6] =	ssyncadd.s32 @p0 $0xFFFFFFFF  }
0xaf: {  	s7 =	sshll.u32 @!p0 s1, $0xE  }
0xb0: {  	s7 =	sor.u32 @!p0 $0x4000, s7;
	s6 =	simm.s32 @!p0 $0x1B8D  }
0xb1: {  	s5 =	sshll.u32 @!p0 s5, $0x11;
	s7 =	sadd.s32 @!p0 $0x11B8D, s7;
	_ =	swait.eq @!p0 [sflag:s6], $0x1  }
0xb2: {  	s5 =	sor.u32 @!p0 s5, s7;
	[sflag:s6] =	ssyncadd.s32 @!p0 $0xFFFFFFFF  }
0xb3: {  	s25 =	simm.s32 $0x1B8E;
	s24 =	sld [smem:$0x3FFE];
	[sflag:s5] =	ssyncadd.remote.s32 @!p0 $0x1  }
0xb4: {  	s26 =	simm.s32 $execute0_lowered;
	[smem:$0x3FD2] =	sst s25  }
0xb5: {  	s6 =	sshll.u32 s26, $0x1;
	_ =	strace $0x8000004F;
	[dreg:$0x1] =	wrdreg $0xFFFFFFFF  }
0xb6: {  	s28 =	simm.s32 $_size_execute0_lowered;
	s4 =	sadd.s32 s4, s6;
	[dreg:$0x0] =	wrdreg $0x0  }
0xb7: {  	s6 =	sshll.u32 s28, $0x1;
	[dreg:$0x2] =	wrdreg s4  }
0xb8: {  	[dreg:$0x3] =	wrdreg s6  }
0xb9: {  	[dreg:$0x4] =	wrdreg $0xC0  }
0xba: {  	_ =	task [dreg:s22], $0x5FFFF  }
0xbb: {  	[dreg:$0x1] =	wrdreg $0xFFFFFFFF  }
0xbc: {  	[dreg:$0x0] =	wrdreg $0x60  }
0xbd: {  	[dreg:$0x2] =	wrdreg s18  }
0xbe: {  	[dreg:$0x3] =	wrdreg s24  }
0xbf: {  	[dreg:$0x4] =	wrdreg $0xC  }
0xc0: {  	_ =	task.clear_ibuf [dreg:s22], $0x5FFFF;
	_ =	strace $0x9000004F  }
0xc1: {  	s29 =	simm.s32 $0xC;
	_ =	strace $0x80000051  }
0xc2: {  	_ =	swait.ge [sflag:s29], $0x1  }
0xc3: {  	[sflag:s29] =	ssyncadd.s32 $0xFFFFFFFF  }
0xc4: {  	_ =	strace $0x90000051  }
0xc5: {  	_ =	sfence  }
0xc6: {  	s30 =	sld [smem:$0x0];
	_ =	sdelay $0x2  }
0xc7: {  	s31 =	sshll.u32 s1, $0xD;
	s1 =	sshrl.u32 s1, $0x2  }
0xc8: {  	s4 =	sand.u32 $0x4000, s31;
	s1 =	sadd.s32 s1, s30  }
0xc9: {  	s0 =	sor.u32 s4, s0;
	s1 =	sshll.u32 s1, $0x11  }
0xca: {  	s0 =	sor.u32 s1, s0  }
0xcb: {  	s0 =	sadd.s32 $0x8F2B, s0  }
0xcc: {  	[sflag:s0] =	ssyncadd.remote.s32 $0x1  }
0xcd: {  	_ =	sfence.sel $0xFFFF  }
0xce: {  	[dreg:$0x0] =	wrdreg $0xFFFFFFFF;
	(pc) =	sbr.abs _section_cstart, $3  }
0xcf: {  	[dreg:$0x1] =	wrdreg $0xFFFFFFFF  }
0xd0: {  	_ =	task.clear_ibuf [dreg:s22], $0x2FFFF;
	_ =	strace $0x9FFFFFFF  }
0xd1: {  	(tm) =	ssettm $0x7FFFFFFF  }
tec
execute0_lowered:
.L_overlay_start_1:
0x0: {  	(tag) =	ssettag $0x1  }
0x1: {  	s1 =	rddreg [dreg:$0x0]  }
0x2: {  	s0 =	rddreg [dreg:$0x1];
	s3 =	simm.s32 $0x0;
	s2 =	srdreg.scid  }
0x3: {  	s4 =	stileid.u32;
	s11 =	simm.s32 $0x4200;
	s12 =	simm.s32 $0x9A00  }
0x4: {  	s15 =	simm.s32 $0xA200;
	s28 =	simm.s32 $0xBA00;
	s30 =	simm.s32 $0xC200  }
0x5: {  	s29 =	simm.s32 $0x1;
	s14 =	simm.s32 $0x3;
	s16 =	simm.s32 $0x6  }
0x6: {  	s17 =	simm.s32 $0x4;
	[smem:$0x7FF] =	sst s3;
	s2 =	sand.u32 $0x1, s2  }
0x7: {  	s4 =	sshll.u32 s4, $0x8;
	s9 =	sadd.s32 $0x2200, s0;
	s10 =	sadd.s32 $0x300, s1  }
0x8: {  	s8 =	sadd.s32 $0x100, s1;
	s23 =	sadd.s32 $0x103200, s0;
	_ =	strace $0x80000050  }
0x9: {  	s5 =	sshll.u32 s2, $0x7;
	s2 =	ssub.s32 $0x2, s2;
	[dreg:$0x3] =	wrdreg s9  }
0xa: {  	[dreg:$0x8] =	wrdreg s23;
	s4 =	sor.u32 s5, s4;
	s5 =	sadd.s32 $0x102A00, s0  }
0xb: {  	s6 =	sshrl.u32 s2, $0x1;
	s0 =	sadd.s32 $0x103A00, s0;
	s7 =	sor.u32 $0x3000, s4  }
0xc: {  	s2 =	ssub.s32 s2, s6;
	s13 =	sshll.u32 s4, $0x7;
	[dreg:$0xa] =	wrdreg s0  }
0xd: {  	s19 =	sshrl.u32 s4, $0x3;
	[dreg:$0x4] =	wrdreg s7;
	s4 =	sadd.s32 s13, s23  }
0xe: {  	s18 =	sshrl.u32 s7, $0x3;
	s0 =	sadd.s32 s13, s0;
	[dreg:$0xb] =	wrdreg s4  }
0xf: {  	s20 =	sadd.s32 s19, s9;
	s31 =	smax.u32 s2, $0x1;
	[dreg:$0xd] =	wrdreg s0  }
0x10: {  	s21 =	sadd.s32 s5, s13;
	s6 =	sadd.s32 s9, s18;
	[dreg:$0xf] =	wrdreg s31  }
0x11: {  	s23 =	simm.s32 $0xAA00;
	s7 =	sadd.s32 $0x602, s20;
	[dreg:$0x5] =	wrdreg s6  }
0x12: {  	s19 =	simm.s32 $0x8;
	s22 =	sadd.s32 $0x604, s20;
	[dreg:$0x6] =	wrdreg s7  }
0x13: {  	s9 =	sadd.s32 $0x200, s1;
	s24 =	sadd.s32 $0x606, s20;
	[dreg:$0x7] =	wrdreg s22  }
.Ltmp0:
0x14: {  	s25 =	sadd.s32 $0x608, s20;
	[dreg:$0x9] =	wrdreg s24;
	(pc) =	sbr.rel .LBB2_1-.Ltmp0, $4  }
0x15: {  	s26 =	sadd.s32 $0x60A, s20;
	s0 =	simm.s32 $0x8200;
	[dreg:$0xc] =	wrdreg s25  }
0x16: {  	v2 =	vlaneseq.u32;
	s4 =	simm.s32 $0x2;
	s18 =	simm.s32 $0x7;
	[dreg:$0xe] =	wrdreg s26  }
0x17: {  	vm0 =	vmmov $0xffff;
	v1 =	vshrl.u32 v2, $0x3;
	s22 =	sadd.s32 $0x60C, s20;
	s24 =	simm.s32 $0x9;
	s25 =	simm.s32 $0x200  }
0x18: {  	v0 =	vand.u32 $0x7, v2;
	v2 =	vor.u32 $0x8, v2;
	v1 =	vmul.u32 $0x8, v1;
	s26 =	simm.s32 $0xB200;
	s6 =	simm.s32 $0x5;
	s7 =	simm.s32 $0x0  }
.LBB2_7:
0x19: {  	_ =	swait.ge [sflag:s6], $0x4000  }
0x1a: {  	[sflag:s6] =	ssyncset.done $0x0  }
0x1b: {  	[sflag:s6] =	ssyncadd.s32 $0xFFFFC000  }
0x1c: {  	_ =	swait.ge [sflag:s16], $0x4000  }
0x1d: {  	[sflag:s16] =	ssyncset.done $0x0  }
0x1e: {  	[sflag:s16] =	ssyncadd.s32 $0xFFFFC000  }
0x1f: {  	_ =	swait.ge [sflag:s18], $0x4000  }
0x20: {  	[sflag:s18] =	ssyncset.done $0x0  }
0x21: {  	[sflag:s18] =	ssyncadd.s32 $0xFFFFC000  }
0x22: {  	_ =	swait.ge [sflag:s19], $0x4000  }
0x23: {  	s7 =	rddreg [dreg:$0x10]  }
0x24: {  	s2 =	rddreg [dreg:$0xf];
	s7 =	sadd.s32 $0x1, s7  }
0x25: {  	p0 =	sne.s32 s7, s2  }
.Ltmp1:
0x26: {  	_ = 	snop;
	(pc) =	sbr.rel @!p0 .LBB2_8-.Ltmp1, $3  }
0x27: {  	_ =	sdelay $0x1  }
0x28: {  	[sflag:s19] =	ssyncset.done $0x0  }
0x29: {  	[sflag:s19] =	ssyncadd.s32 $0xFFFFC000  }
.LBB2_1:
0x2a: {  	[dreg:$0x10] =	wrdreg s7  }
0x2b: {  	s2 =	rddreg [dreg:$0x5]  }
0x2c: {  	[tilespmem:s3], [sflag:$0x9] =	stream.linear.gather [hbm4b:s2+s3], $0x10, $0x38;
	[tilespmem:$0x10200] =	vst v63  }
0x2d: {  	_ =	swait.ge [sflag:s24], $0x10  }
0x2e: {  	[sflag:s24] =	ssyncset.done $0x0  }
0x2f: {  	[sflag:s24] =	ssyncadd.s32 $0xFFFFFFF0  }
0x30: {  	v3 =	vld [tilespmem:$0x0];
	_ =	sdelay $0x4  }
0x31: {  	v4 =	vshll.u32 v3, $0x3  }
0x32: {  	v3 =	vand.u32 $0x7, v3;
	v4 =	vand.u32 $0xFFFFFFC0, v4  }
0x33: {  	v3 =	vor.u32 v3, v4  }
0x34: {  	v4 =	vperm.xlane v3, v0;
	_ =	sdelay $0x1  }
0x35: {  	v4 =	vadd.s32 v1, v4;
	_ =	sdelay $0x4  }
0x36: {  	[tilespmem:s25], [sflag:$0x1] =	stream.indirect_vreg.gather [hbm4b:s1+s3], $0x80, v4, vm0, $0xb8;
	[tilespmem:$0x10200] =	vst v63  }
0x37: {  	s7 =	simm.s32 $0xA00;
	v3 =	vperm.xlane v3, v2  }
0x38: {  	[tilespmem:s7], [sflag:$0x1] =	stream.indirect_vreg.gather [hbm4b:s8+s3], $0x80, v4, vm0, $0xb8;
	[tilespmem:$0x10200] =	vst v63  }
0x39: {  	s20 =	simm.s32 $0x1200;
	v3 =	vadd.s32 v1, v3  }
0x3a: {  	[tilespmem:s20], [sflag:$0x1] =	stream.indirect_vreg.gather [hbm4b:s9+s3], $0x80, v4, vm0, $0xb8;
	[tilespmem:$0x10200] =	vst v63  }
0x3b: {  	s31 =	simm.s32 $0x1A00  }
0x3c: {  	[tilespmem:s31], [sflag:$0x1] =	stream.indirect_vreg.gather [hbm4b:s10+s3], $0x80, v4, vm0, $0xb8;
	[tilespmem:$0x10200] =	vst v63  }
0x3d: {  	s7 =	simm.s32 $0x2200  }
0x3e: {  	[tilespmem:s7], [sflag:$0x1] =	stream.indirect_vreg.gather [hbm4b:s1+s3], $0x80, v3, vm0, $0xb8;
	[tilespmem:$0x10200] =	vst v63  }
0x3f: {  	s20 =	simm.s32 $0x2A00  }
0x40: {  	[tilespmem:s20], [sflag:$0x1] =	stream.indirect_vreg.gather [hbm4b:s8+s3], $0x80, v3, vm0, $0xb8;
	[tilespmem:$0x10200] =	vst v63  }
0x41: {  	s31 =	simm.s32 $0x3200  }
0x42: {  	[tilespmem:s31], [sflag:$0x1] =	stream.indirect_vreg.gather [hbm4b:s9+s3], $0x80, v3, vm0, $0xb8;
	[tilespmem:$0x10200] =	vst v63  }
0x43: {  	s7 =	simm.s32 $0x3A00  }
0x44: {  	[tilespmem:s7], [sflag:$0x1] =	stream.indirect_vreg.gather [hbm4b:s10+s3], $0x80, v3, vm0, $0xb8;
	[tilespmem:$0x10200] =	vst v63  }
0x45: {  	s20 =	rddreg [dreg:$0x6];
	s31 =	simm.s32 $0x80  }
0x46: {  	[tilespmem:s31], [sflag:$0x9] =	stream.linear.gather [hbm4b:s20+s3], $0x10, $0x38;
	[tilespmem:$0x10200] =	vst v63  }
0x47: {  	_ =	swait.ge [sflag:s24], $0x10  }
0x48: {  	[sflag:s24] =	ssyncset.done $0x0  }
0x49: {  	[sflag:s24] =	ssyncadd.s32 $0xFFFFFFF0  }
0x4a: {  	v3 =	vld [tilespmem:$0x80];
	_ =	sdelay $0x4  }
0x4b: {  	v61 =	vshll.u32 v3, $0x3  }
0x4c: {  	v3 =	vand.u32 $0x7, v3;
	v4 =	vand.u32 $0xFFFFFFC0, v61  }
0x4d: {  	v3 =	vor.u32 v3, v4  }
0x4e: {  	v4 =	vperm.xlane v3, v0;
	_ =	sdelay $0x1  }
0x4f: {  	v4 =	vadd.s32 v1, v4;
	_ =	sdelay $0x4  }
0x50: {  	[tilespmem:s11], [sflag:$0x2] =	stream.indirect_vreg.gather [hbm4b:s1+s3], $0x80, v4, vm0, $0xb8;
	[tilespmem:$0x10200] =	vst v63  }
0x51: {  	s7 =	simm.s32 $0x4A00;
	v3 =	vperm.xlane v3, v2  }
0x52: {  	[tilespmem:s7], [sflag:$0x2] =	stream.indirect_vreg.gather [hbm4b:s8+s3], $0x80, v4, vm0, $0xb8;
	[tilespmem:$0x10200] =	vst v63  }
0x53: {  	s20 =	simm.s32 $0x5200;
	v3 =	vadd.s32 v1, v3  }
0x54: {  	[tilespmem:s20], [sflag:$0x2] =	stream.indirect_vreg.gather [hbm4b:s9+s3], $0x80, v4, vm0, $0xb8;
	[tilespmem:$0x10200] =	vst v63  }
0x55: {  	s31 =	simm.s32 $0x5A00  }
0x56: {  	[tilespmem:s31], [sflag:$0x2] =	stream.indirect_vreg.gather [hbm4b:s10+s3], $0x80, v4, vm0, $0xb8;
	[tilespmem:$0x10200] =	vst v63  }
0x57: {  	s7 =	simm.s32 $0x6200  }
0x58: {  	[tilespmem:s7], [sflag:$0x2] =	stream.indirect_vreg.gather [hbm4b:s1+s3], $0x80, v3, vm0, $0xb8;
	[tilespmem:$0x10200] =	vst v63  }
0x59: {  	s20 =	simm.s32 $0x6A00  }
0x5a: {  	[tilespmem:s20], [sflag:$0x2] =	stream.indirect_vreg.gather [hbm4b:s8+s3], $0x80, v3, vm0, $0xb8;
	[tilespmem:$0x10200] =	vst v63  }
0x5b: {  	s31 =	simm.s32 $0x7200  }
0x5c: {  	[tilespmem:s31], [sflag:$0x2] =	stream.indirect_vreg.gather [hbm4b:s9+s3], $0x80, v3, vm0, $0xb8;
	[tilespmem:$0x10200] =	vst v63  }
0x5d: {  	s7 =	simm.s32 $0x7A00  }
0x5e: {  	[tilespmem:s7], [sflag:$0x2] =	stream.indirect_vreg.gather [hbm4b:s10+s3], $0x80, v3, vm0, $0xb8;
	[tilespmem:$0x10200] =	vst v63  }
0x5f: {  	s20 =	rddreg [dreg:$0x7];
	s31 =	simm.s32 $0x100  }
0x60: {  	[tilespmem:s31], [sflag:$0x9] =	stream.linear.gather [hbm4b:s20+s3], $0x10, $0x38;
	[tilespmem:$0x10200] =	vst v63  }
0x61: {  	_ =	swait.ge [sflag:s24], $0x10  }
0x62: {  	[sflag:s24] =	ssyncset.done $0x0  }
0x63: {  	[sflag:s24] =	ssyncadd.s32 $0xFFFFFFF0  }
0x64: {  	v3 =	vld [tilespmem:$0x100];
	_ =	sdelay $0x4  }
0x65: {  	v62 =	vshll.u32 v3, $0x3  }
0x66: {  	v3 =	vand.u32 $0x7, v3;
	v4 =	vand.u32 $0xFFFFFFC0, v62  }
0x67: {  	v3 =	vor.u32 v3, v4  }
0x68: {  	v4 =	vperm.xlane v3, v0;
	_ =	sdelay $0x1  }
0x69: {  	v4 =	vadd.s32 v1, v4;
	_ =	sdelay $0x4  }
0x6a: {  	[tilespmem:s0], [sflag:$0x3] =	stream.indirect_vreg.gather [hbm4b:s1+s3], $0x80, v4, vm0, $0xb8;
	[tilespmem:$0x10200] =	vst v63  }
0x6b: {  	s20 =	simm.s32 $0x8A00;
	v3 =	vperm.xlane v3, v2  }
0x6c: {  	[tilespmem:s20], [sflag:$0x3] =	stream.indirect_vreg.gather [hbm4b:s8+s3], $0x80, v4, vm0, $0xb8;
	[tilespmem:$0x10200] =	vst v63  }
0x6d: {  	s31 =	simm.s32 $0x9200;
	v3 =	vadd.s32 v1, v3  }
0x6e: {  	[tilespmem:s31], [sflag:$0x3] =	stream.indirect_vreg.gather [hbm4b:s9+s3], $0x80, v4, vm0, $0xb8;
	[tilespmem:$0x10200] =	vst v63  }
0x6f: {  	_ = 	snop  }
0x70: {  	[tilespmem:s12], [sflag:$0x3] =	stream.indirect_vreg.gather [hbm4b:s10+s3], $0x80, v4, vm0, $0xb8;
	[tilespmem:$0x10200] =	vst v63  }
0x71: {  	_ = 	snop  }
0x72: {  	[tilespmem:s15], [sflag:$0x3] =	stream.indirect_vreg.gather [hbm4b:s1+s3], $0x80, v3, vm0, $0xb8;
	[tilespmem:$0x10200] =	vst v63  }
0x73: {  	_ = 	snop  }
0x74: {  	[tilespmem:s23], [sflag:$0x3] =	stream.indirect_vreg.gather [hbm4b:s8+s3], $0x80, v3, vm0, $0xb8;
	[tilespmem:$0x10200] =	vst v63  }
0x75: {  	_ = 	snop  }
0x76: {  	[tilespmem:s26], [sflag:$0x3] =	stream.indirect_vreg.gather [hbm4b:s9+s3], $0x80, v3, vm0, $0xb8;
	[tilespmem:$0x10200] =	vst v63  }
0x77: {  	_ = 	snop  }
0x78: {  	[tilespmem:s28], [sflag:$0x3] =	stream.indirect_vreg.gather [hbm4b:s10+s3], $0x80, v3, vm0, $0xb8;
	[tilespmem:$0x10200] =	vst v63  }
0x79: {  	s7 =	rddreg [dreg:$0x9];
	s20 =	simm.s32 $0x180  }
0x7a: {  	[tilespmem:s20], [sflag:$0x9] =	stream.linear.gather [hbm4b:s7+s3], $0x10, $0x38;
	[tilespmem:$0x10200] =	vst v63  }
0x7b: {  	_ =	swait.ge [sflag:s24], $0x10  }
0x7c: {  	[sflag:s24] =	ssyncset.done $0x0  }
0x7d: {  	[sflag:s24] =	ssyncadd.s32 $0xFFFFFFF0  }
0x7e: {  	v3 =	vld [tilespmem:$0x180];
	_ =	sdelay $0x4  }
0x7f: {  	v63 =	vshll.u32 v3, $0x3  }
0x80: {  	v3 =	vand.u32 $0x7, v3;
	v4 =	vand.u32 $0xFFFFFFC0, v63  }
0x81: {  	v3 =	vor.u32 v3, v4  }
0x82: {  	v4 =	vperm.xlane v3, v0;
	_ =	sdelay $0x1  }
0x83: {  	v4 =	vadd.s32 v1, v4;
	_ =	sdelay $0x4  }
0x84: {  	[tilespmem:s30], [sflag:$0x4] =	stream.indirect_vreg.gather [hbm4b:s1+s3], $0x80, v4, vm0, $0xb8;
	[tilespmem:$0x10200] =	vst v63  }
0x85: {  	s31 =	simm.s32 $0xCA00;
	v3 =	vperm.xlane v3, v2  }
0x86: {  	[tilespmem:s31], [sflag:$0x4] =	stream.indirect_vreg.gather [hbm4b:s8+s3], $0x80, v4, vm0, $0xb8;
	[tilespmem:$0x10200] =	vst v63  }
0x87: {  	s7 =	simm.s32 $0xD200;
	v3 =	vadd.s32 v1, v3  }
0x88: {  	[tilespmem:s7], [sflag:$0x4] =	stream.indirect_vreg.gather [hbm4b:s9+s3], $0x80, v4, vm0, $0xb8;
	[tilespmem:$0x10200] =	vst v63  }
0x89: {  	s20 =	simm.s32 $0xDA00  }
0x8a: {  	[tilespmem:s20], [sflag:$0x4] =	stream.indirect_vreg.gather [hbm4b:s10+s3], $0x80, v4, vm0, $0xb8;
	[tilespmem:$0x10200] =	vst v63  }
0x8b: {  	s31 =	simm.s32 $0xE200  }
0x8c: {  	[tilespmem:s31], [sflag:$0x4] =	stream.indirect_vreg.gather [hbm4b:s1+s3], $0x80, v3, vm0, $0xb8;
	[tilespmem:$0x10200] =	vst v63  }
0x8d: {  	s7 =	simm.s32 $0xEA00  }
0x8e: {  	[tilespmem:s7], [sflag:$0x4] =	stream.indirect_vreg.gather [hbm4b:s8+s3], $0x80, v3, vm0, $0xb8;
	[tilespmem:$0x10200] =	vst v63  }
0x8f: {  	s20 =	simm.s32 $0xF200  }
0x90: {  	[tilespmem:s20], [sflag:$0x4] =	stream.indirect_vreg.gather [hbm4b:s9+s3], $0x80, v3, vm0, $0xb8;
	[tilespmem:$0x10200] =	vst v63  }
0x91: {  	p0 =	por $0x1, $0x1;
	s31 =	simm.s32 $0xFA00;
	s20 =	simm.s32 $0x0  }
0x92: {  	[tilespmem:s31], [sflag:$0x4] =	stream.indirect_vreg.gather [hbm4b:s10+s3], $0x80, v3, vm0, $0xb8;
	[tilespmem:$0x10200] =	vst v63  }
.LBB2_2:
.Ltmp2:
0x93: {  	(pc) =	sbr.rel @!p0 .LBB2_3-.Ltmp2, $4  }
0x94: {  	_ =	swait.ge [sflag:s29], $0x4000;
	s31 =	sshll.u32 s20, $0xD  }
0x95: {  	[sflag:s29] =	ssyncset.done $0x0;
	s31 =	sor.u32 s13, s31  }
0x96: {  	s20 =	sshllo.u32 s20, $0x2;
	[sflag:s29] =	ssyncadd.s32 $0xFFFFC000;
	s2 =	sadd.s32 s5, s31  }
0x97: {  	[hbm4b:s2+s3] =	stream.linear.scatter [tilespmem:s25], [sflag:$0x5], $0x4000, $0x38;
	[tilespmem:$0x10200] =	vst v63  }
0x98: {  	_ =	swait.ge [sflag:s4], $0x4000  }
0x99: {  	[sflag:s4] =	ssyncset.done $0x0  }
0x9a: {  	s2 =	rddreg [dreg:$0xb];
	[sflag:s4] =	ssyncadd.s32 $0xFFFFC000  }
0x9b: {  	[hbm4b:s2+s3] =	stream.linear.scatter [tilespmem:s11], [sflag:$0x6], $0x4000, $0x38;
	[tilespmem:$0x10200] =	vst v63  }
0x9c: {  	_ =	swait.ge [sflag:s6], $0x4000  }
0x9d: {  	[sflag:s6] =	ssyncset.done $0x0  }
0x9e: {  	s7 =	rddreg [dreg:$0xc];
	[sflag:s6] =	ssyncadd.s32 $0xFFFFC000  }
0x9f: {  	[tilespmem:s3], [sflag:$0x9] =	stream.linear.gather [hbm4b:s7+s3], $0x10, $0x38;
	[tilespmem:$0x10200] =	vst v63  }
0xa0: {  	_ =	swait.ge [sflag:s24], $0x10  }
0xa1: {  	[sflag:s24] =	ssyncset.done $0x0  }
0xa2: {  	[sflag:s24] =	ssyncadd.s32 $0xFFFFFFF0  }
0xa3: {  	v3 =	vld [tilespmem:$0x0];
	_ =	sdelay $0x4  }
0xa4: {  	v4 =	vshll.u32 v3, $0x3  }
0xa5: {  	v3 =	vand.u32 $0x7, v3;
	v4 =	vand.u32 $0xFFFFFFC0, v4  }
0xa6: {  	v3 =	vor.u32 v3, v4  }
0xa7: {  	v4 =	vperm.xlane v3, v0;
	_ =	sdelay $0x1  }
0xa8: {  	v4 =	vadd.s32 v1, v4;
	_ =	sdelay $0x4  }
0xa9: {  	[tilespmem:s25], [sflag:$0x1] =	stream.indirect_vreg.gather [hbm4b:s1+s3], $0x80, v4, vm0, $0xb8;
	[tilespmem:$0x10200] =	vst v63  }
0xaa: {  	s31 =	simm.s32 $0xA00;
	v3 =	vperm.xlane v3, v2  }
0xab: {  	[tilespmem:s31], [sflag:$0x1] =	stream.indirect_vreg.gather [hbm4b:s8+s3], $0x80, v4, vm0, $0xb8;
	[tilespmem:$0x10200] =	vst v63  }
0xac: {  	s7 =	simm.s32 $0x1200;
	v3 =	vadd.s32 v1, v3  }
0xad: {  	[tilespmem:s7], [sflag:$0x1] =	stream.indirect_vreg.gather [hbm4b:s9+s3], $0x80, v4, vm0, $0xb8;
	[tilespmem:$0x10200] =	vst v63  }
0xae: {  	s31 =	simm.s32 $0x1A00  }
0xaf: {  	[tilespmem:s31], [sflag:$0x1] =	stream.indirect_vreg.gather [hbm4b:s10+s3], $0x80, v4, vm0, $0xb8;
	[tilespmem:$0x10200] =	vst v63  }
0xb0: {  	s7 =	simm.s32 $0x2200  }
0xb1: {  	[tilespmem:s7], [sflag:$0x1] =	stream.indirect_vreg.gather [hbm4b:s1+s3], $0x80, v3, vm0, $0xb8;
	[tilespmem:$0x10200] =	vst v63  }
0xb2: {  	s31 =	simm.s32 $0x2A00  }
0xb3: {  	[tilespmem:s31], [sflag:$0x1] =	stream.indirect_vreg.gather [hbm4b:s8+s3], $0x80, v3, vm0, $0xb8;
	[tilespmem:$0x10200] =	vst v63  }
0xb4: {  	s7 =	simm.s32 $0x3200  }
0xb5: {  	[tilespmem:s7], [sflag:$0x1] =	stream.indirect_vreg.gather [hbm4b:s9+s3], $0x80, v3, vm0, $0xb8;
	[tilespmem:$0x10200] =	vst v63  }
0xb6: {  	s31 =	simm.s32 $0x3A00  }
0xb7: {  	[tilespmem:s31], [sflag:$0x1] =	stream.indirect_vreg.gather [hbm4b:s10+s3], $0x80, v3, vm0, $0xb8;
	[tilespmem:$0x10200] =	vst v63  }
0xb8: {  	_ =	swait.ge [sflag:s14], $0x4000  }
0xb9: {  	[sflag:s14] =	ssyncset.done $0x0  }
0xba: {  	s7 =	rddreg [dreg:$0xd];
	[sflag:s14] =	ssyncadd.s32 $0xFFFFC000  }
0xbb: {  	[hbm4b:s7+s3] =	stream.linear.scatter [tilespmem:s0], [sflag:$0x7], $0x4000, $0x38;
	[tilespmem:$0x10200] =	vst v63  }
0xbc: {  	_ =	swait.ge [sflag:s16], $0x4000  }
0xbd: {  	[sflag:s16] =	ssyncset.done $0x0  }
0xbe: {  	s7 =	simm.s32 $0x80;
	s31 =	rddreg [dreg:$0xe];
	[sflag:s16] =	ssyncadd.s32 $0xFFFFC000  }
0xbf: {  	[tilespmem:s7], [sflag:$0x9] =	stream.linear.gather [hbm4b:s31+s3], $0x10, $0x38;
	[tilespmem:$0x10200] =	vst v63  }
0xc0: {  	_ =	swait.ge [sflag:s24], $0x10  }
0xc1: {  	[sflag:s24] =	ssyncset.done $0x0  }
0xc2: {  	[sflag:s24] =	ssyncadd.s32 $0xFFFFFFF0  }
0xc3: {  	v3 =	vld [tilespmem:$0x80];
	_ =	sdelay $0x4  }
0xc4: {  	v63 =	vshll.u32 v3, $0x3  }
0xc5: {  	v3 =	vand.u32 $0x7, v3;
	v4 =	vand.u32 $0xFFFFFFC0, v63  }
0xc6: {  	v3 =	vor.u32 v3, v4  }
0xc7: {  	v4 =	vperm.xlane v3, v0;
	_ =	sdelay $0x1  }
0xc8: {  	v4 =	vadd.s32 v1, v4;
	_ =	sdelay $0x4  }
0xc9: {  	[tilespmem:s11], [sflag:$0x2] =	stream.indirect_vreg.gather [hbm4b:s1+s3], $0x80, v4, vm0, $0xb8;
	[tilespmem:$0x10200] =	vst v63  }
0xca: {  	s31 =	simm.s32 $0x4A00;
	v3 =	vperm.xlane v3, v2  }
0xcb: {  	[tilespmem:s31], [sflag:$0x2] =	stream.indirect_vreg.gather [hbm4b:s8+s3], $0x80, v4, vm0, $0xb8;
	[tilespmem:$0x10200] =	vst v63  }
0xcc: {  	s7 =	simm.s32 $0x5200;
	v3 =	vadd.s32 v1, v3  }
0xcd: {  	[tilespmem:s7], [sflag:$0x2] =	stream.indirect_vreg.gather [hbm4b:s9+s3], $0x80, v4, vm0, $0xb8;
	[tilespmem:$0x10200] =	vst v63  }
0xce: {  	s31 =	simm.s32 $0x5A00  }
0xcf: {  	[tilespmem:s31], [sflag:$0x2] =	stream.indirect_vreg.gather [hbm4b:s10+s3], $0x80, v4, vm0, $0xb8;
	[tilespmem:$0x10200] =	vst v63  }
0xd0: {  	s7 =	simm.s32 $0x6200  }
0xd1: {  	[tilespmem:s7], [sflag:$0x2] =	stream.indirect_vreg.gather [hbm4b:s1+s3], $0x80, v3, vm0, $0xb8;
	[tilespmem:$0x10200] =	vst v63  }
0xd2: {  	s31 =	simm.s32 $0x6A00  }
0xd3: {  	[tilespmem:s31], [sflag:$0x2] =	stream.indirect_vreg.gather [hbm4b:s8+s3], $0x80, v3, vm0, $0xb8;
	[tilespmem:$0x10200] =	vst v63  }
.Ltmp3:
0xd4: {  	_ = 	snop;
	(pc) =	sbr.rel .LBB2_5-.Ltmp3, $4  }
0xd5: {  	s7 =	simm.s32 $0x7200  }
0xd6: {  	[tilespmem:s7], [sflag:$0x2] =	stream.indirect_vreg.gather [hbm4b:s9+s3], $0x80, v3, vm0, $0xb8;
	[tilespmem:$0x10200] =	vst v63  }
0xd7: {  	s31 =	simm.s32 $0x7A00  }
0xd8: {  	[tilespmem:s31], [sflag:$0x2] =	stream.indirect_vreg.gather [hbm4b:s10+s3], $0x80, v3, vm0, $0xb8;
	[tilespmem:$0x10200] =	vst v63  }
.LBB2_3:
0xd9: {  	_ =	swait.ge [sflag:s19], $0x4000  }
0xda: {  	s2 =	sshll.u32 s20, $0x4;
	s7 =	rddreg [dreg:$0x4]  }
0xdb: {  	s2 =	sor.u32 s7, s2  }
0xdc: {  	[sflag:s19] =	ssyncset.done $0x0;
	s7 =	rddreg [dreg:$0x3];
	s2 =	sshrl.u32 s2, $0x3  }
0xdd: {  	[sflag:s19] =	ssyncadd.s32 $0xFFFFC000;
	s2 =	sadd.s32 s7, s2;
	s7 =	simm.s32 $0x180  }
0xde: {  	[tilespmem:s7], [sflag:$0x9] =	stream.linear.gather [hbm4b:s2+s3], $0x10, $0x38;
	[tilespmem:$0x10200] =	vst v63  }
0xdf: {  	_ =	swait.ge [sflag:s24], $0x10  }
0xe0: {  	[sflag:s24] =	ssyncset.done $0x0  }
0xe1: {  	[sflag:s24] =	ssyncadd.s32 $0xFFFFFFF0  }
0xe2: {  	v3 =	vld [tilespmem:$0x180];
	_ =	sdelay $0x4  }
0xe3: {  	v4 =	vshll.u32 v3, $0x3  }
0xe4: {  	v3 =	vand.u32 $0x7, v3;
	v4 =	vand.u32 $0xFFFFFFC0, v4  }
0xe5: {  	v3 =	vor.u32 v3, v4  }
0xe6: {  	v4 =	vperm.xlane v3, v0;
	_ =	sdelay $0x1  }
0xe7: {  	v4 =	vadd.s32 v1, v4;
	_ =	sdelay $0x4  }
0xe8: {  	[tilespmem:s30], [sflag:$0x4] =	stream.indirect_vreg.gather [hbm4b:s1+s3], $0x80, v4, vm0, $0xb8;
	[tilespmem:$0x10200] =	vst v63  }
0xe9: {  	s7 =	simm.s32 $0xCA00;
	v3 =	vperm.xlane v3, v2  }
0xea: {  	[tilespmem:s7], [sflag:$0x4] =	stream.indirect_vreg.gather [hbm4b:s8+s3], $0x80, v4, vm0, $0xb8;
	[tilespmem:$0x10200] =	vst v63  }
0xeb: {  	v3 =	vadd.s32 v1, v3;
	s7 =	simm.s32 $0xD200  }
0xec: {  	[tilespmem:s7], [sflag:$0x4] =	stream.indirect_vreg.gather [hbm4b:s9+s3], $0x80, v4, vm0, $0xb8;
	[tilespmem:$0x10200] =	vst v63  }
0xed: {  	s7 =	simm.s32 $0xDA00  }
0xee: {  	[tilespmem:s7], [sflag:$0x4] =	stream.indirect_vreg.gather [hbm4b:s10+s3], $0x80, v4, vm0, $0xb8;
	[tilespmem:$0x10200] =	vst v63  }
0xef: {  	s7 =	simm.s32 $0xE200  }
0xf0: {  	[tilespmem:s7], [sflag:$0x4] =	stream.indirect_vreg.gather [hbm4b:s1+s3], $0x80, v3, vm0, $0xb8;
	[tilespmem:$0x10200] =	vst v63  }
0xf1: {  	s7 =	simm.s32 $0xEA00  }
0xf2: {  	[tilespmem:s7], [sflag:$0x4] =	stream.indirect_vreg.gather [hbm4b:s8+s3], $0x80, v3, vm0, $0xb8;
	[tilespmem:$0x10200] =	vst v63  }
0xf3: {  	s7 =	simm.s32 $0xF200  }
0xf4: {  	[tilespmem:s7], [sflag:$0x4] =	stream.indirect_vreg.gather [hbm4b:s9+s3], $0x80, v3, vm0, $0xb8;
	[tilespmem:$0x10200] =	vst v63  }
0xf5: {  	s7 =	simm.s32 $0xFA00  }
0xf6: {  	[tilespmem:s7], [sflag:$0x4] =	stream.indirect_vreg.gather [hbm4b:s10+s3], $0x80, v3, vm0, $0xb8;
	[tilespmem:$0x10200] =	vst v63  }
0xf7: {  	_ =	swait.ge [sflag:s4], $0x4000  }
0xf8: {  	[sflag:s4] =	ssyncset.done $0x0;
	s7 =	rddreg [dreg:$0x8]  }
0xf9: {  	[sflag:s4] =	ssyncadd.s32 $0xFFFFC000;
	s2 =	sadd.s32 s31, s7  }
0xfa: {  	[hbm4b:s2+s3] =	stream.linear.scatter [tilespmem:s11], [sflag:$0x6], $0x4000, $0x38;
	[tilespmem:$0x10200] =	vst v63  }
0xfb: {  	_ =	swait.ge [sflag:s14], $0x4000  }
0xfc: {  	[sflag:s14] =	ssyncset.done $0x0;
	s7 =	rddreg [dreg:$0xa]  }
0xfd: {  	[sflag:s14] =	ssyncadd.s32 $0xFFFFC000;
	s2 =	sadd.s32 s31, s7  }
0xfe: {  	[hbm4b:s2+s3] =	stream.linear.scatter [tilespmem:s0], [sflag:$0x7], $0x4000, $0x38;
	[tilespmem:$0x10200] =	vst v63  }
.LBB2_5:
.Ltmp4:
0xff: {  	(pc) =	sbr.rel @!p0 .LBB2_7-.Ltmp4, $4  }
0x100: {  	_ =	swait.ge [sflag:s17], $0x4000  }
0x101: {  	s2 =	sshll.u32 s20, $0xB;
	[sflag:s17] =	ssyncset.done $0x0  }
0x102: {  	s2 =	sadd.s32 s2, s21;
	[sflag:s17] =	ssyncadd.s32 $0xFFFFC000  }
0x103: {  	[hbm4b:s2+s3] =	stream.linear.scatter [tilespmem:s30], [sflag:$0x8], $0x4000, $0x38;
	[tilespmem:$0x10200] =	vst v63  }
0x104: {  	_ =	swait.ge [sflag:s18], $0x4000  }
0x105: {  	[sflag:s18] =	ssyncset.done $0x0  }
0x106: {  	s2 =	simm.s32 $0x100;
	[sflag:s18] =	ssyncadd.s32 $0xFFFFC000  }
0x107: {  	[tilespmem:s2], [sflag:$0x9] =	stream.linear.gather [hbm4b:s22+s3], $0x10, $0x38;
	[tilespmem:$0x10200] =	vst v63  }
0x108: {  	_ =	swait.ge [sflag:s24], $0x10  }
0x109: {  	[sflag:s24] =	ssyncset.done $0x0  }
0x10a: {  	[sflag:s24] =	ssyncadd.s32 $0xFFFFFFF0  }
0x10b: {  	v3 =	vld [tilespmem:$0x100];
	_ =	sdelay $0x4  }
0x10c: {  	v4 =	vshll.u32 v3, $0x3  }
0x10d: {  	v3 =	vand.u32 $0x7, v3;
	v4 =	vand.u32 $0xFFFFFFC0, v4  }
0x10e: {  	v3 =	vor.u32 v3, v4  }
0x10f: {  	v4 =	vperm.xlane v3, v0;
	_ =	sdelay $0x1  }
0x110: {  	v4 =	vadd.s32 v1, v4;
	_ =	sdelay $0x4  }
0x111: {  	[tilespmem:s0], [sflag:$0x3] =	stream.indirect_vreg.gather [hbm4b:s1+s3], $0x80, v4, vm0, $0xb8;
	[tilespmem:$0x10200] =	vst v63  }
0x112: {  	s20 =	simm.s32 $0x8A00;
	v3 =	vperm.xlane v3, v2  }
0x113: {  	[tilespmem:s20], [sflag:$0x3] =	stream.indirect_vreg.gather [hbm4b:s8+s3], $0x80, v4, vm0, $0xb8;
	[tilespmem:$0x10200] =	vst v63  }
0x114: {  	s31 =	simm.s32 $0x9200;
	v3 =	vadd.s32 v1, v3  }
0x115: {  	[tilespmem:s31], [sflag:$0x3] =	stream.indirect_vreg.gather [hbm4b:s9+s3], $0x80, v4, vm0, $0xb8;
	[tilespmem:$0x10200] =	vst v63  }
0x116: {  	_ = 	snop  }
0x117: {  	[tilespmem:s12], [sflag:$0x3] =	stream.indirect_vreg.gather [hbm4b:s10+s3], $0x80, v4, vm0, $0xb8;
	[tilespmem:$0x10200] =	vst v63  }
0x118: {  	_ = 	snop  }
0x119: {  	[tilespmem:s15], [sflag:$0x3] =	stream.indirect_vreg.gather [hbm4b:s1+s3], $0x80, v3, vm0, $0xb8;
	[tilespmem:$0x10200] =	vst v63  }
0x11a: {  	_ = 	snop  }
0x11b: {  	[tilespmem:s23], [sflag:$0x3] =	stream.indirect_vreg.gather [hbm4b:s8+s3], $0x80, v3, vm0, $0xb8;
	[tilespmem:$0x10200] =	vst v63  }
.Ltmp5:
0x11c: {  	_ = 	snop;
	(pc) =	sbr.rel .LBB2_2-.Ltmp5, $4  }
0x11d: {  	_ = 	snop  }
0x11e: {  	[tilespmem:s26], [sflag:$0x3] =	stream.indirect_vreg.gather [hbm4b:s9+s3], $0x80, v3, vm0, $0xb8;
	[tilespmem:$0x10200] =	vst v63  }
0x11f: {  	p0 =	por $0x0, $0x0;
	s20 =	simm.s32 $0x1  }
0x120: {  	[tilespmem:s28], [sflag:$0x3] =	stream.indirect_vreg.gather [hbm4b:s10+s3], $0x80, v3, vm0, $0xb8;
	[tilespmem:$0x10200] =	vst v63  }
.LBB2_8:
0x121: {  	_ =	sfence.sel $0x180000  }
0x122: {  	[bflag:$0x0] =	sbarrier.arrive $0xFFFF  }
0x123: {  	_ =	strace $0x90000050  }
0x124: {  	s0 =	stileid.u32;
	[bflag:$0x2] =	sbarrier.arrive $0xFFFF  }
0x125: {  	p0 =	sne.s32 s0, $0x0;
	s0 =	rddreg [dreg:$0x2]  }
0x126: {  	s0 =	sadd.s32 @!p0 $0x100000, s0  }
0x127: {  	[sflag:s0] =	ssyncadd.tile.s32 @!p0 $0x1;
	_ =	shalt  }
.Lfunc_end2:
_tile_overlayer_lowered:
.L_overlay_start_2:
0x128: {  	(tag) =	ssettag $0x2  }
0x129: {  	s0 =	rddreg [dreg:$0x0];
	s2 =	stileid.u32  }
0x12a: {  	s1 =	rddreg [dreg:$0x1];
	p0 =	sne.s32 s2, $0x0  }
0x12b: {  	s3 =	rddreg [dreg:$0x2];
	[bflag:$0x3] =	sbarrier.arrive $0xFFFF;
	s2 =	simm.s32 @!p0 $0x1C09  }
0x12c: {  	[timem:s3], [sflag:s2] =	dma.local @!p0 [hbm:s0], s1  }
0x12d: {  	s0 =	simm.s32 @!p0 $0x9  }
0x12e: {  	_ =	swait.ge @!p0 [sflag:s0], s1  }
0x12f: {  	s1 =	ssub.s32 @!p0 $0x0, s1;
	[sflag:s0] =	ssyncset.done @!p0 $0x0  }
0x130: {  	[sflag:s0] =	ssyncadd.s32 @!p0 s1  }
0x131: {  	[bflag:$0x3] =	sbarrier.arrive $0xFFFF  }
0x132: {  	_ =	shalt  }

</sc_bundles>
